<compile_context>
chip_gen: v7x
topology: tpu7x:2x2x1
jax: 0.10.2.dev20260603
libtpu: 0.0.44.dev20260713+nightly
codegen_flags: <defaults>
</compile_context>

<pallas_src>
import jax
import jax.numpy as jnp
from jax import lax
from jax.experimental import pallas as pl
from jax.experimental.pallas import tpu as pltpu
from jax.experimental.pallas import tpu_sc as plsc

N = 10000
E = 160000
D = 256
NG = 16
NCLS = 10
BN_EPS = 1e-5

H = D // 2
NT = 16
CH = 128
NCH = 80
EPT = NCH * CH
EPAD = NT * EPT
G = 8
NGR = NCH // G
RPT = 640
NP = NT * RPT
RB = 2000
GRID = N // RB



def _sc_agg_body(cmb0_hbm, cmb1_hbm, hlr_hbm, outl_hbm, outr_hbm,
                 cidx, rows0, rows1,
                 acc_sh, gsem0, gsem1, ssem0, ssem1):
    c = lax.axis_index("c")
    s = lax.axis_index("s")
    rows = (rows0, rows1)
    gsem = (gsem0, gsem1)
    ssem = (ssem0, ssem1)

    zvec = jnp.zeros((16,), jnp.float32)

    def zrow(i, carry):
        for k in range(8):
            rows0[i, pl.ds(k * 16, 16)] = zvec
        return carry

    lax.fori_loop(0, 64, zrow, 0)
    base = pl.multiple_of(s * RPT, RPT)
    inits = [
        pltpu.async_copy(rows0.at[pl.ds(0, 64)],
                         acc_sh.at[pl.ds(base + t * 64, 64)], gsem0)
        for t in range(RPT // 64)
    ]
    for d in inits:
        d.wait()
    plsc.subcore_barrier()

    def gather(j, buf):
        return pltpu.async_copy(hlr_hbm.at[cidx.at[j]], rows[buf], gsem[buf])

    def pair(k, carry):
        @pl.when(c == 0)
        def _():
            pltpu.sync_copy(cmb0_hbm.at[s, k], cidx)

        @pl.when(c == 1)
        def _():
            pltpu.sync_copy(cmb1_hbm.at[s, k], cidx)

        pendg = gather(0, 0)
        pends = [None, None]
        for t in range(2 * G):
            jd = G + t if t < G else 2 * G + t
            cur = pendg
            if t + 1 < 2 * G:
                jg = t + 1 if t + 1 < G else G + t + 1
                if pends[(t + 1) % 2] is not None:
                    pends[(t + 1) % 2].wait()
                pendg = gather(jg, (t + 1) % 2)
            cur.wait()
            pends[t % 2] = pltpu.async_copy(
                rows[t % 2], acc_sh.at[cidx.at[jd]], ssem[t % 2], add=True)
        pends[0].wait()
        pends[1].wait()
        return carry

    lax.fori_loop(0, NGR // 2, pair, 0)
    plsc.subcore_barrier()

    base_w = pl.multiple_of(jnp.minimum(base, N - RPT), 8)

    @pl.when(c == 0)
    def _():
        pltpu.sync_copy(acc_sh.at[pl.ds(base_w, RPT)], outl_hbm.at[pl.ds(base_w, RPT)])

    @pl.when(c == 1)
    def _():
        pltpu.sync_copy(acc_sh.at[pl.ds(base_w, RPT)], outr_hbm.at[pl.ds(base_w, RPT)])


_sc_agg = pl.kernel(
    _sc_agg_body,
    out_type=(
        jax.ShapeDtypeStruct((N, H), jnp.float32),
        jax.ShapeDtypeStruct((N, H), jnp.float32),
    ),
    mesh=plsc.VectorSubcoreMesh(core_axis_name="c", subcore_axis_name="s"),
    scratch_types=(
        pltpu.VMEM((4 * G, CH), jnp.int32),
        pltpu.VMEM((CH, H), jnp.float32),
        pltpu.VMEM((CH, H), jnp.float32),
        pltpu.VMEM_SHARED((NP, H), jnp.float32),
        pltpu.SemaphoreType.DMA,
        pltpu.SemaphoreType.DMA,
        pltpu.SemaphoreType.DMA,
        pltpu.SemaphoreType.DMA,
    ),
)



def _lrelu(x):
    return jnp.where(x > 0, x, 0.01 * x)


def _mlp(se_ref, h_ref, al_ref, ar_ref, w1_ref, b1_ref, w2_ref, b2_ref):
    h = jnp.concatenate([h_ref[0], h_ref[1]], axis=1)
    a = jnp.concatenate([al_ref[...], ar_ref[...]], axis=1)
    z = se_ref[0, 0] * h + a
    z = jnp.dot(z, w1_ref[...], preferred_element_type=jnp.float32) + b1_ref[...]
    z = _lrelu(z)
    z = jnp.dot(z, w2_ref[...], preferred_element_type=jnp.float32) + b2_ref[...]
    return _lrelu(z)


def _mlp_split_body(se_ref, h_ref, al_ref, ar_ref,
                    w1_ref, b1_ref, w2_ref, b2_ref, out_ref):
    z = _mlp(se_ref, h_ref, al_ref, ar_ref, w1_ref, b1_ref, w2_ref, b2_ref)
    out_ref[0] = z[:, :H]
    out_ref[1] = z[:, H:]


_MLP_IN_SPECS = [
    pl.BlockSpec(memory_space=pltpu.SMEM),
    pl.BlockSpec((2, RB, H), lambda i: (0, i, 0)),
    pl.BlockSpec((RB, H), lambda i: (i, 0)),
    pl.BlockSpec((RB, H), lambda i: (i, 0)),
    pl.BlockSpec((D, D), lambda i: (0, 0)),
    pl.BlockSpec((1, D), lambda i: (0, 0)),
    pl.BlockSpec((D, D), lambda i: (0, 0)),
    pl.BlockSpec((1, D), lambda i: (0, 0)),
]

_mlp_split = pl.pallas_call(
    _mlp_split_body,
    grid=(GRID,),
    in_specs=_MLP_IN_SPECS,
    out_specs=pl.BlockSpec((2, RB, H), lambda i: (0, i, 0)),
    out_shape=jax.ShapeDtypeStruct((2, N, H), jnp.float32),
)


def _mlp_final_body(se_ref, h_ref, al_ref, ar_ref, w1_ref, b1_ref, w2_ref,
                    b2_ref, batch_ref, wl0_ref, bl0_ref, wlf_ref, blf_ref,
                    out_ref, xg_ref, sums_ref, cnt_ref):
    i = pl.program_id(0)
    z = _mlp(se_ref, h_ref, al_ref, ar_ref, w1_ref, b1_ref, w2_ref, b2_ref)
    out_ref[...] = z
    b = batch_ref[0, 0, :]
    oh = (b[:, None] == lax.broadcasted_iota(jnp.int32, (RB, NG), 1))
    oh = oh.astype(jnp.float32)
    dn = (((0,), (0,)), ((), ()))
    p = lax.dot_general(oh, z, dn, preferred_element_type=jnp.float32)
    cp = lax.dot_general(oh, jnp.ones((RB, 128), jnp.float32), dn,
                         preferred_element_type=jnp.float32)

    @pl.when(i == 0)
    def _():
        sums_ref[...] = p
        cnt_ref[...] = cp

    @pl.when(i > 0)
    def _():
        sums_ref[...] += p
        cnt_ref[...] += cp

    @pl.when(i == pl.num_programs(0) - 1)
    def _():
        cnt = jnp.maximum(cnt_ref[:, 0:1], 1.0)
        g = sums_ref[...] / cnt
        g = jnp.dot(g, wl0_ref[...], preferred_element_type=jnp.float32) + bl0_ref[...]
        g = _lrelu(g)
        g = jnp.dot(g, wlf_ref[...], preferred_element_type=jnp.float32) + blf_ref[...]
        xg_ref[...] = g


_mlp_final = pl.pallas_call(
    _mlp_final_body,
    grid=(GRID,),
    in_specs=_MLP_IN_SPECS + [
        pl.BlockSpec((1, 1, RB), lambda i: (i, 0, 0)),
        pl.BlockSpec((D, D), lambda i: (0, 0)),
        pl.BlockSpec((1, D), lambda i: (0, 0)),
        pl.BlockSpec((D, NCLS), lambda i: (0, 0)),
        pl.BlockSpec((1, NCLS), lambda i: (0, 0)),
    ],
    out_specs=(
        pl.BlockSpec((RB, D), lambda i: (i, 0)),
        pl.BlockSpec((NG, NCLS), lambda i: (0, 0)),
    ),
    out_shape=(
        jax.ShapeDtypeStruct((N, D), jnp.float32),
        jax.ShapeDtypeStruct((NG, NCLS), jnp.float32),
    ),
    scratch_shapes=[
        pltpu.VMEM((NG, D), jnp.float32),
        pltpu.VMEM((NG, 128), jnp.float32),
    ],
)



def kernel(x, edge_index, batch,
           eps0, W1_0, b1_0, g_mlp0, be_mlp0, W2_0, b2_0, g_out0, be_out0,
           eps1, W1_1, b1_1, g_mlp1, be_mlp1, W2_1, b2_1, g_out1, be_out1,
           eps2, W1_2, b1_2, g_mlp2, be_mlp2, W2_2, b2_2, g_out2, be_out2,
           Wl0, bl0, Wlf, blf):
    inv = (1.0 + BN_EPS) ** -0.5
    layers = []
    for eps, W1, b1, gm, bm, W2, b2, go, bo in (
            (eps0, W1_0, b1_0, g_mlp0, be_mlp0, W2_0, b2_0, g_out0, be_out0),
            (eps1, W1_1, b1_1, g_mlp1, be_mlp1, W2_1, b2_1, g_out1, be_out1),
            (eps2, W1_2, b1_2, g_mlp2, be_mlp2, W2_2, b2_2, g_out2, be_out2)):
        s1 = gm * inv
        s2 = go * inv
        layers.append((
            jnp.reshape(1.0 + eps, (1, 1)),
            W1 * s1[None, :], jnp.reshape(b1 * s1 + bm, (1, D)),
            W2 * s2[None, :], jnp.reshape(b2 * s2 + bo, (1, D)),
        ))

    pad = EPAD - E
    pad_src = jnp.arange(pad, dtype=jnp.int32) % N
    pad_dst = N + jnp.arange(pad, dtype=jnp.int32) % (NP - N)
    src_p = jnp.concatenate([edge_index[0], pad_src])
    dst_p = jnp.concatenate([edge_index[1], pad_dst])
    sp = src_p.reshape(NT, NGR // 2, 2, G, CH)
    dp = dst_p.reshape(NT, NGR // 2, 2, G, CH)
    cmb0 = jnp.concatenate([sp[:, :, 0], dp[:, :, 0], sp[:, :, 1], dp[:, :, 1]],
                           axis=2)
    cmb1 = jnp.concatenate([sp[:, :, 0] + N, dp[:, :, 0], sp[:, :, 1] + N,
                            dp[:, :, 1]], axis=2)
    batch3 = batch.reshape(GRID, 1, RB)

    h2 = jnp.stack([x[:, :H], x[:, H:]])
    for i, (se, w1, b1, w2, b2) in enumerate(layers):
        al, ar = _sc_agg(cmb0, cmb1, h2.reshape(2 * N, H))
        if i < 2:
            h2 = _mlp_split(se, h2, al, ar, w1, b1, w2, b2)
        else:
            out, xg = _mlp_final(se, h2, al, ar, w1, b1, w2, b2, batch3,
                                 Wl0, jnp.reshape(bl0, (1, D)),
                                 Wlf, jnp.reshape(blf, (1, NCLS)))
    return (xg, out)

# --- scband reference (transcript-rebuilt; emitter-appended) ---
"""Pipeline reference for scband-base-line-6828998001470 (READ-ONLY COPY).

The authoritative reference and input builder live on the scoring server;
editing this copy changes nothing except your own understanding.
"""

import jax, jax.numpy as jnp
import numpy as np

N = 10000
E = 160000
D = 256
NG = 16
NC = 10
L = 3
BN_EPS = 1e-5


def setup_inputs(seed: int = 0) -> dict:
    key = jax.random.key(seed)
    ks = jax.random.split(key, 64)
    inp = {}
    inp["x"] = jax.random.normal(ks[0], (N, D), dtype=jnp.float32)
    inp["edge_index"] = jax.random.randint(ks[1], (2, E), 0, N, dtype=jnp.int32)
    inp["batch"] = jnp.sort(jax.random.randint(ks[2], (N,), 0, NG, dtype=jnp.int32))
    kidx = 3
    for i in range(L):
        inp[f"eps{i}"] = jnp.zeros((), dtype=jnp.float32)
        inp[f"W1_{i}"] = jax.random.normal(ks[kidx], (D, D), dtype=jnp.float32) * 0.05; kidx += 1
        inp[f"b1_{i}"] = jnp.zeros((D,), dtype=jnp.float32)
        inp[f"g_mlp{i}"] = jnp.ones((D,), dtype=jnp.float32)
        inp[f"be_mlp{i}"] = jnp.zeros((D,), dtype=jnp.float32)
        inp[f"W2_{i}"] = jax.random.normal(ks[kidx], (D, D), dtype=jnp.float32) * 0.05; kidx += 1
        inp[f"b2_{i}"] = jnp.zeros((D,), dtype=jnp.float32)
        inp[f"g_out{i}"] = jnp.ones((D,), dtype=jnp.float32)
        inp[f"be_out{i}"] = jnp.zeros((D,), dtype=jnp.float32)
    inp["Wl0"] = jax.random.normal(ks[kidx], (D, D), dtype=jnp.float32) * 0.05; kidx += 1
    inp["bl0"] = jnp.zeros((D,), dtype=jnp.float32)
    inp["Wlf"] = jax.random.normal(ks[kidx], (D, NC), dtype=jnp.float32) * 0.05; kidx += 1
    inp["blf"] = jnp.zeros((NC,), dtype=jnp.float32)
    return inp


def _lrelu(x):
    return jnp.where(x > 0, x, 0.01 * x)


def _bn_eval(x, g, b):
    # eval-mode BatchNorm1d with running_mean=0, running_var=1
    return x / jnp.sqrt(1.0 + BN_EPS) * g + b


def reference(x, edge_index, batch,
              eps0, W1_0, b1_0, g_mlp0, be_mlp0, W2_0, b2_0, g_out0, be_out0,
              eps1, W1_1, b1_1, g_mlp1, be_mlp1, W2_1, b2_1, g_out1, be_out1,
              eps2, W1_2, b1_2, g_mlp2, be_mlp2, W2_2, b2_2, g_out2, be_out2,
              Wl0, bl0, Wlf, blf):
    p = {
        "eps0": eps0, "W1_0": W1_0, "b1_0": b1_0, "g_mlp0": g_mlp0, "be_mlp0": be_mlp0,
        "W2_0": W2_0, "b2_0": b2_0, "g_out0": g_out0, "be_out0": be_out0,
        "eps1": eps1, "W1_1": W1_1, "b1_1": b1_1, "g_mlp1": g_mlp1, "be_mlp1": be_mlp1,
        "W2_1": W2_1, "b2_1": b2_1, "g_out1": g_out1, "be_out1": be_out1,
        "eps2": eps2, "W1_2": W1_2, "b1_2": b1_2, "g_mlp2": g_mlp2, "be_mlp2": be_mlp2,
        "W2_2": W2_2, "b2_2": b2_2, "g_out2": g_out2, "be_out2": be_out2,
        "Wl0": Wl0, "bl0": bl0, "Wlf": Wlf, "blf": blf,
    }
    src = edge_index[0]
    dst = edge_index[1]
    h = x
    for i in range(L):
        # GINConv: (1 + eps) * x + sum_{j in N(i)} x_j, then MLP
        agg = jax.ops.segment_sum(h[src], dst, num_segments=N)
        h2 = (1.0 + p[f"eps{i}"]) * h + agg
        h2 = h2 @ p[f"W1_{i}"] + p[f"b1_{i}"]
        h2 = _bn_eval(h2, p[f"g_mlp{i}"], p[f"be_mlp{i}"])
        h2 = _lrelu(h2)
        h2 = h2 @ p[f"W2_{i}"] + p[f"b2_{i}"]
        h2 = _bn_eval(h2, p[f"g_out{i}"], p[f"be_out{i}"])
        h = _lrelu(h2)
    out = h
    sums = jax.ops.segment_sum(out, batch, num_segments=NG)
    cnt = jax.ops.segment_sum(jnp.ones((N,), dtype=jnp.float32), batch, num_segments=NG)
    xg = sums / jnp.clip(cnt, 1.0)[:, None]
    xg = xg @ p["Wl0"] + p["bl0"]
    xg = _lrelu(xg)
    # dropout is identity in eval mode
    xg = xg @ p["Wlf"] + p["blf"]
    return (xg, out)

if __name__ == "__main__":
    import jax
    _d = setup_inputs()
    print(jax.jit(kernel)(*tuple(_d.values())))

</pallas_src>

<mosaic_0001>
#map = affine_map<(d0, d1) -> (0, 0, 0, 0)>
#map1 = affine_map<(d0, d1) -> (0, 0)>
module attributes {stable_mosaic.version = 14 : i64} {
  func.func @_sc_agg_body(%arg0: i32, %arg1: i32, %arg2: memref<16x5x32x128xi32, #tpu.memory_space<hbm>>, %arg3: memref<16x5x32x128xi32, #tpu.memory_space<hbm>>, %arg4: memref<20000x128xf32, #tpu.memory_space<hbm>>, %arg5: memref<10000x128xf32, #tpu.memory_space<hbm>>, %arg6: memref<10000x128xf32, #tpu.memory_space<hbm>>, %arg7: memref<32x128xi32, #tpu.memory_space<vmem>>, %arg8: memref<128x128xf32, #tpu.memory_space<vmem>>, %arg9: memref<128x128xf32, #tpu.memory_space<vmem>>, %arg10: memref<10240x128xf32, #tpu.memory_space<vmem_shared>>, %arg11: memref<!tpu.dma_semaphore, #tpu.memory_space<semaphore_mem>>, %arg12: memref<!tpu.dma_semaphore, #tpu.memory_space<semaphore_mem>>, %arg13: memref<!tpu.dma_semaphore, #tpu.memory_space<semaphore_mem>>, %arg14: memref<!tpu.dma_semaphore, #tpu.memory_space<semaphore_mem>>) attributes {dimension_semantics = [#tpu.dimension_semantics<core_parallel>, #tpu.dimension_semantics<subcore_parallel>], iteration_bounds = array<i64: 2, 16>, scalar_prefetch = 0 : i64, scratch_operands = 8 : i64, tpu.core_type = #tpu.core_type<sc_vector_subcore>, window_params = [{transform_indices = #map}, {transform_indices = #map}, {transform_indices = #map1}, {transform_indices = #map1}, {transform_indices = #map1}]} {
    %broadcast_in_dim3A = arith.constant 0.000000e+00 : f32
    %broadcast_in_dim3A_0 = vector.broadcast %broadcast_in_dim3A : f32 to vector<16xf32>
    %scan3A = arith.constant 0 : i32
    %scan3A_1 = arith.constant 0 : i32
    %scan3A_2 = arith.constant 64 : i32
    %scan3A_3 = arith.addi %scan3A_1, %scan3A_2 : i32
    %scan3A_4 = arith.constant 1 : i32
    scf.for %scan3A_240 = %scan3A_1 to %scan3A_3 step %scan3A_4  : i32 {
      %swap3A = arith.index_cast %scan3A_240 : i32 to index
      %swap3A_241 = arith.constant 0 : index
      %swap3A_242 = tpu.vector_load %arg8[%swap3A, %swap3A_241] {strides = array<i32>} : memref<128x128xf32, #tpu.memory_space<vmem>>, vector<1x16xf32>,
      %swap3A_243 = vector.shape_cast %swap3A_242 : vector<1x16xf32> to vector<16xf32>
      %swap3A_244 = vector.shape_cast %broadcast_in_dim3A_0 : vector<16xf32> to vector<1x16xf32>
      tpu.vector_store %arg8[%swap3A, %swap3A_241], %swap3A_244 {strides = array<i32>} : memref<128x128xf32, #tpu.memory_space<vmem>>, vector<1x16xf32>,
      %swap3A_245 = arith.index_cast %scan3A_240 : i32 to index
      %swap3A_246 = arith.constant 16 : index
      %swap3A_247 = tpu.vector_load %arg8[%swap3A_245, %swap3A_246] {strides = array<i32>} : memref<128x128xf32, #tpu.memory_space<vmem>>, vector<1x16xf32>,
      %swap3A_248 = vector.shape_cast %swap3A_247 : vector<1x16xf32> to vector<16xf32>
      %swap3A_249 = vector.shape_cast %broadcast_in_dim3A_0 : vector<16xf32> to vector<1x16xf32>
      tpu.vector_store %arg8[%swap3A_245, %swap3A_246], %swap3A_249 {strides = array<i32>} : memref<128x128xf32, #tpu.memory_space<vmem>>, vector<1x16xf32>,
      %swap3A_250 = arith.index_cast %scan3A_240 : i32 to index
      %swap3A_251 = arith.constant 32 : index
      %swap3A_252 = tpu.vector_load %arg8[%swap3A_250, %swap3A_251] {strides = array<i32>} : memref<128x128xf32, #tpu.memory_space<vmem>>, vector<1x16xf32>,
      %swap3A_253 = vector.shape_cast %swap3A_252 : vector<1x16xf32> to vector<16xf32>
      %swap3A_254 = vector.shape_cast %broadcast_in_dim3A_0 : vector<16xf32> to vector<1x16xf32>
      tpu.vector_store %arg8[%swap3A_250, %swap3A_251], %swap3A_254 {strides = array<i32>} : memref<128x128xf32, #tpu.memory_space<vmem>>, vector<1x16xf32>,
      %swap3A_255 = arith.index_cast %scan3A_240 : i32 to index
      %swap3A_256 = arith.constant 48 : index
      %swap3A_257 = tpu.vector_load %arg8[%swap3A_255, %swap3A_256] {strides = array<i32>} : memref<128x128xf32, #tpu.memory_space<vmem>>, vector<1x16xf32>,
      %swap3A_258 = vector.shape_cast %swap3A_257 : vector<1x16xf32> to vector<16xf32>
      %swap3A_259 = vector.shape_cast %broadcast_in_dim3A_0 : vector<16xf32> to vector<1x16xf32>
      tpu.vector_store %arg8[%swap3A_255, %swap3A_256], %swap3A_259 {strides = array<i32>} : memref<128x128xf32, #tpu.memory_space<vmem>>, vector<1x16xf32>,
      %swap3A_260 = arith.index_cast %scan3A_240 : i32 to index
      %swap3A_261 = arith.constant 64 : index
      %swap3A_262 = tpu.vector_load %arg8[%swap3A_260, %swap3A_261] {strides = array<i32>} : memref<128x128xf32, #tpu.memory_space<vmem>>, vector<1x16xf32>,
      %swap3A_263 = vector.shape_cast %swap3A_262 : vector<1x16xf32> to vector<16xf32>
      %swap3A_264 = vector.shape_cast %broadcast_in_dim3A_0 : vector<16xf32> to vector<1x16xf32>
      tpu.vector_store %arg8[%swap3A_260, %swap3A_261], %swap3A_264 {strides = array<i32>} : memref<128x128xf32, #tpu.memory_space<vmem>>, vector<1x16xf32>,
      %swap3A_265 = arith.index_cast %scan3A_240 : i32 to index
      %swap3A_266 = arith.constant 80 : index
      %swap3A_267 = tpu.vector_load %arg8[%swap3A_265, %swap3A_266] {strides = array<i32>} : memref<128x128xf32, #tpu.memory_space<vmem>>, vector<1x16xf32>,
      %swap3A_268 = vector.shape_cast %swap3A_267 : vector<1x16xf32> to vector<16xf32>
      %swap3A_269 = vector.shape_cast %broadcast_in_dim3A_0 : vector<16xf32> to vector<1x16xf32>
      tpu.vector_store %arg8[%swap3A_265, %swap3A_266], %swap3A_269 {strides = array<i32>} : memref<128x128xf32, #tpu.memory_space<vmem>>, vector<1x16xf32>,
      %swap3A_270 = arith.index_cast %scan3A_240 : i32 to index
      %swap3A_271 = arith.constant 96 : index
      %swap3A_272 = tpu.vector_load %arg8[%swap3A_270, %swap3A_271] {strides = array<i32>} : memref<128x128xf32, #tpu.memory_space<vmem>>, vector<1x16xf32>,
      %swap3A_273 = vector.shape_cast %swap3A_272 : vector<1x16xf32> to vector<16xf32>
      %swap3A_274 = vector.shape_cast %broadcast_in_dim3A_0 : vector<16xf32> to vector<1x16xf32>
      tpu.vector_store %arg8[%swap3A_270, %swap3A_271], %swap3A_274 {strides = array<i32>} : memref<128x128xf32, #tpu.memory_space<vmem>>, vector<1x16xf32>,
      %swap3A_275 = arith.index_cast %scan3A_240 : i32 to index
      %swap3A_276 = arith.constant 112 : index
      %swap3A_277 = tpu.vector_load %arg8[%swap3A_275, %swap3A_276] {strides = array<i32>} : memref<128x128xf32, #tpu.memory_space<vmem>>, vector<1x16xf32>,
      %swap3A_278 = vector.shape_cast %swap3A_277 : vector<1x16xf32> to vector<16xf32>
      %swap3A_279 = vector.shape_cast %broadcast_in_dim3A_0 : vector<16xf32> to vector<1x16xf32>
      tpu.vector_store %arg8[%swap3A_275, %swap3A_276], %swap3A_279 {strides = array<i32>} : memref<128x128xf32, #tpu.memory_space<vmem>>, vector<1x16xf32>,
    }
    %scan3A_5 = arith.constant 64 : i32
    %mul3A = arith.constant 640 : i32
    %mul3A_6 = arith.muli %arg1, %mul3A : i32
    %multiple_of3A = tpu.assume_multiple %mul3A_6, 640 : i32
    %add3A = arith.constant 0 : i32
    %add3A_7 = arith.addi %multiple_of3A, %add3A : i32
    %dma_start3A = arith.constant 0 : i32
    %dma_start3A_8 = arith.constant 0 : i32
    %dma_start3A_9 = tpu.memref_slice %arg8[%dma_start3A, %dma_start3A_8] : memref<128x128xf32, #tpu.memory_space<vmem>> -> memref<64x128xf32, #tpu.memory_space<vmem>>
    %dma_start3A_10 = arith.constant 0 : i32
    %dma_start3A_11 = tpu.memref_slice %arg10[%add3A_7, %dma_start3A_10] : memref<10240x128xf32, #tpu.memory_space<vmem_shared>> -> memref<64x128xf32, #tpu.memory_space<vmem_shared>>
    %dma_start3A_12 = arith.constant 0 : i32
    %dma_start3A_13 = tpu.memref_slice %arg10[%add3A_7, %dma_start3A_12] : memref<10240x128xf32, #tpu.memory_space<vmem_shared>> -> memref<64x128xf32, #tpu.memory_space<vmem_shared>>
    %dma_start3A_14 = arith.constant 0 : i32
    %dma_start3A_15 = arith.constant 0 : i32
    %dma_start3A_16 = tpu.memref_slice %arg8[%dma_start3A_14, %dma_start3A_15] : memref<128x128xf32, #tpu.memory_space<vmem>> -> memref<64x128xf32, #tpu.memory_space<vmem>>
    tpu.enqueue_dma source(%dma_start3A_16 : memref<64x128xf32, #tpu.memory_space<vmem>>) target(%dma_start3A_13 : memref<64x128xf32, #tpu.memory_space<vmem_shared>>) target_semaphore(%arg11 : memref<!tpu.dma_semaphore, #tpu.memory_space<semaphore_mem>>)
    %add3A_17 = arith.constant 64 : i32
    %add3A_18 = arith.addi %multiple_of3A, %add3A_17 : i32
    %dma_start3A_19 = arith.constant 0 : i32
    %dma_start3A_20 = arith.constant 0 : i32
    %dma_start3A_21 = tpu.memref_slice %arg8[%dma_start3A_19, %dma_start3A_20] : memref<128x128xf32, #tpu.memory_space<vmem>> -> memref<64x128xf32, #tpu.memory_space<vmem>>
    %dma_start3A_22 = arith.constant 0 : i32
    %dma_start3A_23 = tpu.memref_slice %arg10[%add3A_18, %dma_start3A_22] : memref<10240x128xf32, #tpu.memory_space<vmem_shared>> -> memref<64x128xf32, #tpu.memory_space<vmem_shared>>
    %dma_start3A_24 = arith.constant 0 : i32
    %dma_start3A_25 = tpu.memref_slice %arg10[%add3A_18, %dma_start3A_24] : memref<10240x128xf32, #tpu.memory_space<vmem_shared>> -> memref<64x128xf32, #tpu.memory_space<vmem_shared>>
    %dma_start3A_26 = arith.constant 0 : i32
    %dma_start3A_27 = arith.constant 0 : i32
    %dma_start3A_28 = tpu.memref_slice %arg8[%dma_start3A_26, %dma_start3A_27] : memref<128x128xf32, #tpu.memory_space<vmem>> -> memref<64x128xf32, #tpu.memory_space<vmem>>
    tpu.enqueue_dma source(%dma_start3A_28 : memref<64x128xf32, #tpu.memory_space<vmem>>) target(%dma_start3A_25 : memref<64x128xf32, #tpu.memory_space<vmem_shared>>) target_semaphore(%arg11 : memref<!tpu.dma_semaphore, #tpu.memory_space<semaphore_mem>>)
    %add3A_29 = arith.constant 128 : i32
    %add3A_30 = arith.addi %multiple_of3A, %add3A_29 : i32
    %dma_start3A_31 = arith.constant 0 : i32
    %dma_start3A_32 = arith.constant 0 : i32
    %dma_start3A_33 = tpu.memref_slice %arg8[%dma_start3A_31, %dma_start3A_32] : memref<128x128xf32, #tpu.memory_space<vmem>> -> memref<64x128xf32, #tpu.memory_space<vmem>>
    %dma_start3A_34 = arith.constant 0 : i32
    %dma_start3A_35 = tpu.memref_slice %arg10[%add3A_30, %dma_start3A_34] : memref<10240x128xf32, #tpu.memory_space<vmem_shared>> -> memref<64x128xf32, #tpu.memory_space<vmem_shared>>
    %dma_start3A_36 = arith.constant 0 : i32
    %dma_start3A_37 = tpu.memref_slice %arg10[%add3A_30, %dma_start3A_36] : memref<10240x128xf32, #tpu.memory_space<vmem_shared>> -> memref<64x128xf32, #tpu.memory_space<vmem_shared>>
    %dma_start3A_38 = arith.constant 0 : i32
    %dma_start3A_39 = arith.constant 0 : i32
    %dma_start3A_40 = tpu.memref_slice %arg8[%dma_start3A_38, %dma_start3A_39] : memref<128x128xf32, #tpu.memory_space<vmem>> -> memref<64x128xf32, #tpu.memory_space<vmem>>
    tpu.enqueue_dma source(%dma_start3A_40 : memref<64x128xf32, #tpu.memory_space<vmem>>) target(%dma_start3A_37 : memref<64x128xf32, #tpu.memory_space<vmem_shared>>) target_semaphore(%arg11 : memref<!tpu.dma_semaphore, #tpu.memory_space<semaphore_mem>>)
    %add3A_41 = arith.constant 192 : i32
    %add3A_42 = arith.addi %multiple_of3A, %add3A_41 : i32
    %dma_start3A_43 = arith.constant 0 : i32
    %dma_start3A_44 = arith.constant 0 : i32
    %dma_start3A_45 = tpu.memref_slice %arg8[%dma_start3A_43, %dma_start3A_44] : memref<128x128xf32, #tpu.memory_space<vmem>> -> memref<64x128xf32, #tpu.memory_space<vmem>>
    %dma_start3A_46 = arith.constant 0 : i32
    %dma_start3A_47 = tpu.memref_slice %arg10[%add3A_42, %dma_start3A_46] : memref<10240x128xf32, #tpu.memory_space<vmem_shared>> -> memref<64x128xf32, #tpu.memory_space<vmem_shared>>
    %dma_start3A_48 = arith.constant 0 : i32
    %dma_start3A_49 = tpu.memref_slice %arg10[%add3A_42, %dma_start3A_48] : memref<10240x128xf32, #tpu.memory_space<vmem_shared>> -> memref<64x128xf32, #tpu.memory_space<vmem_shared>>
    %dma_start3A_50 = arith.constant 0 : i32
    %dma_start3A_51 = arith.constant 0 : i32
    %dma_start3A_52 = tpu.memref_slice %arg8[%dma_start3A_50, %dma_start3A_51] : memref<128x128xf32, #tpu.memory_space<vmem>> -> memref<64x128xf32, #tpu.memory_space<vmem>>
    tpu.enqueue_dma source(%dma_start3A_52 : memref<64x128xf32, #tpu.memory_space<vmem>>) target(%dma_start3A_49 : memref<64x128xf32, #tpu.memory_space<vmem_shared>>) target_semaphore(%arg11 : memref<!tpu.dma_semaphore, #tpu.memory_space<semaphore_mem>>)
    %add3A_53 = arith.constant 256 : i32
    %add3A_54 = arith.addi %multiple_of3A, %add3A_53 : i32
    %dma_start3A_55 = arith.constant 0 : i32
    %dma_start3A_56 = arith.constant 0 : i32
    %dma_start3A_57 = tpu.memref_slice %arg8[%dma_start3A_55, %dma_start3A_56] : memref<128x128xf32, #tpu.memory_space<vmem>> -> memref<64x128xf32, #tpu.memory_space<vmem>>
    %dma_start3A_58 = arith.constant 0 : i32
    %dma_start3A_59 = tpu.memref_slice %arg10[%add3A_54, %dma_start3A_58] : memref<10240x128xf32, #tpu.memory_space<vmem_shared>> -> memref<64x128xf32, #tpu.memory_space<vmem_shared>>
    %dma_start3A_60 = arith.constant 0 : i32
    %dma_start3A_61 = tpu.memref_slice %arg10[%add3A_54, %dma_start3A_60] : memref<10240x128xf32, #tpu.memory_space<vmem_shared>> -> memref<64x128xf32, #tpu.memory_space<vmem_shared>>
    %dma_start3A_62 = arith.constant 0 : i32
    %dma_start3A_63 = arith.constant 0 : i32
    %dma_start3A_64 = tpu.memref_slice %arg8[%dma_start3A_62, %dma_start3A_63] : memref<128x128xf32, #tpu.memory_space<vmem>> -> memref<64x128xf32, #tpu.memory_space<vmem>>
    tpu.enqueue_dma source(%dma_start3A_64 : memref<64x128xf32, #tpu.memory_space<vmem>>) target(%dma_start3A_61 : memref<64x128xf32, #tpu.memory_space<vmem_shared>>) target_semaphore(%arg11 : memref<!tpu.dma_semaphore, #tpu.memory_space<semaphore_mem>>)
    %add3A_65 = arith.constant 320 : i32
    %add3A_66 = arith.addi %multiple_of3A, %add3A_65 : i32
    %dma_start3A_67 = arith.constant 0 : i32
    %dma_start3A_68 = arith.constant 0 : i32
    %dma_start3A_69 = tpu.memref_slice %arg8[%dma_start3A_67, %dma_start3A_68] : memref<128x128xf32, #tpu.memory_space<vmem>> -> memref<64x128xf32, #tpu.memory_space<vmem>>
    %dma_start3A_70 = arith.constant 0 : i32
    %dma_start3A_71 = tpu.memref_slice %arg10[%add3A_66, %dma_start3A_70] : memref<10240x128xf32, #tpu.memory_space<vmem_shared>> -> memref<64x128xf32, #tpu.memory_space<vmem_shared>>
    %dma_start3A_72 = arith.constant 0 : i32
    %dma_start3A_73 = tpu.memref_slice %arg10[%add3A_66, %dma_start3A_72] : memref<10240x128xf32, #tpu.memory_space<vmem_shared>> -> memref<64x128xf32, #tpu.memory_space<vmem_shared>>
    %dma_start3A_74 = arith.constant 0 : i32
    %dma_start3A_75 = arith.constant 0 : i32
    %dma_start3A_76 = tpu.memref_slice %arg8[%dma_start3A_74, %dma_start3A_75] : memref<128x128xf32, #tpu.memory_space<vmem>> -> memref<64x128xf32, #tpu.memory_space<vmem>>
    tpu.enqueue_dma source(%dma_start3A_76 : memref<64x128xf32, #tpu.memory_space<vmem>>) target(%dma_start3A_73 : memref<64x128xf32, #tpu.memory_space<vmem_shared>>) target_semaphore(%arg11 : memref<!tpu.dma_semaphore, #tpu.memory_space<semaphore_mem>>)
    %add3A_77 = arith.constant 384 : i32
    %add3A_78 = arith.addi %multiple_of3A, %add3A_77 : i32
    %dma_start3A_79 = arith.constant 0 : i32
    %dma_start3A_80 = arith.constant 0 : i32
    %dma_start3A_81 = tpu.memref_slice %arg8[%dma_start3A_79, %dma_start3A_80] : memref<128x128xf32, #tpu.memory_space<vmem>> -> memref<64x128xf32, #tpu.memory_space<vmem>>
    %dma_start3A_82 = arith.constant 0 : i32
    %dma_start3A_83 = tpu.memref_slice %arg10[%add3A_78, %dma_start3A_82] : memref<10240x128xf32, #tpu.memory_space<vmem_shared>> -> memref<64x128xf32, #tpu.memory_space<vmem_shared>>
    %dma_start3A_84 = arith.constant 0 : i32
    %dma_start3A_85 = tpu.memref_slice %arg10[%add3A_78, %dma_start3A_84] : memref<10240x128xf32, #tpu.memory_space<vmem_shared>> -> memref<64x128xf32, #tpu.memory_space<vmem_shared>>
    %dma_start3A_86 = arith.constant 0 : i32
    %dma_start3A_87 = arith.constant 0 : i32
    %dma_start3A_88 = tpu.memref_slice %arg8[%dma_start3A_86, %dma_start3A_87] : memref<128x128xf32, #tpu.memory_space<vmem>> -> memref<64x128xf32, #tpu.memory_space<vmem>>
    tpu.enqueue_dma source(%dma_start3A_88 : memref<64x128xf32, #tpu.memory_space<vmem>>) target(%dma_start3A_85 : memref<64x128xf32, #tpu.memory_space<vmem_shared>>) target_semaphore(%arg11 : memref<!tpu.dma_semaphore, #tpu.memory_space<semaphore_mem>>)
    %add3A_89 = arith.constant 448 : i32
    %add3A_90 = arith.addi %multiple_of3A, %add3A_89 : i32
    %dma_start3A_91 = arith.constant 0 : i32
    %dma_start3A_92 = arith.constant 0 : i32
    %dma_start3A_93 = tpu.memref_slice %arg8[%dma_start3A_91, %dma_start3A_92] : memref<128x128xf32, #tpu.memory_space<vmem>> -> memref<64x128xf32, #tpu.memory_space<vmem>>
    %dma_start3A_94 = arith.constant 0 : i32
    %dma_start3A_95 = tpu.memref_slice %arg10[%add3A_90, %dma_start3A_94] : memref<10240x128xf32, #tpu.memory_space<vmem_shared>> -> memref<64x128xf32, #tpu.memory_space<vmem_shared>>
    %dma_start3A_96 = arith.constant 0 : i32
    %dma_start3A_97 = tpu.memref_slice %arg10[%add3A_90, %dma_start3A_96] : memref<10240x128xf32, #tpu.memory_space<vmem_shared>> -> memref<64x128xf32, #tpu.memory_space<vmem_shared>>
    %dma_start3A_98 = arith.constant 0 : i32
    %dma_start3A_99 = arith.constant 0 : i32
    %dma_start3A_100 = tpu.memref_slice %arg8[%dma_start3A_98, %dma_start3A_99] : memref<128x128xf32, #tpu.memory_space<vmem>> -> memref<64x128xf32, #tpu.memory_space<vmem>>
    tpu.enqueue_dma source(%dma_start3A_100 : memref<64x128xf32, #tpu.memory_space<vmem>>) target(%dma_start3A_97 : memref<64x128xf32, #tpu.memory_space<vmem_shared>>) target_semaphore(%arg11 : memref<!tpu.dma_semaphore, #tpu.memory_space<semaphore_mem>>)
    %add3A_101 = arith.constant 512 : i32
    %add3A_102 = arith.addi %multiple_of3A, %add3A_101 : i32
    %dma_start3A_103 = arith.constant 0 : i32
    %dma_start3A_104 = arith.constant 0 : i32
    %dma_start3A_105 = tpu.memref_slice %arg8[%dma_start3A_103, %dma_start3A_104] : memref<128x128xf32, #tpu.memory_space<vmem>> -> memref<64x128xf32, #tpu.memory_space<vmem>>
    %dma_start3A_106 = arith.constant 0 : i32
    %dma_start3A_107 = tpu.memref_slice %arg10[%add3A_102, %dma_start3A_106] : memref<10240x128xf32, #tpu.memory_space<vmem_shared>> -> memref<64x128xf32, #tpu.memory_space<vmem_shared>>
    %dma_start3A_108 = arith.constant 0 : i32
    %dma_start3A_109 = tpu.memref_slice %arg10[%add3A_102, %dma_start3A_108] : memref<10240x128xf32, #tpu.memory_space<vmem_shared>> -> memref<64x128xf32, #tpu.memory_space<vmem_shared>>
    %dma_start3A_110 = arith.constant 0 : i32
    %dma_start3A_111 = arith.constant 0 : i32
    %dma_start3A_112 = tpu.memref_slice %arg8[%dma_start3A_110, %dma_start3A_111] : memref<128x128xf32, #tpu.memory_space<vmem>> -> memref<64x128xf32, #tpu.memory_space<vmem>>
    tpu.enqueue_dma source(%dma_start3A_112 : memref<64x128xf32, #tpu.memory_space<vmem>>) target(%dma_start3A_109 : memref<64x128xf32, #tpu.memory_space<vmem_shared>>) target_semaphore(%arg11 : memref<!tpu.dma_semaphore, #tpu.memory_space<semaphore_mem>>)
    %add3A_113 = arith.constant 576 : i32
    %add3A_114 = arith.addi %multiple_of3A, %add3A_113 : i32
    %dma_start3A_115 = arith.constant 0 : i32
    %dma_start3A_116 = arith.constant 0 : i32
    %dma_start3A_117 = tpu.memref_slice %arg8[%dma_start3A_115, %dma_start3A_116] : memref<128x128xf32, #tpu.memory_space<vmem>> -> memref<64x128xf32, #tpu.memory_space<vmem>>
    %dma_start3A_118 = arith.constant 0 : i32
    %dma_start3A_119 = tpu.memref_slice %arg10[%add3A_114, %dma_start3A_118] : memref<10240x128xf32, #tpu.memory_space<vmem_shared>> -> memref<64x128xf32, #tpu.memory_space<vmem_shared>>
    %dma_start3A_120 = arith.constant 0 : i32
    %dma_start3A_121 = tpu.memref_slice %arg10[%add3A_114, %dma_start3A_120] : memref<10240x128xf32, #tpu.memory_space<vmem_shared>> -> memref<64x128xf32, #tpu.memory_space<vmem_shared>>
    %dma_start3A_122 = arith.constant 0 : i32
    %dma_start3A_123 = arith.constant 0 : i32
    %dma_start3A_124 = tpu.memref_slice %arg8[%dma_start3A_122, %dma_start3A_123] : memref<128x128xf32, #tpu.memory_space<vmem>> -> memref<64x128xf32, #tpu.memory_space<vmem>>
    tpu.enqueue_dma source(%dma_start3A_124 : memref<64x128xf32, #tpu.memory_space<vmem>>) target(%dma_start3A_121 : memref<64x128xf32, #tpu.memory_space<vmem_shared>>) target_semaphore(%arg11 : memref<!tpu.dma_semaphore, #tpu.memory_space<semaphore_mem>>)
    %dma_wait3A = arith.constant 0 : i32
    %dma_wait3A_125 = arith.constant 0 : i32
    %dma_wait3A_126 = tpu.memref_slice %arg8[%dma_wait3A, %dma_wait3A_125] : memref<128x128xf32, #tpu.memory_space<vmem>> -> memref<64x128xf32, #tpu.memory_space<vmem>>
    %dma_wait3A_127 = arith.constant 0 : i32
    %dma_wait3A_128 = tpu.memref_slice %arg10[%add3A_7, %dma_wait3A_127] : memref<10240x128xf32, #tpu.memory_space<vmem_shared>> -> memref<64x128xf32, #tpu.memory_space<vmem_shared>>
    %dma_wait3A_129 = arith.constant 0 : i32
    %dma_wait3A_130 = tpu.memref_slice %arg10[%add3A_7, %dma_wait3A_129] : memref<10240x128xf32, #tpu.memory_space<vmem_shared>> -> memref<64x128xf32, #tpu.memory_space<vmem_shared>>
    %dma_wait3A_131 = arith.constant 0 : i32
    %dma_wait3A_132 = arith.constant 0 : i32
    %dma_wait3A_133 = tpu.memref_slice %arg8[%dma_wait3A_131, %dma_wait3A_132] : memref<128x128xf32, #tpu.memory_space<vmem>> -> memref<64x128xf32, #tpu.memory_space<vmem>>
    tpu.wait_dma2 semaphore(%arg11 : memref<!tpu.dma_semaphore, #tpu.memory_space<semaphore_mem>>) src(%dma_wait3A_133 : memref<64x128xf32, #tpu.memory_space<vmem>>) dst(%dma_wait3A_130 : memref<64x128xf32, #tpu.memory_space<vmem_shared>>)
    %dma_wait3A_134 = arith.constant 0 : i32
    %dma_wait3A_135 = arith.constant 0 : i32
    %dma_wait3A_136 = tpu.memref_slice %arg8[%dma_wait3A_134, %dma_wait3A_135] : memref<128x128xf32, #tpu.memory_space<vmem>> -> memref<64x128xf32, #tpu.memory_space<vmem>>
    %dma_wait3A_137 = arith.constant 0 : i32
    %dma_wait3A_138 = tpu.memref_slice %arg10[%add3A_18, %dma_wait3A_137] : memref<10240x128xf32, #tpu.memory_space<vmem_shared>> -> memref<64x128xf32, #tpu.memory_space<vmem_shared>>
    %dma_wait3A_139 = arith.constant 0 : i32
    %dma_wait3A_140 = tpu.memref_slice %arg10[%add3A_18, %dma_wait3A_139] : memref<10240x128xf32, #tpu.memory_space<vmem_shared>> -> memref<64x128xf32, #tpu.memory_space<vmem_shared>>
    %dma_wait3A_141 = arith.constant 0 : i32
    %dma_wait3A_142 = arith.constant 0 : i32
    %dma_wait3A_143 = tpu.memref_slice %arg8[%dma_wait3A_141, %dma_wait3A_142] : memref<128x128xf32, #tpu.memory_space<vmem>> -> memref<64x128xf32, #tpu.memory_space<vmem>>
    tpu.wait_dma2 semaphore(%arg11 : memref<!tpu.dma_semaphore, #tpu.memory_space<semaphore_mem>>) src(%dma_wait3A_143 : memref<64x128xf32, #tpu.memory_space<vmem>>) dst(%dma_wait3A_140 : memref<64x128xf32, #tpu.memory_space<vmem_shared>>)
    %dma_wait3A_144 = arith.constant 0 : i32
    %dma_wait3A_145 = arith.constant 0 : i32
    %dma_wait3A_146 = tpu.memref_slice %arg8[%dma_wait3A_144, %dma_wait3A_145] : memref<128x128xf32, #tpu.memory_space<vmem>> -> memref<64x128xf32, #tpu.memory_space<vmem>>
    %dma_wait3A_147 = arith.constant 0 : i32
    %dma_wait3A_148 = tpu.memref_slice %arg10[%add3A_30, %dma_wait3A_147] : memref<10240x128xf32, #tpu.memory_space<vmem_shared>> -> memref<64x128xf32, #tpu.memory_space<vmem_shared>>
    %dma_wait3A_149 = arith.constant 0 : i32
    %dma_wait3A_150 = tpu.memref_slice %arg10[%add3A_30, %dma_wait3A_149] : memref<10240x128xf32, #tpu.memory_space<vmem_shared>> -> memref<64x128xf32, #tpu.memory_space<vmem_shared>>
    %dma_wait3A_151 = arith.constant 0 : i32
    %dma_wait3A_152 = arith.constant 0 : i32
    %dma_wait3A_153 = tpu.memref_slice %arg8[%dma_wait3A_151, %dma_wait3A_152] : memref<128x128xf32, #tpu.memory_space<vmem>> -> memref<64x128xf32, #tpu.memory_space<vmem>>
    tpu.wait_dma2 semaphore(%arg11 : memref<!tpu.dma_semaphore, #tpu.memory_space<semaphore_mem>>) src(%dma_wait3A_153 : memref<64x128xf32, #tpu.memory_space<vmem>>) dst(%dma_wait3A_150 : memref<64x128xf32, #tpu.memory_space<vmem_shared>>)
    %dma_wait3A_154 = arith.constant 0 : i32
    %dma_wait3A_155 = arith.constant 0 : i32
    %dma_wait3A_156 = tpu.memref_slice %arg8[%dma_wait3A_154, %dma_wait3A_155] : memref<128x128xf32, #tpu.memory_space<vmem>> -> memref<64x128xf32, #tpu.memory_space<vmem>>
    %dma_wait3A_157 = arith.constant 0 : i32
    %dma_wait3A_158 = tpu.memref_slice %arg10[%add3A_42, %dma_wait3A_157] : memref<10240x128xf32, #tpu.memory_space<vmem_shared>> -> memref<64x128xf32, #tpu.memory_space<vmem_shared>>
    %dma_wait3A_159 = arith.constant 0 : i32
    %dma_wait3A_160 = tpu.memref_slice %arg10[%add3A_42, %dma_wait3A_159] : memref<10240x128xf32, #tpu.memory_space<vmem_shared>> -> memref<64x128xf32, #tpu.memory_space<vmem_shared>>
    %dma_wait3A_161 = arith.constant 0 : i32
    %dma_wait3A_162 = arith.constant 0 : i32
    %dma_wait3A_163 = tpu.memref_slice %arg8[%dma_wait3A_161, %dma_wait3A_162] : memref<128x128xf32, #tpu.memory_space<vmem>> -> memref<64x128xf32, #tpu.memory_space<vmem>>
    tpu.wait_dma2 semaphore(%arg11 : memref<!tpu.dma_semaphore, #tpu.memory_space<semaphore_mem>>) src(%dma_wait3A_163 : memref<64x128xf32, #tpu.memory_space<vmem>>) dst(%dma_wait3A_160 : memref<64x128xf32, #tpu.memory_space<vmem_shared>>)
    %dma_wait3A_164 = arith.constant 0 : i32
    %dma_wait3A_165 = arith.constant 0 : i32
    %dma_wait3A_166 = tpu.memref_slice %arg8[%dma_wait3A_164, %dma_wait3A_165] : memref<128x128xf32, #tpu.memory_space<vmem>> -> memref<64x128xf32, #tpu.memory_space<vmem>>
    %dma_wait3A_167 = arith.constant 0 : i32
    %dma_wait3A_168 = tpu.memref_slice %arg10[%add3A_54, %dma_wait3A_167] : memref<10240x128xf32, #tpu.memory_space<vmem_shared>> -> memref<64x128xf32, #tpu.memory_space<vmem_shared>>
    %dma_wait3A_169 = arith.constant 0 : i32
    %dma_wait3A_170 = tpu.memref_slice %arg10[%add3A_54, %dma_wait3A_169] : memref<10240x128xf32, #tpu.memory_space<vmem_shared>> -> memref<64x128xf32, #tpu.memory_space<vmem_shared>>
    %dma_wait3A_171 = arith.constant 0 : i32
    %dma_wait3A_172 = arith.constant 0 : i32
    %dma_wait3A_173 = tpu.memref_slice %arg8[%dma_wait3A_171, %dma_wait3A_172] : memref<128x128xf32, #tpu.memory_space<vmem>> -> memref<64x128xf32, #tpu.memory_space<vmem>>
    tpu.wait_dma2 semaphore(%arg11 : memref<!tpu.dma_semaphore, #tpu.memory_space<semaphore_mem>>) src(%dma_wait3A_173 : memref<64x128xf32, #tpu.memory_space<vmem>>) dst(%dma_wait3A_170 : memref<64x128xf32, #tpu.memory_space<vmem_shared>>)
    %dma_wait3A_174 = arith.constant 0 : i32
    %dma_wait3A_175 = arith.constant 0 : i32
    %dma_wait3A_176 = tpu.memref_slice %arg8[%dma_wait3A_174, %dma_wait3A_175] : memref<128x128xf32, #tpu.memory_space<vmem>> -> memref<64x128xf32, #tpu.memory_space<vmem>>
    %dma_wait3A_177 = arith.constant 0 : i32
    %dma_wait3A_178 = tpu.memref_slice %arg10[%add3A_66, %dma_wait3A_177] : memref<10240x128xf32, #tpu.memory_space<vmem_shared>> -> memref<64x128xf32, #tpu.memory_space<vmem_shared>>
    %dma_wait3A_179 = arith.constant 0 : i32
    %dma_wait3A_180 = tpu.memref_slice %arg10[%add3A_66, %dma_wait3A_179] : memref<10240x128xf32, #tpu.memory_space<vmem_shared>> -> memref<64x128xf32, #tpu.memory_space<vmem_shared>>
    %dma_wait3A_181 = arith.constant 0 : i32
    %dma_wait3A_182 = arith.constant 0 : i32
    %dma_wait3A_183 = tpu.memref_slice %arg8[%dma_wait3A_181, %dma_wait3A_182] : memref<128x128xf32, #tpu.memory_space<vmem>> -> memref<64x128xf32, #tpu.memory_space<vmem>>
    tpu.wait_dma2 semaphore(%arg11 : memref<!tpu.dma_semaphore, #tpu.memory_space<semaphore_mem>>) src(%dma_wait3A_183 : memref<64x128xf32, #tpu.memory_space<vmem>>) dst(%dma_wait3A_180 : memref<64x128xf32, #tpu.memory_space<vmem_shared>>)
    %dma_wait3A_184 = arith.constant 0 : i32
    %dma_wait3A_185 = arith.constant 0 : i32
    %dma_wait3A_186 = tpu.memref_slice %arg8[%dma_wait3A_184, %dma_wait3A_185] : memref<128x128xf32, #tpu.memory_space<vmem>> -> memref<64x128xf32, #tpu.memory_space<vmem>>
    %dma_wait3A_187 = arith.constant 0 : i32
    %dma_wait3A_188 = tpu.memref_slice %arg10[%add3A_78, %dma_wait3A_187] : memref<10240x128xf32, #tpu.memory_space<vmem_shared>> -> memref<64x128xf32, #tpu.memory_space<vmem_shared>>
    %dma_wait3A_189 = arith.constant 0 : i32
    %dma_wait3A_190 = tpu.memref_slice %arg10[%add3A_78, %dma_wait3A_189] : memref<10240x128xf32, #tpu.memory_space<vmem_shared>> -> memref<64x128xf32, #tpu.memory_space<vmem_shared>>
    %dma_wait3A_191 = arith.constant 0 : i32
    %dma_wait3A_192 = arith.constant 0 : i32
    %dma_wait3A_193 = tpu.memref_slice %arg8[%dma_wait3A_191, %dma_wait3A_192] : memref<128x128xf32, #tpu.memory_space<vmem>> -> memref<64x128xf32, #tpu.memory_space<vmem>>
    tpu.wait_dma2 semaphore(%arg11 : memref<!tpu.dma_semaphore, #tpu.memory_space<semaphore_mem>>) src(%dma_wait3A_193 : memref<64x128xf32, #tpu.memory_space<vmem>>) dst(%dma_wait3A_190 : memref<64x128xf32, #tpu.memory_space<vmem_shared>>)
    %dma_wait3A_194 = arith.constant 0 : i32
    %dma_wait3A_195 = arith.constant 0 : i32
    %dma_wait3A_196 = tpu.memref_slice %arg8[%dma_wait3A_194, %dma_wait3A_195] : memref<128x128xf32, #tpu.memory_space<vmem>> -> memref<64x128xf32, #tpu.memory_space<vmem>>
    %dma_wait3A_197 = arith.constant 0 : i32
    %dma_wait3A_198 = tpu.memref_slice %arg10[%add3A_90, %dma_wait3A_197] : memref<10240x128xf32, #tpu.memory_space<vmem_shared>> -> memref<64x128xf32, #tpu.memory_space<vmem_shared>>
    %dma_wait3A_199 = arith.constant 0 : i32
    %dma_wait3A_200 = tpu.memref_slice %arg10[%add3A_90, %dma_wait3A_199] : memref<10240x128xf32, #tpu.memory_space<vmem_shared>> -> memref<64x128xf32, #tpu.memory_space<vmem_shared>>
    %dma_wait3A_201 = arith.constant 0 : i32
    %dma_wait3A_202 = arith.constant 0 : i32
    %dma_wait3A_203 = tpu.memref_slice %arg8[%dma_wait3A_201, %dma_wait3A_202] : memref<128x128xf32, #tpu.memory_space<vmem>> -> memref<64x128xf32, #tpu.memory_space<vmem>>
    tpu.wait_dma2 semaphore(%arg11 : memref<!tpu.dma_semaphore, #tpu.memory_space<semaphore_mem>>) src(%dma_wait3A_203 : memref<64x128xf32, #tpu.memory_space<vmem>>) dst(%dma_wait3A_200 : memref<64x128xf32, #tpu.memory_space<vmem_shared>>)
    %dma_wait3A_204 = arith.constant 0 : i32
    %dma_wait3A_205 = arith.constant 0 : i32
    %dma_wait3A_206 = tpu.memref_slice %arg8[%dma_wait3A_204, %dma_wait3A_205] : memref<128x128xf32, #tpu.memory_space<vmem>> -> memref<64x128xf32, #tpu.memory_space<vmem>>
    %dma_wait3A_207 = arith.constant 0 : i32
    %dma_wait3A_208 = tpu.memref_slice %arg10[%add3A_102, %dma_wait3A_207] : memref<10240x128xf32, #tpu.memory_space<vmem_shared>> -> memref<64x128xf32, #tpu.memory_space<vmem_shared>>
    %dma_wait3A_209 = arith.constant 0 : i32
    %dma_wait3A_210 = tpu.memref_slice %arg10[%add3A_102, %dma_wait3A_209] : memref<10240x128xf32, #tpu.memory_space<vmem_shared>> -> memref<64x128xf32, #tpu.memory_space<vmem_shared>>
    %dma_wait3A_211 = arith.constant 0 : i32
    %dma_wait3A_212 = arith.constant 0 : i32
    %dma_wait3A_213 = tpu.memref_slice %arg8[%dma_wait3A_211, %dma_wait3A_212] : memref<128x128xf32, #tpu.memory_space<vmem>> -> memref<64x128xf32, #tpu.memory_space<vmem>>
    tpu.wait_dma2 semaphore(%arg11 : memref<!tpu.dma_semaphore, #tpu.memory_space<semaphore_mem>>) src(%dma_wait3A_213 : memref<64x128xf32, #tpu.memory_space<vmem>>) dst(%dma_wait3A_210 : memref<64x128xf32, #tpu.memory_space<vmem_shared>>)
    %dma_wait3A_214 = arith.constant 0 : i32
    %dma_wait3A_215 = arith.constant 0 : i32
    %dma_wait3A_216 = tpu.memref_slice %arg8[%dma_wait3A_214, %dma_wait3A_215] : memref<128x128xf32, #tpu.memory_space<vmem>> -> memref<64x128xf32, #tpu.memory_space<vmem>>
    %dma_wait3A_217 = arith.constant 0 : i32
    %dma_wait3A_218 = tpu.memref_slice %arg10[%add3A_114, %dma_wait3A_217] : memref<10240x128xf32, #tpu.memory_space<vmem_shared>> -> memref<64x128xf32, #tpu.memory_space<vmem_shared>>
    %dma_wait3A_219 = arith.constant 0 : i32
    %dma_wait3A_220 = tpu.memref_slice %arg10[%add3A_114, %dma_wait3A_219] : memref<10240x128xf32, #tpu.memory_space<vmem_shared>> -> memref<64x128xf32, #tpu.memory_space<vmem_shared>>
    %dma_wait3A_221 = arith.constant 0 : i32
    %dma_wait3A_222 = arith.constant 0 : i32
    %dma_wait3A_223 = tpu.memref_slice %arg8[%dma_wait3A_221, %dma_wait3A_222] : memref<128x128xf32, #tpu.memory_space<vmem>> -> memref<64x128xf32, #tpu.memory_space<vmem>>
    tpu.wait_dma2 semaphore(%arg11 : memref<!tpu.dma_semaphore, #tpu.memory_space<semaphore_mem>>) src(%dma_wait3A_223 : memref<64x128xf32, #tpu.memory_space<vmem>>) dst(%dma_wait3A_220 : memref<64x128xf32, #tpu.memory_space<vmem_shared>>)
    %barrier3A = arith.constant 0 : index
    tpu.barrier barrier_id(%barrier3A)
    %scan3A_224 = arith.constant 0 : i32
    %scan3A_225 = arith.constant 0 : i32
    %scan3A_226 = arith.constant 5 : i32
    %scan3A_227 = arith.addi %scan3A_225, %scan3A_226 : i32
    %scan3A_228 = arith.constant 1 : i32
    scf.for %scan3A_240 = %scan3A_225 to %scan3A_227 step %scan3A_228  : i32 {
      %eq3A_241 = arith.constant 0 : i32
      %eq3A_242 = arith.cmpi eq, %arg0, %eq3A_241 : i32
      %convert_element_type3A_243 = arith.extui %eq3A_242 : i1 to i32
      %cond3A_244 = arith.constant 0 : i32
      %cond3A_245 = arith.cmpi ne, %convert_element_type3A_243, %cond3A_244 : i32
      scf.if %cond3A_245 {
        "tpu.region"() ({
          %run_scoped3A = tpu.sem_alloc : memref<!tpu.dma_semaphore, #tpu.memory_space<semaphore_mem>>
          %dma_start3A_699 = arith.constant 0 : i32
          %dma_start3A_700 = arith.constant 0 : i32
          %dma_start3A_701 = tpu.memref_slice %arg2[%arg1, %scan3A_240, %dma_start3A_699, %dma_start3A_700] : memref<16x5x32x128xi32, #tpu.memory_space<hbm>> -> memref<1x1x32x128xi32, #tpu.memory_space<hbm>>
          %dma_start3A_702 = tpu.memref_squeeze %dma_start3A_701 : memref<1x1x32x128xi32, #tpu.memory_space<hbm>> -> memref<32x128xi32, #tpu.memory_space<hbm>>
          %dma_start3A_703 = arith.constant 0 : i32
          %dma_start3A_704 = arith.constant 0 : i32
          %dma_start3A_705 = tpu.memref_slice %arg2[%arg1, %scan3A_240, %dma_start3A_703, %dma_start3A_704] : memref<16x5x32x128xi32, #tpu.memory_space<hbm>> -> memref<1x1x32x128xi32, #tpu.memory_space<hbm>>
          %dma_start3A_706 = tpu.memref_squeeze %dma_start3A_705 : memref<1x1x32x128xi32, #tpu.memory_space<hbm>> -> memref<32x128xi32, #tpu.memory_space<hbm>>
          tpu.enqueue_dma source(%dma_start3A_706 : memref<32x128xi32, #tpu.memory_space<hbm>>) target(%arg7 : memref<32x128xi32, #tpu.memory_space<vmem>>) target_semaphore(%run_scoped3A : memref<!tpu.dma_semaphore, #tpu.memory_space<semaphore_mem>>)
          %dma_wait3A_707 = arith.constant 0 : i32
          %dma_wait3A_708 = arith.constant 0 : i32
          %dma_wait3A_709 = tpu.memref_slice %arg2[%arg1, %scan3A_240, %dma_wait3A_707, %dma_wait3A_708] : memref<16x5x32x128xi32, #tpu.memory_space<hbm>> -> memref<1x1x32x128xi32, #tpu.memory_space<hbm>>
          %dma_wait3A_710 = tpu.memref_squeeze %dma_wait3A_709 : memref<1x1x32x128xi32, #tpu.memory_space<hbm>> -> memref<32x128xi32, #tpu.memory_space<hbm>>
          %dma_wait3A_711 = arith.constant 0 : i32
          %dma_wait3A_712 = arith.constant 0 : i32
          %dma_wait3A_713 = tpu.memref_slice %arg2[%arg1, %scan3A_240, %dma_wait3A_711, %dma_wait3A_712] : memref<16x5x32x128xi32, #tpu.memory_space<hbm>> -> memref<1x1x32x128xi32, #tpu.memory_space<hbm>>
          %dma_wait3A_714 = tpu.memref_squeeze %dma_wait3A_713 : memref<1x1x32x128xi32, #tpu.memory_space<hbm>> -> memref<32x128xi32, #tpu.memory_space<hbm>>
          tpu.wait_dma2 semaphore(%run_scoped3A : memref<!tpu.dma_semaphore, #tpu.memory_space<semaphore_mem>>) src(%dma_wait3A_714 : memref<32x128xi32, #tpu.memory_space<hbm>>) dst(%arg7 : memref<32x128xi32, #tpu.memory_space<vmem>>)
          tpu.yield
        }) : () -> ()
      } else {
      }
      %eq3A_246 = arith.constant 1 : i32
      %eq3A_247 = arith.cmpi eq, %arg0, %eq3A_246 : i32
      %convert_element_type3A_248 = arith.extui %eq3A_247 : i1 to i32
      %cond3A_249 = arith.constant 0 : i32
      %cond3A_250 = arith.cmpi ne, %convert_element_type3A_248, %cond3A_249 : i32
      scf.if %cond3A_250 {
        "tpu.region"() ({
          %run_scoped3A = tpu.sem_alloc : memref<!tpu.dma_semaphore, #tpu.memory_space<semaphore_mem>>
          %dma_start3A_699 = arith.constant 0 : i32
          %dma_start3A_700 = arith.constant 0 : i32
          %dma_start3A_701 = tpu.memref_slice %arg3[%arg1, %scan3A_240, %dma_start3A_699, %dma_start3A_700] : memref<16x5x32x128xi32, #tpu.memory_space<hbm>> -> memref<1x1x32x128xi32, #tpu.memory_space<hbm>>
          %dma_start3A_702 = tpu.memref_squeeze %dma_start3A_701 : memref<1x1x32x128xi32, #tpu.memory_space<hbm>> -> memref<32x128xi32, #tpu.memory_space<hbm>>
          %dma_start3A_703 = arith.constant 0 : i32
          %dma_start3A_704 = arith.constant 0 : i32
          %dma_start3A_705 = tpu.memref_slice %arg3[%arg1, %scan3A_240, %dma_start3A_703, %dma_start3A_704] : memref<16x5x32x128xi32, #tpu.memory_space<hbm>> -> memref<1x1x32x128xi32, #tpu.memory_space<hbm>>
          %dma_start3A_706 = tpu.memref_squeeze %dma_start3A_705 : memref<1x1x32x128xi32, #tpu.memory_space<hbm>> -> memref<32x128xi32, #tpu.memory_space<hbm>>
          tpu.enqueue_dma source(%dma_start3A_706 : memref<32x128xi32, #tpu.memory_space<hbm>>) target(%arg7 : memref<32x128xi32, #tpu.memory_space<vmem>>) target_semaphore(%run_scoped3A : memref<!tpu.dma_semaphore, #tpu.memory_space<semaphore_mem>>)
          %dma_wait3A_707 = arith.constant 0 : i32
          %dma_wait3A_708 = arith.constant 0 : i32
          %dma_wait3A_709 = tpu.memref_slice %arg3[%arg1, %scan3A_240, %dma_wait3A_707, %dma_wait3A_708] : memref<16x5x32x128xi32, #tpu.memory_space<hbm>> -> memref<1x1x32x128xi32, #tpu.memory_space<hbm>>
          %dma_wait3A_710 = tpu.memref_squeeze %dma_wait3A_709 : memref<1x1x32x128xi32, #tpu.memory_space<hbm>> -> memref<32x128xi32, #tpu.memory_space<hbm>>
          %dma_wait3A_711 = arith.constant 0 : i32
          %dma_wait3A_712 = arith.constant 0 : i32
          %dma_wait3A_713 = tpu.memref_slice %arg3[%arg1, %scan3A_240, %dma_wait3A_711, %dma_wait3A_712] : memref<16x5x32x128xi32, #tpu.memory_space<hbm>> -> memref<1x1x32x128xi32, #tpu.memory_space<hbm>>
          %dma_wait3A_714 = tpu.memref_squeeze %dma_wait3A_713 : memref<1x1x32x128xi32, #tpu.memory_space<hbm>> -> memref<32x128xi32, #tpu.memory_space<hbm>>
          tpu.wait_dma2 semaphore(%run_scoped3A : memref<!tpu.dma_semaphore, #tpu.memory_space<semaphore_mem>>) src(%dma_wait3A_714 : memref<32x128xi32, #tpu.memory_space<hbm>>) dst(%arg7 : memref<32x128xi32, #tpu.memory_space<vmem>>)
          tpu.yield
        }) : () -> ()
      } else {
      }
      %dma_start3A_251 = arith.constant 0 : i32
      %dma_start3A_252 = arith.constant 0 : i32
      %dma_start3A_253 = tpu.memref_slice %arg7[%dma_start3A_251, %dma_start3A_252] : memref<32x128xi32, #tpu.memory_space<vmem>> -> memref<1x128xi32, #tpu.memory_space<vmem>>
      %dma_start3A_254 = tpu.memref_squeeze %dma_start3A_253 : memref<1x128xi32, #tpu.memory_space<vmem>> -> memref<128xi32, #tpu.memory_space<vmem>>
      %dma_start3A_255 = arith.constant 0 : i32
      %dma_start3A_256 = arith.constant 0 : i32
      %dma_start3A_257 = tpu.memref_slice %arg4[%dma_start3A_255, %dma_start3A_256] : memref<20000x128xf32, #tpu.memory_space<hbm>> -> memref<20000x128xf32, #tpu.memory_space<hbm>>
      tpu.enqueue_indirect_dma source(%dma_start3A_257 : memref<20000x128xf32, #tpu.memory_space<hbm>>) target(%arg8 : memref<128x128xf32, #tpu.memory_space<vmem>>) offsets(%dma_start3A_254 : memref<128xi32, #tpu.memory_space<vmem>>) semaphore(%arg11 : memref<!tpu.dma_semaphore, #tpu.memory_space<semaphore_mem>>)
      %dma_start3A_258 = arith.constant 1 : i32
      %dma_start3A_259 = arith.constant 0 : i32
      %dma_start3A_260 = tpu.memref_slice %arg7[%dma_start3A_258, %dma_start3A_259] : memref<32x128xi32, #tpu.memory_space<vmem>> -> memref<1x128xi32, #tpu.memory_space<vmem>>
      %dma_start3A_261 = tpu.memref_squeeze %dma_start3A_260 : memref<1x128xi32, #tpu.memory_space<vmem>> -> memref<128xi32, #tpu.memory_space<vmem>>
      %dma_start3A_262 = arith.constant 0 : i32
      %dma_start3A_263 = arith.constant 0 : i32
      %dma_start3A_264 = tpu.memref_slice %arg4[%dma_start3A_262, %dma_start3A_263] : memref<20000x128xf32, #tpu.memory_space<hbm>> -> memref<20000x128xf32, #tpu.memory_space<hbm>>
      tpu.enqueue_indirect_dma source(%dma_start3A_264 : memref<20000x128xf32, #tpu.memory_space<hbm>>) target(%arg9 : memref<128x128xf32, #tpu.memory_space<vmem>>) offsets(%dma_start3A_261 : memref<128xi32, #tpu.memory_space<vmem>>) semaphore(%arg12 : memref<!tpu.dma_semaphore, #tpu.memory_space<semaphore_mem>>)
      %dma_wait3A_265 = arith.constant 0 : i32
      %dma_wait3A_266 = arith.constant 0 : i32
      %dma_wait3A_267 = tpu.memref_slice %arg7[%dma_wait3A_265, %dma_wait3A_266] : memref<32x128xi32, #tpu.memory_space<vmem>> -> memref<1x128xi32, #tpu.memory_space<vmem>>
      %dma_wait3A_268 = tpu.memref_squeeze %dma_wait3A_267 : memref<1x128xi32, #tpu.memory_space<vmem>> -> memref<128xi32, #tpu.memory_space<vmem>>
      %dma_wait3A_269 = arith.constant 0 : i32
      %dma_wait3A_270 = arith.constant 0 : i32
      %dma_wait3A_271 = tpu.memref_slice %arg4[%dma_wait3A_269, %dma_wait3A_270] : memref<20000x128xf32, #tpu.memory_space<hbm>> -> memref<20000x128xf32, #tpu.memory_space<hbm>>
      tpu.wait_indirect_dma semaphore(%arg11 : memref<!tpu.dma_semaphore, #tpu.memory_space<semaphore_mem>>) src(%dma_wait3A_271 : memref<20000x128xf32, #tpu.memory_space<hbm>>) dst(%arg8 : memref<128x128xf32, #tpu.memory_space<vmem>>)
      %dma_start3A_272 = arith.constant 8 : i32
      %dma_start3A_273 = arith.constant 0 : i32
      %dma_start3A_274 = tpu.memref_slice %arg7[%dma_start3A_272, %dma_start3A_273] : memref<32x128xi32, #tpu.memory_space<vmem>> -> memref<1x128xi32, #tpu.memory_space<vmem>>
      %dma_start3A_275 = tpu.memref_squeeze %dma_start3A_274 : memref<1x128xi32, #tpu.memory_space<vmem>> -> memref<128xi32, #tpu.memory_space<vmem>>
      %dma_start3A_276 = arith.constant 0 : i32
      %dma_start3A_277 = arith.constant 0 : i32
      %dma_start3A_278 = tpu.memref_slice %arg10[%dma_start3A_276, %dma_start3A_277] : memref<10240x128xf32, #tpu.memory_space<vmem_shared>> -> memref<10240x128xf32, #tpu.memory_space<vmem_shared>>
      tpu.enqueue_indirect_dma source(%arg8 : memref<128x128xf32, #tpu.memory_space<vmem>>) target(%dma_start3A_278 : memref<10240x128xf32, #tpu.memory_space<vmem_shared>>) offsets(%dma_start3A_275 : memref<128xi32, #tpu.memory_space<vmem>>) semaphore(%arg13 : memref<!tpu.dma_semaphore, #tpu.memory_space<semaphore_mem>>) {add = true}
      %dma_wait3A_279 = arith.constant 8 : i32
      %dma_wait3A_280 = arith.constant 0 : i32
      %dma_wait3A_281 = tpu.memref_slice %arg7[%dma_wait3A_279, %dma_wait3A_280] : memref<32x128xi32, #tpu.memory_space<vmem>> -> memref<1x128xi32, #tpu.memory_space<vmem>>
      %dma_wait3A_282 = tpu.memref_squeeze %dma_wait3A_281 : memref<1x128xi32, #tpu.memory_space<vmem>> -> memref<128xi32, #tpu.memory_space<vmem>>
      %dma_wait3A_283 = arith.constant 0 : i32
      %dma_wait3A_284 = arith.constant 0 : i32
      %dma_wait3A_285 = tpu.memref_slice %arg10[%dma_wait3A_283, %dma_wait3A_284] : memref<10240x128xf32, #tpu.memory_space<vmem_shared>> -> memref<10240x128xf32, #tpu.memory_space<vmem_shared>>
      tpu.wait_indirect_dma semaphore(%arg13 : memref<!tpu.dma_semaphore, #tpu.memory_space<semaphore_mem>>) src(%arg8 : memref<128x128xf32, #tpu.memory_space<vmem>>) dst(%dma_wait3A_285 : memref<10240x128xf32, #tpu.memory_space<vmem_shared>>)
      %dma_start3A_286 = arith.constant 2 : i32
      %dma_start3A_287 = arith.constant 0 : i32
      %dma_start3A_288 = tpu.memref_slice %arg7[%dma_start3A_286, %dma_start3A_287] : memref<32x128xi32, #tpu.memory_space<vmem>> -> memref<1x128xi32, #tpu.memory_space<vmem>>
      %dma_start3A_289 = tpu.memref_squeeze %dma_start3A_288 : memref<1x128xi32, #tpu.memory_space<vmem>> -> memref<128xi32, #tpu.memory_space<vmem>>
      %dma_start3A_290 = arith.constant 0 : i32
      %dma_start3A_291 = arith.constant 0 : i32
      %dma_start3A_292 = tpu.memref_slice %arg4[%dma_start3A_290, %dma_start3A_291] : memref<20000x128xf32, #tpu.memory_space<hbm>> -> memref<20000x128xf32, #tpu.memory_space<hbm>>
      tpu.enqueue_indirect_dma source(%dma_start3A_292 : memref<20000x128xf32, #tpu.memory_space<hbm>>) target(%arg8 : memref<128x128xf32, #tpu.memory_space<vmem>>) offsets(%dma_start3A_289 : memref<128xi32, #tpu.memory_space<vmem>>) semaphore(%arg11 : memref<!tpu.dma_semaphore, #tpu.memory_space<semaphore_mem>>)
      %dma_wait3A_293 = arith.constant 1 : i32
      %dma_wait3A_294 = arith.constant 0 : i32
      %dma_wait3A_295 = tpu.memref_slice %arg7[%dma_wait3A_293, %dma_wait3A_294] : memref<32x128xi32, #tpu.memory_space<vmem>> -> memref<1x128xi32, #tpu.memory_space<vmem>>
      %dma_wait3A_296 = tpu.memref_squeeze %dma_wait3A_295 : memref<1x128xi32, #tpu.memory_space<vmem>> -> memref<128xi32, #tpu.memory_space<vmem>>
      %dma_wait3A_297 = arith.constant 0 : i32
      %dma_wait3A_298 = arith.constant 0 : i32
      %dma_wait3A_299 = tpu.memref_slice %arg4[%dma_wait3A_297, %dma_wait3A_298] : memref<20000x128xf32, #tpu.memory_space<hbm>> -> memref<20000x128xf32, #tpu.memory_space<hbm>>
      tpu.wait_indirect_dma semaphore(%arg12 : memref<!tpu.dma_semaphore, #tpu.memory_space<semaphore_mem>>) src(%dma_wait3A_299 : memref<20000x128xf32, #tpu.memory_space<hbm>>) dst(%arg9 : memref<128x128xf32, #tpu.memory_space<vmem>>)
      %dma_start3A_300 = arith.constant 9 : i32
      %dma_start3A_301 = arith.constant 0 : i32
      %dma_start3A_302 = tpu.memref_slice %arg7[%dma_start3A_300, %dma_start3A_301] : memref<32x128xi32, #tpu.memory_space<vmem>> -> memref<1x128xi32, #tpu.memory_space<vmem>>
      %dma_start3A_303 = tpu.memref_squeeze %dma_start3A_302 : memref<1x128xi32, #tpu.memory_space<vmem>> -> memref<128xi32, #tpu.memory_space<vmem>>
      %dma_start3A_304 = arith.constant 0 : i32
      %dma_start3A_305 = arith.constant 0 : i32
      %dma_start3A_306 = tpu.memref_slice %arg10[%dma_start3A_304, %dma_start3A_305] : memref<10240x128xf32, #tpu.memory_space<vmem_shared>> -> memref<10240x128xf32, #tpu.memory_space<vmem_shared>>
      tpu.enqueue_indirect_dma source(%arg9 : memref<128x128xf32, #tpu.memory_space<vmem>>) target(%dma_start3A_306 : memref<10240x128xf32, #tpu.memory_space<vmem_shared>>) offsets(%dma_start3A_303 : memref<128xi32, #tpu.memory_space<vmem>>) semaphore(%arg14 : memref<!tpu.dma_semaphore, #tpu.memory_space<semaphore_mem>>) {add = true}
      %dma_wait3A_307 = arith.constant 9 : i32
      %dma_wait3A_308 = arith.constant 0 : i32
      %dma_wait3A_309 = tpu.memref_slice %arg7[%dma_wait3A_307, %dma_wait3A_308] : memref<32x128xi32, #tpu.memory_space<vmem>> -> memref<1x128xi32, #tpu.memory_space<vmem>>
      %dma_wait3A_310 = tpu.memref_squeeze %dma_wait3A_309 : memref<1x128xi32, #tpu.memory_space<vmem>> -> memref<128xi32, #tpu.memory_space<vmem>>
      %dma_wait3A_311 = arith.constant 0 : i32
      %dma_wait3A_312 = arith.constant 0 : i32
      %dma_wait3A_313 = tpu.memref_slice %arg10[%dma_wait3A_311, %dma_wait3A_312] : memref<10240x128xf32, #tpu.memory_space<vmem_shared>> -> memref<10240x128xf32, #tpu.memory_space<vmem_shared>>
      tpu.wait_indirect_dma semaphore(%arg14 : memref<!tpu.dma_semaphore, #tpu.memory_space<semaphore_mem>>) src(%arg9 : memref<128x128xf32, #tpu.memory_space<vmem>>) dst(%dma_wait3A_313 : memref<10240x128xf32, #tpu.memory_space<vmem_shared>>)
      %dma_start3A_314 = arith.constant 3 : i32
      %dma_start3A_315 = arith.constant 0 : i32
      %dma_start3A_316 = tpu.memref_slice %arg7[%dma_start3A_314, %dma_start3A_315] : memref<32x128xi32, #tpu.memory_space<vmem>> -> memref<1x128xi32, #tpu.memory_space<vmem>>
      %dma_start3A_317 = tpu.memref_squeeze %dma_start3A_316 : memref<1x128xi32, #tpu.memory_space<vmem>> -> memref<128xi32, #tpu.memory_space<vmem>>
      %dma_start3A_318 = arith.constant 0 : i32
      %dma_start3A_319 = arith.constant 0 : i32
      %dma_start3A_320 = tpu.memref_slice %arg4[%dma_start3A_318, %dma_start3A_319] : memref<20000x128xf32, #tpu.memory_space<hbm>> -> memref<20000x128xf32, #tpu.memory_space<hbm>>
      tpu.enqueue_indirect_dma source(%dma_start3A_320 : memref<20000x128xf32, #tpu.memory_space<hbm>>) target(%arg9 : memref<128x128xf32, #tpu.memory_space<vmem>>) offsets(%dma_start3A_317 : memref<128xi32, #tpu.memory_space<vmem>>) semaphore(%arg12 : memref<!tpu.dma_semaphore, #tpu.memory_space<semaphore_mem>>)
      %dma_wait3A_321 = arith.constant 2 : i32
      %dma_wait3A_322 = arith.constant 0 : i32
      %dma_wait3A_323 = tpu.memref_slice %arg7[%dma_wait3A_321, %dma_wait3A_322] : memref<32x128xi32, #tpu.memory_space<vmem>> -> memref<1x128xi32, #tpu.memory_space<vmem>>
      %dma_wait3A_324 = tpu.memref_squeeze %dma_wait3A_323 : memref<1x128xi32, #tpu.memory_space<vmem>> -> memref<128xi32, #tpu.memory_space<vmem>>
      %dma_wait3A_325 = arith.constant 0 : i32
      %dma_wait3A_326 = arith.constant 0 : i32
      %dma_wait3A_327 = tpu.memref_slice %arg4[%dma_wait3A_325, %dma_wait3A_326] : memref<20000x128xf32, #tpu.memory_space<hbm>> -> memref<20000x128xf32, #tpu.memory_space<hbm>>
      tpu.wait_indirect_dma semaphore(%arg11 : memref<!tpu.dma_semaphore, #tpu.memory_space<semaphore_mem>>) src(%dma_wait3A_327 : memref<20000x128xf32, #tpu.memory_space<hbm>>) dst(%arg8 : memref<128x128xf32, #tpu.memory_space<vmem>>)
      %dma_start3A_328 = arith.constant 10 : i32
      %dma_start3A_329 = arith.constant 0 : i32
      %dma_start3A_330 = tpu.memref_slice %arg7[%dma_start3A_328, %dma_start3A_329] : memref<32x128xi32, #tpu.memory_space<vmem>> -> memref<1x128xi32, #tpu.memory_space<vmem>>
      %dma_start3A_331 = tpu.memref_squeeze %dma_start3A_330 : memref<1x128xi32, #tpu.memory_space<vmem>> -> memref<128xi32, #tpu.memory_space<vmem>>
      %dma_start3A_332 = arith.constant 0 : i32
      %dma_start3A_333 = arith.constant 0 : i32
      %dma_start3A_334 = tpu.memref_slice %arg10[%dma_start3A_332, %dma_start3A_333] : memref<10240x128xf32, #tpu.memory_space<vmem_shared>> -> memref<10240x128xf32, #tpu.memory_space<vmem_shared>>
      tpu.enqueue_indirect_dma source(%arg8 : memref<128x128xf32, #tpu.memory_space<vmem>>) target(%dma_start3A_334 : memref<10240x128xf32, #tpu.memory_space<vmem_shared>>) offsets(%dma_start3A_331 : memref<128xi32, #tpu.memory_space<vmem>>) semaphore(%arg13 : memref<!tpu.dma_semaphore, #tpu.memory_space<semaphore_mem>>) {add = true}
      %dma_wait3A_335 = arith.constant 10 : i32
      %dma_wait3A_336 = arith.constant 0 : i32
      %dma_wait3A_337 = tpu.memref_slice %arg7[%dma_wait3A_335, %dma_wait3A_336] : memref<32x128xi32, #tpu.memory_space<vmem>> -> memref<1x128xi32, #tpu.memory_space<vmem>>
      %dma_wait3A_338 = tpu.memref_squeeze %dma_wait3A_337 : memref<1x128xi32, #tpu.memory_space<vmem>> -> memref<128xi32, #tpu.memory_space<vmem>>
      %dma_wait3A_339 = arith.constant 0 : i32
      %dma_wait3A_340 = arith.constant 0 : i32
      %dma_wait3A_341 = tpu.memref_slice %arg10[%dma_wait3A_339, %dma_wait3A_340] : memref<10240x128xf32, #tpu.memory_space<vmem_shared>> -> memref<10240x128xf32, #tpu.memory_space<vmem_shared>>
      tpu.wait_indirect_dma semaphore(%arg13 : memref<!tpu.dma_semaphore, #tpu.memory_space<semaphore_mem>>) src(%arg8 : memref<128x128xf32, #tpu.memory_space<vmem>>) dst(%dma_wait3A_341 : memref<10240x128xf32, #tpu.memory_space<vmem_shared>>)
      %dma_start3A_342 = arith.constant 4 : i32
      %dma_start3A_343 = arith.constant 0 : i32
      %dma_start3A_344 = tpu.memref_slice %arg7[%dma_start3A_342, %dma_start3A_343] : memref<32x128xi32, #tpu.memory_space<vmem>> -> memref<1x128xi32, #tpu.memory_space<vmem>>
      %dma_start3A_345 = tpu.memref_squeeze %dma_start3A_344 : memref<1x128xi32, #tpu.memory_space<vmem>> -> memref<128xi32, #tpu.memory_space<vmem>>
      %dma_start3A_346 = arith.constant 0 : i32
      %dma_start3A_347 = arith.constant 0 : i32
      %dma_start3A_348 = tpu.memref_slice %arg4[%dma_start3A_346, %dma_start3A_347] : memref<20000x128xf32, #tpu.memory_space<hbm>> -> memref<20000x128xf32, #tpu.memory_space<hbm>>
      tpu.enqueue_indirect_dma source(%dma_start3A_348 : memref<20000x128xf32, #tpu.memory_space<hbm>>) target(%arg8 : memref<128x128xf32, #tpu.memory_space<vmem>>) offsets(%dma_start3A_345 : memref<128xi32, #tpu.memory_space<vmem>>) semaphore(%arg11 : memref<!tpu.dma_semaphore, #tpu.memory_space<semaphore_mem>>)
      %dma_wait3A_349 = arith.constant 3 : i32
      %dma_wait3A_350 = arith.constant 0 : i32
      %dma_wait3A_351 = tpu.memref_slice %arg7[%dma_wait3A_349, %dma_wait3A_350] : memref<32x128xi32, #tpu.memory_space<vmem>> -> memref<1x128xi32, #tpu.memory_space<vmem>>
      %dma_wait3A_352 = tpu.memref_squeeze %dma_wait3A_351 : memref<1x128xi32, #tpu.memory_space<vmem>> -> memref<128xi32, #tpu.memory_space<vmem>>
      %dma_wait3A_353 = arith.constant 0 : i32
      %dma_wait3A_354 = arith.constant 0 : i32
      %dma_wait3A_355 = tpu.memref_slice %arg4[%dma_wait3A_353, %dma_wait3A_354] : memref<20000x128xf32, #tpu.memory_space<hbm>> -> memref<20000x128xf32, #tpu.memory_space<hbm>>
      tpu.wait_indirect_dma semaphore(%arg12 : memref<!tpu.dma_semaphore, #tpu.memory_space<semaphore_mem>>) src(%dma_wait3A_355 : memref<20000x128xf32, #tpu.memory_space<hbm>>) dst(%arg9 : memref<128x128xf32, #tpu.memory_space<vmem>>)
      %dma_start3A_356 = arith.constant 11 : i32
      %dma_start3A_357 = arith.constant 0 : i32
      %dma_start3A_358 = tpu.memref_slice %arg7[%dma_start3A_356, %dma_start3A_357] : memref<32x128xi32, #tpu.memory_space<vmem>> -> memref<1x128xi32, #tpu.memory_space<vmem>>
      %dma_start3A_359 = tpu.memref_squeeze %dma_start3A_358 : memref<1x128xi32, #tpu.memory_space<vmem>> -> memref<128xi32, #tpu.memory_space<vmem>>
      %dma_start3A_360 = arith.constant 0 : i32
      %dma_start3A_361 = arith.constant 0 : i32
      %dma_start3A_362 = tpu.memref_slice %arg10[%dma_start3A_360, %dma_start3A_361] : memref<10240x128xf32, #tpu.memory_space<vmem_shared>> -> memref<10240x128xf32, #tpu.memory_space<vmem_shared>>
      tpu.enqueue_indirect_dma source(%arg9 : memref<128x128xf32, #tpu.memory_space<vmem>>) target(%dma_start3A_362 : memref<10240x128xf32, #tpu.memory_space<vmem_shared>>) offsets(%dma_start3A_359 : memref<128xi32, #tpu.memory_space<vmem>>) semaphore(%arg14 : memref<!tpu.dma_semaphore, #tpu.memory_space<semaphore_mem>>) {add = true}
      %dma_wait3A_363 = arith.constant 11 : i32
      %dma_wait3A_364 = arith.constant 0 : i32
      %dma_wait3A_365 = tpu.memref_slice %arg7[%dma_wait3A_363, %dma_wait3A_364] : memref<32x128xi32, #tpu.memory_space<vmem>> -> memref<1x128xi32, #tpu.memory_space<vmem>>
      %dma_wait3A_366 = tpu.memref_squeeze %dma_wait3A_365 : memref<1x128xi32, #tpu.memory_space<vmem>> -> memref<128xi32, #tpu.memory_space<vmem>>
      %dma_wait3A_367 = arith.constant 0 : i32
      %dma_wait3A_368 = arith.constant 0 : i32
      %dma_wait3A_369 = tpu.memref_slice %arg10[%dma_wait3A_367, %dma_wait3A_368] : memref<10240x128xf32, #tpu.memory_space<vmem_shared>> -> memref<10240x128xf32, #tpu.memory_space<vmem_shared>>
      tpu.wait_indirect_dma semaphore(%arg14 : memref<!tpu.dma_semaphore, #tpu.memory_space<semaphore_mem>>) src(%arg9 : memref<128x128xf32, #tpu.memory_space<vmem>>) dst(%dma_wait3A_369 : memref<10240x128xf32, #tpu.memory_space<vmem_shared>>)
      %dma_start3A_370 = arith.constant 5 : i32
      %dma_start3A_371 = arith.constant 0 : i32
      %dma_start3A_372 = tpu.memref_slice %arg7[%dma_start3A_370, %dma_start3A_371] : memref<32x128xi32, #tpu.memory_space<vmem>> -> memref<1x128xi32, #tpu.memory_space<vmem>>
      %dma_start3A_373 = tpu.memref_squeeze %dma_start3A_372 : memref<1x128xi32, #tpu.memory_space<vmem>> -> memref<128xi32, #tpu.memory_space<vmem>>
      %dma_start3A_374 = arith.constant 0 : i32
      %dma_start3A_375 = arith.constant 0 : i32
      %dma_start3A_376 = tpu.memref_slice %arg4[%dma_start3A_374, %dma_start3A_375] : memref<20000x128xf32, #tpu.memory_space<hbm>> -> memref<20000x128xf32, #tpu.memory_space<hbm>>
      tpu.enqueue_indirect_dma source(%dma_start3A_376 : memref<20000x128xf32, #tpu.memory_space<hbm>>) target(%arg9 : memref<128x128xf32, #tpu.memory_space<vmem>>) offsets(%dma_start3A_373 : memref<128xi32, #tpu.memory_space<vmem>>) semaphore(%arg12 : memref<!tpu.dma_semaphore, #tpu.memory_space<semaphore_mem>>)
      %dma_wait3A_377 = arith.constant 4 : i32
      %dma_wait3A_378 = arith.constant 0 : i32
      %dma_wait3A_379 = tpu.memref_slice %arg7[%dma_wait3A_377, %dma_wait3A_378] : memref<32x128xi32, #tpu.memory_space<vmem>> -> memref<1x128xi32, #tpu.memory_space<vmem>>
      %dma_wait3A_380 = tpu.memref_squeeze %dma_wait3A_379 : memref<1x128xi32, #tpu.memory_space<vmem>> -> memref<128xi32, #tpu.memory_space<vmem>>
      %dma_wait3A_381 = arith.constant 0 : i32
      %dma_wait3A_382 = arith.constant 0 : i32
      %dma_wait3A_383 = tpu.memref_slice %arg4[%dma_wait3A_381, %dma_wait3A_382] : memref<20000x128xf32, #tpu.memory_space<hbm>> -> memref<20000x128xf32, #tpu.memory_space<hbm>>
      tpu.wait_indirect_dma semaphore(%arg11 : memref<!tpu.dma_semaphore, #tpu.memory_space<semaphore_mem>>) src(%dma_wait3A_383 : memref<20000x128xf32, #tpu.memory_space<hbm>>) dst(%arg8 : memref<128x128xf32, #tpu.memory_space<vmem>>)
      %dma_start3A_384 = arith.constant 12 : i32
      %dma_start3A_385 = arith.constant 0 : i32
      %dma_start3A_386 = tpu.memref_slice %arg7[%dma_start3A_384, %dma_start3A_385] : memref<32x128xi32, #tpu.memory_space<vmem>> -> memref<1x128xi32, #tpu.memory_space<vmem>>
      %dma_start3A_387 = tpu.memref_squeeze %dma_start3A_386 : memref<1x128xi32, #tpu.memory_space<vmem>> -> memref<128xi32, #tpu.memory_space<vmem>>
      %dma_start3A_388 = arith.constant 0 : i32
      %dma_start3A_389 = arith.constant 0 : i32
      %dma_start3A_390 = tpu.memref_slice %arg10[%dma_start3A_388, %dma_start3A_389] : memref<10240x128xf32, #tpu.memory_space<vmem_shared>> -> memref<10240x128xf32, #tpu.memory_space<vmem_shared>>
      tpu.enqueue_indirect_dma source(%arg8 : memref<128x128xf32, #tpu.memory_space<vmem>>) target(%dma_start3A_390 : memref<10240x128xf32, #tpu.memory_space<vmem_shared>>) offsets(%dma_start3A_387 : memref<128xi32, #tpu.memory_space<vmem>>) semaphore(%arg13 : memref<!tpu.dma_semaphore, #tpu.memory_space<semaphore_mem>>) {add = true}
      %dma_wait3A_391 = arith.constant 12 : i32
      %dma_wait3A_392 = arith.constant 0 : i32
      %dma_wait3A_393 = tpu.memref_slice %arg7[%dma_wait3A_391, %dma_wait3A_392] : memref<32x128xi32, #tpu.memory_space<vmem>> -> memref<1x128xi32, #tpu.memory_space<vmem>>
      %dma_wait3A_394 = tpu.memref_squeeze %dma_wait3A_393 : memref<1x128xi32, #tpu.memory_space<vmem>> -> memref<128xi32, #tpu.memory_space<vmem>>
      %dma_wait3A_395 = arith.constant 0 : i32
      %dma_wait3A_396 = arith.constant 0 : i32
      %dma_wait3A_397 = tpu.memref_slice %arg10[%dma_wait3A_395, %dma_wait3A_396] : memref<10240x128xf32, #tpu.memory_space<vmem_shared>> -> memref<10240x128xf32, #tpu.memory_space<vmem_shared>>
      tpu.wait_indirect_dma semaphore(%arg13 : memref<!tpu.dma_semaphore, #tpu.memory_space<semaphore_mem>>) src(%arg8 : memref<128x128xf32, #tpu.memory_space<vmem>>) dst(%dma_wait3A_397 : memref<10240x128xf32, #tpu.memory_space<vmem_shared>>)
      %dma_start3A_398 = arith.constant 6 : i32
      %dma_start3A_399 = arith.constant 0 : i32
      %dma_start3A_400 = tpu.memref_slice %arg7[%dma_start3A_398, %dma_start3A_399] : memref<32x128xi32, #tpu.memory_space<vmem>> -> memref<1x128xi32, #tpu.memory_space<vmem>>
      %dma_start3A_401 = tpu.memref_squeeze %dma_start3A_400 : memref<1x128xi32, #tpu.memory_space<vmem>> -> memref<128xi32, #tpu.memory_space<vmem>>
      %dma_start3A_402 = arith.constant 0 : i32
      %dma_start3A_403 = arith.constant 0 : i32
      %dma_start3A_404 = tpu.memref_slice %arg4[%dma_start3A_402, %dma_start3A_403] : memref<20000x128xf32, #tpu.memory_space<hbm>> -> memref<20000x128xf32, #tpu.memory_space<hbm>>
      tpu.enqueue_indirect_dma source(%dma_start3A_404 : memref<20000x128xf32, #tpu.memory_space<hbm>>) target(%arg8 : memref<128x128xf32, #tpu.memory_space<vmem>>) offsets(%dma_start3A_401 : memref<128xi32, #tpu.memory_space<vmem>>) semaphore(%arg11 : memref<!tpu.dma_semaphore, #tpu.memory_space<semaphore_mem>>)
      %dma_wait3A_405 = arith.constant 5 : i32
      %dma_wait3A_406 = arith.constant 0 : i32
      %dma_wait3A_407 = tpu.memref_slice %arg7[%dma_wait3A_405, %dma_wait3A_406] : memref<32x128xi32, #tpu.memory_space<vmem>> -> memref<1x128xi32, #tpu.memory_space<vmem>>
      %dma_wait3A_408 = tpu.memref_squeeze %dma_wait3A_407 : memref<1x128xi32, #tpu.memory_space<vmem>> -> memref<128xi32, #tpu.memory_space<vmem>>
      %dma_wait3A_409 = arith.constant 0 : i32
      %dma_wait3A_410 = arith.constant 0 : i32
      %dma_wait3A_411 = tpu.memref_slice %arg4[%dma_wait3A_409, %dma_wait3A_410] : memref<20000x128xf32, #tpu.memory_space<hbm>> -> memref<20000x128xf32, #tpu.memory_space<hbm>>
      tpu.wait_indirect_dma semaphore(%arg12 : memref<!tpu.dma_semaphore, #tpu.memory_space<semaphore_mem>>) src(%dma_wait3A_411 : memref<20000x128xf32, #tpu.memory_space<hbm>>) dst(%arg9 : memref<128x128xf32, #tpu.memory_space<vmem>>)
      %dma_start3A_412 = arith.constant 13 : i32
      %dma_start3A_413 = arith.constant 0 : i32
      %dma_start3A_414 = tpu.memref_slice %arg7[%dma_start3A_412, %dma_start3A_413] : memref<32x128xi32, #tpu.memory_space<vmem>> -> memref<1x128xi32, #tpu.memory_space<vmem>>
      %dma_start3A_415 = tpu.memref_squeeze %dma_start3A_414 : memref<1x128xi32, #tpu.memory_space<vmem>> -> memref<128xi32, #tpu.memory_space<vmem>>
      %dma_start3A_416 = arith.constant 0 : i32
      %dma_start3A_417 = arith.constant 0 : i32
      %dma_start3A_418 = tpu.memref_slice %arg10[%dma_start3A_416, %dma_start3A_417] : memref<10240x128xf32, #tpu.memory_space<vmem_shared>> -> memref<10240x128xf32, #tpu.memory_space<vmem_shared>>
      tpu.enqueue_indirect_dma source(%arg9 : memref<128x128xf32, #tpu.memory_space<vmem>>) target(%dma_start3A_418 : memref<10240x128xf32, #tpu.memory_space<vmem_shared>>) offsets(%dma_start3A_415 : memref<128xi32, #tpu.memory_space<vmem>>) semaphore(%arg14 : memref<!tpu.dma_semaphore, #tpu.memory_space<semaphore_mem>>) {add = true}
      %dma_wait3A_419 = arith.constant 13 : i32
      %dma_wait3A_420 = arith.constant 0 : i32
      %dma_wait3A_421 = tpu.memref_slice %arg7[%dma_wait3A_419, %dma_wait3A_420] : memref<32x128xi32, #tpu.memory_space<vmem>> -> memref<1x128xi32, #tpu.memory_space<vmem>>
      %dma_wait3A_422 = tpu.memref_squeeze %dma_wait3A_421 : memref<1x128xi32, #tpu.memory_space<vmem>> -> memref<128xi32, #tpu.memory_space<vmem>>
      %dma_wait3A_423 = arith.constant 0 : i32
      %dma_wait3A_424 = arith.constant 0 : i32
      %dma_wait3A_425 = tpu.memref_slice %arg10[%dma_wait3A_423, %dma_wait3A_424] : memref<10240x128xf32, #tpu.memory_space<vmem_shared>> -> memref<10240x128xf32, #tpu.memory_space<vmem_shared>>
      tpu.wait_indirect_dma semaphore(%arg14 : memref<!tpu.dma_semaphore, #tpu.memory_space<semaphore_mem>>) src(%arg9 : memref<128x128xf32, #tpu.memory_space<vmem>>) dst(%dma_wait3A_425 : memref<10240x128xf32, #tpu.memory_space<vmem_shared>>)
      %dma_start3A_426 = arith.constant 7 : i32
      %dma_start3A_427 = arith.constant 0 : i32
      %dma_start3A_428 = tpu.memref_slice %arg7[%dma_start3A_426, %dma_start3A_427] : memref<32x128xi32, #tpu.memory_space<vmem>> -> memref<1x128xi32, #tpu.memory_space<vmem>>
      %dma_start3A_429 = tpu.memref_squeeze %dma_start3A_428 : memref<1x128xi32, #tpu.memory_space<vmem>> -> memref<128xi32, #tpu.memory_space<vmem>>
      %dma_start3A_430 = arith.constant 0 : i32
      %dma_start3A_431 = arith.constant 0 : i32
      %dma_start3A_432 = tpu.memref_slice %arg4[%dma_start3A_430, %dma_start3A_431] : memref<20000x128xf32, #tpu.memory_space<hbm>> -> memref<20000x128xf32, #tpu.memory_space<hbm>>
      tpu.enqueue_indirect_dma source(%dma_start3A_432 : memref<20000x128xf32, #tpu.memory_space<hbm>>) target(%arg9 : memref<128x128xf32, #tpu.memory_space<vmem>>) offsets(%dma_start3A_429 : memref<128xi32, #tpu.memory_space<vmem>>) semaphore(%arg12 : memref<!tpu.dma_semaphore, #tpu.memory_space<semaphore_mem>>)
      %dma_wait3A_433 = arith.constant 6 : i32
      %dma_wait3A_434 = arith.constant 0 : i32
      %dma_wait3A_435 = tpu.memref_slice %arg7[%dma_wait3A_433, %dma_wait3A_434] : memref<32x128xi32, #tpu.memory_space<vmem>> -> memref<1x128xi32, #tpu.memory_space<vmem>>
      %dma_wait3A_436 = tpu.memref_squeeze %dma_wait3A_435 : memref<1x128xi32, #tpu.memory_space<vmem>> -> memref<128xi32, #tpu.memory_space<vmem>>
      %dma_wait3A_437 = arith.constant 0 : i32
      %dma_wait3A_438 = arith.constant 0 : i32
      %dma_wait3A_439 = tpu.memref_slice %arg4[%dma_wait3A_437, %dma_wait3A_438] : memref<20000x128xf32, #tpu.memory_space<hbm>> -> memref<20000x128xf32, #tpu.memory_space<hbm>>
      tpu.wait_indirect_dma semaphore(%arg11 : memref<!tpu.dma_semaphore, #tpu.memory_space<semaphore_mem>>) src(%dma_wait3A_439 : memref<20000x128xf32, #tpu.memory_space<hbm>>) dst(%arg8 : memref<128x128xf32, #tpu.memory_space<vmem>>)
      %dma_start3A_440 = arith.constant 14 : i32
      %dma_start3A_441 = arith.constant 0 : i32
      %dma_start3A_442 = tpu.memref_slice %arg7[%dma_start3A_440, %dma_start3A_441] : memref<32x128xi32, #tpu.memory_space<vmem>> -> memref<1x128xi32, #tpu.memory_space<vmem>>
      %dma_start3A_443 = tpu.memref_squeeze %dma_start3A_442 : memref<1x128xi32, #tpu.memory_space<vmem>> -> memref<128xi32, #tpu.memory_space<vmem>>
      %dma_start3A_444 = arith.constant 0 : i32
      %dma_start3A_445 = arith.constant 0 : i32
      %dma_start3A_446 = tpu.memref_slice %arg10[%dma_start3A_444, %dma_start3A_445] : memref<10240x128xf32, #tpu.memory_space<vmem_shared>> -> memref<10240x128xf32, #tpu.memory_space<vmem_shared>>
      tpu.enqueue_indirect_dma source(%arg8 : memref<128x128xf32, #tpu.memory_space<vmem>>) target(%dma_start3A_446 : memref<10240x128xf32, #tpu.memory_space<vmem_shared>>) offsets(%dma_start3A_443 : memref<128xi32, #tpu.memory_space<vmem>>) semaphore(%arg13 : memref<!tpu.dma_semaphore, #tpu.memory_space<semaphore_mem>>) {add = true}
      %dma_wait3A_447 = arith.constant 14 : i32
      %dma_wait3A_448 = arith.constant 0 : i32
      %dma_wait3A_449 = tpu.memref_slice %arg7[%dma_wait3A_447, %dma_wait3A_448] : memref<32x128xi32, #tpu.memory_space<vmem>> -> memref<1x128xi32, #tpu.memory_space<vmem>>
      %dma_wait3A_450 = tpu.memref_squeeze %dma_wait3A_449 : memref<1x128xi32, #tpu.memory_space<vmem>> -> memref<128xi32, #tpu.memory_space<vmem>>
      %dma_wait3A_451 = arith.constant 0 : i32
      %dma_wait3A_452 = arith.constant 0 : i32
      %dma_wait3A_453 = tpu.memref_slice %arg10[%dma_wait3A_451, %dma_wait3A_452] : memref<10240x128xf32, #tpu.memory_space<vmem_shared>> -> memref<10240x128xf32, #tpu.memory_space<vmem_shared>>
      tpu.wait_indirect_dma semaphore(%arg13 : memref<!tpu.dma_semaphore, #tpu.memory_space<semaphore_mem>>) src(%arg8 : memref<128x128xf32, #tpu.memory_space<vmem>>) dst(%dma_wait3A_453 : memref<10240x128xf32, #tpu.memory_space<vmem_shared>>)
      %dma_start3A_454 = arith.constant 16 : i32
      %dma_start3A_455 = arith.constant 0 : i32
      %dma_start3A_456 = tpu.memref_slice %arg7[%dma_start3A_454, %dma_start3A_455] : memref<32x128xi32, #tpu.memory_space<vmem>> -> memref<1x128xi32, #tpu.memory_space<vmem>>
      %dma_start3A_457 = tpu.memref_squeeze %dma_start3A_456 : memref<1x128xi32, #tpu.memory_space<vmem>> -> memref<128xi32, #tpu.memory_space<vmem>>
      %dma_start3A_458 = arith.constant 0 : i32
      %dma_start3A_459 = arith.constant 0 : i32
      %dma_start3A_460 = tpu.memref_slice %arg4[%dma_start3A_458, %dma_start3A_459] : memref<20000x128xf32, #tpu.memory_space<hbm>> -> memref<20000x128xf32, #tpu.memory_space<hbm>>
      tpu.enqueue_indirect_dma source(%dma_start3A_460 : memref<20000x128xf32, #tpu.memory_space<hbm>>) target(%arg8 : memref<128x128xf32, #tpu.memory_space<vmem>>) offsets(%dma_start3A_457 : memref<128xi32, #tpu.memory_space<vmem>>) semaphore(%arg11 : memref<!tpu.dma_semaphore, #tpu.memory_space<semaphore_mem>>)
      %dma_wait3A_461 = arith.constant 7 : i32
      %dma_wait3A_462 = arith.constant 0 : i32
      %dma_wait3A_463 = tpu.memref_slice %arg7[%dma_wait3A_461, %dma_wait3A_462] : memref<32x128xi32, #tpu.memory_space<vmem>> -> memref<1x128xi32, #tpu.memory_space<vmem>>
      %dma_wait3A_464 = tpu.memref_squeeze %dma_wait3A_463 : memref<1x128xi32, #tpu.memory_space<vmem>> -> memref<128xi32, #tpu.memory_space<vmem>>
      %dma_wait3A_465 = arith.constant 0 : i32
      %dma_wait3A_466 = arith.constant 0 : i32
      %dma_wait3A_467 = tpu.memref_slice %arg4[%dma_wait3A_465, %dma_wait3A_466] : memref<20000x128xf32, #tpu.memory_space<hbm>> -> memref<20000x128xf32, #tpu.memory_space<hbm>>
      tpu.wait_indirect_dma semaphore(%arg12 : memref<!tpu.dma_semaphore, #tpu.memory_space<semaphore_mem>>) src(%dma_wait3A_467 : memref<20000x128xf32, #tpu.memory_space<hbm>>) dst(%arg9 : memref<128x128xf32, #tpu.memory_space<vmem>>)
      %dma_start3A_468 = arith.constant 15 : i32
      %dma_start3A_469 = arith.constant 0 : i32
      %dma_start3A_470 = tpu.memref_slice %arg7[%dma_start3A_468, %dma_start3A_469] : memref<32x128xi32, #tpu.memory_space<vmem>> -> memref<1x128xi32, #tpu.memory_space<vmem>>
      %dma_start3A_471 = tpu.memref_squeeze %dma_start3A_470 : memref<1x128xi32, #tpu.memory_space<vmem>> -> memref<128xi32, #tpu.memory_space<vmem>>
      %dma_start3A_472 = arith.constant 0 : i32
      %dma_start3A_473 = arith.constant 0 : i32
      %dma_start3A_474 = tpu.memref_slice %arg10[%dma_start3A_472, %dma_start3A_473] : memref<10240x128xf32, #tpu.memory_space<vmem_shared>> -> memref<10240x128xf32, #tpu.memory_space<vmem_shared>>
      tpu.enqueue_indirect_dma source(%arg9 : memref<128x128xf32, #tpu.memory_space<vmem>>) target(%dma_start3A_474 : memref<10240x128xf32, #tpu.memory_space<vmem_shared>>) offsets(%dma_start3A_471 : memref<128xi32, #tpu.memory_space<vmem>>) semaphore(%arg14 : memref<!tpu.dma_semaphore, #tpu.memory_space<semaphore_mem>>) {add = true}
      %dma_wait3A_475 = arith.constant 15 : i32
      %dma_wait3A_476 = arith.constant 0 : i32
      %dma_wait3A_477 = tpu.memref_slice %arg7[%dma_wait3A_475, %dma_wait3A_476] : memref<32x128xi32, #tpu.memory_space<vmem>> -> memref<1x128xi32, #tpu.memory_space<vmem>>
      %dma_wait3A_478 = tpu.memref_squeeze %dma_wait3A_477 : memref<1x128xi32, #tpu.memory_space<vmem>> -> memref<128xi32, #tpu.memory_space<vmem>>
      %dma_wait3A_479 = arith.constant 0 : i32
      %dma_wait3A_480 = arith.constant 0 : i32
      %dma_wait3A_481 = tpu.memref_slice %arg10[%dma_wait3A_479, %dma_wait3A_480] : memref<10240x128xf32, #tpu.memory_space<vmem_shared>> -> memref<10240x128xf32, #tpu.memory_space<vmem_shared>>
      tpu.wait_indirect_dma semaphore(%arg14 : memref<!tpu.dma_semaphore, #tpu.memory_space<semaphore_mem>>) src(%arg9 : memref<128x128xf32, #tpu.memory_space<vmem>>) dst(%dma_wait3A_481 : memref<10240x128xf32, #tpu.memory_space<vmem_shared>>)
      %dma_start3A_482 = arith.constant 17 : i32
      %dma_start3A_483 = arith.constant 0 : i32
      %dma_start3A_484 = tpu.memref_slice %arg7[%dma_start3A_482, %dma_start3A_483] : memref<32x128xi32, #tpu.memory_space<vmem>> -> memref<1x128xi32, #tpu.memory_space<vmem>>
      %dma_start3A_485 = tpu.memref_squeeze %dma_start3A_484 : memref<1x128xi32, #tpu.memory_space<vmem>> -> memref<128xi32, #tpu.memory_space<vmem>>
      %dma_start3A_486 = arith.constant 0 : i32
      %dma_start3A_487 = arith.constant 0 : i32
      %dma_start3A_488 = tpu.memref_slice %arg4[%dma_start3A_486, %dma_start3A_487] : memref<20000x128xf32, #tpu.memory_space<hbm>> -> memref<20000x128xf32, #tpu.memory_space<hbm>>
      tpu.enqueue_indirect_dma source(%dma_start3A_488 : memref<20000x128xf32, #tpu.memory_space<hbm>>) target(%arg9 : memref<128x128xf32, #tpu.memory_space<vmem>>) offsets(%dma_start3A_485 : memref<128xi32, #tpu.memory_space<vmem>>) semaphore(%arg12 : memref<!tpu.dma_semaphore, #tpu.memory_space<semaphore_mem>>)
      %dma_wait3A_489 = arith.constant 16 : i32
      %dma_wait3A_490 = arith.constant 0 : i32
      %dma_wait3A_491 = tpu.memref_slice %arg7[%dma_wait3A_489, %dma_wait3A_490] : memref<32x128xi32, #tpu.memory_space<vmem>> -> memref<1x128xi32, #tpu.memory_space<vmem>>
      %dma_wait3A_492 = tpu.memref_squeeze %dma_wait3A_491 : memref<1x128xi32, #tpu.memory_space<vmem>> -> memref<128xi32, #tpu.memory_space<vmem>>
      %dma_wait3A_493 = arith.constant 0 : i32
      %dma_wait3A_494 = arith.constant 0 : i32
      %dma_wait3A_495 = tpu.memref_slice %arg4[%dma_wait3A_493, %dma_wait3A_494] : memref<20000x128xf32, #tpu.memory_space<hbm>> -> memref<20000x128xf32, #tpu.memory_space<hbm>>
      tpu.wait_indirect_dma semaphore(%arg11 : memref<!tpu.dma_semaphore, #tpu.memory_space<semaphore_mem>>) src(%dma_wait3A_495 : memref<20000x128xf32, #tpu.memory_space<hbm>>) dst(%arg8 : memref<128x128xf32, #tpu.memory_space<vmem>>)
      %dma_start3A_496 = arith.constant 24 : i32
      %dma_start3A_497 = arith.constant 0 : i32
      %dma_start3A_498 = tpu.memref_slice %arg7[%dma_start3A_496, %dma_start3A_497] : memref<32x128xi32, #tpu.memory_space<vmem>> -> memref<1x128xi32, #tpu.memory_space<vmem>>
      %dma_start3A_499 = tpu.memref_squeeze %dma_start3A_498 : memref<1x128xi32, #tpu.memory_space<vmem>> -> memref<128xi32, #tpu.memory_space<vmem>>
      %dma_start3A_500 = arith.constant 0 : i32
      %dma_start3A_501 = arith.constant 0 : i32
      %dma_start3A_502 = tpu.memref_slice %arg10[%dma_start3A_500, %dma_start3A_501] : memref<10240x128xf32, #tpu.memory_space<vmem_shared>> -> memref<10240x128xf32, #tpu.memory_space<vmem_shared>>
      tpu.enqueue_indirect_dma source(%arg8 : memref<128x128xf32, #tpu.memory_space<vmem>>) target(%dma_start3A_502 : memref<10240x128xf32, #tpu.memory_space<vmem_shared>>) offsets(%dma_start3A_499 : memref<128xi32, #tpu.memory_space<vmem>>) semaphore(%arg13 : memref<!tpu.dma_semaphore, #tpu.memory_space<semaphore_mem>>) {add = true}
      %dma_wait3A_503 = arith.constant 24 : i32
      %dma_wait3A_504 = arith.constant 0 : i32
      %dma_wait3A_505 = tpu.memref_slice %arg7[%dma_wait3A_503, %dma_wait3A_504] : memref<32x128xi32, #tpu.memory_space<vmem>> -> memref<1x128xi32, #tpu.memory_space<vmem>>
      %dma_wait3A_506 = tpu.memref_squeeze %dma_wait3A_505 : memref<1x128xi32, #tpu.memory_space<vmem>> -> memref<128xi32, #tpu.memory_space<vmem>>
      %dma_wait3A_507 = arith.constant 0 : i32
      %dma_wait3A_508 = arith.constant 0 : i32
      %dma_wait3A_509 = tpu.memref_slice %arg10[%dma_wait3A_507, %dma_wait3A_508] : memref<10240x128xf32, #tpu.memory_space<vmem_shared>> -> memref<10240x128xf32, #tpu.memory_space<vmem_shared>>
      tpu.wait_indirect_dma semaphore(%arg13 : memref<!tpu.dma_semaphore, #tpu.memory_space<semaphore_mem>>) src(%arg8 : memref<128x128xf32, #tpu.memory_space<vmem>>) dst(%dma_wait3A_509 : memref<10240x128xf32, #tpu.memory_space<vmem_shared>>)
      %dma_start3A_510 = arith.constant 18 : i32
      %dma_start3A_511 = arith.constant 0 : i32
      %dma_start3A_512 = tpu.memref_slice %arg7[%dma_start3A_510, %dma_start3A_511] : memref<32x128xi32, #tpu.memory_space<vmem>> -> memref<1x128xi32, #tpu.memory_space<vmem>>
      %dma_start3A_513 = tpu.memref_squeeze %dma_start3A_512 : memref<1x128xi32, #tpu.memory_space<vmem>> -> memref<128xi32, #tpu.memory_space<vmem>>
      %dma_start3A_514 = arith.constant 0 : i32
      %dma_start3A_515 = arith.constant 0 : i32
      %dma_start3A_516 = tpu.memref_slice %arg4[%dma_start3A_514, %dma_start3A_515] : memref<20000x128xf32, #tpu.memory_space<hbm>> -> memref<20000x128xf32, #tpu.memory_space<hbm>>
      tpu.enqueue_indirect_dma source(%dma_start3A_516 : memref<20000x128xf32, #tpu.memory_space<hbm>>) target(%arg8 : memref<128x128xf32, #tpu.memory_space<vmem>>) offsets(%dma_start3A_513 : memref<128xi32, #tpu.memory_space<vmem>>) semaphore(%arg11 : memref<!tpu.dma_semaphore, #tpu.memory_space<semaphore_mem>>)
      %dma_wait3A_517 = arith.constant 17 : i32
      %dma_wait3A_518 = arith.constant 0 : i32
      %dma_wait3A_519 = tpu.memref_slice %arg7[%dma_wait3A_517, %dma_wait3A_518] : memref<32x128xi32, #tpu.memory_space<vmem>> -> memref<1x128xi32, #tpu.memory_space<vmem>>
      %dma_wait3A_520 = tpu.memref_squeeze %dma_wait3A_519 : memref<1x128xi32, #tpu.memory_space<vmem>> -> memref<128xi32, #tpu.memory_space<vmem>>
      %dma_wait3A_521 = arith.constant 0 : i32
      %dma_wait3A_522 = arith.constant 0 : i32
      %dma_wait3A_523 = tpu.memref_slice %arg4[%dma_wait3A_521, %dma_wait3A_522] : memref<20000x128xf32, #tpu.memory_space<hbm>> -> memref<20000x128xf32, #tpu.memory_space<hbm>>
      tpu.wait_indirect_dma semaphore(%arg12 : memref<!tpu.dma_semaphore, #tpu.memory_space<semaphore_mem>>) src(%dma_wait3A_523 : memref<20000x128xf32, #tpu.memory_space<hbm>>) dst(%arg9 : memref<128x128xf32, #tpu.memory_space<vmem>>)
      %dma_start3A_524 = arith.constant 25 : i32
      %dma_start3A_525 = arith.constant 0 : i32
      %dma_start3A_526 = tpu.memref_slice %arg7[%dma_start3A_524, %dma_start3A_525] : memref<32x128xi32, #tpu.memory_space<vmem>> -> memref<1x128xi32, #tpu.memory_space<vmem>>
      %dma_start3A_527 = tpu.memref_squeeze %dma_start3A_526 : memref<1x128xi32, #tpu.memory_space<vmem>> -> memref<128xi32, #tpu.memory_space<vmem>>
      %dma_start3A_528 = arith.constant 0 : i32
      %dma_start3A_529 = arith.constant 0 : i32
      %dma_start3A_530 = tpu.memref_slice %arg10[%dma_start3A_528, %dma_start3A_529] : memref<10240x128xf32, #tpu.memory_space<vmem_shared>> -> memref<10240x128xf32, #tpu.memory_space<vmem_shared>>
      tpu.enqueue_indirect_dma source(%arg9 : memref<128x128xf32, #tpu.memory_space<vmem>>) target(%dma_start3A_530 : memref<10240x128xf32, #tpu.memory_space<vmem_shared>>) offsets(%dma_start3A_527 : memref<128xi32, #tpu.memory_space<vmem>>) semaphore(%arg14 : memref<!tpu.dma_semaphore, #tpu.memory_space<semaphore_mem>>) {add = true}
      %dma_wait3A_531 = arith.constant 25 : i32
      %dma_wait3A_532 = arith.constant 0 : i32
      %dma_wait3A_533 = tpu.memref_slice %arg7[%dma_wait3A_531, %dma_wait3A_532] : memref<32x128xi32, #tpu.memory_space<vmem>> -> memref<1x128xi32, #tpu.memory_space<vmem>>
      %dma_wait3A_534 = tpu.memref_squeeze %dma_wait3A_533 : memref<1x128xi32, #tpu.memory_space<vmem>> -> memref<128xi32, #tpu.memory_space<vmem>>
      %dma_wait3A_535 = arith.constant 0 : i32
      %dma_wait3A_536 = arith.constant 0 : i32
      %dma_wait3A_537 = tpu.memref_slice %arg10[%dma_wait3A_535, %dma_wait3A_536] : memref<10240x128xf32, #tpu.memory_space<vmem_shared>> -> memref<10240x128xf32, #tpu.memory_space<vmem_shared>>
      tpu.wait_indirect_dma semaphore(%arg14 : memref<!tpu.dma_semaphore, #tpu.memory_space<semaphore_mem>>) src(%arg9 : memref<128x128xf32, #tpu.memory_space<vmem>>) dst(%dma_wait3A_537 : memref<10240x128xf32, #tpu.memory_space<vmem_shared>>)
      %dma_start3A_538 = arith.constant 19 : i32
      %dma_start3A_539 = arith.constant 0 : i32
      %dma_start3A_540 = tpu.memref_slice %arg7[%dma_start3A_538, %dma_start3A_539] : memref<32x128xi32, #tpu.memory_space<vmem>> -> memref<1x128xi32, #tpu.memory_space<vmem>>
      %dma_start3A_541 = tpu.memref_squeeze %dma_start3A_540 : memref<1x128xi32, #tpu.memory_space<vmem>> -> memref<128xi32, #tpu.memory_space<vmem>>
      %dma_start3A_542 = arith.constant 0 : i32
      %dma_start3A_543 = arith.constant 0 : i32
      %dma_start3A_544 = tpu.memref_slice %arg4[%dma_start3A_542, %dma_start3A_543] : memref<20000x128xf32, #tpu.memory_space<hbm>> -> memref<20000x128xf32, #tpu.memory_space<hbm>>
      tpu.enqueue_indirect_dma source(%dma_start3A_544 : memref<20000x128xf32, #tpu.memory_space<hbm>>) target(%arg9 : memref<128x128xf32, #tpu.memory_space<vmem>>) offsets(%dma_start3A_541 : memref<128xi32, #tpu.memory_space<vmem>>) semaphore(%arg12 : memref<!tpu.dma_semaphore, #tpu.memory_space<semaphore_mem>>)
      %dma_wait3A_545 = arith.constant 18 : i32
      %dma_wait3A_546 = arith.constant 0 : i32
      %dma_wait3A_547 = tpu.memref_slice %arg7[%dma_wait3A_545, %dma_wait3A_546] : memref<32x128xi32, #tpu.memory_space<vmem>> -> memref<1x128xi32, #tpu.memory_space<vmem>>
      %dma_wait3A_548 = tpu.memref_squeeze %dma_wait3A_547 : memref<1x128xi32, #tpu.memory_space<vmem>> -> memref<128xi32, #tpu.memory_space<vmem>>
      %dma_wait3A_549 = arith.constant 0 : i32
      %dma_wait3A_550 = arith.constant 0 : i32
      %dma_wait3A_551 = tpu.memref_slice %arg4[%dma_wait3A_549, %dma_wait3A_550] : memref<20000x128xf32, #tpu.memory_space<hbm>> -> memref<20000x128xf32, #tpu.memory_space<hbm>>
      tpu.wait_indirect_dma semaphore(%arg11 : memref<!tpu.dma_semaphore, #tpu.memory_space<semaphore_mem>>) src(%dma_wait3A_551 : memref<20000x128xf32, #tpu.memory_space<hbm>>) dst(%arg8 : memref<128x128xf32, #tpu.memory_space<vmem>>)
      %dma_start3A_552 = arith.constant 26 : i32
      %dma_start3A_553 = arith.constant 0 : i32
      %dma_start3A_554 = tpu.memref_slice %arg7[%dma_start3A_552, %dma_start3A_553] : memref<32x128xi32, #tpu.memory_space<vmem>> -> memref<1x128xi32, #tpu.memory_space<vmem>>
      %dma_start3A_555 = tpu.memref_squeeze %dma_start3A_554 : memref<1x128xi32, #tpu.memory_space<vmem>> -> memref<128xi32, #tpu.memory_space<vmem>>
      %dma_start3A_556 = arith.constant 0 : i32
      %dma_start3A_557 = arith.constant 0 : i32
      %dma_start3A_558 = tpu.memref_slice %arg10[%dma_start3A_556, %dma_start3A_557] : memref<10240x128xf32, #tpu.memory_space<vmem_shared>> -> memref<10240x128xf32, #tpu.memory_space<vmem_shared>>
      tpu.enqueue_indirect_dma source(%arg8 : memref<128x128xf32, #tpu.memory_space<vmem>>) target(%dma_start3A_558 : memref<10240x128xf32, #tpu.memory_space<vmem_shared>>) offsets(%dma_start3A_555 : memref<128xi32, #tpu.memory_space<vmem>>) semaphore(%arg13 : memref<!tpu.dma_semaphore, #tpu.memory_space<semaphore_mem>>) {add = true}
      %dma_wait3A_559 = arith.constant 26 : i32
      %dma_wait3A_560 = arith.constant 0 : i32
      %dma_wait3A_561 = tpu.memref_slice %arg7[%dma_wait3A_559, %dma_wait3A_560] : memref<32x128xi32, #tpu.memory_space<vmem>> -> memref<1x128xi32, #tpu.memory_space<vmem>>
      %dma_wait3A_562 = tpu.memref_squeeze %dma_wait3A_561 : memref<1x128xi32, #tpu.memory_space<vmem>> -> memref<128xi32, #tpu.memory_space<vmem>>
      %dma_wait3A_563 = arith.constant 0 : i32
      %dma_wait3A_564 = arith.constant 0 : i32
      %dma_wait3A_565 = tpu.memref_slice %arg10[%dma_wait3A_563, %dma_wait3A_564] : memref<10240x128xf32, #tpu.memory_space<vmem_shared>> -> memref<10240x128xf32, #tpu.memory_space<vmem_shared>>
      tpu.wait_indirect_dma semaphore(%arg13 : memref<!tpu.dma_semaphore, #tpu.memory_space<semaphore_mem>>) src(%arg8 : memref<128x128xf32, #tpu.memory_space<vmem>>) dst(%dma_wait3A_565 : memref<10240x128xf32, #tpu.memory_space<vmem_shared>>)
      %dma_start3A_566 = arith.constant 20 : i32
      %dma_start3A_567 = arith.constant 0 : i32
      %dma_start3A_568 = tpu.memref_slice %arg7[%dma_start3A_566, %dma_start3A_567] : memref<32x128xi32, #tpu.memory_space<vmem>> -> memref<1x128xi32, #tpu.memory_space<vmem>>
      %dma_start3A_569 = tpu.memref_squeeze %dma_start3A_568 : memref<1x128xi32, #tpu.memory_space<vmem>> -> memref<128xi32, #tpu.memory_space<vmem>>
      %dma_start3A_570 = arith.constant 0 : i32
      %dma_start3A_571 = arith.constant 0 : i32
      %dma_start3A_572 = tpu.memref_slice %arg4[%dma_start3A_570, %dma_start3A_571] : memref<20000x128xf32, #tpu.memory_space<hbm>> -> memref<20000x128xf32, #tpu.memory_space<hbm>>
      tpu.enqueue_indirect_dma source(%dma_start3A_572 : memref<20000x128xf32, #tpu.memory_space<hbm>>) target(%arg8 : memref<128x128xf32, #tpu.memory_space<vmem>>) offsets(%dma_start3A_569 : memref<128xi32, #tpu.memory_space<vmem>>) semaphore(%arg11 : memref<!tpu.dma_semaphore, #tpu.memory_space<semaphore_mem>>)
      %dma_wait3A_573 = arith.constant 19 : i32
      %dma_wait3A_574 = arith.constant 0 : i32
      %dma_wait3A_575 = tpu.memref_slice %arg7[%dma_wait3A_573, %dma_wait3A_574] : memref<32x128xi32, #tpu.memory_space<vmem>> -> memref<1x128xi32, #tpu.memory_space<vmem>>
      %dma_wait3A_576 = tpu.memref_squeeze %dma_wait3A_575 : memref<1x128xi32, #tpu.memory_space<vmem>> -> memref<128xi32, #tpu.memory_space<vmem>>
      %dma_wait3A_577 = arith.constant 0 : i32
      %dma_wait3A_578 = arith.constant 0 : i32
      %dma_wait3A_579 = tpu.memref_slice %arg4[%dma_wait3A_577, %dma_wait3A_578] : memref<20000x128xf32, #tpu.memory_space<hbm>> -> memref<20000x128xf32, #tpu.memory_space<hbm>>
      tpu.wait_indirect_dma semaphore(%arg12 : memref<!tpu.dma_semaphore, #tpu.memory_space<semaphore_mem>>) src(%dma_wait3A_579 : memref<20000x128xf32, #tpu.memory_space<hbm>>) dst(%arg9 : memref<128x128xf32, #tpu.memory_space<vmem>>)
      %dma_start3A_580 = arith.constant 27 : i32
      %dma_start3A_581 = arith.constant 0 : i32
      %dma_start3A_582 = tpu.memref_slice %arg7[%dma_start3A_580, %dma_start3A_581] : memref<32x128xi32, #tpu.memory_space<vmem>> -> memref<1x128xi32, #tpu.memory_space<vmem>>
      %dma_start3A_583 = tpu.memref_squeeze %dma_start3A_582 : memref<1x128xi32, #tpu.memory_space<vmem>> -> memref<128xi32, #tpu.memory_space<vmem>>
      %dma_start3A_584 = arith.constant 0 : i32
      %dma_start3A_585 = arith.constant 0 : i32
      %dma_start3A_586 = tpu.memref_slice %arg10[%dma_start3A_584, %dma_start3A_585] : memref<10240x128xf32, #tpu.memory_space<vmem_shared>> -> memref<10240x128xf32, #tpu.memory_space<vmem_shared>>
      tpu.enqueue_indirect_dma source(%arg9 : memref<128x128xf32, #tpu.memory_space<vmem>>) target(%dma_start3A_586 : memref<10240x128xf32, #tpu.memory_space<vmem_shared>>) offsets(%dma_start3A_583 : memref<128xi32, #tpu.memory_space<vmem>>) semaphore(%arg14 : memref<!tpu.dma_semaphore, #tpu.memory_space<semaphore_mem>>) {add = true}
      %dma_wait3A_587 = arith.constant 27 : i32
      %dma_wait3A_588 = arith.constant 0 : i32
      %dma_wait3A_589 = tpu.memref_slice %arg7[%dma_wait3A_587, %dma_wait3A_588] : memref<32x128xi32, #tpu.memory_space<vmem>> -> memref<1x128xi32, #tpu.memory_space<vmem>>
      %dma_wait3A_590 = tpu.memref_squeeze %dma_wait3A_589 : memref<1x128xi32, #tpu.memory_space<vmem>> -> memref<128xi32, #tpu.memory_space<vmem>>
      %dma_wait3A_591 = arith.constant 0 : i32
      %dma_wait3A_592 = arith.constant 0 : i32
      %dma_wait3A_593 = tpu.memref_slice %arg10[%dma_wait3A_591, %dma_wait3A_592] : memref<10240x128xf32, #tpu.memory_space<vmem_shared>> -> memref<10240x128xf32, #tpu.memory_space<vmem_shared>>
      tpu.wait_indirect_dma semaphore(%arg14 : memref<!tpu.dma_semaphore, #tpu.memory_space<semaphore_mem>>) src(%arg9 : memref<128x128xf32, #tpu.memory_space<vmem>>) dst(%dma_wait3A_593 : memref<10240x128xf32, #tpu.memory_space<vmem_shared>>)
      %dma_start3A_594 = arith.constant 21 : i32
      %dma_start3A_595 = arith.constant 0 : i32
      %dma_start3A_596 = tpu.memref_slice %arg7[%dma_start3A_594, %dma_start3A_595] : memref<32x128xi32, #tpu.memory_space<vmem>> -> memref<1x128xi32, #tpu.memory_space<vmem>>
      %dma_start3A_597 = tpu.memref_squeeze %dma_start3A_596 : memref<1x128xi32, #tpu.memory_space<vmem>> -> memref<128xi32, #tpu.memory_space<vmem>>
      %dma_start3A_598 = arith.constant 0 : i32
      %dma_start3A_599 = arith.constant 0 : i32
      %dma_start3A_600 = tpu.memref_slice %arg4[%dma_start3A_598, %dma_start3A_599] : memref<20000x128xf32, #tpu.memory_space<hbm>> -> memref<20000x128xf32, #tpu.memory_space<hbm>>
      tpu.enqueue_indirect_dma source(%dma_start3A_600 : memref<20000x128xf32, #tpu.memory_space<hbm>>) target(%arg9 : memref<128x128xf32, #tpu.memory_space<vmem>>) offsets(%dma_start3A_597 : memref<128xi32, #tpu.memory_space<vmem>>) semaphore(%arg12 : memref<!tpu.dma_semaphore, #tpu.memory_space<semaphore_mem>>)
      %dma_wait3A_601 = arith.constant 20 : i32
      %dma_wait3A_602 = arith.constant 0 : i32
      %dma_wait3A_603 = tpu.memref_slice %arg7[%dma_wait3A_601, %dma_wait3A_602] : memref<32x128xi32, #tpu.memory_space<vmem>> -> memref<1x128xi32, #tpu.memory_space<vmem>>
      %dma_wait3A_604 = tpu.memref_squeeze %dma_wait3A_603 : memref<1x128xi32, #tpu.memory_space<vmem>> -> memref<128xi32, #tpu.memory_space<vmem>>
      %dma_wait3A_605 = arith.constant 0 : i32
      %dma_wait3A_606 = arith.constant 0 : i32
      %dma_wait3A_607 = tpu.memref_slice %arg4[%dma_wait3A_605, %dma_wait3A_606] : memref<20000x128xf32, #tpu.memory_space<hbm>> -> memref<20000x128xf32, #tpu.memory_space<hbm>>
      tpu.wait_indirect_dma semaphore(%arg11 : memref<!tpu.dma_semaphore, #tpu.memory_space<semaphore_mem>>) src(%dma_wait3A_607 : memref<20000x128xf32, #tpu.memory_space<hbm>>) dst(%arg8 : memref<128x128xf32, #tpu.memory_space<vmem>>)
      %dma_start3A_608 = arith.constant 28 : i32
      %dma_start3A_609 = arith.constant 0 : i32
      %dma_start3A_610 = tpu.memref_slice %arg7[%dma_start3A_608, %dma_start3A_609] : memref<32x128xi32, #tpu.memory_space<vmem>> -> memref<1x128xi32, #tpu.memory_space<vmem>>
      %dma_start3A_611 = tpu.memref_squeeze %dma_start3A_610 : memref<1x128xi32, #tpu.memory_space<vmem>> -> memref<128xi32, #tpu.memory_space<vmem>>
      %dma_start3A_612 = arith.constant 0 : i32
      %dma_start3A_613 = arith.constant 0 : i32
      %dma_start3A_614 = tpu.memref_slice %arg10[%dma_start3A_612, %dma_start3A_613] : memref<10240x128xf32, #tpu.memory_space<vmem_shared>> -> memref<10240x128xf32, #tpu.memory_space<vmem_shared>>
      tpu.enqueue_indirect_dma source(%arg8 : memref<128x128xf32, #tpu.memory_space<vmem>>) target(%dma_start3A_614 : memref<10240x128xf32, #tpu.memory_space<vmem_shared>>) offsets(%dma_start3A_611 : memref<128xi32, #tpu.memory_space<vmem>>) semaphore(%arg13 : memref<!tpu.dma_semaphore, #tpu.memory_space<semaphore_mem>>) {add = true}
      %dma_wait3A_615 = arith.constant 28 : i32
      %dma_wait3A_616 = arith.constant 0 : i32
      %dma_wait3A_617 = tpu.memref_slice %arg7[%dma_wait3A_615, %dma_wait3A_616] : memref<32x128xi32, #tpu.memory_space<vmem>> -> memref<1x128xi32, #tpu.memory_space<vmem>>
      %dma_wait3A_618 = tpu.memref_squeeze %dma_wait3A_617 : memref<1x128xi32, #tpu.memory_space<vmem>> -> memref<128xi32, #tpu.memory_space<vmem>>
      %dma_wait3A_619 = arith.constant 0 : i32
      %dma_wait3A_620 = arith.constant 0 : i32
      %dma_wait3A_621 = tpu.memref_slice %arg10[%dma_wait3A_619, %dma_wait3A_620] : memref<10240x128xf32, #tpu.memory_space<vmem_shared>> -> memref<10240x128xf32, #tpu.memory_space<vmem_shared>>
      tpu.wait_indirect_dma semaphore(%arg13 : memref<!tpu.dma_semaphore, #tpu.memory_space<semaphore_mem>>) src(%arg8 : memref<128x128xf32, #tpu.memory_space<vmem>>) dst(%dma_wait3A_621 : memref<10240x128xf32, #tpu.memory_space<vmem_shared>>)
      %dma_start3A_622 = arith.constant 22 : i32
      %dma_start3A_623 = arith.constant 0 : i32
      %dma_start3A_624 = tpu.memref_slice %arg7[%dma_start3A_622, %dma_start3A_623] : memref<32x128xi32, #tpu.memory_space<vmem>> -> memref<1x128xi32, #tpu.memory_space<vmem>>
      %dma_start3A_625 = tpu.memref_squeeze %dma_start3A_624 : memref<1x128xi32, #tpu.memory_space<vmem>> -> memref<128xi32, #tpu.memory_space<vmem>>
      %dma_start3A_626 = arith.constant 0 : i32
      %dma_start3A_627 = arith.constant 0 : i32
      %dma_start3A_628 = tpu.memref_slice %arg4[%dma_start3A_626, %dma_start3A_627] : memref<20000x128xf32, #tpu.memory_space<hbm>> -> memref<20000x128xf32, #tpu.memory_space<hbm>>
      tpu.enqueue_indirect_dma source(%dma_start3A_628 : memref<20000x128xf32, #tpu.memory_space<hbm>>) target(%arg8 : memref<128x128xf32, #tpu.memory_space<vmem>>) offsets(%dma_start3A_625 : memref<128xi32, #tpu.memory_space<vmem>>) semaphore(%arg11 : memref<!tpu.dma_semaphore, #tpu.memory_space<semaphore_mem>>)
      %dma_wait3A_629 = arith.constant 21 : i32
      %dma_wait3A_630 = arith.constant 0 : i32
      %dma_wait3A_631 = tpu.memref_slice %arg7[%dma_wait3A_629, %dma_wait3A_630] : memref<32x128xi32, #tpu.memory_space<vmem>> -> memref<1x128xi32, #tpu.memory_space<vmem>>
      %dma_wait3A_632 = tpu.memref_squeeze %dma_wait3A_631 : memref<1x128xi32, #tpu.memory_space<vmem>> -> memref<128xi32, #tpu.memory_space<vmem>>
      %dma_wait3A_633 = arith.constant 0 : i32
      %dma_wait3A_634 = arith.constant 0 : i32
      %dma_wait3A_635 = tpu.memref_slice %arg4[%dma_wait3A_633, %dma_wait3A_634] : memref<20000x128xf32, #tpu.memory_space<hbm>> -> memref<20000x128xf32, #tpu.memory_space<hbm>>
      tpu.wait_indirect_dma semaphore(%arg12 : memref<!tpu.dma_semaphore, #tpu.memory_space<semaphore_mem>>) src(%dma_wait3A_635 : memref<20000x128xf32, #tpu.memory_space<hbm>>) dst(%arg9 : memref<128x128xf32, #tpu.memory_space<vmem>>)
      %dma_start3A_636 = arith.constant 29 : i32
      %dma_start3A_637 = arith.constant 0 : i32
      %dma_start3A_638 = tpu.memref_slice %arg7[%dma_start3A_636, %dma_start3A_637] : memref<32x128xi32, #tpu.memory_space<vmem>> -> memref<1x128xi32, #tpu.memory_space<vmem>>
      %dma_start3A_639 = tpu.memref_squeeze %dma_start3A_638 : memref<1x128xi32, #tpu.memory_space<vmem>> -> memref<128xi32, #tpu.memory_space<vmem>>
      %dma_start3A_640 = arith.constant 0 : i32
      %dma_start3A_641 = arith.constant 0 : i32
      %dma_start3A_642 = tpu.memref_slice %arg10[%dma_start3A_640, %dma_start3A_641] : memref<10240x128xf32, #tpu.memory_space<vmem_shared>> -> memref<10240x128xf32, #tpu.memory_space<vmem_shared>>
      tpu.enqueue_indirect_dma source(%arg9 : memref<128x128xf32, #tpu.memory_space<vmem>>) target(%dma_start3A_642 : memref<10240x128xf32, #tpu.memory_space<vmem_shared>>) offsets(%dma_start3A_639 : memref<128xi32, #tpu.memory_space<vmem>>) semaphore(%arg14 : memref<!tpu.dma_semaphore, #tpu.memory_space<semaphore_mem>>) {add = true}
      %dma_wait3A_643 = arith.constant 29 : i32
      %dma_wait3A_644 = arith.constant 0 : i32
      %dma_wait3A_645 = tpu.memref_slice %arg7[%dma_wait3A_643, %dma_wait3A_644] : memref<32x128xi32, #tpu.memory_space<vmem>> -> memref<1x128xi32, #tpu.memory_space<vmem>>
      %dma_wait3A_646 = tpu.memref_squeeze %dma_wait3A_645 : memref<1x128xi32, #tpu.memory_space<vmem>> -> memref<128xi32, #tpu.memory_space<vmem>>
      %dma_wait3A_647 = arith.constant 0 : i32
      %dma_wait3A_648 = arith.constant 0 : i32
      %dma_wait3A_649 = tpu.memref_slice %arg10[%dma_wait3A_647, %dma_wait3A_648] : memref<10240x128xf32, #tpu.memory_space<vmem_shared>> -> memref<10240x128xf32, #tpu.memory_space<vmem_shared>>
      tpu.wait_indirect_dma semaphore(%arg14 : memref<!tpu.dma_semaphore, #tpu.memory_space<semaphore_mem>>) src(%arg9 : memref<128x128xf32, #tpu.memory_space<vmem>>) dst(%dma_wait3A_649 : memref<10240x128xf32, #tpu.memory_space<vmem_shared>>)
      %dma_start3A_650 = arith.constant 23 : i32
      %dma_start3A_651 = arith.constant 0 : i32
      %dma_start3A_652 = tpu.memref_slice %arg7[%dma_start3A_650, %dma_start3A_651] : memref<32x128xi32, #tpu.memory_space<vmem>> -> memref<1x128xi32, #tpu.memory_space<vmem>>
      %dma_start3A_653 = tpu.memref_squeeze %dma_start3A_652 : memref<1x128xi32, #tpu.memory_space<vmem>> -> memref<128xi32, #tpu.memory_space<vmem>>
      %dma_start3A_654 = arith.constant 0 : i32
      %dma_start3A_655 = arith.constant 0 : i32
      %dma_start3A_656 = tpu.memref_slice %arg4[%dma_start3A_654, %dma_start3A_655] : memref<20000x128xf32, #tpu.memory_space<hbm>> -> memref<20000x128xf32, #tpu.memory_space<hbm>>
      tpu.enqueue_indirect_dma source(%dma_start3A_656 : memref<20000x128xf32, #tpu.memory_space<hbm>>) target(%arg9 : memref<128x128xf32, #tpu.memory_space<vmem>>) offsets(%dma_start3A_653 : memref<128xi32, #tpu.memory_space<vmem>>) semaphore(%arg12 : memref<!tpu.dma_semaphore, #tpu.memory_space<semaphore_mem>>)
      %dma_wait3A_657 = arith.constant 22 : i32
      %dma_wait3A_658 = arith.constant 0 : i32
      %dma_wait3A_659 = tpu.memref_slice %arg7[%dma_wait3A_657, %dma_wait3A_658] : memref<32x128xi32, #tpu.memory_space<vmem>> -> memref<1x128xi32, #tpu.memory_space<vmem>>
      %dma_wait3A_660 = tpu.memref_squeeze %dma_wait3A_659 : memref<1x128xi32, #tpu.memory_space<vmem>> -> memref<128xi32, #tpu.memory_space<vmem>>
      %dma_wait3A_661 = arith.constant 0 : i32
      %dma_wait3A_662 = arith.constant 0 : i32
      %dma_wait3A_663 = tpu.memref_slice %arg4[%dma_wait3A_661, %dma_wait3A_662] : memref<20000x128xf32, #tpu.memory_space<hbm>> -> memref<20000x128xf32, #tpu.memory_space<hbm>>
      tpu.wait_indirect_dma semaphore(%arg11 : memref<!tpu.dma_semaphore, #tpu.memory_space<semaphore_mem>>) src(%dma_wait3A_663 : memref<20000x128xf32, #tpu.memory_space<hbm>>) dst(%arg8 : memref<128x128xf32, #tpu.memory_space<vmem>>)
      %dma_start3A_664 = arith.constant 30 : i32
      %dma_start3A_665 = arith.constant 0 : i32
      %dma_start3A_666 = tpu.memref_slice %arg7[%dma_start3A_664, %dma_start3A_665] : memref<32x128xi32, #tpu.memory_space<vmem>> -> memref<1x128xi32, #tpu.memory_space<vmem>>
      %dma_start3A_667 = tpu.memref_squeeze %dma_start3A_666 : memref<1x128xi32, #tpu.memory_space<vmem>> -> memref<128xi32, #tpu.memory_space<vmem>>
      %dma_start3A_668 = arith.constant 0 : i32
      %dma_start3A_669 = arith.constant 0 : i32
      %dma_start3A_670 = tpu.memref_slice %arg10[%dma_start3A_668, %dma_start3A_669] : memref<10240x128xf32, #tpu.memory_space<vmem_shared>> -> memref<10240x128xf32, #tpu.memory_space<vmem_shared>>
      tpu.enqueue_indirect_dma source(%arg8 : memref<128x128xf32, #tpu.memory_space<vmem>>) target(%dma_start3A_670 : memref<10240x128xf32, #tpu.memory_space<vmem_shared>>) offsets(%dma_start3A_667 : memref<128xi32, #tpu.memory_space<vmem>>) semaphore(%arg13 : memref<!tpu.dma_semaphore, #tpu.memory_space<semaphore_mem>>) {add = true}
      %dma_wait3A_671 = arith.constant 23 : i32
      %dma_wait3A_672 = arith.constant 0 : i32
      %dma_wait3A_673 = tpu.memref_slice %arg7[%dma_wait3A_671, %dma_wait3A_672] : memref<32x128xi32, #tpu.memory_space<vmem>> -> memref<1x128xi32, #tpu.memory_space<vmem>>
      %dma_wait3A_674 = tpu.memref_squeeze %dma_wait3A_673 : memref<1x128xi32, #tpu.memory_space<vmem>> -> memref<128xi32, #tpu.memory_space<vmem>>
      %dma_wait3A_675 = arith.constant 0 : i32
      %dma_wait3A_676 = arith.constant 0 : i32
      %dma_wait3A_677 = tpu.memref_slice %arg4[%dma_wait3A_675, %dma_wait3A_676] : memref<20000x128xf32, #tpu.memory_space<hbm>> -> memref<20000x128xf32, #tpu.memory_space<hbm>>
      tpu.wait_indirect_dma semaphore(%arg12 : memref<!tpu.dma_semaphore, #tpu.memory_space<semaphore_mem>>) src(%dma_wait3A_677 : memref<20000x128xf32, #tpu.memory_space<hbm>>) dst(%arg9 : memref<128x128xf32, #tpu.memory_space<vmem>>)
      %dma_start3A_678 = arith.constant 31 : i32
      %dma_start3A_679 = arith.constant 0 : i32
      %dma_start3A_680 = tpu.memref_slice %arg7[%dma_start3A_678, %dma_start3A_679] : memref<32x128xi32, #tpu.memory_space<vmem>> -> memref<1x128xi32, #tpu.memory_space<vmem>>
      %dma_start3A_681 = tpu.memref_squeeze %dma_start3A_680 : memref<1x128xi32, #tpu.memory_space<vmem>> -> memref<128xi32, #tpu.memory_space<vmem>>
      %dma_start3A_682 = arith.constant 0 : i32
      %dma_start3A_683 = arith.constant 0 : i32
      %dma_start3A_684 = tpu.memref_slice %arg10[%dma_start3A_682, %dma_start3A_683] : memref<10240x128xf32, #tpu.memory_space<vmem_shared>> -> memref<10240x128xf32, #tpu.memory_space<vmem_shared>>
      tpu.enqueue_indirect_dma source(%arg9 : memref<128x128xf32, #tpu.memory_space<vmem>>) target(%dma_start3A_684 : memref<10240x128xf32, #tpu.memory_space<vmem_shared>>) offsets(%dma_start3A_681 : memref<128xi32, #tpu.memory_space<vmem>>) semaphore(%arg14 : memref<!tpu.dma_semaphore, #tpu.memory_space<semaphore_mem>>) {add = true}
      %dma_wait3A_685 = arith.constant 30 : i32
      %dma_wait3A_686 = arith.constant 0 : i32
      %dma_wait3A_687 = tpu.memref_slice %arg7[%dma_wait3A_685, %dma_wait3A_686] : memref<32x128xi32, #tpu.memory_space<vmem>> -> memref<1x128xi32, #tpu.memory_space<vmem>>
      %dma_wait3A_688 = tpu.memref_squeeze %dma_wait3A_687 : memref<1x128xi32, #tpu.memory_space<vmem>> -> memref<128xi32, #tpu.memory_space<vmem>>
      %dma_wait3A_689 = arith.constant 0 : i32
      %dma_wait3A_690 = arith.constant 0 : i32
      %dma_wait3A_691 = tpu.memref_slice %arg10[%dma_wait3A_689, %dma_wait3A_690] : memref<10240x128xf32, #tpu.memory_space<vmem_shared>> -> memref<10240x128xf32, #tpu.memory_space<vmem_shared>>
      tpu.wait_indirect_dma semaphore(%arg13 : memref<!tpu.dma_semaphore, #tpu.memory_space<semaphore_mem>>) src(%arg8 : memref<128x128xf32, #tpu.memory_space<vmem>>) dst(%dma_wait3A_691 : memref<10240x128xf32, #tpu.memory_space<vmem_shared>>)
      %dma_wait3A_692 = arith.constant 31 : i32
      %dma_wait3A_693 = arith.constant 0 : i32
      %dma_wait3A_694 = tpu.memref_slice %arg7[%dma_wait3A_692, %dma_wait3A_693] : memref<32x128xi32, #tpu.memory_space<vmem>> -> memref<1x128xi32, #tpu.memory_space<vmem>>
      %dma_wait3A_695 = tpu.memref_squeeze %dma_wait3A_694 : memref<1x128xi32, #tpu.memory_space<vmem>> -> memref<128xi32, #tpu.memory_space<vmem>>
      %dma_wait3A_696 = arith.constant 0 : i32
      %dma_wait3A_697 = arith.constant 0 : i32
      %dma_wait3A_698 = tpu.memref_slice %arg10[%dma_wait3A_696, %dma_wait3A_697] : memref<10240x128xf32, #tpu.memory_space<vmem_shared>> -> memref<10240x128xf32, #tpu.memory_space<vmem_shared>>
      tpu.wait_indirect_dma semaphore(%arg14 : memref<!tpu.dma_semaphore, #tpu.memory_space<semaphore_mem>>) src(%arg9 : memref<128x128xf32, #tpu.memory_space<vmem>>) dst(%dma_wait3A_698 : memref<10240x128xf32, #tpu.memory_space<vmem_shared>>)
    }
    %scan3A_229 = arith.constant 5 : i32
    %barrier3A_230 = arith.constant 0 : index
    tpu.barrier barrier_id(%barrier3A_230)
    %min3A = arith.constant 9360 : i32
    %min3A_231 = arith.minsi %multiple_of3A, %min3A : i32
    %multiple_of3A_232 = tpu.assume_multiple %min3A_231, 8 : i32
    %eq3A = arith.constant 0 : i32
    %eq3A_233 = arith.cmpi eq, %arg0, %eq3A : i32
    %convert_element_type3A = arith.extui %eq3A_233 : i1 to i32
    %cond3A = arith.constant 0 : i32
    %cond3A_234 = arith.cmpi ne, %convert_element_type3A, %cond3A : i32
    scf.if %cond3A_234 {
      "tpu.region"() ({
        %run_scoped3A = tpu.sem_alloc : memref<!tpu.dma_semaphore, #tpu.memory_space<semaphore_mem>>
        %dma_start3A_240 = arith.constant 0 : i32
        %dma_start3A_241 = tpu.memref_slice %arg5[%multiple_of3A_232, %dma_start3A_240] : memref<10000x128xf32, #tpu.memory_space<hbm>> -> memref<640x128xf32, #tpu.memory_space<hbm>>
        %dma_start3A_242 = arith.constant 0 : i32
        %dma_start3A_243 = tpu.memref_slice %arg10[%multiple_of3A_232, %dma_start3A_242] : memref<10240x128xf32, #tpu.memory_space<vmem_shared>> -> memref<640x128xf32, #tpu.memory_space<vmem_shared>>
        tpu.enqueue_dma source(%dma_start3A_243 : memref<640x128xf32, #tpu.memory_space<vmem_shared>>) target(%dma_start3A_241 : memref<640x128xf32, #tpu.memory_space<hbm>>) target_semaphore(%run_scoped3A : memref<!tpu.dma_semaphore, #tpu.memory_space<semaphore_mem>>)
        %dma_wait3A_244 = arith.constant 0 : i32
        %dma_wait3A_245 = tpu.memref_slice %arg5[%multiple_of3A_232, %dma_wait3A_244] : memref<10000x128xf32, #tpu.memory_space<hbm>> -> memref<640x128xf32, #tpu.memory_space<hbm>>
        %dma_wait3A_246 = arith.constant 0 : i32
        %dma_wait3A_247 = tpu.memref_slice %arg10[%multiple_of3A_232, %dma_wait3A_246] : memref<10240x128xf32, #tpu.memory_space<vmem_shared>> -> memref<640x128xf32, #tpu.memory_space<vmem_shared>>
        tpu.wait_dma2 semaphore(%run_scoped3A : memref<!tpu.dma_semaphore, #tpu.memory_space<semaphore_mem>>) src(%dma_wait3A_247 : memref<640x128xf32, #tpu.memory_space<vmem_shared>>) dst(%dma_wait3A_245 : memref<640x128xf32, #tpu.memory_space<hbm>>)
        tpu.yield
      }) : () -> ()
    } else {
    }
    %eq3A_235 = arith.constant 1 : i32
    %eq3A_236 = arith.cmpi eq, %arg0, %eq3A_235 : i32
    %convert_element_type3A_237 = arith.extui %eq3A_236 : i1 to i32
    %cond3A_238 = arith.constant 0 : i32
    %cond3A_239 = arith.cmpi ne, %convert_element_type3A_237, %cond3A_238 : i32
    scf.if %cond3A_239 {
      "tpu.region"() ({
        %run_scoped3A = tpu.sem_alloc : memref<!tpu.dma_semaphore, #tpu.memory_space<semaphore_mem>>
        %dma_start3A_240 = arith.constant 0 : i32
        %dma_start3A_241 = tpu.memref_slice %arg6[%multiple_of3A_232, %dma_start3A_240] : memref<10000x128xf32, #tpu.memory_space<hbm>> -> memref<640x128xf32, #tpu.memory_space<hbm>>
        %dma_start3A_242 = arith.constant 0 : i32
        %dma_start3A_243 = tpu.memref_slice %arg10[%multiple_of3A_232, %dma_start3A_242] : memref<10240x128xf32, #tpu.memory_space<vmem_shared>> -> memref<640x128xf32, #tpu.memory_space<vmem_shared>>
        tpu.enqueue_dma source(%dma_start3A_243 : memref<640x128xf32, #tpu.memory_space<vmem_shared>>) target(%dma_start3A_241 : memref<640x128xf32, #tpu.memory_space<hbm>>) target_semaphore(%run_scoped3A : memref<!tpu.dma_semaphore, #tpu.memory_space<semaphore_mem>>)
        %dma_wait3A_244 = arith.constant 0 : i32
        %dma_wait3A_245 = tpu.memref_slice %arg6[%multiple_of3A_232, %dma_wait3A_244] : memref<10000x128xf32, #tpu.memory_space<hbm>> -> memref<640x128xf32, #tpu.memory_space<hbm>>
        %dma_wait3A_246 = arith.constant 0 : i32
        %dma_wait3A_247 = tpu.memref_slice %arg10[%multiple_of3A_232, %dma_wait3A_246] : memref<10240x128xf32, #tpu.memory_space<vmem_shared>> -> memref<640x128xf32, #tpu.memory_space<vmem_shared>>
        tpu.wait_dma2 semaphore(%run_scoped3A : memref<!tpu.dma_semaphore, #tpu.memory_space<semaphore_mem>>) src(%dma_wait3A_247 : memref<640x128xf32, #tpu.memory_space<vmem_shared>>) dst(%dma_wait3A_245 : memref<640x128xf32, #tpu.memory_space<hbm>>)
        tpu.yield
      }) : () -> ()
    } else {
    }
    return
  }
}

#map = affine_map<(d0, d1) -> (0, 0, 0, 0)>
#map1 = affine_map<(d0, d1) -> (0, 0)>
module attributes {stable_mosaic.version = 14 : i64} {
  func.func @_sc_agg_body(%arg0: i32, %arg1: i32, %arg2: memref<16x5x32x128xi32, #tpu.memory_space<hbm>>, %arg3: memref<16x5x32x128xi32, #tpu.memory_space<hbm>>, %arg4: memref<20000x128xf32, #tpu.memory_space<hbm>>, %arg5: memref<10000x128xf32, #tpu.memory_space<hbm>>, %arg6: memref<10000x128xf32, #tpu.memory_space<hbm>>, %arg7: memref<32x128xi32, #tpu.memory_space<vmem>>, %arg8: memref<128x128xf32, #tpu.memory_space<vmem>>, %arg9: memref<128x128xf32, #tpu.memory_space<vmem>>, %arg10: memref<10240x128xf32, #tpu.memory_space<vmem_shared>>, %arg11: memref<!tpu.dma_semaphore, #tpu.memory_space<semaphore_mem>>, %arg12: memref<!tpu.dma_semaphore, #tpu.memory_space<semaphore_mem>>, %arg13: memref<!tpu.dma_semaphore, #tpu.memory_space<semaphore_mem>>, %arg14: memref<!tpu.dma_semaphore, #tpu.memory_space<semaphore_mem>>) attributes {dimension_semantics = [#tpu.dimension_semantics<core_parallel>, #tpu.dimension_semantics<subcore_parallel>], iteration_bounds = array<i64: 2, 16>, scalar_prefetch = 0 : i64, scratch_operands = 8 : i64, tpu.core_type = #tpu.core_type<sc_vector_subcore>, window_params = [{transform_indices = #map}, {transform_indices = #map}, {transform_indices = #map1}, {transform_indices = #map1}, {transform_indices = #map1}]} {
    %broadcast_in_dim3A = arith.constant 0.000000e+00 : f32
    %broadcast_in_dim3A_0 = vector.broadcast %broadcast_in_dim3A : f32 to vector<16xf32>
    %scan3A = arith.constant 0 : i32
    %scan3A_1 = arith.constant 0 : i32
    %scan3A_2 = arith.constant 64 : i32
    %scan3A_3 = arith.addi %scan3A_1, %scan3A_2 : i32
    %scan3A_4 = arith.constant 1 : i32
    scf.for %scan3A_240 = %scan3A_1 to %scan3A_3 step %scan3A_4  : i32 {
      %swap3A = arith.index_cast %scan3A_240 : i32 to index
      %swap3A_241 = arith.constant 0 : index
      %swap3A_242 = tpu.vector_load %arg8[%swap3A, %swap3A_241] {strides = array<i32>} : memref<128x128xf32, #tpu.memory_space<vmem>>, vector<1x16xf32>,
      %swap3A_243 = vector.shape_cast %swap3A_242 : vector<1x16xf32> to vector<16xf32>
      %swap3A_244 = vector.shape_cast %broadcast_in_dim3A_0 : vector<16xf32> to vector<1x16xf32>
      tpu.vector_store %arg8[%swap3A, %swap3A_241], %swap3A_244 {strides = array<i32>} : memref<128x128xf32, #tpu.memory_space<vmem>>, vector<1x16xf32>,
      %swap3A_245 = arith.index_cast %scan3A_240 : i32 to index
      %swap3A_246 = arith.constant 16 : index
      %swap3A_247 = tpu.vector_load %arg8[%swap3A_245, %swap3A_246] {strides = array<i32>} : memref<128x128xf32, #tpu.memory_space<vmem>>, vector<1x16xf32>,
      %swap3A_248 = vector.shape_cast %swap3A_247 : vector<1x16xf32> to vector<16xf32>
      %swap3A_249 = vector.shape_cast %broadcast_in_dim3A_0 : vector<16xf32> to vector<1x16xf32>
      tpu.vector_store %arg8[%swap3A_245, %swap3A_246], %swap3A_249 {strides = array<i32>} : memref<128x128xf32, #tpu.memory_space<vmem>>, vector<1x16xf32>,
      %swap3A_250 = arith.index_cast %scan3A_240 : i32 to index
      %swap3A_251 = arith.constant 32 : index
      %swap3A_252 = tpu.vector_load %arg8[%swap3A_250, %swap3A_251] {strides = array<i32>} : memref<128x128xf32, #tpu.memory_space<vmem>>, vector<1x16xf32>,
      %swap3A_253 = vector.shape_cast %swap3A_252 : vector<1x16xf32> to vector<16xf32>
      %swap3A_254 = vector.shape_cast %broadcast_in_dim3A_0 : vector<16xf32> to vector<1x16xf32>
      tpu.vector_store %arg8[%swap3A_250, %swap3A_251], %swap3A_254 {strides = array<i32>} : memref<128x128xf32, #tpu.memory_space<vmem>>, vector<1x16xf32>,
      %swap3A_255 = arith.index_cast %scan3A_240 : i32 to index
      %swap3A_256 = arith.constant 48 : index
      %swap3A_257 = tpu.vector_load %arg8[%swap3A_255, %swap3A_256] {strides = array<i32>} : memref<128x128xf32, #tpu.memory_space<vmem>>, vector<1x16xf32>,
      %swap3A_258 = vector.shape_cast %swap3A_257 : vector<1x16xf32> to vector<16xf32>
      %swap3A_259 = vector.shape_cast %broadcast_in_dim3A_0 : vector<16xf32> to vector<1x16xf32>
      tpu.vector_store %arg8[%swap3A_255, %swap3A_256], %swap3A_259 {strides = array<i32>} : memref<128x128xf32, #tpu.memory_space<vmem>>, vector<1x16xf32>,
      %swap3A_260 = arith.index_cast %scan3A_240 : i32 to index
      %swap3A_261 = arith.constant 64 : index
      %swap3A_262 = tpu.vector_load %arg8[%swap3A_260, %swap3A_261] {strides = array<i32>} : memref<128x128xf32, #tpu.memory_space<vmem>>, vector<1x16xf32>,
      %swap3A_263 = vector.shape_cast %swap3A_262 : vector<1x16xf32> to vector<16xf32>
      %swap3A_264 = vector.shape_cast %broadcast_in_dim3A_0 : vector<16xf32> to vector<1x16xf32>
      tpu.vector_store %arg8[%swap3A_260, %swap3A_261], %swap3A_264 {strides = array<i32>} : memref<128x128xf32, #tpu.memory_space<vmem>>, vector<1x16xf32>,
      %swap3A_265 = arith.index_cast %scan3A_240 : i32 to index
      %swap3A_266 = arith.constant 80 : index
      %swap3A_267 = tpu.vector_load %arg8[%swap3A_265, %swap3A_266] {strides = array<i32>} : memref<128x128xf32, #tpu.memory_space<vmem>>, vector<1x16xf32>,
      %swap3A_268 = vector.shape_cast %swap3A_267 : vector<1x16xf32> to vector<16xf32>
      %swap3A_269 = vector.shape_cast %broadcast_in_dim3A_0 : vector<16xf32> to vector<1x16xf32>
      tpu.vector_store %arg8[%swap3A_265, %swap3A_266], %swap3A_269 {strides = array<i32>} : memref<128x128xf32, #tpu.memory_space<vmem>>, vector<1x16xf32>,
      %swap3A_270 = arith.index_cast %scan3A_240 : i32 to index
      %swap3A_271 = arith.constant 96 : index
      %swap3A_272 = tpu.vector_load %arg8[%swap3A_270, %swap3A_271] {strides = array<i32>} : memref<128x128xf32, #tpu.memory_space<vmem>>, vector<1x16xf32>,
      %swap3A_273 = vector.shape_cast %swap3A_272 : vector<1x16xf32> to vector<16xf32>
      %swap3A_274 = vector.shape_cast %broadcast_in_dim3A_0 : vector<16xf32> to vector<1x16xf32>
      tpu.vector_store %arg8[%swap3A_270, %swap3A_271], %swap3A_274 {strides = array<i32>} : memref<128x128xf32, #tpu.memory_space<vmem>>, vector<1x16xf32>,
      %swap3A_275 = arith.index_cast %scan3A_240 : i32 to index
      %swap3A_276 = arith.constant 112 : index
      %swap3A_277 = tpu.vector_load %arg8[%swap3A_275, %swap3A_276] {strides = array<i32>} : memref<128x128xf32, #tpu.memory_space<vmem>>, vector<1x16xf32>,
      %swap3A_278 = vector.shape_cast %swap3A_277 : vector<1x16xf32> to vector<16xf32>
      %swap3A_279 = vector.shape_cast %broadcast_in_dim3A_0 : vector<16xf32> to vector<1x16xf32>
      tpu.vector_store %arg8[%swap3A_275, %swap3A_276], %swap3A_279 {strides = array<i32>} : memref<128x128xf32, #tpu.memory_space<vmem>>, vector<1x16xf32>,
    }
    %scan3A_5 = arith.constant 64 : i32
    %mul3A = arith.constant 640 : i32
    %mul3A_6 = arith.muli %arg1, %mul3A : i32
    %multiple_of3A = tpu.assume_multiple %mul3A_6, 640 : i32
    %add3A = arith.constant 0 : i32
    %add3A_7 = arith.addi %multiple_of3A, %add3A : i32
    %dma_start3A = arith.constant 0 : i32
    %dma_start3A_8 = arith.constant 0 : i32
    %dma_start3A_9 = tpu.memref_slice %arg8[%dma_start3A, %dma_start3A_8] : memref<128x128xf32, #tpu.memory_space<vmem>> -> memref<64x128xf32, #tpu.memory_space<vmem>>
    %dma_start3A_10 = arith.constant 0 : i32
    %dma_start3A_11 = tpu.memref_slice %arg10[%add3A_7, %dma_start3A_10] : memref<10240x128xf32, #tpu.memory_space<vmem_shared>> -> memref<64x128xf32, #tpu.memory_space<vmem_shared>>
    %dma_start3A_12 = arith.constant 0 : i32
    %dma_start3A_13 = tpu.memref_slice %arg10[%add3A_7, %dma_start3A_12] : memref<10240x128xf32, #tpu.memory_space<vmem_shared>> -> memref<64x128xf32, #tpu.memory_space<vmem_shared>>
    %dma_start3A_14 = arith.constant 0 : i32
    %dma_start3A_15 = arith.constant 0 : i32
    %dma_start3A_16 = tpu.memref_slice %arg8[%dma_start3A_14, %dma_start3A_15] : memref<128x128xf32, #tpu.memory_space<vmem>> -> memref<64x128xf32, #tpu.memory_space<vmem>>
    tpu.enqueue_dma source(%dma_start3A_16 : memref<64x128xf32, #tpu.memory_space<vmem>>) target(%dma_start3A_13 : memref<64x128xf32, #tpu.memory_space<vmem_shared>>) target_semaphore(%arg11 : memref<!tpu.dma_semaphore, #tpu.memory_space<semaphore_mem>>)
    %add3A_17 = arith.constant 64 : i32
    %add3A_18 = arith.addi %multiple_of3A, %add3A_17 : i32
    %dma_start3A_19 = arith.constant 0 : i32
    %dma_start3A_20 = arith.constant 0 : i32
    %dma_start3A_21 = tpu.memref_slice %arg8[%dma_start3A_19, %dma_start3A_20] : memref<128x128xf32, #tpu.memory_space<vmem>> -> memref<64x128xf32, #tpu.memory_space<vmem>>
    %dma_start3A_22 = arith.constant 0 : i32
    %dma_start3A_23 = tpu.memref_slice %arg10[%add3A_18, %dma_start3A_22] : memref<10240x128xf32, #tpu.memory_space<vmem_shared>> -> memref<64x128xf32, #tpu.memory_space<vmem_shared>>
    %dma_start3A_24 = arith.constant 0 : i32
    %dma_start3A_25 = tpu.memref_slice %arg10[%add3A_18, %dma_start3A_24] : memref<10240x128xf32, #tpu.memory_space<vmem_shared>> -> memref<64x128xf32, #tpu.memory_space<vmem_shared>>
    %dma_start3A_26 = arith.constant 0 : i32
    %dma_start3A_27 = arith.constant 0 : i32
    %dma_start3A_28 = tpu.memref_slice %arg8[%dma_start3A_26, %dma_start3A_27] : memref<128x128xf32, #tpu.memory_space<vmem>> -> memref<64x128xf32, #tpu.memory_space<vmem>>
    tpu.enqueue_dma source(%dma_start3A_28 : memref<64x128xf32, #tpu.memory_space<vmem>>) target(%dma_start3A_25 : memref<64x128xf32, #tpu.memory_space<vmem_shared>>) target_semaphore(%arg11 : memref<!tpu.dma_semaphore, #tpu.memory_space<semaphore_mem>>)
    %add3A_29 = arith.constant 128 : i32
    %add3A_30 = arith.addi %multiple_of3A, %add3A_29 : i32
    %dma_start3A_31 = arith.constant 0 : i32
    %dma_start3A_32 = arith.constant 0 : i32
    %dma_start3A_33 = tpu.memref_slice %arg8[%dma_start3A_31, %dma_start3A_32] : memref<128x128xf32, #tpu.memory_space<vmem>> -> memref<64x128xf32, #tpu.memory_space<vmem>>
    %dma_start3A_34 = arith.constant 0 : i32
    %dma_start3A_35 = tpu.memref_slice %arg10[%add3A_30, %dma_start3A_34] : memref<10240x128xf32, #tpu.memory_space<vmem_shared>> -> memref<64x128xf32, #tpu.memory_space<vmem_shared>>
    %dma_start3A_36 = arith.constant 0 : i32
    %dma_start3A_37 = tpu.memref_slice %arg10[%add3A_30, %dma_start3A_36] : memref<10240x128xf32, #tpu.memory_space<vmem_shared>> -> memref<64x128xf32, #tpu.memory_space<vmem_shared>>
    %dma_start3A_38 = arith.constant 0 : i32
    %dma_start3A_39 = arith.constant 0 : i32
    %dma_start3A_40 = tpu.memref_slice %arg8[%dma_start3A_38, %dma_start3A_39] : memref<128x128xf32, #tpu.memory_space<vmem>> -> memref<64x128xf32, #tpu.memory_space<vmem>>
    tpu.enqueue_dma source(%dma_start3A_40 : memref<64x128xf32, #tpu.memory_space<vmem>>) target(%dma_start3A_37 : memref<64x128xf32, #tpu.memory_space<vmem_shared>>) target_semaphore(%arg11 : memref<!tpu.dma_semaphore, #tpu.memory_space<semaphore_mem>>)
    %add3A_41 = arith.constant 192 : i32
    %add3A_42 = arith.addi %multiple_of3A, %add3A_41 : i32
    %dma_start3A_43 = arith.constant 0 : i32
    %dma_start3A_44 = arith.constant 0 : i32
    %dma_start3A_45 = tpu.memref_slice %arg8[%dma_start3A_43, %dma_start3A_44] : memref<128x128xf32, #tpu.memory_space<vmem>> -> memref<64x128xf32, #tpu.memory_space<vmem>>
    %dma_start3A_46 = arith.constant 0 : i32
    %dma_start3A_47 = tpu.memref_slice %arg10[%add3A_42, %dma_start3A_46] : memref<10240x128xf32, #tpu.memory_space<vmem_shared>> -> memref<64x128xf32, #tpu.memory_space<vmem_shared>>
    %dma_start3A_48 = arith.constant 0 : i32
    %dma_start3A_49 = tpu.memref_slice %arg10[%add3A_42, %dma_start3A_48] : memref<10240x128xf32, #tpu.memory_space<vmem_shared>> -> memref<64x128xf32, #tpu.memory_space<vmem_shared>>
    %dma_start3A_50 = arith.constant 0 : i32
    %dma_start3A_51 = arith.constant 0 : i32
    %dma_start3A_52 = tpu.memref_slice %arg8[%dma_start3A_50, %dma_start3A_51] : memref<128x128xf32, #tpu.memory_space<vmem>> -> memref<64x128xf32, #tpu.memory_space<vmem>>
    tpu.enqueue_dma source(%dma_start3A_52 : memref<64x128xf32, #tpu.memory_space<vmem>>) target(%dma_start3A_49 : memref<64x128xf32, #tpu.memory_space<vmem_shared>>) target_semaphore(%arg11 : memref<!tpu.dma_semaphore, #tpu.memory_space<semaphore_mem>>)
    %add3A_53 = arith.constant 256 : i32
    %add3A_54 = arith.addi %multiple_of3A, %add3A_53 : i32
    %dma_start3A_55 = arith.constant 0 : i32
    %dma_start3A_56 = arith.constant 0 : i32
    %dma_start3A_57 = tpu.memref_slice %arg8[%dma_start3A_55, %dma_start3A_56] : memref<128x128xf32, #tpu.memory_space<vmem>> -> memref<64x128xf32, #tpu.memory_space<vmem>>
    %dma_start3A_58 = arith.constant 0 : i32
    %dma_start3A_59 = tpu.memref_slice %arg10[%add3A_54, %dma_start3A_58] : memref<10240x128xf32, #tpu.memory_space<vmem_shared>> -> memref<64x128xf32, #tpu.memory_space<vmem_shared>>
    %dma_start3A_60 = arith.constant 0 : i32
    %dma_start3A_61 = tpu.memref_slice %arg10[%add3A_54, %dma_start3A_60] : memref<10240x128xf32, #tpu.memory_space<vmem_shared>> -> memref<64x128xf32, #tpu.memory_space<vmem_shared>>
    %dma_start3A_62 = arith.constant 0 : i32
    %dma_start3A_63 = arith.constant 0 : i32
    %dma_start3A_64 = tpu.memref_slice %arg8[%dma_start3A_62, %dma_start3A_63] : memref<128x128xf32, #tpu.memory_space<vmem>> -> memref<64x128xf32, #tpu.memory_space<vmem>>
    tpu.enqueue_dma source(%dma_start3A_64 : memref<64x128xf32, #tpu.memory_space<vmem>>) target(%dma_start3A_61 : memref<64x128xf32, #tpu.memory_space<vmem_shared>>) target_semaphore(%arg11 : memref<!tpu.dma_semaphore, #tpu.memory_space<semaphore_mem>>)
    %add3A_65 = arith.constant 320 : i32
    %add3A_66 = arith.addi %multiple_of3A, %add3A_65 : i32
    %dma_start3A_67 = arith.constant 0 : i32
    %dma_start3A_68 = arith.constant 0 : i32
    %dma_start3A_69 = tpu.memref_slice %arg8[%dma_start3A_67, %dma_start3A_68] : memref<128x128xf32, #tpu.memory_space<vmem>> -> memref<64x128xf32, #tpu.memory_space<vmem>>
    %dma_start3A_70 = arith.constant 0 : i32
    %dma_start3A_71 = tpu.memref_slice %arg10[%add3A_66, %dma_start3A_70] : memref<10240x128xf32, #tpu.memory_space<vmem_shared>> -> memref<64x128xf32, #tpu.memory_space<vmem_shared>>
    %dma_start3A_72 = arith.constant 0 : i32
    %dma_start3A_73 = tpu.memref_slice %arg10[%add3A_66, %dma_start3A_72] : memref<10240x128xf32, #tpu.memory_space<vmem_shared>> -> memref<64x128xf32, #tpu.memory_space<vmem_shared>>
    %dma_start3A_74 = arith.constant 0 : i32
    %dma_start3A_75 = arith.constant 0 : i32
    %dma_start3A_76 = tpu.memref_slice %arg8[%dma_start3A_74, %dma_start3A_75] : memref<128x128xf32, #tpu.memory_space<vmem>> -> memref<64x128xf32, #tpu.memory_space<vmem>>
    tpu.enqueue_dma source(%dma_start3A_76 : memref<64x128xf32, #tpu.memory_space<vmem>>) target(%dma_start3A_73 : memref<64x128xf32, #tpu.memory_space<vmem_shared>>) target_semaphore(%arg11 : memref<!tpu.dma_semaphore, #tpu.memory_space<semaphore_mem>>)
    %add3A_77 = arith.constant 384 : i32
    %add3A_78 = arith.addi %multiple_of3A, %add3A_77 : i32
    %dma_start3A_79 = arith.constant 0 : i32
    %dma_start3A_80 = arith.constant 0 : i32
    %dma_start3A_81 = tpu.memref_slice %arg8[%dma_start3A_79, %dma_start3A_80] : memref<128x128xf32, #tpu.memory_space<vmem>> -> memref<64x128xf32, #tpu.memory_space<vmem>>
    %dma_start3A_82 = arith.constant 0 : i32
    %dma_start3A_83 = tpu.memref_slice %arg10[%add3A_78, %dma_start3A_82] : memref<10240x128xf32, #tpu.memory_space<vmem_shared>> -> memref<64x128xf32, #tpu.memory_space<vmem_shared>>
    %dma_start3A_84 = arith.constant 0 : i32
    %dma_start3A_85 = tpu.memref_slice %arg10[%add3A_78, %dma_start3A_84] : memref<10240x128xf32, #tpu.memory_space<vmem_shared>> -> memref<64x128xf32, #tpu.memory_space<vmem_shared>>
    %dma_start3A_86 = arith.constant 0 : i32
    %dma_start3A_87 = arith.constant 0 : i32
    %dma_start3A_88 = tpu.memref_slice %arg8[%dma_start3A_86, %dma_start3A_87] : memref<128x128xf32, #tpu.memory_space<vmem>> -> memref<64x128xf32, #tpu.memory_space<vmem>>
    tpu.enqueue_dma source(%dma_start3A_88 : memref<64x128xf32, #tpu.memory_space<vmem>>) target(%dma_start3A_85 : memref<64x128xf32, #tpu.memory_space<vmem_shared>>) target_semaphore(%arg11 : memref<!tpu.dma_semaphore, #tpu.memory_space<semaphore_mem>>)
    %add3A_89 = arith.constant 448 : i32
    %add3A_90 = arith.addi %multiple_of3A, %add3A_89 : i32
    %dma_start3A_91 = arith.constant 0 : i32
    %dma_start3A_92 = arith.constant 0 : i32
    %dma_start3A_93 = tpu.memref_slice %arg8[%dma_start3A_91, %dma_start3A_92] : memref<128x128xf32, #tpu.memory_space<vmem>> -> memref<64x128xf32, #tpu.memory_space<vmem>>
    %dma_start3A_94 = arith.constant 0 : i32
    %dma_start3A_95 = tpu.memref_slice %arg10[%add3A_90, %dma_start3A_94] : memref<10240x128xf32, #tpu.memory_space<vmem_shared>> -> memref<64x128xf32, #tpu.memory_space<vmem_shared>>
    %dma_start3A_96 = arith.constant 0 : i32
    %dma_start3A_97 = tpu.memref_slice %arg10[%add3A_90, %dma_start3A_96] : memref<10240x128xf32, #tpu.memory_space<vmem_shared>> -> memref<64x128xf32, #tpu.memory_space<vmem_shared>>
    %dma_start3A_98 = arith.constant 0 : i32
    %dma_start3A_99 = arith.constant 0 : i32
    %dma_start3A_100 = tpu.memref_slice %arg8[%dma_start3A_98, %dma_start3A_99] : memref<128x128xf32, #tpu.memory_space<vmem>> -> memref<64x128xf32, #tpu.memory_space<vmem>>
    tpu.enqueue_dma source(%dma_start3A_100 : memref<64x128xf32, #tpu.memory_space<vmem>>) target(%dma_start3A_97 : memref<64x128xf32, #tpu.memory_space<vmem_shared>>) target_semaphore(%arg11 : memref<!tpu.dma_semaphore, #tpu.memory_space<semaphore_mem>>)
    %add3A_101 = arith.constant 512 : i32
    %add3A_102 = arith.addi %multiple_of3A, %add3A_101 : i32
    %dma_start3A_103 = arith.constant 0 : i32
    %dma_start3A_104 = arith.constant 0 : i32
    %dma_start3A_105 = tpu.memref_slice %arg8[%dma_start3A_103, %dma_start3A_104] : memref<128x128xf32, #tpu.memory_space<vmem>> -> memref<64x128xf32, #tpu.memory_space<vmem>>
    %dma_start3A_106 = arith.constant 0 : i32
    %dma_start3A_107 = tpu.memref_slice %arg10[%add3A_102, %dma_start3A_106] : memref<10240x128xf32, #tpu.memory_space<vmem_shared>> -> memref<64x128xf32, #tpu.memory_space<vmem_shared>>
    %dma_start3A_108 = arith.constant 0 : i32
    %dma_start3A_109 = tpu.memref_slice %arg10[%add3A_102, %dma_start3A_108] : memref<10240x128xf32, #tpu.memory_space<vmem_shared>> -> memref<64x128xf32, #tpu.memory_space<vmem_shared>>
    %dma_start3A_110 = arith.constant 0 : i32
    %dma_start3A_111 = arith.constant 0 : i32
    %dma_start3A_112 = tpu.memref_slice %arg8[%dma_start3A_110, %dma_start3A_111] : memref<128x128xf32, #tpu.memory_space<vmem>> -> memref<64x128xf32, #tpu.memory_space<vmem>>
    tpu.enqueue_dma source(%dma_start3A_112 : memref<64x128xf32, #tpu.memory_space<vmem>>) target(%dma_start3A_109 : memref<64x128xf32, #tpu.memory_space<vmem_shared>>) target_semaphore(%arg11 : memref<!tpu.dma_semaphore, #tpu.memory_space<semaphore_mem>>)
    %add3A_113 = arith.constant 576 : i32
    %add3A_114 = arith.addi %multiple_of3A, %add3A_113 : i32
    %dma_start3A_115 = arith.constant 0 : i32
    %dma_start3A_116 = arith.constant 0 : i32
    %dma_start3A_117 = tpu.memref_slice %arg8[%dma_start3A_115, %dma_start3A_116] : memref<128x128xf32, #tpu.memory_space<vmem>> -> memref<64x128xf32, #tpu.memory_space<vmem>>
    %dma_start3A_118 = arith.constant 0 : i32
    %dma_start3A_119 = tpu.memref_slice %arg10[%add3A_114, %dma_start3A_118] : memref<10240x128xf32, #tpu.memory_space<vmem_shared>> -> memref<64x128xf32, #tpu.memory_space<vmem_shared>>
    %dma_start3A_120 = arith.constant 0 : i32
    %dma_start3A_121 = tpu.memref_slice %arg10[%add3A_114, %dma_start3A_120] : memref<10240x128xf32, #tpu.memory_space<vmem_shared>> -> memref<64x128xf32, #tpu.memory_space<vmem_shared>>
    %dma_start3A_122 = arith.constant 0 : i32
    %dma_start3A_123 = arith.constant 0 : i32
    %dma_start3A_124 = tpu.memref_slice %arg8[%dma_start3A_122, %dma_start3A_123] : memref<128x128xf32, #tpu.memory_space<vmem>> -> memref<64x128xf32, #tpu.memory_space<vmem>>
    tpu.enqueue_dma source(%dma_start3A_124 : memref<64x128xf32, #tpu.memory_space<vmem>>) target(%dma_start3A_121 : memref<64x128xf32, #tpu.memory_space<vmem_shared>>) target_semaphore(%arg11 : memref<!tpu.dma_semaphore, #tpu.memory_space<semaphore_mem>>)
    %dma_wait3A = arith.constant 0 : i32
    %dma_wait3A_125 = arith.constant 0 : i32
    %dma_wait3A_126 = tpu.memref_slice %arg8[%dma_wait3A, %dma_wait3A_125] : memref<128x128xf32, #tpu.memory_space<vmem>> -> memref<64x128xf32, #tpu.memory_space<vmem>>
    %dma_wait3A_127 = arith.constant 0 : i32
    %dma_wait3A_128 = tpu.memref_slice %arg10[%add3A_7, %dma_wait3A_127] : memref<10240x128xf32, #tpu.memory_space<vmem_shared>> -> memref<64x128xf32, #tpu.memory_space<vmem_shared>>
    %dma_wait3A_129 = arith.constant 0 : i32
    %dma_wait3A_130 = tpu.memref_slice %arg10[%add3A_7, %dma_wait3A_129] : memref<10240x128xf32, #tpu.memory_space<vmem_shared>> -> memref<64x128xf32, #tpu.memory_space<vmem_shared>>
    %dma_wait3A_131 = arith.constant 0 : i32
    %dma_wait3A_132 = arith.constant 0 : i32
    %dma_wait3A_133 = tpu.memref_slice %arg8[%dma_wait3A_131, %dma_wait3A_132] : memref<128x128xf32, #tpu.memory_space<vmem>> -> memref<64x128xf32, #tpu.memory_space<vmem>>
    tpu.wait_dma2 semaphore(%arg11 : memref<!tpu.dma_semaphore, #tpu.memory_space<semaphore_mem>>) src(%dma_wait3A_133 : memref<64x128xf32, #tpu.memory_space<vmem>>) dst(%dma_wait3A_130 : memref<64x128xf32, #tpu.memory_space<vmem_shared>>)
    %dma_wait3A_134 = arith.constant 0 : i32
    %dma_wait3A_135 = arith.constant 0 : i32
    %dma_wait3A_136 = tpu.memref_slice %arg8[%dma_wait3A_134, %dma_wait3A_135] : memref<128x128xf32, #tpu.memory_space<vmem>> -> memref<64x128xf32, #tpu.memory_space<vmem>>
    %dma_wait3A_137 = arith.constant 0 : i32
    %dma_wait3A_138 = tpu.memref_slice %arg10[%add3A_18, %dma_wait3A_137] : memref<10240x128xf32, #tpu.memory_space<vmem_shared>> -> memref<64x128xf32, #tpu.memory_space<vmem_shared>>
    %dma_wait3A_139 = arith.constant 0 : i32
    %dma_wait3A_140 = tpu.memref_slice %arg10[%add3A_18, %dma_wait3A_139] : memref<10240x128xf32, #tpu.memory_space<vmem_shared>> -> memref<64x128xf32, #tpu.memory_space<vmem_shared>>
    %dma_wait3A_141 = arith.constant 0 : i32
    %dma_wait3A_142 = arith.constant 0 : i32
    %dma_wait3A_143 = tpu.memref_slice %arg8[%dma_wait3A_141, %dma_wait3A_142] : memref<128x128xf32, #tpu.memory_space<vmem>> -> memref<64x128xf32, #tpu.memory_space<vmem>>
    tpu.wait_dma2 semaphore(%arg11 : memref<!tpu.dma_semaphore, #tpu.memory_space<semaphore_mem>>) src(%dma_wait3A_143 : memref<64x128xf32, #tpu.memory_space<vmem>>) dst(%dma_wait3A_140 : memref<64x128xf32, #tpu.memory_space<vmem_shared>>)
    %dma_wait3A_144 = arith.constant 0 : i32
    %dma_wait3A_145 = arith.constant 0 : i32
    %dma_wait3A_146 = tpu.memref_slice %arg8[%dma_wait3A_144, %dma_wait3A_145] : memref<128x128xf32, #tpu.memory_space<vmem>> -> memref<64x128xf32, #tpu.memory_space<vmem>>
    %dma_wait3A_147 = arith.constant 0 : i32
    %dma_wait3A_148 = tpu.memref_slice %arg10[%add3A_30, %dma_wait3A_147] : memref<10240x128xf32, #tpu.memory_space<vmem_shared>> -> memref<64x128xf32, #tpu.memory_space<vmem_shared>>
    %dma_wait3A_149 = arith.constant 0 : i32
    %dma_wait3A_150 = tpu.memref_slice %arg10[%add3A_30, %dma_wait3A_149] : memref<10240x128xf32, #tpu.memory_space<vmem_shared>> -> memref<64x128xf32, #tpu.memory_space<vmem_shared>>
    %dma_wait3A_151 = arith.constant 0 : i32
    %dma_wait3A_152 = arith.constant 0 : i32
    %dma_wait3A_153 = tpu.memref_slice %arg8[%dma_wait3A_151, %dma_wait3A_152] : memref<128x128xf32, #tpu.memory_space<vmem>> -> memref<64x128xf32, #tpu.memory_space<vmem>>
    tpu.wait_dma2 semaphore(%arg11 : memref<!tpu.dma_semaphore, #tpu.memory_space<semaphore_mem>>) src(%dma_wait3A_153 : memref<64x128xf32, #tpu.memory_space<vmem>>) dst(%dma_wait3A_150 : memref<64x128xf32, #tpu.memory_space<vmem_shared>>)
    %dma_wait3A_154 = arith.constant 0 : i32
    %dma_wait3A_155 = arith.constant 0 : i32
    %dma_wait3A_156 = tpu.memref_slice %arg8[%dma_wait3A_154, %dma_wait3A_155] : memref<128x128xf32, #tpu.memory_space<vmem>> -> memref<64x128xf32, #tpu.memory_space<vmem>>
    %dma_wait3A_157 = arith.constant 0 : i32
    %dma_wait3A_158 = tpu.memref_slice %arg10[%add3A_42, %dma_wait3A_157] : memref<10240x128xf32, #tpu.memory_space<vmem_shared>> -> memref<64x128xf32, #tpu.memory_space<vmem_shared>>
    %dma_wait3A_159 = arith.constant 0 : i32
    %dma_wait3A_160 = tpu.memref_slice %arg10[%add3A_42, %dma_wait3A_159] : memref<10240x128xf32, #tpu.memory_space<vmem_shared>> -> memref<64x128xf32, #tpu.memory_space<vmem_shared>>
    %dma_wait3A_161 = arith.constant 0 : i32
    %dma_wait3A_162 = arith.constant 0 : i32
    %dma_wait3A_163 = tpu.memref_slice %arg8[%dma_wait3A_161, %dma_wait3A_162] : memref<128x128xf32, #tpu.memory_space<vmem>> -> memref<64x128xf32, #tpu.memory_space<vmem>>
    tpu.wait_dma2 semaphore(%arg11 : memref<!tpu.dma_semaphore, #tpu.memory_space<semaphore_mem>>) src(%dma_wait3A_163 : memref<64x128xf32, #tpu.memory_space<vmem>>) dst(%dma_wait3A_160 : memref<64x128xf32, #tpu.memory_space<vmem_shared>>)
    %dma_wait3A_164 = arith.constant 0 : i32
    %dma_wait3A_165 = arith.constant 0 : i32
    %dma_wait3A_166 = tpu.memref_slice %arg8[%dma_wait3A_164, %dma_wait3A_165] : memref<128x128xf32, #tpu.memory_space<vmem>> -> memref<64x128xf32, #tpu.memory_space<vmem>>
    %dma_wait3A_167 = arith.constant 0 : i32
    %dma_wait3A_168 = tpu.memref_slice %arg10[%add3A_54, %dma_wait3A_167] : memref<10240x128xf32, #tpu.memory_space<vmem_shared>> -> memref<64x128xf32, #tpu.memory_space<vmem_shared>>
    %dma_wait3A_169 = arith.constant 0 : i32
    %dma_wait3A_170 = tpu.memref_slice %arg10[%add3A_54, %dma_wait3A_169] : memref<10240x128xf32, #tpu.memory_space<vmem_shared>> -> memref<64x128xf32, #tpu.memory_space<vmem_shared>>
    %dma_wait3A_171 = arith.constant 0 : i32
    %dma_wait3A_172 = arith.constant 0 : i32
    %dma_wait3A_173 = tpu.memref_slice %arg8[%dma_wait3A_171, %dma_wait3A_172] : memref<128x128xf32, #tpu.memory_space<vmem>> -> memref<64x128xf32, #tpu.memory_space<vmem>>
    tpu.wait_dma2 semaphore(%arg11 : memref<!tpu.dma_semaphore, #tpu.memory_space<semaphore_mem>>) src(%dma_wait3A_173 : memref<64x128xf32, #tpu.memory_space<vmem>>) dst(%dma_wait3A_170 : memref<64x128xf32, #tpu.memory_space<vmem_shared>>)
    %dma_wait3A_174 = arith.constant 0 : i32
    %dma_wait3A_175 = arith.constant 0 : i32
    %dma_wait3A_176 = tpu.memref_slice %arg8[%dma_wait3A_174, %dma_wait3A_175] : memref<128x128xf32, #tpu.memory_space<vmem>> -> memref<64x128xf32, #tpu.memory_space<vmem>>
    %dma_wait3A_177 = arith.constant 0 : i32
    %dma_wait3A_178 = tpu.memref_slice %arg10[%add3A_66, %dma_wait3A_177] : memref<10240x128xf32, #tpu.memory_space<vmem_shared>> -> memref<64x128xf32, #tpu.memory_space<vmem_shared>>
    %dma_wait3A_179 = arith.constant 0 : i32
    %dma_wait3A_180 = tpu.memref_slice %arg10[%add3A_66, %dma_wait3A_179] : memref<10240x128xf32, #tpu.memory_space<vmem_shared>> -> memref<64x128xf32, #tpu.memory_space<vmem_shared>>
    %dma_wait3A_181 = arith.constant 0 : i32
    %dma_wait3A_182 = arith.constant 0 : i32
    %dma_wait3A_183 = tpu.memref_slice %arg8[%dma_wait3A_181, %dma_wait3A_182] : memref<128x128xf32, #tpu.memory_space<vmem>> -> memref<64x128xf32, #tpu.memory_space<vmem>>
    tpu.wait_dma2 semaphore(%arg11 : memref<!tpu.dma_semaphore, #tpu.memory_space<semaphore_mem>>) src(%dma_wait3A_183 : memref<64x128xf32, #tpu.memory_space<vmem>>) dst(%dma_wait3A_180 : memref<64x128xf32, #tpu.memory_space<vmem_shared>>)
    %dma_wait3A_184 = arith.constant 0 : i32
    %dma_wait3A_185 = arith.constant 0 : i32
    %dma_wait3A_186 = tpu.memref_slice %arg8[%dma_wait3A_184, %dma_wait3A_185] : memref<128x128xf32, #tpu.memory_space<vmem>> -> memref<64x128xf32, #tpu.memory_space<vmem>>
    %dma_wait3A_187 = arith.constant 0 : i32
    %dma_wait3A_188 = tpu.memref_slice %arg10[%add3A_78, %dma_wait3A_187] : memref<10240x128xf32, #tpu.memory_space<vmem_shared>> -> memref<64x128xf32, #tpu.memory_space<vmem_shared>>
    %dma_wait3A_189 = arith.constant 0 : i32
    %dma_wait3A_190 = tpu.memref_slice %arg10[%add3A_78, %dma_wait3A_189] : memref<10240x128xf32, #tpu.memory_space<vmem_shared>> -> memref<64x128xf32, #tpu.memory_space<vmem_shared>>
    %dma_wait3A_191 = arith.constant 0 : i32
    %dma_wait3A_192 = arith.constant 0 : i32
    %dma_wait3A_193 = tpu.memref_slice %arg8[%dma_wait3A_191, %dma_wait3A_192] : memref<128x128xf32, #tpu.memory_space<vmem>> -> memref<64x128xf32, #tpu.memory_space<vmem>>
    tpu.wait_dma2 semaphore(%arg11 : memref<!tpu.dma_semaphore, #tpu.memory_space<semaphore_mem>>) src(%dma_wait3A_193 : memref<64x128xf32, #tpu.memory_space<vmem>>) dst(%dma_wait3A_190 : memref<64x128xf32, #tpu.memory_space<vmem_shared>>)
    %dma_wait3A_194 = arith.constant 0 : i32
    %dma_wait3A_195 = arith.constant 0 : i32
    %dma_wait3A_196 = tpu.memref_slice %arg8[%dma_wait3A_194, %dma_wait3A_195] : memref<128x128xf32, #tpu.memory_space<vmem>> -> memref<64x128xf32, #tpu.memory_space<vmem>>
    %dma_wait3A_197 = arith.constant 0 : i32
    %dma_wait3A_198 = tpu.memref_slice %arg10[%add3A_90, %dma_wait3A_197] : memref<10240x128xf32, #tpu.memory_space<vmem_shared>> -> memref<64x128xf32, #tpu.memory_space<vmem_shared>>
    %dma_wait3A_199 = arith.constant 0 : i32
    %dma_wait3A_200 = tpu.memref_slice %arg10[%add3A_90, %dma_wait3A_199] : memref<10240x128xf32, #tpu.memory_space<vmem_shared>> -> memref<64x128xf32, #tpu.memory_space<vmem_shared>>
    %dma_wait3A_201 = arith.constant 0 : i32
    %dma_wait3A_202 = arith.constant 0 : i32
    %dma_wait3A_203 = tpu.memref_slice %arg8[%dma_wait3A_201, %dma_wait3A_202] : memref<128x128xf32, #tpu.memory_space<vmem>> -> memref<64x128xf32, #tpu.memory_space<vmem>>
    tpu.wait_dma2 semaphore(%arg11 : memref<!tpu.dma_semaphore, #tpu.memory_space<semaphore_mem>>) src(%dma_wait3A_203 : memref<64x128xf32, #tpu.memory_space<vmem>>) dst(%dma_wait3A_200 : memref<64x128xf32, #tpu.memory_space<vmem_shared>>)
    %dma_wait3A_204 = arith.constant 0 : i32
    %dma_wait3A_205 = arith.constant 0 : i32
    %dma_wait3A_206 = tpu.memref_slice %arg8[%dma_wait3A_204, %dma_wait3A_205] : memref<128x128xf32, #tpu.memory_space<vmem>> -> memref<64x128xf32, #tpu.memory_space<vmem>>
    %dma_wait3A_207 = arith.constant 0 : i32
    %dma_wait3A_208 = tpu.memref_slice %arg10[%add3A_102, %dma_wait3A_207] : memref<10240x128xf32, #tpu.memory_space<vmem_shared>> -> memref<64x128xf32, #tpu.memory_space<vmem_shared>>
    %dma_wait3A_209 = arith.constant 0 : i32
    %dma_wait3A_210 = tpu.memref_slice %arg10[%add3A_102, %dma_wait3A_209] : memref<10240x128xf32, #tpu.memory_space<vmem_shared>> -> memref<64x128xf32, #tpu.memory_space<vmem_shared>>
    %dma_wait3A_211 = arith.constant 0 : i32
    %dma_wait3A_212 = arith.constant 0 : i32
    %dma_wait3A_213 = tpu.memref_slice %arg8[%dma_wait3A_211, %dma_wait3A_212] : memref<128x128xf32, #tpu.memory_space<vmem>> -> memref<64x128xf32, #tpu.memory_space<vmem>>
    tpu.wait_dma2 semaphore(%arg11 : memref<!tpu.dma_semaphore, #tpu.memory_space<semaphore_mem>>) src(%dma_wait3A_213 : memref<64x128xf32, #tpu.memory_space<vmem>>) dst(%dma_wait3A_210 : memref<64x128xf32, #tpu.memory_space<vmem_shared>>)
    %dma_wait3A_214 = arith.constant 0 : i32
    %dma_wait3A_215 = arith.constant 0 : i32
    %dma_wait3A_216 = tpu.memref_slice %arg8[%dma_wait3A_214, %dma_wait3A_215] : memref<128x128xf32, #tpu.memory_space<vmem>> -> memref<64x128xf32, #tpu.memory_space<vmem>>
    %dma_wait3A_217 = arith.constant 0 : i32
    %dma_wait3A_218 = tpu.memref_slice %arg10[%add3A_114, %dma_wait3A_217] : memref<10240x128xf32, #tpu.memory_space<vmem_shared>> -> memref<64x128xf32, #tpu.memory_space<vmem_shared>>
    %dma_wait3A_219 = arith.constant 0 : i32
    %dma_wait3A_220 = tpu.memref_slice %arg10[%add3A_114, %dma_wait3A_219] : memref<10240x128xf32, #tpu.memory_space<vmem_shared>> -> memref<64x128xf32, #tpu.memory_space<vmem_shared>>
    %dma_wait3A_221 = arith.constant 0 : i32
    %dma_wait3A_222 = arith.constant 0 : i32
    %dma_wait3A_223 = tpu.memref_slice %arg8[%dma_wait3A_221, %dma_wait3A_222] : memref<128x128xf32, #tpu.memory_space<vmem>> -> memref<64x128xf32, #tpu.memory_space<vmem>>
    tpu.wait_dma2 semaphore(%arg11 : memref<!tpu.dma_semaphore, #tpu.memory_space<semaphore_mem>>) src(%dma_wait3A_223 : memref<64x128xf32, #tpu.memory_space<vmem>>) dst(%dma_wait3A_220 : memref<64x128xf32, #tpu.memory_space<vmem_shared>>)
    %barrier3A = arith.constant 0 : index
    tpu.barrier barrier_id(%barrier3A)
    %scan3A_224 = arith.constant 0 : i32
    %scan3A_225 = arith.constant 0 : i32
    %scan3A_226 = arith.constant 5 : i32
    %scan3A_227 = arith.addi %scan3A_225, %scan3A_226 : i32
    %scan3A_228 = arith.constant 1 : i32
    scf.for %scan3A_240 = %scan3A_225 to %scan3A_227 step %scan3A_228  : i32 {
      %eq3A_241 = arith.constant 0 : i32
      %eq3A_242 = arith.cmpi eq, %arg0, %eq3A_241 : i32
      %convert_element_type3A_243 = arith.extui %eq3A_242 : i1 to i32
      %cond3A_244 = arith.constant 0 : i32
      %cond3A_245 = arith.cmpi ne, %convert_element_type3A_243, %cond3A_244 : i32
      scf.if %cond3A_245 {
        "tpu.region"() ({
          %run_scoped3A = tpu.sem_alloc : memref<!tpu.dma_semaphore, #tpu.memory_space<semaphore_mem>>
          %dma_start3A_699 = arith.constant 0 : i32
          %dma_start3A_700 = arith.constant 0 : i32
          %dma_start3A_701 = tpu.memref_slice %arg2[%arg1, %scan3A_240, %dma_start3A_699, %dma_start3A_700] : memref<16x5x32x128xi32, #tpu.memory_space<hbm>> -> memref<1x1x32x128xi32, #tpu.memory_space<hbm>>
          %dma_start3A_702 = tpu.memref_squeeze %dma_start3A_701 : memref<1x1x32x128xi32, #tpu.memory_space<hbm>> -> memref<32x128xi32, #tpu.memory_space<hbm>>
          %dma_start3A_703 = arith.constant 0 : i32
          %dma_start3A_704 = arith.constant 0 : i32
          %dma_start3A_705 = tpu.memref_slice %arg2[%arg1, %scan3A_240, %dma_start3A_703, %dma_start3A_704] : memref<16x5x32x128xi32, #tpu.memory_space<hbm>> -> memref<1x1x32x128xi32, #tpu.memory_space<hbm>>
          %dma_start3A_706 = tpu.memref_squeeze %dma_start3A_705 : memref<1x1x32x128xi32, #tpu.memory_space<hbm>> -> memref<32x128xi32, #tpu.memory_space<hbm>>
          tpu.enqueue_dma source(%dma_start3A_706 : memref<32x128xi32, #tpu.memory_space<hbm>>) target(%arg7 : memref<32x128xi32, #tpu.memory_space<vmem>>) target_semaphore(%run_scoped3A : memref<!tpu.dma_semaphore, #tpu.memory_space<semaphore_mem>>)
          %dma_wait3A_707 = arith.constant 0 : i32
          %dma_wait3A_708 = arith.constant 0 : i32
          %dma_wait3A_709 = tpu.memref_slice %arg2[%arg1, %scan3A_240, %dma_wait3A_707, %dma_wait3A_708] : memref<16x5x32x128xi32, #tpu.memory_space<hbm>> -> memref<1x1x32x128xi32, #tpu.memory_space<hbm>>
          %dma_wait3A_710 = tpu.memref_squeeze %dma_wait3A_709 : memref<1x1x32x128xi32, #tpu.memory_space<hbm>> -> memref<32x128xi32, #tpu.memory_space<hbm>>
          %dma_wait3A_711 = arith.constant 0 : i32
          %dma_wait3A_712 = arith.constant 0 : i32
          %dma_wait3A_713 = tpu.memref_slice %arg2[%arg1, %scan3A_240, %dma_wait3A_711, %dma_wait3A_712] : memref<16x5x32x128xi32, #tpu.memory_space<hbm>> -> memref<1x1x32x128xi32, #tpu.memory_space<hbm>>
          %dma_wait3A_714 = tpu.memref_squeeze %dma_wait3A_713 : memref<1x1x32x128xi32, #tpu.memory_space<hbm>> -> memref<32x128xi32, #tpu.memory_space<hbm>>
          tpu.wait_dma2 semaphore(%run_scoped3A : memref<!tpu.dma_semaphore, #tpu.memory_space<semaphore_mem>>) src(%dma_wait3A_714 : memref<32x128xi32, #tpu.memory_space<hbm>>) dst(%arg7 : memref<32x128xi32, #tpu.memory_space<vmem>>)
          tpu.yield
        }) : () -> ()
      } else {
      }
      %eq3A_246 = arith.constant 1 : i32
      %eq3A_247 = arith.cmpi eq, %arg0, %eq3A_246 : i32
      %convert_element_type3A_248 = arith.extui %eq3A_247 : i1 to i32
      %cond3A_249 = arith.constant 0 : i32
      %cond3A_250 = arith.cmpi ne, %convert_element_type3A_248, %cond3A_249 : i32
      scf.if %cond3A_250 {
        "tpu.region"() ({
          %run_scoped3A = tpu.sem_alloc : memref<!tpu.dma_semaphore, #tpu.memory_space<semaphore_mem>>
          %dma_start3A_699 = arith.constant 0 : i32
          %dma_start3A_700 = arith.constant 0 : i32
          %dma_start3A_701 = tpu.memref_slice %arg3[%arg1, %scan3A_240, %dma_start3A_699, %dma_start3A_700] : memref<16x5x32x128xi32, #tpu.memory_space<hbm>> -> memref<1x1x32x128xi32, #tpu.memory_space<hbm>>
          %dma_start3A_702 = tpu.memref_squeeze %dma_start3A_701 : memref<1x1x32x128xi32, #tpu.memory_space<hbm>> -> memref<32x128xi32, #tpu.memory_space<hbm>>
          %dma_start3A_703 = arith.constant 0 : i32
          %dma_start3A_704 = arith.constant 0 : i32
          %dma_start3A_705 = tpu.memref_slice %arg3[%arg1, %scan3A_240, %dma_start3A_703, %dma_start3A_704] : memref<16x5x32x128xi32, #tpu.memory_space<hbm>> -> memref<1x1x32x128xi32, #tpu.memory_space<hbm>>
          %dma_start3A_706 = tpu.memref_squeeze %dma_start3A_705 : memref<1x1x32x128xi32, #tpu.memory_space<hbm>> -> memref<32x128xi32, #tpu.memory_space<hbm>>
          tpu.enqueue_dma source(%dma_start3A_706 : memref<32x128xi32, #tpu.memory_space<hbm>>) target(%arg7 : memref<32x128xi32, #tpu.memory_space<vmem>>) target_semaphore(%run_scoped3A : memref<!tpu.dma_semaphore, #tpu.memory_space<semaphore_mem>>)
          %dma_wait3A_707 = arith.constant 0 : i32
          %dma_wait3A_708 = arith.constant 0 : i32
          %dma_wait3A_709 = tpu.memref_slice %arg3[%arg1, %scan3A_240, %dma_wait3A_707, %dma_wait3A_708] : memref<16x5x32x128xi32, #tpu.memory_space<hbm>> -> memref<1x1x32x128xi32, #tpu.memory_space<hbm>>
          %dma_wait3A_710 = tpu.memref_squeeze %dma_wait3A_709 : memref<1x1x32x128xi32, #tpu.memory_space<hbm>> -> memref<32x128xi32, #tpu.memory_space<hbm>>
          %dma_wait3A_711 = arith.constant 0 : i32
          %dma_wait3A_712 = arith.constant 0 : i32
          %dma_wait3A_713 = tpu.memref_slice %arg3[%arg1, %scan3A_240, %dma_wait3A_711, %dma_wait3A_712] : memref<16x5x32x128xi32, #tpu.memory_space<hbm>> -> memref<1x1x32x128xi32, #tpu.memory_space<hbm>>
          %dma_wait3A_714 = tpu.memref_squeeze %dma_wait3A_713 : memref<1x1x32x128xi32, #tpu.memory_space<hbm>> -> memref<32x128xi32, #tpu.memory_space<hbm>>
          tpu.wait_dma2 semaphore(%run_scoped3A : memref<!tpu.dma_semaphore, #tpu.memory_space<semaphore_mem>>) src(%dma_wait3A_714 : memref<32x128xi32, #tpu.memory_space<hbm>>) dst(%arg7 : memref<32x128xi32, #tpu.memory_space<vmem>>)
          tpu.yield
        }) : () -> ()
      } else {
      }
      %dma_start3A_251 = arith.constant 0 : i32
      %dma_start3A_252 = arith.constant 0 : i32
      %dma_start3A_253 = tpu.memref_slice %arg7[%dma_start3A_251, %dma_start3A_252] : memref<32x128xi32, #tpu.memory_space<vmem>> -> memref<1x128xi32, #tpu.memory_space<vmem>>
      %dma_start3A_254 = tpu.memref_squeeze %dma_start3A_253 : memref<1x128xi32, #tpu.memory_space<vmem>> -> memref<128xi32, #tpu.memory_space<vmem>>
      %dma_start3A_255 = arith.constant 0 : i32
      %dma_start3A_256 = arith.constant 0 : i32
      %dma_start3A_257 = tpu.memref_slice %arg4[%dma_start3A_255, %dma_start3A_256] : memref<20000x128xf32, #tpu.memory_space<hbm>> -> memref<20000x128xf32, #tpu.memory_space<hbm>>
      tpu.enqueue_indirect_dma source(%dma_start3A_257 : memref<20000x128xf32, #tpu.memory_space<hbm>>) target(%arg8 : memref<128x128xf32, #tpu.memory_space<vmem>>) offsets(%dma_start3A_254 : memref<128xi32, #tpu.memory_space<vmem>>) semaphore(%arg11 : memref<!tpu.dma_semaphore, #tpu.memory_space<semaphore_mem>>)
      %dma_start3A_258 = arith.constant 1 : i32
      %dma_start3A_259 = arith.constant 0 : i32
      %dma_start3A_260 = tpu.memref_slice %arg7[%dma_start3A_258, %dma_start3A_259] : memref<32x128xi32, #tpu.memory_space<vmem>> -> memref<1x128xi32, #tpu.memory_space<vmem>>
      %dma_start3A_261 = tpu.memref_squeeze %dma_start3A_260 : memref<1x128xi32, #tpu.memory_space<vmem>> -> memref<128xi32, #tpu.memory_space<vmem>>
      %dma_start3A_262 = arith.constant 0 : i32
      %dma_start3A_263 = arith.constant 0 : i32
      %dma_start3A_264 = tpu.memref_slice %arg4[%dma_start3A_262, %dma_start3A_263] : memref<20000x128xf32, #tpu.memory_space<hbm>> -> memref<20000x128xf32, #tpu.memory_space<hbm>>
      tpu.enqueue_indirect_dma source(%dma_start3A_264 : memref<20000x128xf32, #tpu.memory_space<hbm>>) target(%arg9 : memref<128x128xf32, #tpu.memory_space<vmem>>) offsets(%dma_start3A_261 : memref<128xi32, #tpu.memory_space<vmem>>) semaphore(%arg12 : memref<!tpu.dma_semaphore, #tpu.memory_space<semaphore_mem>>)
      %dma_wait3A_265 = arith.constant 0 : i32
      %dma_wait3A_266 = arith.constant 0 : i32
      %dma_wait3A_267 = tpu.memref_slice %arg7[%dma_wait3A_265, %dma_wait3A_266] : memref<32x128xi32, #tpu.memory_space<vmem>> -> memref<1x128xi32, #tpu.memory_space<vmem>>
      %dma_wait3A_268 = tpu.memref_squeeze %dma_wait3A_267 : memref<1x128xi32, #tpu.memory_space<vmem>> -> memref<128xi32, #tpu.memory_space<vmem>>
      %dma_wait3A_269 = arith.constant 0 : i32
      %dma_wait3A_270 = arith.constant 0 : i32
      %dma_wait3A_271 = tpu.memref_slice %arg4[%dma_wait3A_269, %dma_wait3A_270] : memref<20000x128xf32, #tpu.memory_space<hbm>> -> memref<20000x128xf32, #tpu.memory_space<hbm>>
      tpu.wait_indirect_dma semaphore(%arg11 : memref<!tpu.dma_semaphore, #tpu.memory_space<semaphore_mem>>) src(%dma_wait3A_271 : memref<20000x128xf32, #tpu.memory_space<hbm>>) dst(%arg8 : memref<128x128xf32, #tpu.memory_space<vmem>>)
      %dma_start3A_272 = arith.constant 8 : i32
      %dma_start3A_273 = arith.constant 0 : i32
      %dma_start3A_274 = tpu.memref_slice %arg7[%dma_start3A_272, %dma_start3A_273] : memref<32x128xi32, #tpu.memory_space<vmem>> -> memref<1x128xi32, #tpu.memory_space<vmem>>
      %dma_start3A_275 = tpu.memref_squeeze %dma_start3A_274 : memref<1x128xi32, #tpu.memory_space<vmem>> -> memref<128xi32, #tpu.memory_space<vmem>>
      %dma_start3A_276 = arith.constant 0 : i32
      %dma_start3A_277 = arith.constant 0 : i32
      %dma_start3A_278 = tpu.memref_slice %arg10[%dma_start3A_276, %dma_start3A_277] : memref<10240x128xf32, #tpu.memory_space<vmem_shared>> -> memref<10240x128xf32, #tpu.memory_space<vmem_shared>>
      tpu.enqueue_indirect_dma source(%arg8 : memref<128x128xf32, #tpu.memory_space<vmem>>) target(%dma_start3A_278 : memref<10240x128xf32, #tpu.memory_space<vmem_shared>>) offsets(%dma_start3A_275 : memref<128xi32, #tpu.memory_space<vmem>>) semaphore(%arg13 : memref<!tpu.dma_semaphore, #tpu.memory_space<semaphore_mem>>) {add = true}
      %dma_wait3A_279 = arith.constant 8 : i32
      %dma_wait3A_280 = arith.constant 0 : i32
      %dma_wait3A_281 = tpu.memref_slice %arg7[%dma_wait3A_279, %dma_wait3A_280] : memref<32x128xi32, #tpu.memory_space<vmem>> -> memref<1x128xi32, #tpu.memory_space<vmem>>
      %dma_wait3A_282 = tpu.memref_squeeze %dma_wait3A_281 : memref<1x128xi32, #tpu.memory_space<vmem>> -> memref<128xi32, #tpu.memory_space<vmem>>
      %dma_wait3A_283 = arith.constant 0 : i32
      %dma_wait3A_284 = arith.constant 0 : i32
      %dma_wait3A_285 = tpu.memref_slice %arg10[%dma_wait3A_283, %dma_wait3A_284] : memref<10240x128xf32, #tpu.memory_space<vmem_shared>> -> memref<10240x128xf32, #tpu.memory_space<vmem_shared>>
      tpu.wait_indirect_dma semaphore(%arg13 : memref<!tpu.dma_semaphore, #tpu.memory_space<semaphore_mem>>) src(%arg8 : memref<128x128xf32, #tpu.memory_space<vmem>>) dst(%dma_wait3A_285 : memref<10240x128xf32, #tpu.memory_space<vmem_shared>>)
      %dma_start3A_286 = arith.constant 2 : i32
      %dma_start3A_287 = arith.constant 0 : i32
      %dma_start3A_288 = tpu.memref_slice %arg7[%dma_start3A_286, %dma_start3A_287] : memref<32x128xi32, #tpu.memory_space<vmem>> -> memref<1x128xi32, #tpu.memory_space<vmem>>
      %dma_start3A_289 = tpu.memref_squeeze %dma_start3A_288 : memref<1x128xi32, #tpu.memory_space<vmem>> -> memref<128xi32, #tpu.memory_space<vmem>>
      %dma_start3A_290 = arith.constant 0 : i32
      %dma_start3A_291 = arith.constant 0 : i32
      %dma_start3A_292 = tpu.memref_slice %arg4[%dma_start3A_290, %dma_start3A_291] : memref<20000x128xf32, #tpu.memory_space<hbm>> -> memref<20000x128xf32, #tpu.memory_space<hbm>>
      tpu.enqueue_indirect_dma source(%dma_start3A_292 : memref<20000x128xf32, #tpu.memory_space<hbm>>) target(%arg8 : memref<128x128xf32, #tpu.memory_space<vmem>>) offsets(%dma_start3A_289 : memref<128xi32, #tpu.memory_space<vmem>>) semaphore(%arg11 : memref<!tpu.dma_semaphore, #tpu.memory_space<semaphore_mem>>)
      %dma_wait3A_293 = arith.constant 1 : i32
      %dma_wait3A_294 = arith.constant 0 : i32
      %dma_wait3A_295 = tpu.memref_slice %arg7[%dma_wait3A_293, %dma_wait3A_294] : memref<32x128xi32, #tpu.memory_space<vmem>> -> memref<1x128xi32, #tpu.memory_space<vmem>>
      %dma_wait3A_296 = tpu.memref_squeeze %dma_wait3A_295 : memref<1x128xi32, #tpu.memory_space<vmem>> -> memref<128xi32, #tpu.memory_space<vmem>>
      %dma_wait3A_297 = arith.constant 0 : i32
      %dma_wait3A_298 = arith.constant 0 : i32
      %dma_wait3A_299 = tpu.memref_slice %arg4[%dma_wait3A_297, %dma_wait3A_298] : memref<20000x128xf32, #tpu.memory_space<hbm>> -> memref<20000x128xf32, #tpu.memory_space<hbm>>
      tpu.wait_indirect_dma semaphore(%arg12 : memref<!tpu.dma_semaphore, #tpu.memory_space<semaphore_mem>>) src(%dma_wait3A_299 : memref<20000x128xf32, #tpu.memory_space<hbm>>) dst(%arg9 : memref<128x128xf32, #tpu.memory_space<vmem>>)
      %dma_start3A_300 = arith.constant 9 : i32
      %dma_start3A_301 = arith.constant 0 : i32
      %dma_start3A_302 = tpu.memref_slice %arg7[%dma_start3A_300, %dma_start3A_301] : memref<32x128xi32, #tpu.memory_space<vmem>> -> memref<1x128xi32, #tpu.memory_space<vmem>>
      %dma_start3A_303 = tpu.memref_squeeze %dma_start3A_302 : memref<1x128xi32, #tpu.memory_space<vmem>> -> memref<128xi32, #tpu.memory_space<vmem>>
      %dma_start3A_304 = arith.constant 0 : i32
      %dma_start3A_305 = arith.constant 0 : i32
      %dma_start3A_306 = tpu.memref_slice %arg10[%dma_start3A_304, %dma_start3A_305] : memref<10240x128xf32, #tpu.memory_space<vmem_shared>> -> memref<10240x128xf32, #tpu.memory_space<vmem_shared>>
      tpu.enqueue_indirect_dma source(%arg9 : memref<128x128xf32, #tpu.memory_space<vmem>>) target(%dma_start3A_306 : memref<10240x128xf32, #tpu.memory_space<vmem_shared>>) offsets(%dma_start3A_303 : memref<128xi32, #tpu.memory_space<vmem>>) semaphore(%arg14 : memref<!tpu.dma_semaphore, #tpu.memory_space<semaphore_mem>>) {add = true}
      %dma_wait3A_307 = arith.constant 9 : i32
      %dma_wait3A_308 = arith.constant 0 : i32
      %dma_wait3A_309 = tpu.memref_slice %arg7[%dma_wait3A_307, %dma_wait3A_308] : memref<32x128xi32, #tpu.memory_space<vmem>> -> memref<1x128xi32, #tpu.memory_space<vmem>>
      %dma_wait3A_310 = tpu.memref_squeeze %dma_wait3A_309 : memref<1x128xi32, #tpu.memory_space<vmem>> -> memref<128xi32, #tpu.memory_space<vmem>>
      %dma_wait3A_311 = arith.constant 0 : i32
      %dma_wait3A_312 = arith.constant 0 : i32
      %dma_wait3A_313 = tpu.memref_slice %arg10[%dma_wait3A_311, %dma_wait3A_312] : memref<10240x128xf32, #tpu.memory_space<vmem_shared>> -> memref<10240x128xf32, #tpu.memory_space<vmem_shared>>
      tpu.wait_indirect_dma semaphore(%arg14 : memref<!tpu.dma_semaphore, #tpu.memory_space<semaphore_mem>>) src(%arg9 : memref<128x128xf32, #tpu.memory_space<vmem>>) dst(%dma_wait3A_313 : memref<10240x128xf32, #tpu.memory_space<vmem_shared>>)
      %dma_start3A_314 = arith.constant 3 : i32
      %dma_start3A_315 = arith.constant 0 : i32
      %dma_start3A_316 = tpu.memref_slice %arg7[%dma_start3A_314, %dma_start3A_315] : memref<32x128xi32, #tpu.memory_space<vmem>> -> memref<1x128xi32, #tpu.memory_space<vmem>>
      %dma_start3A_317 = tpu.memref_squeeze %dma_start3A_316 : memref<1x128xi32, #tpu.memory_space<vmem>> -> memref<128xi32, #tpu.memory_space<vmem>>
      %dma_start3A_318 = arith.constant 0 : i32
      %dma_start3A_319 = arith.constant 0 : i32
      %dma_start3A_320 = tpu.memref_slice %arg4[%dma_start3A_318, %dma_start3A_319] : memref<20000x128xf32, #tpu.memory_space<hbm>> -> memref<20000x128xf32, #tpu.memory_space<hbm>>
      tpu.enqueue_indirect_dma source(%dma_start3A_320 : memref<20000x128xf32, #tpu.memory_space<hbm>>) target(%arg9 : memref<128x128xf32, #tpu.memory_space<vmem>>) offsets(%dma_start3A_317 : memref<128xi32, #tpu.memory_space<vmem>>) semaphore(%arg12 : memref<!tpu.dma_semaphore, #tpu.memory_space<semaphore_mem>>)
      %dma_wait3A_321 = arith.constant 2 : i32
      %dma_wait3A_322 = arith.constant 0 : i32
      %dma_wait3A_323 = tpu.memref_slice %arg7[%dma_wait3A_321, %dma_wait3A_322] : memref<32x128xi32, #tpu.memory_space<vmem>> -> memref<1x128xi32, #tpu.memory_space<vmem>>
      %dma_wait3A_324 = tpu.memref_squeeze %dma_wait3A_323 : memref<1x128xi32, #tpu.memory_space<vmem>> -> memref<128xi32, #tpu.memory_space<vmem>>
      %dma_wait3A_325 = arith.constant 0 : i32
      %dma_wait3A_326 = arith.constant 0 : i32
      %dma_wait3A_327 = tpu.memref_slice %arg4[%dma_wait3A_325, %dma_wait3A_326] : memref<20000x128xf32, #tpu.memory_space<hbm>> -> memref<20000x128xf32, #tpu.memory_space<hbm>>
      tpu.wait_indirect_dma semaphore(%arg11 : memref<!tpu.dma_semaphore, #tpu.memory_space<semaphore_mem>>) src(%dma_wait3A_327 : memref<20000x128xf32, #tpu.memory_space<hbm>>) dst(%arg8 : memref<128x128xf32, #tpu.memory_space<vmem>>)
      %dma_start3A_328 = arith.constant 10 : i32
      %dma_start3A_329 = arith.constant 0 : i32
      %dma_start3A_330 = tpu.memref_slice %arg7[%dma_start3A_328, %dma_start3A_329] : memref<32x128xi32, #tpu.memory_space<vmem>> -> memref<1x128xi32, #tpu.memory_space<vmem>>
      %dma_start3A_331 = tpu.memref_squeeze %dma_start3A_330 : memref<1x128xi32, #tpu.memory_space<vmem>> -> memref<128xi32, #tpu.memory_space<vmem>>
      %dma_start3A_332 = arith.constant 0 : i32
      %dma_start3A_333 = arith.constant 0 : i32
      %dma_start3A_334 = tpu.memref_slice %arg10[%dma_start3A_332, %dma_start3A_333] : memref<10240x128xf32, #tpu.memory_space<vmem_shared>> -> memref<10240x128xf32, #tpu.memory_space<vmem_shared>>
      tpu.enqueue_indirect_dma source(%arg8 : memref<128x128xf32, #tpu.memory_space<vmem>>) target(%dma_start3A_334 : memref<10240x128xf32, #tpu.memory_space<vmem_shared>>) offsets(%dma_start3A_331 : memref<128xi32, #tpu.memory_space<vmem>>) semaphore(%arg13 : memref<!tpu.dma_semaphore, #tpu.memory_space<semaphore_mem>>) {add = true}
      %dma_wait3A_335 = arith.constant 10 : i32
      %dma_wait3A_336 = arith.constant 0 : i32
      %dma_wait3A_337 = tpu.memref_slice %arg7[%dma_wait3A_335, %dma_wait3A_336] : memref<32x128xi32, #tpu.memory_space<vmem>> -> memref<1x128xi32, #tpu.memory_space<vmem>>
      %dma_wait3A_338 = tpu.memref_squeeze %dma_wait3A_337 : memref<1x128xi32, #tpu.memory_space<vmem>> -> memref<128xi32, #tpu.memory_space<vmem>>
      %dma_wait3A_339 = arith.constant 0 : i32
      %dma_wait3A_340 = arith.constant 0 : i32
      %dma_wait3A_341 = tpu.memref_slice %arg10[%dma_wait3A_339, %dma_wait3A_340] : memref<10240x128xf32, #tpu.memory_space<vmem_shared>> -> memref<10240x128xf32, #tpu.memory_space<vmem_shared>>
      tpu.wait_indirect_dma semaphore(%arg13 : memref<!tpu.dma_semaphore, #tpu.memory_space<semaphore_mem>>) src(%arg8 : memref<128x128xf32, #tpu.memory_space<vmem>>) dst(%dma_wait3A_341 : memref<10240x128xf32, #tpu.memory_space<vmem_shared>>)
      %dma_start3A_342 = arith.constant 4 : i32
      %dma_start3A_343 = arith.constant 0 : i32
      %dma_start3A_344 = tpu.memref_slice %arg7[%dma_start3A_342, %dma_start3A_343] : memref<32x128xi32, #tpu.memory_space<vmem>> -> memref<1x128xi32, #tpu.memory_space<vmem>>
      %dma_start3A_345 = tpu.memref_squeeze %dma_start3A_344 : memref<1x128xi32, #tpu.memory_space<vmem>> -> memref<128xi32, #tpu.memory_space<vmem>>
      %dma_start3A_346 = arith.constant 0 : i32
      %dma_start3A_347 = arith.constant 0 : i32
      %dma_start3A_348 = tpu.memref_slice %arg4[%dma_start3A_346, %dma_start3A_347] : memref<20000x128xf32, #tpu.memory_space<hbm>> -> memref<20000x128xf32, #tpu.memory_space<hbm>>
      tpu.enqueue_indirect_dma source(%dma_start3A_348 : memref<20000x128xf32, #tpu.memory_space<hbm>>) target(%arg8 : memref<128x128xf32, #tpu.memory_space<vmem>>) offsets(%dma_start3A_345 : memref<128xi32, #tpu.memory_space<vmem>>) semaphore(%arg11 : memref<!tpu.dma_semaphore, #tpu.memory_space<semaphore_mem>>)
      %dma_wait3A_349 = arith.constant 3 : i32
      %dma_wait3A_350 = arith.constant 0 : i32
      %dma_wait3A_351 = tpu.memref_slice %arg7[%dma_wait3A_349, %dma_wait3A_350] : memref<32x128xi32, #tpu.memory_space<vmem>> -> memref<1x128xi32, #tpu.memory_space<vmem>>
      %dma_wait3A_352 = tpu.memref_squeeze %dma_wait3A_351 : memref<1x128xi32, #tpu.memory_space<vmem>> -> memref<128xi32, #tpu.memory_space<vmem>>
      %dma_wait3A_353 = arith.constant 0 : i32
      %dma_wait3A_354 = arith.constant 0 : i32
      %dma_wait3A_355 = tpu.memref_slice %arg4[%dma_wait3A_353, %dma_wait3A_354] : memref<20000x128xf32, #tpu.memory_space<hbm>> -> memref<20000x128xf32, #tpu.memory_space<hbm>>
      tpu.wait_indirect_dma semaphore(%arg12 : memref<!tpu.dma_semaphore, #tpu.memory_space<semaphore_mem>>) src(%dma_wait3A_355 : memref<20000x128xf32, #tpu.memory_space<hbm>>) dst(%arg9 : memref<128x128xf32, #tpu.memory_space<vmem>>)
      %dma_start3A_356 = arith.constant 11 : i32
      %dma_start3A_357 = arith.constant 0 : i32
      %dma_start3A_358 = tpu.memref_slice %arg7[%dma_start3A_356, %dma_start3A_357] : memref<32x128xi32, #tpu.memory_space<vmem>> -> memref<1x128xi32, #tpu.memory_space<vmem>>
      %dma_start3A_359 = tpu.memref_squeeze %dma_start3A_358 : memref<1x128xi32, #tpu.memory_space<vmem>> -> memref<128xi32, #tpu.memory_space<vmem>>
      %dma_start3A_360 = arith.constant 0 : i32
      %dma_start3A_361 = arith.constant 0 : i32
      %dma_start3A_362 = tpu.memref_slice %arg10[%dma_start3A_360, %dma_start3A_361] : memref<10240x128xf32, #tpu.memory_space<vmem_shared>> -> memref<10240x128xf32, #tpu.memory_space<vmem_shared>>
      tpu.enqueue_indirect_dma source(%arg9 : memref<128x128xf32, #tpu.memory_space<vmem>>) target(%dma_start3A_362 : memref<10240x128xf32, #tpu.memory_space<vmem_shared>>) offsets(%dma_start3A_359 : memref<128xi32, #tpu.memory_space<vmem>>) semaphore(%arg14 : memref<!tpu.dma_semaphore, #tpu.memory_space<semaphore_mem>>) {add = true}
      %dma_wait3A_363 = arith.constant 11 : i32
      %dma_wait3A_364 = arith.constant 0 : i32
      %dma_wait3A_365 = tpu.memref_slice %arg7[%dma_wait3A_363, %dma_wait3A_364] : memref<32x128xi32, #tpu.memory_space<vmem>> -> memref<1x128xi32, #tpu.memory_space<vmem>>
      %dma_wait3A_366 = tpu.memref_squeeze %dma_wait3A_365 : memref<1x128xi32, #tpu.memory_space<vmem>> -> memref<128xi32, #tpu.memory_space<vmem>>
      %dma_wait3A_367 = arith.constant 0 : i32
      %dma_wait3A_368 = arith.constant 0 : i32
      %dma_wait3A_369 = tpu.memref_slice %arg10[%dma_wait3A_367, %dma_wait3A_368] : memref<10240x128xf32, #tpu.memory_space<vmem_shared>> -> memref<10240x128xf32, #tpu.memory_space<vmem_shared>>
      tpu.wait_indirect_dma semaphore(%arg14 : memref<!tpu.dma_semaphore, #tpu.memory_space<semaphore_mem>>) src(%arg9 : memref<128x128xf32, #tpu.memory_space<vmem>>) dst(%dma_wait3A_369 : memref<10240x128xf32, #tpu.memory_space<vmem_shared>>)
      %dma_start3A_370 = arith.constant 5 : i32
      %dma_start3A_371 = arith.constant 0 : i32
      %dma_start3A_372 = tpu.memref_slice %arg7[%dma_start3A_370, %dma_start3A_371] : memref<32x128xi32, #tpu.memory_space<vmem>> -> memref<1x128xi32, #tpu.memory_space<vmem>>
      %dma_start3A_373 = tpu.memref_squeeze %dma_start3A_372 : memref<1x128xi32, #tpu.memory_space<vmem>> -> memref<128xi32, #tpu.memory_space<vmem>>
      %dma_start3A_374 = arith.constant 0 : i32
      %dma_start3A_375 = arith.constant 0 : i32
      %dma_start3A_376 = tpu.memref_slice %arg4[%dma_start3A_374, %dma_start3A_375] : memref<20000x128xf32, #tpu.memory_space<hbm>> -> memref<20000x128xf32, #tpu.memory_space<hbm>>
      tpu.enqueue_indirect_dma source(%dma_start3A_376 : memref<20000x128xf32, #tpu.memory_space<hbm>>) target(%arg9 : memref<128x128xf32, #tpu.memory_space<vmem>>) offsets(%dma_start3A_373 : memref<128xi32, #tpu.memory_space<vmem>>) semaphore(%arg12 : memref<!tpu.dma_semaphore, #tpu.memory_space<semaphore_mem>>)
      %dma_wait3A_377 = arith.constant 4 : i32
      %dma_wait3A_378 = arith.constant 0 : i32
      %dma_wait3A_379 = tpu.memref_slice %arg7[%dma_wait3A_377, %dma_wait3A_378] : memref<32x128xi32, #tpu.memory_space<vmem>> -> memref<1x128xi32, #tpu.memory_space<vmem>>
      %dma_wait3A_380 = tpu.memref_squeeze %dma_wait3A_379 : memref<1x128xi32, #tpu.memory_space<vmem>> -> memref<128xi32, #tpu.memory_space<vmem>>
      %dma_wait3A_381 = arith.constant 0 : i32
      %dma_wait3A_382 = arith.constant 0 : i32
      %dma_wait3A_383 = tpu.memref_slice %arg4[%dma_wait3A_381, %dma_wait3A_382] : memref<20000x128xf32, #tpu.memory_space<hbm>> -> memref<20000x128xf32, #tpu.memory_space<hbm>>
      tpu.wait_indirect_dma semaphore(%arg11 : memref<!tpu.dma_semaphore, #tpu.memory_space<semaphore_mem>>) src(%dma_wait3A_383 : memref<20000x128xf32, #tpu.memory_space<hbm>>) dst(%arg8 : memref<128x128xf32, #tpu.memory_space<vmem>>)
      %dma_start3A_384 = arith.constant 12 : i32
      %dma_start3A_385 = arith.constant 0 : i32
      %dma_start3A_386 = tpu.memref_slice %arg7[%dma_start3A_384, %dma_start3A_385] : memref<32x128xi32, #tpu.memory_space<vmem>> -> memref<1x128xi32, #tpu.memory_space<vmem>>
      %dma_start3A_387 = tpu.memref_squeeze %dma_start3A_386 : memref<1x128xi32, #tpu.memory_space<vmem>> -> memref<128xi32, #tpu.memory_space<vmem>>
      %dma_start3A_388 = arith.constant 0 : i32
      %dma_start3A_389 = arith.constant 0 : i32
      %dma_start3A_390 = tpu.memref_slice %arg10[%dma_start3A_388, %dma_start3A_389] : memref<10240x128xf32, #tpu.memory_space<vmem_shared>> -> memref<10240x128xf32, #tpu.memory_space<vmem_shared>>
      tpu.enqueue_indirect_dma source(%arg8 : memref<128x128xf32, #tpu.memory_space<vmem>>) target(%dma_start3A_390 : memref<10240x128xf32, #tpu.memory_space<vmem_shared>>) offsets(%dma_start3A_387 : memref<128xi32, #tpu.memory_space<vmem>>) semaphore(%arg13 : memref<!tpu.dma_semaphore, #tpu.memory_space<semaphore_mem>>) {add = true}
      %dma_wait3A_391 = arith.constant 12 : i32
      %dma_wait3A_392 = arith.constant 0 : i32
      %dma_wait3A_393 = tpu.memref_slice %arg7[%dma_wait3A_391, %dma_wait3A_392] : memref<32x128xi32, #tpu.memory_space<vmem>> -> memref<1x128xi32, #tpu.memory_space<vmem>>
      %dma_wait3A_394 = tpu.memref_squeeze %dma_wait3A_393 : memref<1x128xi32, #tpu.memory_space<vmem>> -> memref<128xi32, #tpu.memory_space<vmem>>
      %dma_wait3A_395 = arith.constant 0 : i32
      %dma_wait3A_396 = arith.constant 0 : i32
      %dma_wait3A_397 = tpu.memref_slice %arg10[%dma_wait3A_395, %dma_wait3A_396] : memref<10240x128xf32, #tpu.memory_space<vmem_shared>> -> memref<10240x128xf32, #tpu.memory_space<vmem_shared>>
      tpu.wait_indirect_dma semaphore(%arg13 : memref<!tpu.dma_semaphore, #tpu.memory_space<semaphore_mem>>) src(%arg8 : memref<128x128xf32, #tpu.memory_space<vmem>>) dst(%dma_wait3A_397 : memref<10240x128xf32, #tpu.memory_space<vmem_shared>>)
      %dma_start3A_398 = arith.constant 6 : i32
      %dma_start3A_399 = arith.constant 0 : i32
      %dma_start3A_400 = tpu.memref_slice %arg7[%dma_start3A_398, %dma_start3A_399] : memref<32x128xi32, #tpu.memory_space<vmem>> -> memref<1x128xi32, #tpu.memory_space<vmem>>
      %dma_start3A_401 = tpu.memref_squeeze %dma_start3A_400 : memref<1x128xi32, #tpu.memory_space<vmem>> -> memref<128xi32, #tpu.memory_space<vmem>>
      %dma_start3A_402 = arith.constant 0 : i32
      %dma_start3A_403 = arith.constant 0 : i32
      %dma_start3A_404 = tpu.memref_slice %arg4[%dma_start3A_402, %dma_start3A_403] : memref<20000x128xf32, #tpu.memory_space<hbm>> -> memref<20000x128xf32, #tpu.memory_space<hbm>>
      tpu.enqueue_indirect_dma source(%dma_start3A_404 : memref<20000x128xf32, #tpu.memory_space<hbm>>) target(%arg8 : memref<128x128xf32, #tpu.memory_space<vmem>>) offsets(%dma_start3A_401 : memref<128xi32, #tpu.memory_space<vmem>>) semaphore(%arg11 : memref<!tpu.dma_semaphore, #tpu.memory_space<semaphore_mem>>)
      %dma_wait3A_405 = arith.constant 5 : i32
      %dma_wait3A_406 = arith.constant 0 : i32
      %dma_wait3A_407 = tpu.memref_slice %arg7[%dma_wait3A_405, %dma_wait3A_406] : memref<32x128xi32, #tpu.memory_space<vmem>> -> memref<1x128xi32, #tpu.memory_space<vmem>>
      %dma_wait3A_408 = tpu.memref_squeeze %dma_wait3A_407 : memref<1x128xi32, #tpu.memory_space<vmem>> -> memref<128xi32, #tpu.memory_space<vmem>>
      %dma_wait3A_409 = arith.constant 0 : i32
      %dma_wait3A_410 = arith.constant 0 : i32
      %dma_wait3A_411 = tpu.memref_slice %arg4[%dma_wait3A_409, %dma_wait3A_410] : memref<20000x128xf32, #tpu.memory_space<hbm>> -> memref<20000x128xf32, #tpu.memory_space<hbm>>
      tpu.wait_indirect_dma semaphore(%arg12 : memref<!tpu.dma_semaphore, #tpu.memory_space<semaphore_mem>>) src(%dma_wait3A_411 : memref<20000x128xf32, #tpu.memory_space<hbm>>) dst(%arg9 : memref<128x128xf32, #tpu.memory_space<vmem>>)
      %dma_start3A_412 = arith.constant 13 : i32
      %dma_start3A_413 = arith.constant 0 : i32
      %dma_start3A_414 = tpu.memref_slice %arg7[%dma_start3A_412, %dma_start3A_413] : memref<32x128xi32, #tpu.memory_space<vmem>> -> memref<1x128xi32, #tpu.memory_space<vmem>>
      %dma_start3A_415 = tpu.memref_squeeze %dma_start3A_414 : memref<1x128xi32, #tpu.memory_space<vmem>> -> memref<128xi32, #tpu.memory_space<vmem>>
      %dma_start3A_416 = arith.constant 0 : i32
      %dma_start3A_417 = arith.constant 0 : i32
      %dma_start3A_418 = tpu.memref_slice %arg10[%dma_start3A_416, %dma_start3A_417] : memref<10240x128xf32, #tpu.memory_space<vmem_shared>> -> memref<10240x128xf32, #tpu.memory_space<vmem_shared>>
      tpu.enqueue_indirect_dma source(%arg9 : memref<128x128xf32, #tpu.memory_space<vmem>>) target(%dma_start3A_418 : memref<10240x128xf32, #tpu.memory_space<vmem_shared>>) offsets(%dma_start3A_415 : memref<128xi32, #tpu.memory_space<vmem>>) semaphore(%arg14 : memref<!tpu.dma_semaphore, #tpu.memory_space<semaphore_mem>>) {add = true}
      %dma_wait3A_419 = arith.constant 13 : i32
      %dma_wait3A_420 = arith.constant 0 : i32
      %dma_wait3A_421 = tpu.memref_slice %arg7[%dma_wait3A_419, %dma_wait3A_420] : memref<32x128xi32, #tpu.memory_space<vmem>> -> memref<1x128xi32, #tpu.memory_space<vmem>>
      %dma_wait3A_422 = tpu.memref_squeeze %dma_wait3A_421 : memref<1x128xi32, #tpu.memory_space<vmem>> -> memref<128xi32, #tpu.memory_space<vmem>>
      %dma_wait3A_423 = arith.constant 0 : i32
      %dma_wait3A_424 = arith.constant 0 : i32
      %dma_wait3A_425 = tpu.memref_slice %arg10[%dma_wait3A_423, %dma_wait3A_424] : memref<10240x128xf32, #tpu.memory_space<vmem_shared>> -> memref<10240x128xf32, #tpu.memory_space<vmem_shared>>
      tpu.wait_indirect_dma semaphore(%arg14 : memref<!tpu.dma_semaphore, #tpu.memory_space<semaphore_mem>>) src(%arg9 : memref<128x128xf32, #tpu.memory_space<vmem>>) dst(%dma_wait3A_425 : memref<10240x128xf32, #tpu.memory_space<vmem_shared>>)
      %dma_start3A_426 = arith.constant 7 : i32
      %dma_start3A_427 = arith.constant 0 : i32
      %dma_start3A_428 = tpu.memref_slice %arg7[%dma_start3A_426, %dma_start3A_427] : memref<32x128xi32, #tpu.memory_space<vmem>> -> memref<1x128xi32, #tpu.memory_space<vmem>>
      %dma_start3A_429 = tpu.memref_squeeze %dma_start3A_428 : memref<1x128xi32, #tpu.memory_space<vmem>> -> memref<128xi32, #tpu.memory_space<vmem>>
      %dma_start3A_430 = arith.constant 0 : i32
      %dma_start3A_431 = arith.constant 0 : i32
      %dma_start3A_432 = tpu.memref_slice %arg4[%dma_start3A_430, %dma_start3A_431] : memref<20000x128xf32, #tpu.memory_space<hbm>> -> memref<20000x128xf32, #tpu.memory_space<hbm>>
      tpu.enqueue_indirect_dma source(%dma_start3A_432 : memref<20000x128xf32, #tpu.memory_space<hbm>>) target(%arg9 : memref<128x128xf32, #tpu.memory_space<vmem>>) offsets(%dma_start3A_429 : memref<128xi32, #tpu.memory_space<vmem>>) semaphore(%arg12 : memref<!tpu.dma_semaphore, #tpu.memory_space<semaphore_mem>>)
      %dma_wait3A_433 = arith.constant 6 : i32
      %dma_wait3A_434 = arith.constant 0 : i32
      %dma_wait3A_435 = tpu.memref_slice %arg7[%dma_wait3A_433, %dma_wait3A_434] : memref<32x128xi32, #tpu.memory_space<vmem>> -> memref<1x128xi32, #tpu.memory_space<vmem>>
      %dma_wait3A_436 = tpu.memref_squeeze %dma_wait3A_435 : memref<1x128xi32, #tpu.memory_space<vmem>> -> memref<128xi32, #tpu.memory_space<vmem>>
      %dma_wait3A_437 = arith.constant 0 : i32
      %dma_wait3A_438 = arith.constant 0 : i32
      %dma_wait3A_439 = tpu.memref_slice %arg4[%dma_wait3A_437, %dma_wait3A_438] : memref<20000x128xf32, #tpu.memory_space<hbm>> -> memref<20000x128xf32, #tpu.memory_space<hbm>>
      tpu.wait_indirect_dma semaphore(%arg11 : memref<!tpu.dma_semaphore, #tpu.memory_space<semaphore_mem>>) src(%dma_wait3A_439 : memref<20000x128xf32, #tpu.memory_space<hbm>>) dst(%arg8 : memref<128x128xf32, #tpu.memory_space<vmem>>)
      %dma_start3A_440 = arith.constant 14 : i32
      %dma_start3A_441 = arith.constant 0 : i32
      %dma_start3A_442 = tpu.memref_slice %arg7[%dma_start3A_440, %dma_start3A_441] : memref<32x128xi32, #tpu.memory_space<vmem>> -> memref<1x128xi32, #tpu.memory_space<vmem>>
      %dma_start3A_443 = tpu.memref_squeeze %dma_start3A_442 : memref<1x128xi32, #tpu.memory_space<vmem>> -> memref<128xi32, #tpu.memory_space<vmem>>
      %dma_start3A_444 = arith.constant 0 : i32
      %dma_start3A_445 = arith.constant 0 : i32
      %dma_start3A_446 = tpu.memref_slice %arg10[%dma_start3A_444, %dma_start3A_445] : memref<10240x128xf32, #tpu.memory_space<vmem_shared>> -> memref<10240x128xf32, #tpu.memory_space<vmem_shared>>
      tpu.enqueue_indirect_dma source(%arg8 : memref<128x128xf32, #tpu.memory_space<vmem>>) target(%dma_start3A_446 : memref<10240x128xf32, #tpu.memory_space<vmem_shared>>) offsets(%dma_start3A_443 : memref<128xi32, #tpu.memory_space<vmem>>) semaphore(%arg13 : memref<!tpu.dma_semaphore, #tpu.memory_space<semaphore_mem>>) {add = true}
      %dma_wait3A_447 = arith.constant 14 : i32
      %dma_wait3A_448 = arith.constant 0 : i32
      %dma_wait3A_449 = tpu.memref_slice %arg7[%dma_wait3A_447, %dma_wait3A_448] : memref<32x128xi32, #tpu.memory_space<vmem>> -> memref<1x128xi32, #tpu.memory_space<vmem>>
      %dma_wait3A_450 = tpu.memref_squeeze %dma_wait3A_449 : memref<1x128xi32, #tpu.memory_space<vmem>> -> memref<128xi32, #tpu.memory_space<vmem>>
      %dma_wait3A_451 = arith.constant 0 : i32
      %dma_wait3A_452 = arith.constant 0 : i32
      %dma_wait3A_453 = tpu.memref_slice %arg10[%dma_wait3A_451, %dma_wait3A_452] : memref<10240x128xf32, #tpu.memory_space<vmem_shared>> -> memref<10240x128xf32, #tpu.memory_space<vmem_shared>>
      tpu.wait_indirect_dma semaphore(%arg13 : memref<!tpu.dma_semaphore, #tpu.memory_space<semaphore_mem>>) src(%arg8 : memref<128x128xf32, #tpu.memory_space<vmem>>) dst(%dma_wait3A_453 : memref<10240x128xf32, #tpu.memory_space<vmem_shared>>)
      %dma_start3A_454 = arith.constant 16 : i32
      %dma_start3A_455 = arith.constant 0 : i32
      %dma_start3A_456 = tpu.memref_slice %arg7[%dma_start3A_454, %dma_start3A_455] : memref<32x128xi32, #tpu.memory_space<vmem>> -> memref<1x128xi32, #tpu.memory_space<vmem>>
      %dma_start3A_457 = tpu.memref_squeeze %dma_start3A_456 : memref<1x128xi32, #tpu.memory_space<vmem>> -> memref<128xi32, #tpu.memory_space<vmem>>
      %dma_start3A_458 = arith.constant 0 : i32
      %dma_start3A_459 = arith.constant 0 : i32
      %dma_start3A_460 = tpu.memref_slice %arg4[%dma_start3A_458, %dma_start3A_459] : memref<20000x128xf32, #tpu.memory_space<hbm>> -> memref<20000x128xf32, #tpu.memory_space<hbm>>
      tpu.enqueue_indirect_dma source(%dma_start3A_460 : memref<20000x128xf32, #tpu.memory_space<hbm>>) target(%arg8 : memref<128x128xf32, #tpu.memory_space<vmem>>) offsets(%dma_start3A_457 : memref<128xi32, #tpu.memory_space<vmem>>) semaphore(%arg11 : memref<!tpu.dma_semaphore, #tpu.memory_space<semaphore_mem>>)
      %dma_wait3A_461 = arith.constant 7 : i32
      %dma_wait3A_462 = arith.constant 0 : i32
      %dma_wait3A_463 = tpu.memref_slice %arg7[%dma_wait3A_461, %dma_wait3A_462] : memref<32x128xi32, #tpu.memory_space<vmem>> -> memref<1x128xi32, #tpu.memory_space<vmem>>
      %dma_wait3A_464 = tpu.memref_squeeze %dma_wait3A_463 : memref<1x128xi32, #tpu.memory_space<vmem>> -> memref<128xi32, #tpu.memory_space<vmem>>
      %dma_wait3A_465 = arith.constant 0 : i32
      %dma_wait3A_466 = arith.constant 0 : i32
      %dma_wait3A_467 = tpu.memref_slice %arg4[%dma_wait3A_465, %dma_wait3A_466] : memref<20000x128xf32, #tpu.memory_space<hbm>> -> memref<20000x128xf32, #tpu.memory_space<hbm>>
      tpu.wait_indirect_dma semaphore(%arg12 : memref<!tpu.dma_semaphore, #tpu.memory_space<semaphore_mem>>) src(%dma_wait3A_467 : memref<20000x128xf32, #tpu.memory_space<hbm>>) dst(%arg9 : memref<128x128xf32, #tpu.memory_space<vmem>>)
      %dma_start3A_468 = arith.constant 15 : i32
      %dma_start3A_469 = arith.constant 0 : i32
      %dma_start3A_470 = tpu.memref_slice %arg7[%dma_start3A_468, %dma_start3A_469] : memref<32x128xi32, #tpu.memory_space<vmem>> -> memref<1x128xi32, #tpu.memory_space<vmem>>
      %dma_start3A_471 = tpu.memref_squeeze %dma_start3A_470 : memref<1x128xi32, #tpu.memory_space<vmem>> -> memref<128xi32, #tpu.memory_space<vmem>>
      %dma_start3A_472 = arith.constant 0 : i32
      %dma_start3A_473 = arith.constant 0 : i32
      %dma_start3A_474 = tpu.memref_slice %arg10[%dma_start3A_472, %dma_start3A_473] : memref<10240x128xf32, #tpu.memory_space<vmem_shared>> -> memref<10240x128xf32, #tpu.memory_space<vmem_shared>>
      tpu.enqueue_indirect_dma source(%arg9 : memref<128x128xf32, #tpu.memory_space<vmem>>) target(%dma_start3A_474 : memref<10240x128xf32, #tpu.memory_space<vmem_shared>>) offsets(%dma_start3A_471 : memref<128xi32, #tpu.memory_space<vmem>>) semaphore(%arg14 : memref<!tpu.dma_semaphore, #tpu.memory_space<semaphore_mem>>) {add = true}
      %dma_wait3A_475 = arith.constant 15 : i32
      %dma_wait3A_476 = arith.constant 0 : i32
      %dma_wait3A_477 = tpu.memref_slice %arg7[%dma_wait3A_475, %dma_wait3A_476] : memref<32x128xi32, #tpu.memory_space<vmem>> -> memref<1x128xi32, #tpu.memory_space<vmem>>
      %dma_wait3A_478 = tpu.memref_squeeze %dma_wait3A_477 : memref<1x128xi32, #tpu.memory_space<vmem>> -> memref<128xi32, #tpu.memory_space<vmem>>
      %dma_wait3A_479 = arith.constant 0 : i32
      %dma_wait3A_480 = arith.constant 0 : i32
      %dma_wait3A_481 = tpu.memref_slice %arg10[%dma_wait3A_479, %dma_wait3A_480] : memref<10240x128xf32, #tpu.memory_space<vmem_shared>> -> memref<10240x128xf32, #tpu.memory_space<vmem_shared>>
      tpu.wait_indirect_dma semaphore(%arg14 : memref<!tpu.dma_semaphore, #tpu.memory_space<semaphore_mem>>) src(%arg9 : memref<128x128xf32, #tpu.memory_space<vmem>>) dst(%dma_wait3A_481 : memref<10240x128xf32, #tpu.memory_space<vmem_shared>>)
      %dma_start3A_482 = arith.constant 17 : i32
      %dma_start3A_483 = arith.constant 0 : i32
      %dma_start3A_484 = tpu.memref_slice %arg7[%dma_start3A_482, %dma_start3A_483] : memref<32x128xi32, #tpu.memory_space<vmem>> -> memref<1x128xi32, #tpu.memory_space<vmem>>
      %dma_start3A_485 = tpu.memref_squeeze %dma_start3A_484 : memref<1x128xi32, #tpu.memory_space<vmem>> -> memref<128xi32, #tpu.memory_space<vmem>>
      %dma_start3A_486 = arith.constant 0 : i32
      %dma_start3A_487 = arith.constant 0 : i32
      %dma_start3A_488 = tpu.memref_slice %arg4[%dma_start3A_486, %dma_start3A_487] : memref<20000x128xf32, #tpu.memory_space<hbm>> -> memref<20000x128xf32, #tpu.memory_space<hbm>>
      tpu.enqueue_indirect_dma source(%dma_start3A_488 : memref<20000x128xf32, #tpu.memory_space<hbm>>) target(%arg9 : memref<128x128xf32, #tpu.memory_space<vmem>>) offsets(%dma_start3A_485 : memref<128xi32, #tpu.memory_space<vmem>>) semaphore(%arg12 : memref<!tpu.dma_semaphore, #tpu.memory_space<semaphore_mem>>)
      %dma_wait3A_489 = arith.constant 16 : i32
      %dma_wait3A_490 = arith.constant 0 : i32
      %dma_wait3A_491 = tpu.memref_slice %arg7[%dma_wait3A_489, %dma_wait3A_490] : memref<32x128xi32, #tpu.memory_space<vmem>> -> memref<1x128xi32, #tpu.memory_space<vmem>>
      %dma_wait3A_492 = tpu.memref_squeeze %dma_wait3A_491 : memref<1x128xi32, #tpu.memory_space<vmem>> -> memref<128xi32, #tpu.memory_space<vmem>>
      %dma_wait3A_493 = arith.constant 0 : i32
      %dma_wait3A_494 = arith.constant 0 : i32
      %dma_wait3A_495 = tpu.memref_slice %arg4[%dma_wait3A_493, %dma_wait3A_494] : memref<20000x128xf32, #tpu.memory_space<hbm>> -> memref<20000x128xf32, #tpu.memory_space<hbm>>
      tpu.wait_indirect_dma semaphore(%arg11 : memref<!tpu.dma_semaphore, #tpu.memory_space<semaphore_mem>>) src(%dma_wait3A_495 : memref<20000x128xf32, #tpu.memory_space<hbm>>) dst(%arg8 : memref<128x128xf32, #tpu.memory_space<vmem>>)
      %dma_start3A_496 = arith.constant 24 : i32
      %dma_start3A_497 = arith.constant 0 : i32
      %dma_start3A_498 = tpu.memref_slice %arg7[%dma_start3A_496, %dma_start3A_497] : memref<32x128xi32, #tpu.memory_space<vmem>> -> memref<1x128xi32, #tpu.memory_space<vmem>>
      %dma_start3A_499 = tpu.memref_squeeze %dma_start3A_498 : memref<1x128xi32, #tpu.memory_space<vmem>> -> memref<128xi32, #tpu.memory_space<vmem>>
      %dma_start3A_500 = arith.constant 0 : i32
      %dma_start3A_501 = arith.constant 0 : i32
      %dma_start3A_502 = tpu.memref_slice %arg10[%dma_start3A_500, %dma_start3A_501] : memref<10240x128xf32, #tpu.memory_space<vmem_shared>> -> memref<10240x128xf32, #tpu.memory_space<vmem_shared>>
      tpu.enqueue_indirect_dma source(%arg8 : memref<128x128xf32, #tpu.memory_space<vmem>>) target(%dma_start3A_502 : memref<10240x128xf32, #tpu.memory_space<vmem_shared>>) offsets(%dma_start3A_499 : memref<128xi32, #tpu.memory_space<vmem>>) semaphore(%arg13 : memref<!tpu.dma_semaphore, #tpu.memory_space<semaphore_mem>>) {add = true}
      %dma_wait3A_503 = arith.constant 24 : i32
      %dma_wait3A_504 = arith.constant 0 : i32
      %dma_wait3A_505 = tpu.memref_slice %arg7[%dma_wait3A_503, %dma_wait3A_504] : memref<32x128xi32, #tpu.memory_space<vmem>> -> memref<1x128xi32, #tpu.memory_space<vmem>>
      %dma_wait3A_506 = tpu.memref_squeeze %dma_wait3A_505 : memref<1x128xi32, #tpu.memory_space<vmem>> -> memref<128xi32, #tpu.memory_space<vmem>>
      %dma_wait3A_507 = arith.constant 0 : i32
      %dma_wait3A_508 = arith.constant 0 : i32
      %dma_wait3A_509 = tpu.memref_slice %arg10[%dma_wait3A_507, %dma_wait3A_508] : memref<10240x128xf32, #tpu.memory_space<vmem_shared>> -> memref<10240x128xf32, #tpu.memory_space<vmem_shared>>
      tpu.wait_indirect_dma semaphore(%arg13 : memref<!tpu.dma_semaphore, #tpu.memory_space<semaphore_mem>>) src(%arg8 : memref<128x128xf32, #tpu.memory_space<vmem>>) dst(%dma_wait3A_509 : memref<10240x128xf32, #tpu.memory_space<vmem_shared>>)
      %dma_start3A_510 = arith.constant 18 : i32
      %dma_start3A_511 = arith.constant 0 : i32
      %dma_start3A_512 = tpu.memref_slice %arg7[%dma_start3A_510, %dma_start3A_511] : memref<32x128xi32, #tpu.memory_space<vmem>> -> memref<1x128xi32, #tpu.memory_space<vmem>>
      %dma_start3A_513 = tpu.memref_squeeze %dma_start3A_512 : memref<1x128xi32, #tpu.memory_space<vmem>> -> memref<128xi32, #tpu.memory_space<vmem>>
      %dma_start3A_514 = arith.constant 0 : i32
      %dma_start3A_515 = arith.constant 0 : i32
      %dma_start3A_516 = tpu.memref_slice %arg4[%dma_start3A_514, %dma_start3A_515] : memref<20000x128xf32, #tpu.memory_space<hbm>> -> memref<20000x128xf32, #tpu.memory_space<hbm>>
      tpu.enqueue_indirect_dma source(%dma_start3A_516 : memref<20000x128xf32, #tpu.memory_space<hbm>>) target(%arg8 : memref<128x128xf32, #tpu.memory_space<vmem>>) offsets(%dma_start3A_513 : memref<128xi32, #tpu.memory_space<vmem>>) semaphore(%arg11 : memref<!tpu.dma_semaphore, #tpu.memory_space<semaphore_mem>>)
      %dma_wait3A_517 = arith.constant 17 : i32
      %dma_wait3A_518 = arith.constant 0 : i32
      %dma_wait3A_519 = tpu.memref_slice %arg7[%dma_wait3A_517, %dma_wait3A_518] : memref<32x128xi32, #tpu.memory_space<vmem>> -> memref<1x128xi32, #tpu.memory_space<vmem>>
      %dma_wait3A_520 = tpu.memref_squeeze %dma_wait3A_519 : memref<1x128xi32, #tpu.memory_space<vmem>> -> memref<128xi32, #tpu.memory_space<vmem>>
      %dma_wait3A_521 = arith.constant 0 : i32
      %dma_wait3A_522 = arith.constant 0 : i32
      %dma_wait3A_523 = tpu.memref_slice %arg4[%dma_wait3A_521, %dma_wait3A_522] : memref<20000x128xf32, #tpu.memory_space<hbm>> -> memref<20000x128xf32, #tpu.memory_space<hbm>>
      tpu.wait_indirect_dma semaphore(%arg12 : memref<!tpu.dma_semaphore, #tpu.memory_space<semaphore_mem>>) src(%dma_wait3A_523 : memref<20000x128xf32, #tpu.memory_space<hbm>>) dst(%arg9 : memref<128x128xf32, #tpu.memory_space<vmem>>)
      %dma_start3A_524 = arith.constant 25 : i32
      %dma_start3A_525 = arith.constant 0 : i32
      %dma_start3A_526 = tpu.memref_slice %arg7[%dma_start3A_524, %dma_start3A_525] : memref<32x128xi32, #tpu.memory_space<vmem>> -> memref<1x128xi32, #tpu.memory_space<vmem>>
      %dma_start3A_527 = tpu.memref_squeeze %dma_start3A_526 : memref<1x128xi32, #tpu.memory_space<vmem>> -> memref<128xi32, #tpu.memory_space<vmem>>
      %dma_start3A_528 = arith.constant 0 : i32
      %dma_start3A_529 = arith.constant 0 : i32
      %dma_start3A_530 = tpu.memref_slice %arg10[%dma_start3A_528, %dma_start3A_529] : memref<10240x128xf32, #tpu.memory_space<vmem_shared>> -> memref<10240x128xf32, #tpu.memory_space<vmem_shared>>
      tpu.enqueue_indirect_dma source(%arg9 : memref<128x128xf32, #tpu.memory_space<vmem>>) target(%dma_start3A_530 : memref<10240x128xf32, #tpu.memory_space<vmem_shared>>) offsets(%dma_start3A_527 : memref<128xi32, #tpu.memory_space<vmem>>) semaphore(%arg14 : memref<!tpu.dma_semaphore, #tpu.memory_space<semaphore_mem>>) {add = true}
      %dma_wait3A_531 = arith.constant 25 : i32
      %dma_wait3A_532 = arith.constant 0 : i32
      %dma_wait3A_533 = tpu.memref_slice %arg7[%dma_wait3A_531, %dma_wait3A_532] : memref<32x128xi32, #tpu.memory_space<vmem>> -> memref<1x128xi32, #tpu.memory_space<vmem>>
      %dma_wait3A_534 = tpu.memref_squeeze %dma_wait3A_533 : memref<1x128xi32, #tpu.memory_space<vmem>> -> memref<128xi32, #tpu.memory_space<vmem>>
      %dma_wait3A_535 = arith.constant 0 : i32
      %dma_wait3A_536 = arith.constant 0 : i32
      %dma_wait3A_537 = tpu.memref_slice %arg10[%dma_wait3A_535, %dma_wait3A_536] : memref<10240x128xf32, #tpu.memory_space<vmem_shared>> -> memref<10240x128xf32, #tpu.memory_space<vmem_shared>>
      tpu.wait_indirect_dma semaphore(%arg14 : memref<!tpu.dma_semaphore, #tpu.memory_space<semaphore_mem>>) src(%arg9 : memref<128x128xf32, #tpu.memory_space<vmem>>) dst(%dma_wait3A_537 : memref<10240x128xf32, #tpu.memory_space<vmem_shared>>)
      %dma_start3A_538 = arith.constant 19 : i32
      %dma_start3A_539 = arith.constant 0 : i32
      %dma_start3A_540 = tpu.memref_slice %arg7[%dma_start3A_538, %dma_start3A_539] : memref<32x128xi32, #tpu.memory_space<vmem>> -> memref<1x128xi32, #tpu.memory_space<vmem>>
      %dma_start3A_541 = tpu.memref_squeeze %dma_start3A_540 : memref<1x128xi32, #tpu.memory_space<vmem>> -> memref<128xi32, #tpu.memory_space<vmem>>
      %dma_start3A_542 = arith.constant 0 : i32
      %dma_start3A_543 = arith.constant 0 : i32
      %dma_start3A_544 = tpu.memref_slice %arg4[%dma_start3A_542, %dma_start3A_543] : memref<20000x128xf32, #tpu.memory_space<hbm>> -> memref<20000x128xf32, #tpu.memory_space<hbm>>
      tpu.enqueue_indirect_dma source(%dma_start3A_544 : memref<20000x128xf32, #tpu.memory_space<hbm>>) target(%arg9 : memref<128x128xf32, #tpu.memory_space<vmem>>) offsets(%dma_start3A_541 : memref<128xi32, #tpu.memory_space<vmem>>) semaphore(%arg12 : memref<!tpu.dma_semaphore, #tpu.memory_space<semaphore_mem>>)
      %dma_wait3A_545 = arith.constant 18 : i32
      %dma_wait3A_546 = arith.constant 0 : i32
      %dma_wait3A_547 = tpu.memref_slice %arg7[%dma_wait3A_545, %dma_wait3A_546] : memref<32x128xi32, #tpu.memory_space<vmem>> -> memref<1x128xi32, #tpu.memory_space<vmem>>
      %dma_wait3A_548 = tpu.memref_squeeze %dma_wait3A_547 : memref<1x128xi32, #tpu.memory_space<vmem>> -> memref<128xi32, #tpu.memory_space<vmem>>
      %dma_wait3A_549 = arith.constant 0 : i32
      %dma_wait3A_550 = arith.constant 0 : i32
      %dma_wait3A_551 = tpu.memref_slice %arg4[%dma_wait3A_549, %dma_wait3A_550] : memref<20000x128xf32, #tpu.memory_space<hbm>> -> memref<20000x128xf32, #tpu.memory_space<hbm>>
      tpu.wait_indirect_dma semaphore(%arg11 : memref<!tpu.dma_semaphore, #tpu.memory_space<semaphore_mem>>) src(%dma_wait3A_551 : memref<20000x128xf32, #tpu.memory_space<hbm>>) dst(%arg8 : memref<128x128xf32, #tpu.memory_space<vmem>>)
      %dma_start3A_552 = arith.constant 26 : i32
      %dma_start3A_553 = arith.constant 0 : i32
      %dma_start3A_554 = tpu.memref_slice %arg7[%dma_start3A_552, %dma_start3A_553] : memref<32x128xi32, #tpu.memory_space<vmem>> -> memref<1x128xi32, #tpu.memory_space<vmem>>
      %dma_start3A_555 = tpu.memref_squeeze %dma_start3A_554 : memref<1x128xi32, #tpu.memory_space<vmem>> -> memref<128xi32, #tpu.memory_space<vmem>>
      %dma_start3A_556 = arith.constant 0 : i32
      %dma_start3A_557 = arith.constant 0 : i32
      %dma_start3A_558 = tpu.memref_slice %arg10[%dma_start3A_556, %dma_start3A_557] : memref<10240x128xf32, #tpu.memory_space<vmem_shared>> -> memref<10240x128xf32, #tpu.memory_space<vmem_shared>>
      tpu.enqueue_indirect_dma source(%arg8 : memref<128x128xf32, #tpu.memory_space<vmem>>) target(%dma_start3A_558 : memref<10240x128xf32, #tpu.memory_space<vmem_shared>>) offsets(%dma_start3A_555 : memref<128xi32, #tpu.memory_space<vmem>>) semaphore(%arg13 : memref<!tpu.dma_semaphore, #tpu.memory_space<semaphore_mem>>) {add = true}
      %dma_wait3A_559 = arith.constant 26 : i32
      %dma_wait3A_560 = arith.constant 0 : i32
      %dma_wait3A_561 = tpu.memref_slice %arg7[%dma_wait3A_559, %dma_wait3A_560] : memref<32x128xi32, #tpu.memory_space<vmem>> -> memref<1x128xi32, #tpu.memory_space<vmem>>
      %dma_wait3A_562 = tpu.memref_squeeze %dma_wait3A_561 : memref<1x128xi32, #tpu.memory_space<vmem>> -> memref<128xi32, #tpu.memory_space<vmem>>
      %dma_wait3A_563 = arith.constant 0 : i32
      %dma_wait3A_564 = arith.constant 0 : i32
      %dma_wait3A_565 = tpu.memref_slice %arg10[%dma_wait3A_563, %dma_wait3A_564] : memref<10240x128xf32, #tpu.memory_space<vmem_shared>> -> memref<10240x128xf32, #tpu.memory_space<vmem_shared>>
      tpu.wait_indirect_dma semaphore(%arg13 : memref<!tpu.dma_semaphore, #tpu.memory_space<semaphore_mem>>) src(%arg8 : memref<128x128xf32, #tpu.memory_space<vmem>>) dst(%dma_wait3A_565 : memref<10240x128xf32, #tpu.memory_space<vmem_shared>>)
      %dma_start3A_566 = arith.constant 20 : i32
      %dma_start3A_567 = arith.constant 0 : i32
      %dma_start3A_568 = tpu.memref_slice %arg7[%dma_start3A_566, %dma_start3A_567] : memref<32x128xi32, #tpu.memory_space<vmem>> -> memref<1x128xi32, #tpu.memory_space<vmem>>
      %dma_start3A_569 = tpu.memref_squeeze %dma_start3A_568 : memref<1x128xi32, #tpu.memory_space<vmem>> -> memref<128xi32, #tpu.memory_space<vmem>>
      %dma_start3A_570 = arith.constant 0 : i32
      %dma_start3A_571 = arith.constant 0 : i32
      %dma_start3A_572 = tpu.memref_slice %arg4[%dma_start3A_570, %dma_start3A_571] : memref<20000x128xf32, #tpu.memory_space<hbm>> -> memref<20000x128xf32, #tpu.memory_space<hbm>>
      tpu.enqueue_indirect_dma source(%dma_start3A_572 : memref<20000x128xf32, #tpu.memory_space<hbm>>) target(%arg8 : memref<128x128xf32, #tpu.memory_space<vmem>>) offsets(%dma_start3A_569 : memref<128xi32, #tpu.memory_space<vmem>>) semaphore(%arg11 : memref<!tpu.dma_semaphore, #tpu.memory_space<semaphore_mem>>)
      %dma_wait3A_573 = arith.constant 19 : i32
      %dma_wait3A_574 = arith.constant 0 : i32
      %dma_wait3A_575 = tpu.memref_slice %arg7[%dma_wait3A_573, %dma_wait3A_574] : memref<32x128xi32, #tpu.memory_space<vmem>> -> memref<1x128xi32, #tpu.memory_space<vmem>>
      %dma_wait3A_576 = tpu.memref_squeeze %dma_wait3A_575 : memref<1x128xi32, #tpu.memory_space<vmem>> -> memref<128xi32, #tpu.memory_space<vmem>>
      %dma_wait3A_577 = arith.constant 0 : i32
      %dma_wait3A_578 = arith.constant 0 : i32
      %dma_wait3A_579 = tpu.memref_slice %arg4[%dma_wait3A_577, %dma_wait3A_578] : memref<20000x128xf32, #tpu.memory_space<hbm>> -> memref<20000x128xf32, #tpu.memory_space<hbm>>
      tpu.wait_indirect_dma semaphore(%arg12 : memref<!tpu.dma_semaphore, #tpu.memory_space<semaphore_mem>>) src(%dma_wait3A_579 : memref<20000x128xf32, #tpu.memory_space<hbm>>) dst(%arg9 : memref<128x128xf32, #tpu.memory_space<vmem>>)
      %dma_start3A_580 = arith.constant 27 : i32
      %dma_start3A_581 = arith.constant 0 : i32
      %dma_start3A_582 = tpu.memref_slice %arg7[%dma_start3A_580, %dma_start3A_581] : memref<32x128xi32, #tpu.memory_space<vmem>> -> memref<1x128xi32, #tpu.memory_space<vmem>>
      %dma_start3A_583 = tpu.memref_squeeze %dma_start3A_582 : memref<1x128xi32, #tpu.memory_space<vmem>> -> memref<128xi32, #tpu.memory_space<vmem>>
      %dma_start3A_584 = arith.constant 0 : i32
      %dma_start3A_585 = arith.constant 0 : i32
      %dma_start3A_586 = tpu.memref_slice %arg10[%dma_start3A_584, %dma_start3A_585] : memref<10240x128xf32, #tpu.memory_space<vmem_shared>> -> memref<10240x128xf32, #tpu.memory_space<vmem_shared>>
      tpu.enqueue_indirect_dma source(%arg9 : memref<128x128xf32, #tpu.memory_space<vmem>>) target(%dma_start3A_586 : memref<10240x128xf32, #tpu.memory_space<vmem_shared>>) offsets(%dma_start3A_583 : memref<128xi32, #tpu.memory_space<vmem>>) semaphore(%arg14 : memref<!tpu.dma_semaphore, #tpu.memory_space<semaphore_mem>>) {add = true}
      %dma_wait3A_587 = arith.constant 27 : i32
      %dma_wait3A_588 = arith.constant 0 : i32
      %dma_wait3A_589 = tpu.memref_slice %arg7[%dma_wait3A_587, %dma_wait3A_588] : memref<32x128xi32, #tpu.memory_space<vmem>> -> memref<1x128xi32, #tpu.memory_space<vmem>>
      %dma_wait3A_590 = tpu.memref_squeeze %dma_wait3A_589 : memref<1x128xi32, #tpu.memory_space<vmem>> -> memref<128xi32, #tpu.memory_space<vmem>>
      %dma_wait3A_591 = arith.constant 0 : i32
      %dma_wait3A_592 = arith.constant 0 : i32
      %dma_wait3A_593 = tpu.memref_slice %arg10[%dma_wait3A_591, %dma_wait3A_592] : memref<10240x128xf32, #tpu.memory_space<vmem_shared>> -> memref<10240x128xf32, #tpu.memory_space<vmem_shared>>
      tpu.wait_indirect_dma semaphore(%arg14 : memref<!tpu.dma_semaphore, #tpu.memory_space<semaphore_mem>>) src(%arg9 : memref<128x128xf32, #tpu.memory_space<vmem>>) dst(%dma_wait3A_593 : memref<10240x128xf32, #tpu.memory_space<vmem_shared>>)
      %dma_start3A_594 = arith.constant 21 : i32
      %dma_start3A_595 = arith.constant 0 : i32
      %dma_start3A_596 = tpu.memref_slice %arg7[%dma_start3A_594, %dma_start3A_595] : memref<32x128xi32, #tpu.memory_space<vmem>> -> memref<1x128xi32, #tpu.memory_space<vmem>>
      %dma_start3A_597 = tpu.memref_squeeze %dma_start3A_596 : memref<1x128xi32, #tpu.memory_space<vmem>> -> memref<128xi32, #tpu.memory_space<vmem>>
      %dma_start3A_598 = arith.constant 0 : i32
      %dma_start3A_599 = arith.constant 0 : i32
      %dma_start3A_600 = tpu.memref_slice %arg4[%dma_start3A_598, %dma_start3A_599] : memref<20000x128xf32, #tpu.memory_space<hbm>> -> memref<20000x128xf32, #tpu.memory_space<hbm>>
      tpu.enqueue_indirect_dma source(%dma_start3A_600 : memref<20000x128xf32, #tpu.memory_space<hbm>>) target(%arg9 : memref<128x128xf32, #tpu.memory_space<vmem>>) offsets(%dma_start3A_597 : memref<128xi32, #tpu.memory_space<vmem>>) semaphore(%arg12 : memref<!tpu.dma_semaphore, #tpu.memory_space<semaphore_mem>>)
      %dma_wait3A_601 = arith.constant 20 : i32
      %dma_wait3A_602 = arith.constant 0 : i32
      %dma_wait3A_603 = tpu.memref_slice %arg7[%dma_wait3A_601, %dma_wait3A_602] : memref<32x128xi32, #tpu.memory_space<vmem>> -> memref<1x128xi32, #tpu.memory_space<vmem>>
      %dma_wait3A_604 = tpu.memref_squeeze %dma_wait3A_603 : memref<1x128xi32, #tpu.memory_space<vmem>> -> memref<128xi32, #tpu.memory_space<vmem>>
      %dma_wait3A_605 = arith.constant 0 : i32
      %dma_wait3A_606 = arith.constant 0 : i32
      %dma_wait3A_607 = tpu.memref_slice %arg4[%dma_wait3A_605, %dma_wait3A_606] : memref<20000x128xf32, #tpu.memory_space<hbm>> -> memref<20000x128xf32, #tpu.memory_space<hbm>>
      tpu.wait_indirect_dma semaphore(%arg11 : memref<!tpu.dma_semaphore, #tpu.memory_space<semaphore_mem>>) src(%dma_wait3A_607 : memref<20000x128xf32, #tpu.memory_space<hbm>>) dst(%arg8 : memref<128x128xf32, #tpu.memory_space<vmem>>)
      %dma_start3A_608 = arith.constant 28 : i32
      %dma_start3A_609 = arith.constant 0 : i32
      %dma_start3A_610 = tpu.memref_slice %arg7[%dma_start3A_608, %dma_start3A_609] : memref<32x128xi32, #tpu.memory_space<vmem>> -> memref<1x128xi32, #tpu.memory_space<vmem>>
      %dma_start3A_611 = tpu.memref_squeeze %dma_start3A_610 : memref<1x128xi32, #tpu.memory_space<vmem>> -> memref<128xi32, #tpu.memory_space<vmem>>
      %dma_start3A_612 = arith.constant 0 : i32
      %dma_start3A_613 = arith.constant 0 : i32
      %dma_start3A_614 = tpu.memref_slice %arg10[%dma_start3A_612, %dma_start3A_613] : memref<10240x128xf32, #tpu.memory_space<vmem_shared>> -> memref<10240x128xf32, #tpu.memory_space<vmem_shared>>
      tpu.enqueue_indirect_dma source(%arg8 : memref<128x128xf32, #tpu.memory_space<vmem>>) target(%dma_start3A_614 : memref<10240x128xf32, #tpu.memory_space<vmem_shared>>) offsets(%dma_start3A_611 : memref<128xi32, #tpu.memory_space<vmem>>) semaphore(%arg13 : memref<!tpu.dma_semaphore, #tpu.memory_space<semaphore_mem>>) {add = true}
      %dma_wait3A_615 = arith.constant 28 : i32
      %dma_wait3A_616 = arith.constant 0 : i32
      %dma_wait3A_617 = tpu.memref_slice %arg7[%dma_wait3A_615, %dma_wait3A_616] : memref<32x128xi32, #tpu.memory_space<vmem>> -> memref<1x128xi32, #tpu.memory_space<vmem>>
      %dma_wait3A_618 = tpu.memref_squeeze %dma_wait3A_617 : memref<1x128xi32, #tpu.memory_space<vmem>> -> memref<128xi32, #tpu.memory_space<vmem>>
      %dma_wait3A_619 = arith.constant 0 : i32
      %dma_wait3A_620 = arith.constant 0 : i32
      %dma_wait3A_621 = tpu.memref_slice %arg10[%dma_wait3A_619, %dma_wait3A_620] : memref<10240x128xf32, #tpu.memory_space<vmem_shared>> -> memref<10240x128xf32, #tpu.memory_space<vmem_shared>>
      tpu.wait_indirect_dma semaphore(%arg13 : memref<!tpu.dma_semaphore, #tpu.memory_space<semaphore_mem>>) src(%arg8 : memref<128x128xf32, #tpu.memory_space<vmem>>) dst(%dma_wait3A_621 : memref<10240x128xf32, #tpu.memory_space<vmem_shared>>)
      %dma_start3A_622 = arith.constant 22 : i32
      %dma_start3A_623 = arith.constant 0 : i32
      %dma_start3A_624 = tpu.memref_slice %arg7[%dma_start3A_622, %dma_start3A_623] : memref<32x128xi32, #tpu.memory_space<vmem>> -> memref<1x128xi32, #tpu.memory_space<vmem>>
      %dma_start3A_625 = tpu.memref_squeeze %dma_start3A_624 : memref<1x128xi32, #tpu.memory_space<vmem>> -> memref<128xi32, #tpu.memory_space<vmem>>
      %dma_start3A_626 = arith.constant 0 : i32
      %dma_start3A_627 = arith.constant 0 : i32
      %dma_start3A_628 = tpu.memref_slice %arg4[%dma_start3A_626, %dma_start3A_627] : memref<20000x128xf32, #tpu.memory_space<hbm>> -> memref<20000x128xf32, #tpu.memory_space<hbm>>
      tpu.enqueue_indirect_dma source(%dma_start3A_628 : memref<20000x128xf32, #tpu.memory_space<hbm>>) target(%arg8 : memref<128x128xf32, #tpu.memory_space<vmem>>) offsets(%dma_start3A_625 : memref<128xi32, #tpu.memory_space<vmem>>) semaphore(%arg11 : memref<!tpu.dma_semaphore, #tpu.memory_space<semaphore_mem>>)
      %dma_wait3A_629 = arith.constant 21 : i32
      %dma_wait3A_630 = arith.constant 0 : i32
      %dma_wait3A_631 = tpu.memref_slice %arg7[%dma_wait3A_629, %dma_wait3A_630] : memref<32x128xi32, #tpu.memory_space<vmem>> -> memref<1x128xi32, #tpu.memory_space<vmem>>
      %dma_wait3A_632 = tpu.memref_squeeze %dma_wait3A_631 : memref<1x128xi32, #tpu.memory_space<vmem>> -> memref<128xi32, #tpu.memory_space<vmem>>
      %dma_wait3A_633 = arith.constant 0 : i32
      %dma_wait3A_634 = arith.constant 0 : i32
      %dma_wait3A_635 = tpu.memref_slice %arg4[%dma_wait3A_633, %dma_wait3A_634] : memref<20000x128xf32, #tpu.memory_space<hbm>> -> memref<20000x128xf32, #tpu.memory_space<hbm>>
      tpu.wait_indirect_dma semaphore(%arg12 : memref<!tpu.dma_semaphore, #tpu.memory_space<semaphore_mem>>) src(%dma_wait3A_635 : memref<20000x128xf32, #tpu.memory_space<hbm>>) dst(%arg9 : memref<128x128xf32, #tpu.memory_space<vmem>>)
      %dma_start3A_636 = arith.constant 29 : i32
      %dma_start3A_637 = arith.constant 0 : i32
      %dma_start3A_638 = tpu.memref_slice %arg7[%dma_start3A_636, %dma_start3A_637] : memref<32x128xi32, #tpu.memory_space<vmem>> -> memref<1x128xi32, #tpu.memory_space<vmem>>
      %dma_start3A_639 = tpu.memref_squeeze %dma_start3A_638 : memref<1x128xi32, #tpu.memory_space<vmem>> -> memref<128xi32, #tpu.memory_space<vmem>>
      %dma_start3A_640 = arith.constant 0 : i32
      %dma_start3A_641 = arith.constant 0 : i32
      %dma_start3A_642 = tpu.memref_slice %arg10[%dma_start3A_640, %dma_start3A_641] : memref<10240x128xf32, #tpu.memory_space<vmem_shared>> -> memref<10240x128xf32, #tpu.memory_space<vmem_shared>>
      tpu.enqueue_indirect_dma source(%arg9 : memref<128x128xf32, #tpu.memory_space<vmem>>) target(%dma_start3A_642 : memref<10240x128xf32, #tpu.memory_space<vmem_shared>>) offsets(%dma_start3A_639 : memref<128xi32, #tpu.memory_space<vmem>>) semaphore(%arg14 : memref<!tpu.dma_semaphore, #tpu.memory_space<semaphore_mem>>) {add = true}
      %dma_wait3A_643 = arith.constant 29 : i32
      %dma_wait3A_644 = arith.constant 0 : i32
      %dma_wait3A_645 = tpu.memref_slice %arg7[%dma_wait3A_643, %dma_wait3A_644] : memref<32x128xi32, #tpu.memory_space<vmem>> -> memref<1x128xi32, #tpu.memory_space<vmem>>
      %dma_wait3A_646 = tpu.memref_squeeze %dma_wait3A_645 : memref<1x128xi32, #tpu.memory_space<vmem>> -> memref<128xi32, #tpu.memory_space<vmem>>
      %dma_wait3A_647 = arith.constant 0 : i32
      %dma_wait3A_648 = arith.constant 0 : i32
      %dma_wait3A_649 = tpu.memref_slice %arg10[%dma_wait3A_647, %dma_wait3A_648] : memref<10240x128xf32, #tpu.memory_space<vmem_shared>> -> memref<10240x128xf32, #tpu.memory_space<vmem_shared>>
      tpu.wait_indirect_dma semaphore(%arg14 : memref<!tpu.dma_semaphore, #tpu.memory_space<semaphore_mem>>) src(%arg9 : memref<128x128xf32, #tpu.memory_space<vmem>>) dst(%dma_wait3A_649 : memref<10240x128xf32, #tpu.memory_space<vmem_shared>>)
      %dma_start3A_650 = arith.constant 23 : i32
      %dma_start3A_651 = arith.constant 0 : i32
      %dma_start3A_652 = tpu.memref_slice %arg7[%dma_start3A_650, %dma_start3A_651] : memref<32x128xi32, #tpu.memory_space<vmem>> -> memref<1x128xi32, #tpu.memory_space<vmem>>
      %dma_start3A_653 = tpu.memref_squeeze %dma_start3A_652 : memref<1x128xi32, #tpu.memory_space<vmem>> -> memref<128xi32, #tpu.memory_space<vmem>>
      %dma_start3A_654 = arith.constant 0 : i32
      %dma_start3A_655 = arith.constant 0 : i32
      %dma_start3A_656 = tpu.memref_slice %arg4[%dma_start3A_654, %dma_start3A_655] : memref<20000x128xf32, #tpu.memory_space<hbm>> -> memref<20000x128xf32, #tpu.memory_space<hbm>>
      tpu.enqueue_indirect_dma source(%dma_start3A_656 : memref<20000x128xf32, #tpu.memory_space<hbm>>) target(%arg9 : memref<128x128xf32, #tpu.memory_space<vmem>>) offsets(%dma_start3A_653 : memref<128xi32, #tpu.memory_space<vmem>>) semaphore(%arg12 : memref<!tpu.dma_semaphore, #tpu.memory_space<semaphore_mem>>)
      %dma_wait3A_657 = arith.constant 22 : i32
      %dma_wait3A_658 = arith.constant 0 : i32
      %dma_wait3A_659 = tpu.memref_slice %arg7[%dma_wait3A_657, %dma_wait3A_658] : memref<32x128xi32, #tpu.memory_space<vmem>> -> memref<1x128xi32, #tpu.memory_space<vmem>>
      %dma_wait3A_660 = tpu.memref_squeeze %dma_wait3A_659 : memref<1x128xi32, #tpu.memory_space<vmem>> -> memref<128xi32, #tpu.memory_space<vmem>>
      %dma_wait3A_661 = arith.constant 0 : i32
      %dma_wait3A_662 = arith.constant 0 : i32
      %dma_wait3A_663 = tpu.memref_slice %arg4[%dma_wait3A_661, %dma_wait3A_662] : memref<20000x128xf32, #tpu.memory_space<hbm>> -> memref<20000x128xf32, #tpu.memory_space<hbm>>
      tpu.wait_indirect_dma semaphore(%arg11 : memref<!tpu.dma_semaphore, #tpu.memory_space<semaphore_mem>>) src(%dma_wait3A_663 : memref<20000x128xf32, #tpu.memory_space<hbm>>) dst(%arg8 : memref<128x128xf32, #tpu.memory_space<vmem>>)
      %dma_start3A_664 = arith.constant 30 : i32
      %dma_start3A_665 = arith.constant 0 : i32
      %dma_start3A_666 = tpu.memref_slice %arg7[%dma_start3A_664, %dma_start3A_665] : memref<32x128xi32, #tpu.memory_space<vmem>> -> memref<1x128xi32, #tpu.memory_space<vmem>>
      %dma_start3A_667 = tpu.memref_squeeze %dma_start3A_666 : memref<1x128xi32, #tpu.memory_space<vmem>> -> memref<128xi32, #tpu.memory_space<vmem>>
      %dma_start3A_668 = arith.constant 0 : i32
      %dma_start3A_669 = arith.constant 0 : i32
      %dma_start3A_670 = tpu.memref_slice %arg10[%dma_start3A_668, %dma_start3A_669] : memref<10240x128xf32, #tpu.memory_space<vmem_shared>> -> memref<10240x128xf32, #tpu.memory_space<vmem_shared>>
      tpu.enqueue_indirect_dma source(%arg8 : memref<128x128xf32, #tpu.memory_space<vmem>>) target(%dma_start3A_670 : memref<10240x128xf32, #tpu.memory_space<vmem_shared>>) offsets(%dma_start3A_667 : memref<128xi32, #tpu.memory_space<vmem>>) semaphore(%arg13 : memref<!tpu.dma_semaphore, #tpu.memory_space<semaphore_mem>>) {add = true}
      %dma_wait3A_671 = arith.constant 23 : i32
      %dma_wait3A_672 = arith.constant 0 : i32
      %dma_wait3A_673 = tpu.memref_slice %arg7[%dma_wait3A_671, %dma_wait3A_672] : memref<32x128xi32, #tpu.memory_space<vmem>> -> memref<1x128xi32, #tpu.memory_space<vmem>>
      %dma_wait3A_674 = tpu.memref_squeeze %dma_wait3A_673 : memref<1x128xi32, #tpu.memory_space<vmem>> -> memref<128xi32, #tpu.memory_space<vmem>>
      %dma_wait3A_675 = arith.constant 0 : i32
      %dma_wait3A_676 = arith.constant 0 : i32
      %dma_wait3A_677 = tpu.memref_slice %arg4[%dma_wait3A_675, %dma_wait3A_676] : memref<20000x128xf32, #tpu.memory_space<hbm>> -> memref<20000x128xf32, #tpu.memory_space<hbm>>
      tpu.wait_indirect_dma semaphore(%arg12 : memref<!tpu.dma_semaphore, #tpu.memory_space<semaphore_mem>>) src(%dma_wait3A_677 : memref<20000x128xf32, #tpu.memory_space<hbm>>) dst(%arg9 : memref<128x128xf32, #tpu.memory_space<vmem>>)
      %dma_start3A_678 = arith.constant 31 : i32
      %dma_start3A_679 = arith.constant 0 : i32
      %dma_start3A_680 = tpu.memref_slice %arg7[%dma_start3A_678, %dma_start3A_679] : memref<32x128xi32, #tpu.memory_space<vmem>> -> memref<1x128xi32, #tpu.memory_space<vmem>>
      %dma_start3A_681 = tpu.memref_squeeze %dma_start3A_680 : memref<1x128xi32, #tpu.memory_space<vmem>> -> memref<128xi32, #tpu.memory_space<vmem>>
      %dma_start3A_682 = arith.constant 0 : i32
      %dma_start3A_683 = arith.constant 0 : i32
      %dma_start3A_684 = tpu.memref_slice %arg10[%dma_start3A_682, %dma_start3A_683] : memref<10240x128xf32, #tpu.memory_space<vmem_shared>> -> memref<10240x128xf32, #tpu.memory_space<vmem_shared>>
      tpu.enqueue_indirect_dma source(%arg9 : memref<128x128xf32, #tpu.memory_space<vmem>>) target(%dma_start3A_684 : memref<10240x128xf32, #tpu.memory_space<vmem_shared>>) offsets(%dma_start3A_681 : memref<128xi32, #tpu.memory_space<vmem>>) semaphore(%arg14 : memref<!tpu.dma_semaphore, #tpu.memory_space<semaphore_mem>>) {add = true}
      %dma_wait3A_685 = arith.constant 30 : i32
      %dma_wait3A_686 = arith.constant 0 : i32
      %dma_wait3A_687 = tpu.memref_slice %arg7[%dma_wait3A_685, %dma_wait3A_686] : memref<32x128xi32, #tpu.memory_space<vmem>> -> memref<1x128xi32, #tpu.memory_space<vmem>>
      %dma_wait3A_688 = tpu.memref_squeeze %dma_wait3A_687 : memref<1x128xi32, #tpu.memory_space<vmem>> -> memref<128xi32, #tpu.memory_space<vmem>>
      %dma_wait3A_689 = arith.constant 0 : i32
      %dma_wait3A_690 = arith.constant 0 : i32
      %dma_wait3A_691 = tpu.memref_slice %arg10[%dma_wait3A_689, %dma_wait3A_690] : memref<10240x128xf32, #tpu.memory_space<vmem_shared>> -> memref<10240x128xf32, #tpu.memory_space<vmem_shared>>
      tpu.wait_indirect_dma semaphore(%arg13 : memref<!tpu.dma_semaphore, #tpu.memory_space<semaphore_mem>>) src(%arg8 : memref<128x128xf32, #tpu.memory_space<vmem>>) dst(%dma_wait3A_691 : memref<10240x128xf32, #tpu.memory_space<vmem_shared>>)
      %dma_wait3A_692 = arith.constant 31 : i32
      %dma_wait3A_693 = arith.constant 0 : i32
      %dma_wait3A_694 = tpu.memref_slice %arg7[%dma_wait3A_692, %dma_wait3A_693] : memref<32x128xi32, #tpu.memory_space<vmem>> -> memref<1x128xi32, #tpu.memory_space<vmem>>
      %dma_wait3A_695 = tpu.memref_squeeze %dma_wait3A_694 : memref<1x128xi32, #tpu.memory_space<vmem>> -> memref<128xi32, #tpu.memory_space<vmem>>
      %dma_wait3A_696 = arith.constant 0 : i32
      %dma_wait3A_697 = arith.constant 0 : i32
      %dma_wait3A_698 = tpu.memref_slice %arg10[%dma_wait3A_696, %dma_wait3A_697] : memref<10240x128xf32, #tpu.memory_space<vmem_shared>> -> memref<10240x128xf32, #tpu.memory_space<vmem_shared>>
      tpu.wait_indirect_dma semaphore(%arg14 : memref<!tpu.dma_semaphore, #tpu.memory_space<semaphore_mem>>) src(%arg9 : memref<128x128xf32, #tpu.memory_space<vmem>>) dst(%dma_wait3A_698 : memref<10240x128xf32, #tpu.memory_space<vmem_shared>>)
    }
    %scan3A_229 = arith.constant 5 : i32
    %barrier3A_230 = arith.constant 0 : index
    tpu.barrier barrier_id(%barrier3A_230)
    %min3A = arith.constant 9360 : i32
    %min3A_231 = arith.minsi %multiple_of3A, %min3A : i32
    %multiple_of3A_232 = tpu.assume_multiple %min3A_231, 8 : i32
    %eq3A = arith.constant 0 : i32
    %eq3A_233 = arith.cmpi eq, %arg0, %eq3A : i32
    %convert_element_type3A = arith.extui %eq3A_233 : i1 to i32
    %cond3A = arith.constant 0 : i32
    %cond3A_234 = arith.cmpi ne, %convert_element_type3A, %cond3A : i32
    scf.if %cond3A_234 {
      "tpu.region"() ({
        %run_scoped3A = tpu.sem_alloc : memref<!tpu.dma_semaphore, #tpu.memory_space<semaphore_mem>>
        %dma_start3A_240 = arith.constant 0 : i32
        %dma_start3A_241 = tpu.memref_slice %arg5[%multiple_of3A_232, %dma_start3A_240] : memref<10000x128xf32, #tpu.memory_space<hbm>> -> memref<640x128xf32, #tpu.memory_space<hbm>>
        %dma_start3A_242 = arith.constant 0 : i32
        %dma_start3A_243 = tpu.memref_slice %arg10[%multiple_of3A_232, %dma_start3A_242] : memref<10240x128xf32, #tpu.memory_space<vmem_shared>> -> memref<640x128xf32, #tpu.memory_space<vmem_shared>>
        tpu.enqueue_dma source(%dma_start3A_243 : memref<640x128xf32, #tpu.memory_space<vmem_shared>>) target(%dma_start3A_241 : memref<640x128xf32, #tpu.memory_space<hbm>>) target_semaphore(%run_scoped3A : memref<!tpu.dma_semaphore, #tpu.memory_space<semaphore_mem>>)
        %dma_wait3A_244 = arith.constant 0 : i32
        %dma_wait3A_245 = tpu.memref_slice %arg5[%multiple_of3A_232, %dma_wait3A_244] : memref<10000x128xf32, #tpu.memory_space<hbm>> -> memref<640x128xf32, #tpu.memory_space<hbm>>
        %dma_wait3A_246 = arith.constant 0 : i32
        %dma_wait3A_247 = tpu.memref_slice %arg10[%multiple_of3A_232, %dma_wait3A_246] : memref<10240x128xf32, #tpu.memory_space<vmem_shared>> -> memref<640x128xf32, #tpu.memory_space<vmem_shared>>
        tpu.wait_dma2 semaphore(%run_scoped3A : memref<!tpu.dma_semaphore, #tpu.memory_space<semaphore_mem>>) src(%dma_wait3A_247 : memref<640x128xf32, #tpu.memory_space<vmem_shared>>) dst(%dma_wait3A_245 : memref<640x128xf32, #tpu.memory_space<hbm>>)
        tpu.yield
      }) : () -> ()
    } else {
    }
    %eq3A_235 = arith.constant 1 : i32
    %eq3A_236 = arith.cmpi eq, %arg0, %eq3A_235 : i32
    %convert_element_type3A_237 = arith.extui %eq3A_236 : i1 to i32
    %cond3A_238 = arith.constant 0 : i32
    %cond3A_239 = arith.cmpi ne, %convert_element_type3A_237, %cond3A_238 : i32
    scf.if %cond3A_239 {
      "tpu.region"() ({
        %run_scoped3A = tpu.sem_alloc : memref<!tpu.dma_semaphore, #tpu.memory_space<semaphore_mem>>
        %dma_start3A_240 = arith.constant 0 : i32
        %dma_start3A_241 = tpu.memref_slice %arg6[%multiple_of3A_232, %dma_start3A_240] : memref<10000x128xf32, #tpu.memory_space<hbm>> -> memref<640x128xf32, #tpu.memory_space<hbm>>
        %dma_start3A_242 = arith.constant 0 : i32
        %dma_start3A_243 = tpu.memref_slice %arg10[%multiple_of3A_232, %dma_start3A_242] : memref<10240x128xf32, #tpu.memory_space<vmem_shared>> -> memref<640x128xf32, #tpu.memory_space<vmem_shared>>
        tpu.enqueue_dma source(%dma_start3A_243 : memref<640x128xf32, #tpu.memory_space<vmem_shared>>) target(%dma_start3A_241 : memref<640x128xf32, #tpu.memory_space<hbm>>) target_semaphore(%run_scoped3A : memref<!tpu.dma_semaphore, #tpu.memory_space<semaphore_mem>>)
        %dma_wait3A_244 = arith.constant 0 : i32
        %dma_wait3A_245 = tpu.memref_slice %arg6[%multiple_of3A_232, %dma_wait3A_244] : memref<10000x128xf32, #tpu.memory_space<hbm>> -> memref<640x128xf32, #tpu.memory_space<hbm>>
        %dma_wait3A_246 = arith.constant 0 : i32
        %dma_wait3A_247 = tpu.memref_slice %arg10[%multiple_of3A_232, %dma_wait3A_246] : memref<10240x128xf32, #tpu.memory_space<vmem_shared>> -> memref<640x128xf32, #tpu.memory_space<vmem_shared>>
        tpu.wait_dma2 semaphore(%run_scoped3A : memref<!tpu.dma_semaphore, #tpu.memory_space<semaphore_mem>>) src(%dma_wait3A_247 : memref<640x128xf32, #tpu.memory_space<vmem_shared>>) dst(%dma_wait3A_245 : memref<640x128xf32, #tpu.memory_space<hbm>>)
        tpu.yield
      }) : () -> ()
    } else {
    }
    return
  }
}

#map = affine_map<(d0, d1) -> (0, 0, 0, 0)>
#map1 = affine_map<(d0, d1) -> (0, 0)>
module attributes {stable_mosaic.version = 14 : i64} {
  func.func @_sc_agg_body(%arg0: i32, %arg1: i32, %arg2: memref<16x5x32x128xi32, #tpu.memory_space<hbm>>, %arg3: memref<16x5x32x128xi32, #tpu.memory_space<hbm>>, %arg4: memref<20000x128xf32, #tpu.memory_space<hbm>>, %arg5: memref<10000x128xf32, #tpu.memory_space<hbm>>, %arg6: memref<10000x128xf32, #tpu.memory_space<hbm>>, %arg7: memref<32x128xi32, #tpu.memory_space<vmem>>, %arg8: memref<128x128xf32, #tpu.memory_space<vmem>>, %arg9: memref<128x128xf32, #tpu.memory_space<vmem>>, %arg10: memref<10240x128xf32, #tpu.memory_space<vmem_shared>>, %arg11: memref<!tpu.dma_semaphore, #tpu.memory_space<semaphore_mem>>, %arg12: memref<!tpu.dma_semaphore, #tpu.memory_space<semaphore_mem>>, %arg13: memref<!tpu.dma_semaphore, #tpu.memory_space<semaphore_mem>>, %arg14: memref<!tpu.dma_semaphore, #tpu.memory_space<semaphore_mem>>) attributes {dimension_semantics = [#tpu.dimension_semantics<core_parallel>, #tpu.dimension_semantics<subcore_parallel>], iteration_bounds = array<i64: 2, 16>, scalar_prefetch = 0 : i64, scratch_operands = 8 : i64, tpu.core_type = #tpu.core_type<sc_vector_subcore>, window_params = [{transform_indices = #map}, {transform_indices = #map}, {transform_indices = #map1}, {transform_indices = #map1}, {transform_indices = #map1}]} {
    %broadcast_in_dim3A = arith.constant 0.000000e+00 : f32
    %broadcast_in_dim3A_0 = vector.broadcast %broadcast_in_dim3A : f32 to vector<16xf32>
    %scan3A = arith.constant 0 : i32
    %scan3A_1 = arith.constant 0 : i32
    %scan3A_2 = arith.constant 64 : i32
    %scan3A_3 = arith.addi %scan3A_1, %scan3A_2 : i32
    %scan3A_4 = arith.constant 1 : i32
    scf.for %scan3A_240 = %scan3A_1 to %scan3A_3 step %scan3A_4  : i32 {
      %swap3A = arith.index_cast %scan3A_240 : i32 to index
      %swap3A_241 = arith.constant 0 : index
      %swap3A_242 = tpu.vector_load %arg8[%swap3A, %swap3A_241] {strides = array<i32>} : memref<128x128xf32, #tpu.memory_space<vmem>>, vector<1x16xf32>,
      %swap3A_243 = vector.shape_cast %swap3A_242 : vector<1x16xf32> to vector<16xf32>
      %swap3A_244 = vector.shape_cast %broadcast_in_dim3A_0 : vector<16xf32> to vector<1x16xf32>
      tpu.vector_store %arg8[%swap3A, %swap3A_241], %swap3A_244 {strides = array<i32>} : memref<128x128xf32, #tpu.memory_space<vmem>>, vector<1x16xf32>,
      %swap3A_245 = arith.index_cast %scan3A_240 : i32 to index
      %swap3A_246 = arith.constant 16 : index
      %swap3A_247 = tpu.vector_load %arg8[%swap3A_245, %swap3A_246] {strides = array<i32>} : memref<128x128xf32, #tpu.memory_space<vmem>>, vector<1x16xf32>,
      %swap3A_248 = vector.shape_cast %swap3A_247 : vector<1x16xf32> to vector<16xf32>
      %swap3A_249 = vector.shape_cast %broadcast_in_dim3A_0 : vector<16xf32> to vector<1x16xf32>
      tpu.vector_store %arg8[%swap3A_245, %swap3A_246], %swap3A_249 {strides = array<i32>} : memref<128x128xf32, #tpu.memory_space<vmem>>, vector<1x16xf32>,
      %swap3A_250 = arith.index_cast %scan3A_240 : i32 to index
      %swap3A_251 = arith.constant 32 : index
      %swap3A_252 = tpu.vector_load %arg8[%swap3A_250, %swap3A_251] {strides = array<i32>} : memref<128x128xf32, #tpu.memory_space<vmem>>, vector<1x16xf32>,
      %swap3A_253 = vector.shape_cast %swap3A_252 : vector<1x16xf32> to vector<16xf32>
      %swap3A_254 = vector.shape_cast %broadcast_in_dim3A_0 : vector<16xf32> to vector<1x16xf32>
      tpu.vector_store %arg8[%swap3A_250, %swap3A_251], %swap3A_254 {strides = array<i32>} : memref<128x128xf32, #tpu.memory_space<vmem>>, vector<1x16xf32>,
      %swap3A_255 = arith.index_cast %scan3A_240 : i32 to index
      %swap3A_256 = arith.constant 48 : index
      %swap3A_257 = tpu.vector_load %arg8[%swap3A_255, %swap3A_256] {strides = array<i32>} : memref<128x128xf32, #tpu.memory_space<vmem>>, vector<1x16xf32>,
      %swap3A_258 = vector.shape_cast %swap3A_257 : vector<1x16xf32> to vector<16xf32>
      %swap3A_259 = vector.shape_cast %broadcast_in_dim3A_0 : vector<16xf32> to vector<1x16xf32>
      tpu.vector_store %arg8[%swap3A_255, %swap3A_256], %swap3A_259 {strides = array<i32>} : memref<128x128xf32, #tpu.memory_space<vmem>>, vector<1x16xf32>,
      %swap3A_260 = arith.index_cast %scan3A_240 : i32 to index
      %swap3A_261 = arith.constant 64 : index
      %swap3A_262 = tpu.vector_load %arg8[%swap3A_260, %swap3A_261] {strides = array<i32>} : memref<128x128xf32, #tpu.memory_space<vmem>>, vector<1x16xf32>,
      %swap3A_263 = vector.shape_cast %swap3A_262 : vector<1x16xf32> to vector<16xf32>
      %swap3A_264 = vector.shape_cast %broadcast_in_dim3A_0 : vector<16xf32> to vector<1x16xf32>
      tpu.vector_store %arg8[%swap3A_260, %swap3A_261], %swap3A_264 {strides = array<i32>} : memref<128x128xf32, #tpu.memory_space<vmem>>, vector<1x16xf32>,
      %swap3A_265 = arith.index_cast %scan3A_240 : i32 to index
      %swap3A_266 = arith.constant 80 : index
      %swap3A_267 = tpu.vector_load %arg8[%swap3A_265, %swap3A_266] {strides = array<i32>} : memref<128x128xf32, #tpu.memory_space<vmem>>, vector<1x16xf32>,
      %swap3A_268 = vector.shape_cast %swap3A_267 : vector<1x16xf32> to vector<16xf32>
      %swap3A_269 = vector.shape_cast %broadcast_in_dim3A_0 : vector<16xf32> to vector<1x16xf32>
      tpu.vector_store %arg8[%swap3A_265, %swap3A_266], %swap3A_269 {strides = array<i32>} : memref<128x128xf32, #tpu.memory_space<vmem>>, vector<1x16xf32>,
      %swap3A_270 = arith.index_cast %scan3A_240 : i32 to index
      %swap3A_271 = arith.constant 96 : index
      %swap3A_272 = tpu.vector_load %arg8[%swap3A_270, %swap3A_271] {strides = array<i32>} : memref<128x128xf32, #tpu.memory_space<vmem>>, vector<1x16xf32>,
      %swap3A_273 = vector.shape_cast %swap3A_272 : vector<1x16xf32> to vector<16xf32>
      %swap3A_274 = vector.shape_cast %broadcast_in_dim3A_0 : vector<16xf32> to vector<1x16xf32>
      tpu.vector_store %arg8[%swap3A_270, %swap3A_271], %swap3A_274 {strides = array<i32>} : memref<128x128xf32, #tpu.memory_space<vmem>>, vector<1x16xf32>,
      %swap3A_275 = arith.index_cast %scan3A_240 : i32 to index
      %swap3A_276 = arith.constant 112 : index
      %swap3A_277 = tpu.vector_load %arg8[%swap3A_275, %swap3A_276] {strides = array<i32>} : memref<128x128xf32, #tpu.memory_space<vmem>>, vector<1x16xf32>,
      %swap3A_278 = vector.shape_cast %swap3A_277 : vector<1x16xf32> to vector<16xf32>
      %swap3A_279 = vector.shape_cast %broadcast_in_dim3A_0 : vector<16xf32> to vector<1x16xf32>
      tpu.vector_store %arg8[%swap3A_275, %swap3A_276], %swap3A_279 {strides = array<i32>} : memref<128x128xf32, #tpu.memory_space<vmem>>, vector<1x16xf32>,
    }
    %scan3A_5 = arith.constant 64 : i32
    %mul3A = arith.constant 640 : i32
    %mul3A_6 = arith.muli %arg1, %mul3A : i32
    %multiple_of3A = tpu.assume_multiple %mul3A_6, 640 : i32
    %add3A = arith.constant 0 : i32
    %add3A_7 = arith.addi %multiple_of3A, %add3A : i32
    %dma_start3A = arith.constant 0 : i32
    %dma_start3A_8 = arith.constant 0 : i32
    %dma_start3A_9 = tpu.memref_slice %arg8[%dma_start3A, %dma_start3A_8] : memref<128x128xf32, #tpu.memory_space<vmem>> -> memref<64x128xf32, #tpu.memory_space<vmem>>
    %dma_start3A_10 = arith.constant 0 : i32
    %dma_start3A_11 = tpu.memref_slice %arg10[%add3A_7, %dma_start3A_10] : memref<10240x128xf32, #tpu.memory_space<vmem_shared>> -> memref<64x128xf32, #tpu.memory_space<vmem_shared>>
    %dma_start3A_12 = arith.constant 0 : i32
    %dma_start3A_13 = tpu.memref_slice %arg10[%add3A_7, %dma_start3A_12] : memref<10240x128xf32, #tpu.memory_space<vmem_shared>> -> memref<64x128xf32, #tpu.memory_space<vmem_shared>>
    %dma_start3A_14 = arith.constant 0 : i32
    %dma_start3A_15 = arith.constant 0 : i32
    %dma_start3A_16 = tpu.memref_slice %arg8[%dma_start3A_14, %dma_start3A_15] : memref<128x128xf32, #tpu.memory_space<vmem>> -> memref<64x128xf32, #tpu.memory_space<vmem>>
    tpu.enqueue_dma source(%dma_start3A_16 : memref<64x128xf32, #tpu.memory_space<vmem>>) target(%dma_start3A_13 : memref<64x128xf32, #tpu.memory_space<vmem_shared>>) target_semaphore(%arg11 : memref<!tpu.dma_semaphore, #tpu.memory_space<semaphore_mem>>)
    %add3A_17 = arith.constant 64 : i32
    %add3A_18 = arith.addi %multiple_of3A, %add3A_17 : i32
    %dma_start3A_19 = arith.constant 0 : i32
    %dma_start3A_20 = arith.constant 0 : i32
    %dma_start3A_21 = tpu.memref_slice %arg8[%dma_start3A_19, %dma_start3A_20] : memref<128x128xf32, #tpu.memory_space<vmem>> -> memref<64x128xf32, #tpu.memory_space<vmem>>
    %dma_start3A_22 = arith.constant 0 : i32
    %dma_start3A_23 = tpu.memref_slice %arg10[%add3A_18, %dma_start3A_22] : memref<10240x128xf32, #tpu.memory_space<vmem_shared>> -> memref<64x128xf32, #tpu.memory_space<vmem_shared>>
    %dma_start3A_24 = arith.constant 0 : i32
    %dma_start3A_25 = tpu.memref_slice %arg10[%add3A_18, %dma_start3A_24] : memref<10240x128xf32, #tpu.memory_space<vmem_shared>> -> memref<64x128xf32, #tpu.memory_space<vmem_shared>>
    %dma_start3A_26 = arith.constant 0 : i32
    %dma_start3A_27 = arith.constant 0 : i32
    %dma_start3A_28 = tpu.memref_slice %arg8[%dma_start3A_26, %dma_start3A_27] : memref<128x128xf32, #tpu.memory_space<vmem>> -> memref<64x128xf32, #tpu.memory_space<vmem>>
    tpu.enqueue_dma source(%dma_start3A_28 : memref<64x128xf32, #tpu.memory_space<vmem>>) target(%dma_start3A_25 : memref<64x128xf32, #tpu.memory_space<vmem_shared>>) target_semaphore(%arg11 : memref<!tpu.dma_semaphore, #tpu.memory_space<semaphore_mem>>)
    %add3A_29 = arith.constant 128 : i32
    %add3A_30 = arith.addi %multiple_of3A, %add3A_29 : i32
    %dma_start3A_31 = arith.constant 0 : i32
    %dma_start3A_32 = arith.constant 0 : i32
    %dma_start3A_33 = tpu.memref_slice %arg8[%dma_start3A_31, %dma_start3A_32] : memref<128x128xf32, #tpu.memory_space<vmem>> -> memref<64x128xf32, #tpu.memory_space<vmem>>
    %dma_start3A_34 = arith.constant 0 : i32
    %dma_start3A_35 = tpu.memref_slice %arg10[%add3A_30, %dma_start3A_34] : memref<10240x128xf32, #tpu.memory_space<vmem_shared>> -> memref<64x128xf32, #tpu.memory_space<vmem_shared>>
    %dma_start3A_36 = arith.constant 0 : i32
    %dma_start3A_37 = tpu.memref_slice %arg10[%add3A_30, %dma_start3A_36] : memref<10240x128xf32, #tpu.memory_space<vmem_shared>> -> memref<64x128xf32, #tpu.memory_space<vmem_shared>>
    %dma_start3A_38 = arith.constant 0 : i32
    %dma_start3A_39 = arith.constant 0 : i32
    %dma_start3A_40 = tpu.memref_slice %arg8[%dma_start3A_38, %dma_start3A_39] : memref<128x128xf32, #tpu.memory_space<vmem>> -> memref<64x128xf32, #tpu.memory_space<vmem>>
    tpu.enqueue_dma source(%dma_start3A_40 : memref<64x128xf32, #tpu.memory_space<vmem>>) target(%dma_start3A_37 : memref<64x128xf32, #tpu.memory_space<vmem_shared>>) target_semaphore(%arg11 : memref<!tpu.dma_semaphore, #tpu.memory_space<semaphore_mem>>)
    %add3A_41 = arith.constant 192 : i32
    %add3A_42 = arith.addi %multiple_of3A, %add3A_41 : i32
    %dma_start3A_43 = arith.constant 0 : i32
    %dma_start3A_44 = arith.constant 0 : i32
    %dma_start3A_45 = tpu.memref_slice %arg8[%dma_start3A_43, %dma_start3A_44] : memref<128x128xf32, #tpu.memory_space<vmem>> -> memref<64x128xf32, #tpu.memory_space<vmem>>
    %dma_start3A_46 = arith.constant 0 : i32
    %dma_start3A_47 = tpu.memref_slice %arg10[%add3A_42, %dma_start3A_46] : memref<10240x128xf32, #tpu.memory_space<vmem_shared>> -> memref<64x128xf32, #tpu.memory_space<vmem_shared>>
    %dma_start3A_48 = arith.constant 0 : i32
    %dma_start3A_49 = tpu.memref_slice %arg10[%add3A_42, %dma_start3A_48] : memref<10240x128xf32, #tpu.memory_space<vmem_shared>> -> memref<64x128xf32, #tpu.memory_space<vmem_shared>>
    %dma_start3A_50 = arith.constant 0 : i32
    %dma_start3A_51 = arith.constant 0 : i32
    %dma_start3A_52 = tpu.memref_slice %arg8[%dma_start3A_50, %dma_start3A_51] : memref<128x128xf32, #tpu.memory_space<vmem>> -> memref<64x128xf32, #tpu.memory_space<vmem>>
    tpu.enqueue_dma source(%dma_start3A_52 : memref<64x128xf32, #tpu.memory_space<vmem>>) target(%dma_start3A_49 : memref<64x128xf32, #tpu.memory_space<vmem_shared>>) target_semaphore(%arg11 : memref<!tpu.dma_semaphore, #tpu.memory_space<semaphore_mem>>)
    %add3A_53 = arith.constant 256 : i32
    %add3A_54 = arith.addi %multiple_of3A, %add3A_53 : i32
    %dma_start3A_55 = arith.constant 0 : i32
    %dma_start3A_56 = arith.constant 0 : i32
    %dma_start3A_57 = tpu.memref_slice %arg8[%dma_start3A_55, %dma_start3A_56] : memref<128x128xf32, #tpu.memory_space<vmem>> -> memref<64x128xf32, #tpu.memory_space<vmem>>
    %dma_start3A_58 = arith.constant 0 : i32
    %dma_start3A_59 = tpu.memref_slice %arg10[%add3A_54, %dma_start3A_58] : memref<10240x128xf32, #tpu.memory_space<vmem_shared>> -> memref<64x128xf32, #tpu.memory_space<vmem_shared>>
    %dma_start3A_60 = arith.constant 0 : i32
    %dma_start3A_61 = tpu.memref_slice %arg10[%add3A_54, %dma_start3A_60] : memref<10240x128xf32, #tpu.memory_space<vmem_shared>> -> memref<64x128xf32, #tpu.memory_space<vmem_shared>>
    %dma_start3A_62 = arith.constant 0 : i32
    %dma_start3A_63 = arith.constant 0 : i32
    %dma_start3A_64 = tpu.memref_slice %arg8[%dma_start3A_62, %dma_start3A_63] : memref<128x128xf32, #tpu.memory_space<vmem>> -> memref<64x128xf32, #tpu.memory_space<vmem>>
    tpu.enqueue_dma source(%dma_start3A_64 : memref<64x128xf32, #tpu.memory_space<vmem>>) target(%dma_start3A_61 : memref<64x128xf32, #tpu.memory_space<vmem_shared>>) target_semaphore(%arg11 : memref<!tpu.dma_semaphore, #tpu.memory_space<semaphore_mem>>)
    %add3A_65 = arith.constant 320 : i32
    %add3A_66 = arith.addi %multiple_of3A, %add3A_65 : i32
    %dma_start3A_67 = arith.constant 0 : i32
    %dma_start3A_68 = arith.constant 0 : i32
    %dma_start3A_69 = tpu.memref_slice %arg8[%dma_start3A_67, %dma_start3A_68] : memref<128x128xf32, #tpu.memory_space<vmem>> -> memref<64x128xf32, #tpu.memory_space<vmem>>
    %dma_start3A_70 = arith.constant 0 : i32
    %dma_start3A_71 = tpu.memref_slice %arg10[%add3A_66, %dma_start3A_70] : memref<10240x128xf32, #tpu.memory_space<vmem_shared>> -> memref<64x128xf32, #tpu.memory_space<vmem_shared>>
    %dma_start3A_72 = arith.constant 0 : i32
    %dma_start3A_73 = tpu.memref_slice %arg10[%add3A_66, %dma_start3A_72] : memref<10240x128xf32, #tpu.memory_space<vmem_shared>> -> memref<64x128xf32, #tpu.memory_space<vmem_shared>>
    %dma_start3A_74 = arith.constant 0 : i32
    %dma_start3A_75 = arith.constant 0 : i32
    %dma_start3A_76 = tpu.memref_slice %arg8[%dma_start3A_74, %dma_start3A_75] : memref<128x128xf32, #tpu.memory_space<vmem>> -> memref<64x128xf32, #tpu.memory_space<vmem>>
    tpu.enqueue_dma source(%dma_start3A_76 : memref<64x128xf32, #tpu.memory_space<vmem>>) target(%dma_start3A_73 : memref<64x128xf32, #tpu.memory_space<vmem_shared>>) target_semaphore(%arg11 : memref<!tpu.dma_semaphore, #tpu.memory_space<semaphore_mem>>)
    %add3A_77 = arith.constant 384 : i32
    %add3A_78 = arith.addi %multiple_of3A, %add3A_77 : i32
    %dma_start3A_79 = arith.constant 0 : i32
    %dma_start3A_80 = arith.constant 0 : i32
    %dma_start3A_81 = tpu.memref_slice %arg8[%dma_start3A_79, %dma_start3A_80] : memref<128x128xf32, #tpu.memory_space<vmem>> -> memref<64x128xf32, #tpu.memory_space<vmem>>
    %dma_start3A_82 = arith.constant 0 : i32
    %dma_start3A_83 = tpu.memref_slice %arg10[%add3A_78, %dma_start3A_82] : memref<10240x128xf32, #tpu.memory_space<vmem_shared>> -> memref<64x128xf32, #tpu.memory_space<vmem_shared>>
    %dma_start3A_84 = arith.constant 0 : i32
    %dma_start3A_85 = tpu.memref_slice %arg10[%add3A_78, %dma_start3A_84] : memref<10240x128xf32, #tpu.memory_space<vmem_shared>> -> memref<64x128xf32, #tpu.memory_space<vmem_shared>>
    %dma_start3A_86 = arith.constant 0 : i32
    %dma_start3A_87 = arith.constant 0 : i32
    %dma_start3A_88 = tpu.memref_slice %arg8[%dma_start3A_86, %dma_start3A_87] : memref<128x128xf32, #tpu.memory_space<vmem>> -> memref<64x128xf32, #tpu.memory_space<vmem>>
    tpu.enqueue_dma source(%dma_start3A_88 : memref<64x128xf32, #tpu.memory_space<vmem>>) target(%dma_start3A_85 : memref<64x128xf32, #tpu.memory_space<vmem_shared>>) target_semaphore(%arg11 : memref<!tpu.dma_semaphore, #tpu.memory_space<semaphore_mem>>)
    %add3A_89 = arith.constant 448 : i32
    %add3A_90 = arith.addi %multiple_of3A, %add3A_89 : i32
    %dma_start3A_91 = arith.constant 0 : i32
    %dma_start3A_92 = arith.constant 0 : i32
    %dma_start3A_93 = tpu.memref_slice %arg8[%dma_start3A_91, %dma_start3A_92] : memref<128x128xf32, #tpu.memory_space<vmem>> -> memref<64x128xf32, #tpu.memory_space<vmem>>
    %dma_start3A_94 = arith.constant 0 : i32
    %dma_start3A_95 = tpu.memref_slice %arg10[%add3A_90, %dma_start3A_94] : memref<10240x128xf32, #tpu.memory_space<vmem_shared>> -> memref<64x128xf32, #tpu.memory_space<vmem_shared>>
    %dma_start3A_96 = arith.constant 0 : i32
    %dma_start3A_97 = tpu.memref_slice %arg10[%add3A_90, %dma_start3A_96] : memref<10240x128xf32, #tpu.memory_space<vmem_shared>> -> memref<64x128xf32, #tpu.memory_space<vmem_shared>>
    %dma_start3A_98 = arith.constant 0 : i32
    %dma_start3A_99 = arith.constant 0 : i32
    %dma_start3A_100 = tpu.memref_slice %arg8[%dma_start3A_98, %dma_start3A_99] : memref<128x128xf32, #tpu.memory_space<vmem>> -> memref<64x128xf32, #tpu.memory_space<vmem>>
    tpu.enqueue_dma source(%dma_start3A_100 : memref<64x128xf32, #tpu.memory_space<vmem>>) target(%dma_start3A_97 : memref<64x128xf32, #tpu.memory_space<vmem_shared>>) target_semaphore(%arg11 : memref<!tpu.dma_semaphore, #tpu.memory_space<semaphore_mem>>)
    %add3A_101 = arith.constant 512 : i32
    %add3A_102 = arith.addi %multiple_of3A, %add3A_101 : i32
    %dma_start3A_103 = arith.constant 0 : i32
    %dma_start3A_104 = arith.constant 0 : i32
    %dma_start3A_105 = tpu.memref_slice %arg8[%dma_start3A_103, %dma_start3A_104] : memref<128x128xf32, #tpu.memory_space<vmem>> -> memref<64x128xf32, #tpu.memory_space<vmem>>
    %dma_start3A_106 = arith.constant 0 : i32
    %dma_start3A_107 = tpu.memref_slice %arg10[%add3A_102, %dma_start3A_106] : memref<10240x128xf32, #tpu.memory_space<vmem_shared>> -> memref<64x128xf32, #tpu.memory_space<vmem_shared>>
    %dma_start3A_108 = arith.constant 0 : i32
    %dma_start3A_109 = tpu.memref_slice %arg10[%add3A_102, %dma_start3A_108] : memref<10240x128xf32, #tpu.memory_space<vmem_shared>> -> memref<64x128xf32, #tpu.memory_space<vmem_shared>>
    %dma_start3A_110 = arith.constant 0 : i32
    %dma_start3A_111 = arith.constant 0 : i32
    %dma_start3A_112 = tpu.memref_slice %arg8[%dma_start3A_110, %dma_start3A_111] : memref<128x128xf32, #tpu.memory_space<vmem>> -> memref<64x128xf32, #tpu.memory_space<vmem>>
    tpu.enqueue_dma source(%dma_start3A_112 : memref<64x128xf32, #tpu.memory_space<vmem>>) target(%dma_start3A_109 : memref<64x128xf32, #tpu.memory_space<vmem_shared>>) target_semaphore(%arg11 : memref<!tpu.dma_semaphore, #tpu.memory_space<semaphore_mem>>)
    %add3A_113 = arith.constant 576 : i32
    %add3A_114 = arith.addi %multiple_of3A, %add3A_113 : i32
    %dma_start3A_115 = arith.constant 0 : i32
    %dma_start3A_116 = arith.constant 0 : i32
    %dma_start3A_117 = tpu.memref_slice %arg8[%dma_start3A_115, %dma_start3A_116] : memref<128x128xf32, #tpu.memory_space<vmem>> -> memref<64x128xf32, #tpu.memory_space<vmem>>
    %dma_start3A_118 = arith.constant 0 : i32
    %dma_start3A_119 = tpu.memref_slice %arg10[%add3A_114, %dma_start3A_118] : memref<10240x128xf32, #tpu.memory_space<vmem_shared>> -> memref<64x128xf32, #tpu.memory_space<vmem_shared>>
    %dma_start3A_120 = arith.constant 0 : i32
    %dma_start3A_121 = tpu.memref_slice %arg10[%add3A_114, %dma_start3A_120] : memref<10240x128xf32, #tpu.memory_space<vmem_shared>> -> memref<64x128xf32, #tpu.memory_space<vmem_shared>>
    %dma_start3A_122 = arith.constant 0 : i32
    %dma_start3A_123 = arith.constant 0 : i32
    %dma_start3A_124 = tpu.memref_slice %arg8[%dma_start3A_122, %dma_start3A_123] : memref<128x128xf32, #tpu.memory_space<vmem>> -> memref<64x128xf32, #tpu.memory_space<vmem>>
    tpu.enqueue_dma source(%dma_start3A_124 : memref<64x128xf32, #tpu.memory_space<vmem>>) target(%dma_start3A_121 : memref<64x128xf32, #tpu.memory_space<vmem_shared>>) target_semaphore(%arg11 : memref<!tpu.dma_semaphore, #tpu.memory_space<semaphore_mem>>)
    %dma_wait3A = arith.constant 0 : i32
    %dma_wait3A_125 = arith.constant 0 : i32
    %dma_wait3A_126 = tpu.memref_slice %arg8[%dma_wait3A, %dma_wait3A_125] : memref<128x128xf32, #tpu.memory_space<vmem>> -> memref<64x128xf32, #tpu.memory_space<vmem>>
    %dma_wait3A_127 = arith.constant 0 : i32
    %dma_wait3A_128 = tpu.memref_slice %arg10[%add3A_7, %dma_wait3A_127] : memref<10240x128xf32, #tpu.memory_space<vmem_shared>> -> memref<64x128xf32, #tpu.memory_space<vmem_shared>>
    %dma_wait3A_129 = arith.constant 0 : i32
    %dma_wait3A_130 = tpu.memref_slice %arg10[%add3A_7, %dma_wait3A_129] : memref<10240x128xf32, #tpu.memory_space<vmem_shared>> -> memref<64x128xf32, #tpu.memory_space<vmem_shared>>
    %dma_wait3A_131 = arith.constant 0 : i32
    %dma_wait3A_132 = arith.constant 0 : i32
    %dma_wait3A_133 = tpu.memref_slice %arg8[%dma_wait3A_131, %dma_wait3A_132] : memref<128x128xf32, #tpu.memory_space<vmem>> -> memref<64x128xf32, #tpu.memory_space<vmem>>
    tpu.wait_dma2 semaphore(%arg11 : memref<!tpu.dma_semaphore, #tpu.memory_space<semaphore_mem>>) src(%dma_wait3A_133 : memref<64x128xf32, #tpu.memory_space<vmem>>) dst(%dma_wait3A_130 : memref<64x128xf32, #tpu.memory_space<vmem_shared>>)
    %dma_wait3A_134 = arith.constant 0 : i32
    %dma_wait3A_135 = arith.constant 0 : i32
    %dma_wait3A_136 = tpu.memref_slice %arg8[%dma_wait3A_134, %dma_wait3A_135] : memref<128x128xf32, #tpu.memory_space<vmem>> -> memref<64x128xf32, #tpu.memory_space<vmem>>
    %dma_wait3A_137 = arith.constant 0 : i32
    %dma_wait3A_138 = tpu.memref_slice %arg10[%add3A_18, %dma_wait3A_137] : memref<10240x128xf32, #tpu.memory_space<vmem_shared>> -> memref<64x128xf32, #tpu.memory_space<vmem_shared>>
    %dma_wait3A_139 = arith.constant 0 : i32
    %dma_wait3A_140 = tpu.memref_slice %arg10[%add3A_18, %dma_wait3A_139] : memref<10240x128xf32, #tpu.memory_space<vmem_shared>> -> memref<64x128xf32, #tpu.memory_space<vmem_shared>>
    %dma_wait3A_141 = arith.constant 0 : i32
    %dma_wait3A_142 = arith.constant 0 : i32
    %dma_wait3A_143 = tpu.memref_slice %arg8[%dma_wait3A_141, %dma_wait3A_142] : memref<128x128xf32, #tpu.memory_space<vmem>> -> memref<64x128xf32, #tpu.memory_space<vmem>>
    tpu.wait_dma2 semaphore(%arg11 : memref<!tpu.dma_semaphore, #tpu.memory_space<semaphore_mem>>) src(%dma_wait3A_143 : memref<64x128xf32, #tpu.memory_space<vmem>>) dst(%dma_wait3A_140 : memref<64x128xf32, #tpu.memory_space<vmem_shared>>)
    %dma_wait3A_144 = arith.constant 0 : i32
    %dma_wait3A_145 = arith.constant 0 : i32
    %dma_wait3A_146 = tpu.memref_slice %arg8[%dma_wait3A_144, %dma_wait3A_145] : memref<128x128xf32, #tpu.memory_space<vmem>> -> memref<64x128xf32, #tpu.memory_space<vmem>>
    %dma_wait3A_147 = arith.constant 0 : i32
    %dma_wait3A_148 = tpu.memref_slice %arg10[%add3A_30, %dma_wait3A_147] : memref<10240x128xf32, #tpu.memory_space<vmem_shared>> -> memref<64x128xf32, #tpu.memory_space<vmem_shared>>
    %dma_wait3A_149 = arith.constant 0 : i32
    %dma_wait3A_150 = tpu.memref_slice %arg10[%add3A_30, %dma_wait3A_149] : memref<10240x128xf32, #tpu.memory_space<vmem_shared>> -> memref<64x128xf32, #tpu.memory_space<vmem_shared>>
    %dma_wait3A_151 = arith.constant 0 : i32
    %dma_wait3A_152 = arith.constant 0 : i32
    %dma_wait3A_153 = tpu.memref_slice %arg8[%dma_wait3A_151, %dma_wait3A_152] : memref<128x128xf32, #tpu.memory_space<vmem>> -> memref<64x128xf32, #tpu.memory_space<vmem>>
    tpu.wait_dma2 semaphore(%arg11 : memref<!tpu.dma_semaphore, #tpu.memory_space<semaphore_mem>>) src(%dma_wait3A_153 : memref<64x128xf32, #tpu.memory_space<vmem>>) dst(%dma_wait3A_150 : memref<64x128xf32, #tpu.memory_space<vmem_shared>>)
    %dma_wait3A_154 = arith.constant 0 : i32
    %dma_wait3A_155 = arith.constant 0 : i32
    %dma_wait3A_156 = tpu.memref_slice %arg8[%dma_wait3A_154, %dma_wait3A_155] : memref<128x128xf32, #tpu.memory_space<vmem>> -> memref<64x128xf32, #tpu.memory_space<vmem>>
    %dma_wait3A_157 = arith.constant 0 : i32
    %dma_wait3A_158 = tpu.memref_slice %arg10[%add3A_42, %dma_wait3A_157] : memref<10240x128xf32, #tpu.memory_space<vmem_shared>> -> memref<64x128xf32, #tpu.memory_space<vmem_shared>>
    %dma_wait3A_159 = arith.constant 0 : i32
    %dma_wait3A_160 = tpu.memref_slice %arg10[%add3A_42, %dma_wait3A_159] : memref<10240x128xf32, #tpu.memory_space<vmem_shared>> -> memref<64x128xf32, #tpu.memory_space<vmem_shared>>
    %dma_wait3A_161 = arith.constant 0 : i32
    %dma_wait3A_162 = arith.constant 0 : i32
    %dma_wait3A_163 = tpu.memref_slice %arg8[%dma_wait3A_161, %dma_wait3A_162] : memref<128x128xf32, #tpu.memory_space<vmem>> -> memref<64x128xf32, #tpu.memory_space<vmem>>
    tpu.wait_dma2 semaphore(%arg11 : memref<!tpu.dma_semaphore, #tpu.memory_space<semaphore_mem>>) src(%dma_wait3A_163 : memref<64x128xf32, #tpu.memory_space<vmem>>) dst(%dma_wait3A_160 : memref<64x128xf32, #tpu.memory_space<vmem_shared>>)
    %dma_wait3A_164 = arith.constant 0 : i32
    %dma_wait3A_165 = arith.constant 0 : i32
    %dma_wait3A_166 = tpu.memref_slice %arg8[%dma_wait3A_164, %dma_wait3A_165] : memref<128x128xf32, #tpu.memory_space<vmem>> -> memref<64x128xf32, #tpu.memory_space<vmem>>
    %dma_wait3A_167 = arith.constant 0 : i32
    %dma_wait3A_168 = tpu.memref_slice %arg10[%add3A_54, %dma_wait3A_167] : memref<10240x128xf32, #tpu.memory_space<vmem_shared>> -> memref<64x128xf32, #tpu.memory_space<vmem_shared>>
    %dma_wait3A_169 = arith.constant 0 : i32
    %dma_wait3A_170 = tpu.memref_slice %arg10[%add3A_54, %dma_wait3A_169] : memref<10240x128xf32, #tpu.memory_space<vmem_shared>> -> memref<64x128xf32, #tpu.memory_space<vmem_shared>>
    %dma_wait3A_171 = arith.constant 0 : i32
    %dma_wait3A_172 = arith.constant 0 : i32
    %dma_wait3A_173 = tpu.memref_slice %arg8[%dma_wait3A_171, %dma_wait3A_172] : memref<128x128xf32, #tpu.memory_space<vmem>> -> memref<64x128xf32, #tpu.memory_space<vmem>>
    tpu.wait_dma2 semaphore(%arg11 : memref<!tpu.dma_semaphore, #tpu.memory_space<semaphore_mem>>) src(%dma_wait3A_173 : memref<64x128xf32, #tpu.memory_space<vmem>>) dst(%dma_wait3A_170 : memref<64x128xf32, #tpu.memory_space<vmem_shared>>)
    %dma_wait3A_174 = arith.constant 0 : i32
    %dma_wait3A_175 = arith.constant 0 : i32
    %dma_wait3A_176 = tpu.memref_slice %arg8[%dma_wait3A_174, %dma_wait3A_175] : memref<128x128xf32, #tpu.memory_space<vmem>> -> memref<64x128xf32, #tpu.memory_space<vmem>>
    %dma_wait3A_177 = arith.constant 0 : i32
    %dma_wait3A_178 = tpu.memref_slice %arg10[%add3A_66, %dma_wait3A_177] : memref<10240x128xf32, #tpu.memory_space<vmem_shared>> -> memref<64x128xf32, #tpu.memory_space<vmem_shared>>
    %dma_wait3A_179 = arith.constant 0 : i32
    %dma_wait3A_180 = tpu.memref_slice %arg10[%add3A_66, %dma_wait3A_179] : memref<10240x128xf32, #tpu.memory_space<vmem_shared>> -> memref<64x128xf32, #tpu.memory_space<vmem_shared>>
    %dma_wait3A_181 = arith.constant 0 : i32
    %dma_wait3A_182 = arith.constant 0 : i32
    %dma_wait3A_183 = tpu.memref_slice %arg8[%dma_wait3A_181, %dma_wait3A_182] : memref<128x128xf32, #tpu.memory_space<vmem>> -> memref<64x128xf32, #tpu.memory_space<vmem>>
    tpu.wait_dma2 semaphore(%arg11 : memref<!tpu.dma_semaphore, #tpu.memory_space<semaphore_mem>>) src(%dma_wait3A_183 : memref<64x128xf32, #tpu.memory_space<vmem>>) dst(%dma_wait3A_180 : memref<64x128xf32, #tpu.memory_space<vmem_shared>>)
    %dma_wait3A_184 = arith.constant 0 : i32
    %dma_wait3A_185 = arith.constant 0 : i32
    %dma_wait3A_186 = tpu.memref_slice %arg8[%dma_wait3A_184, %dma_wait3A_185] : memref<128x128xf32, #tpu.memory_space<vmem>> -> memref<64x128xf32, #tpu.memory_space<vmem>>
    %dma_wait3A_187 = arith.constant 0 : i32
    %dma_wait3A_188 = tpu.memref_slice %arg10[%add3A_78, %dma_wait3A_187] : memref<10240x128xf32, #tpu.memory_space<vmem_shared>> -> memref<64x128xf32, #tpu.memory_space<vmem_shared>>
    %dma_wait3A_189 = arith.constant 0 : i32
    %dma_wait3A_190 = tpu.memref_slice %arg10[%add3A_78, %dma_wait3A_189] : memref<10240x128xf32, #tpu.memory_space<vmem_shared>> -> memref<64x128xf32, #tpu.memory_space<vmem_shared>>
    %dma_wait3A_191 = arith.constant 0 : i32
    %dma_wait3A_192 = arith.constant 0 : i32
    %dma_wait3A_193 = tpu.memref_slice %arg8[%dma_wait3A_191, %dma_wait3A_192] : memref<128x128xf32, #tpu.memory_space<vmem>> -> memref<64x128xf32, #tpu.memory_space<vmem>>
    tpu.wait_dma2 semaphore(%arg11 : memref<!tpu.dma_semaphore, #tpu.memory_space<semaphore_mem>>) src(%dma_wait3A_193 : memref<64x128xf32, #tpu.memory_space<vmem>>) dst(%dma_wait3A_190 : memref<64x128xf32, #tpu.memory_space<vmem_shared>>)
    %dma_wait3A_194 = arith.constant 0 : i32
    %dma_wait3A_195 = arith.constant 0 : i32
    %dma_wait3A_196 = tpu.memref_slice %arg8[%dma_wait3A_194, %dma_wait3A_195] : memref<128x128xf32, #tpu.memory_space<vmem>> -> memref<64x128xf32, #tpu.memory_space<vmem>>
    %dma_wait3A_197 = arith.constant 0 : i32
    %dma_wait3A_198 = tpu.memref_slice %arg10[%add3A_90, %dma_wait3A_197] : memref<10240x128xf32, #tpu.memory_space<vmem_shared>> -> memref<64x128xf32, #tpu.memory_space<vmem_shared>>
    %dma_wait3A_199 = arith.constant 0 : i32
    %dma_wait3A_200 = tpu.memref_slice %arg10[%add3A_90, %dma_wait3A_199] : memref<10240x128xf32, #tpu.memory_space<vmem_shared>> -> memref<64x128xf32, #tpu.memory_space<vmem_shared>>
    %dma_wait3A_201 = arith.constant 0 : i32
    %dma_wait3A_202 = arith.constant 0 : i32
    %dma_wait3A_203 = tpu.memref_slice %arg8[%dma_wait3A_201, %dma_wait3A_202] : memref<128x128xf32, #tpu.memory_space<vmem>> -> memref<64x128xf32, #tpu.memory_space<vmem>>
    tpu.wait_dma2 semaphore(%arg11 : memref<!tpu.dma_semaphore, #tpu.memory_space<semaphore_mem>>) src(%dma_wait3A_203 : memref<64x128xf32, #tpu.memory_space<vmem>>) dst(%dma_wait3A_200 : memref<64x128xf32, #tpu.memory_space<vmem_shared>>)
    %dma_wait3A_204 = arith.constant 0 : i32
    %dma_wait3A_205 = arith.constant 0 : i32
    %dma_wait3A_206 = tpu.memref_slice %arg8[%dma_wait3A_204, %dma_wait3A_205] : memref<128x128xf32, #tpu.memory_space<vmem>> -> memref<64x128xf32, #tpu.memory_space<vmem>>
    %dma_wait3A_207 = arith.constant 0 : i32
    %dma_wait3A_208 = tpu.memref_slice %arg10[%add3A_102, %dma_wait3A_207] : memref<10240x128xf32, #tpu.memory_space<vmem_shared>> -> memref<64x128xf32, #tpu.memory_space<vmem_shared>>
    %dma_wait3A_209 = arith.constant 0 : i32
    %dma_wait3A_210 = tpu.memref_slice %arg10[%add3A_102, %dma_wait3A_209] : memref<10240x128xf32, #tpu.memory_space<vmem_shared>> -> memref<64x128xf32, #tpu.memory_space<vmem_shared>>
    %dma_wait3A_211 = arith.constant 0 : i32
    %dma_wait3A_212 = arith.constant 0 : i32
    %dma_wait3A_213 = tpu.memref_slice %arg8[%dma_wait3A_211, %dma_wait3A_212] : memref<128x128xf32, #tpu.memory_space<vmem>> -> memref<64x128xf32, #tpu.memory_space<vmem>>
    tpu.wait_dma2 semaphore(%arg11 : memref<!tpu.dma_semaphore, #tpu.memory_space<semaphore_mem>>) src(%dma_wait3A_213 : memref<64x128xf32, #tpu.memory_space<vmem>>) dst(%dma_wait3A_210 : memref<64x128xf32, #tpu.memory_space<vmem_shared>>)
    %dma_wait3A_214 = arith.constant 0 : i32
    %dma_wait3A_215 = arith.constant 0 : i32
    %dma_wait3A_216 = tpu.memref_slice %arg8[%dma_wait3A_214, %dma_wait3A_215] : memref<128x128xf32, #tpu.memory_space<vmem>> -> memref<64x128xf32, #tpu.memory_space<vmem>>
    %dma_wait3A_217 = arith.constant 0 : i32
    %dma_wait3A_218 = tpu.memref_slice %arg10[%add3A_114, %dma_wait3A_217] : memref<10240x128xf32, #tpu.memory_space<vmem_shared>> -> memref<64x128xf32, #tpu.memory_space<vmem_shared>>
    %dma_wait3A_219 = arith.constant 0 : i32
    %dma_wait3A_220 = tpu.memref_slice %arg10[%add3A_114, %dma_wait3A_219] : memref<10240x128xf32, #tpu.memory_space<vmem_shared>> -> memref<64x128xf32, #tpu.memory_space<vmem_shared>>
    %dma_wait3A_221 = arith.constant 0 : i32
    %dma_wait3A_222 = arith.constant 0 : i32
    %dma_wait3A_223 = tpu.memref_slice %arg8[%dma_wait3A_221, %dma_wait3A_222] : memref<128x128xf32, #tpu.memory_space<vmem>> -> memref<64x128xf32, #tpu.memory_space<vmem>>
    tpu.wait_dma2 semaphore(%arg11 : memref<!tpu.dma_semaphore, #tpu.memory_space<semaphore_mem>>) src(%dma_wait3A_223 : memref<64x128xf32, #tpu.memory_space<vmem>>) dst(%dma_wait3A_220 : memref<64x128xf32, #tpu.memory_space<vmem_shared>>)
    %barrier3A = arith.constant 0 : index
    tpu.barrier barrier_id(%barrier3A)
    %scan3A_224 = arith.constant 0 : i32
    %scan3A_225 = arith.constant 0 : i32
    %scan3A_226 = arith.constant 5 : i32
    %scan3A_227 = arith.addi %scan3A_225, %scan3A_226 : i32
    %scan3A_228 = arith.constant 1 : i32
    scf.for %scan3A_240 = %scan3A_225 to %scan3A_227 step %scan3A_228  : i32 {
      %eq3A_241 = arith.constant 0 : i32
      %eq3A_242 = arith.cmpi eq, %arg0, %eq3A_241 : i32
      %convert_element_type3A_243 = arith.extui %eq3A_242 : i1 to i32
      %cond3A_244 = arith.constant 0 : i32
      %cond3A_245 = arith.cmpi ne, %convert_element_type3A_243, %cond3A_244 : i32
      scf.if %cond3A_245 {
        "tpu.region"() ({
          %run_scoped3A = tpu.sem_alloc : memref<!tpu.dma_semaphore, #tpu.memory_space<semaphore_mem>>
          %dma_start3A_699 = arith.constant 0 : i32
          %dma_start3A_700 = arith.constant 0 : i32
          %dma_start3A_701 = tpu.memref_slice %arg2[%arg1, %scan3A_240, %dma_start3A_699, %dma_start3A_700] : memref<16x5x32x128xi32, #tpu.memory_space<hbm>> -> memref<1x1x32x128xi32, #tpu.memory_space<hbm>>
          %dma_start3A_702 = tpu.memref_squeeze %dma_start3A_701 : memref<1x1x32x128xi32, #tpu.memory_space<hbm>> -> memref<32x128xi32, #tpu.memory_space<hbm>>
          %dma_start3A_703 = arith.constant 0 : i32
          %dma_start3A_704 = arith.constant 0 : i32
          %dma_start3A_705 = tpu.memref_slice %arg2[%arg1, %scan3A_240, %dma_start3A_703, %dma_start3A_704] : memref<16x5x32x128xi32, #tpu.memory_space<hbm>> -> memref<1x1x32x128xi32, #tpu.memory_space<hbm>>
          %dma_start3A_706 = tpu.memref_squeeze %dma_start3A_705 : memref<1x1x32x128xi32, #tpu.memory_space<hbm>> -> memref<32x128xi32, #tpu.memory_space<hbm>>
          tpu.enqueue_dma source(%dma_start3A_706 : memref<32x128xi32, #tpu.memory_space<hbm>>) target(%arg7 : memref<32x128xi32, #tpu.memory_space<vmem>>) target_semaphore(%run_scoped3A : memref<!tpu.dma_semaphore, #tpu.memory_space<semaphore_mem>>)
          %dma_wait3A_707 = arith.constant 0 : i32
          %dma_wait3A_708 = arith.constant 0 : i32
          %dma_wait3A_709 = tpu.memref_slice %arg2[%arg1, %scan3A_240, %dma_wait3A_707, %dma_wait3A_708] : memref<16x5x32x128xi32, #tpu.memory_space<hbm>> -> memref<1x1x32x128xi32, #tpu.memory_space<hbm>>
          %dma_wait3A_710 = tpu.memref_squeeze %dma_wait3A_709 : memref<1x1x32x128xi32, #tpu.memory_space<hbm>> -> memref<32x128xi32, #tpu.memory_space<hbm>>
          %dma_wait3A_711 = arith.constant 0 : i32
          %dma_wait3A_712 = arith.constant 0 : i32
          %dma_wait3A_713 = tpu.memref_slice %arg2[%arg1, %scan3A_240, %dma_wait3A_711, %dma_wait3A_712] : memref<16x5x32x128xi32, #tpu.memory_space<hbm>> -> memref<1x1x32x128xi32, #tpu.memory_space<hbm>>
          %dma_wait3A_714 = tpu.memref_squeeze %dma_wait3A_713 : memref<1x1x32x128xi32, #tpu.memory_space<hbm>> -> memref<32x128xi32, #tpu.memory_space<hbm>>
          tpu.wait_dma2 semaphore(%run_scoped3A : memref<!tpu.dma_semaphore, #tpu.memory_space<semaphore_mem>>) src(%dma_wait3A_714 : memref<32x128xi32, #tpu.memory_space<hbm>>) dst(%arg7 : memref<32x128xi32, #tpu.memory_space<vmem>>)
          tpu.yield
        }) : () -> ()
      } else {
      }
      %eq3A_246 = arith.constant 1 : i32
      %eq3A_247 = arith.cmpi eq, %arg0, %eq3A_246 : i32
      %convert_element_type3A_248 = arith.extui %eq3A_247 : i1 to i32
      %cond3A_249 = arith.constant 0 : i32
      %cond3A_250 = arith.cmpi ne, %convert_element_type3A_248, %cond3A_249 : i32
      scf.if %cond3A_250 {
        "tpu.region"() ({
          %run_scoped3A = tpu.sem_alloc : memref<!tpu.dma_semaphore, #tpu.memory_space<semaphore_mem>>
          %dma_start3A_699 = arith.constant 0 : i32
          %dma_start3A_700 = arith.constant 0 : i32
          %dma_start3A_701 = tpu.memref_slice %arg3[%arg1, %scan3A_240, %dma_start3A_699, %dma_start3A_700] : memref<16x5x32x128xi32, #tpu.memory_space<hbm>> -> memref<1x1x32x128xi32, #tpu.memory_space<hbm>>
          %dma_start3A_702 = tpu.memref_squeeze %dma_start3A_701 : memref<1x1x32x128xi32, #tpu.memory_space<hbm>> -> memref<32x128xi32, #tpu.memory_space<hbm>>
          %dma_start3A_703 = arith.constant 0 : i32
          %dma_start3A_704 = arith.constant 0 : i32
          %dma_start3A_705 = tpu.memref_slice %arg3[%arg1, %scan3A_240, %dma_start3A_703, %dma_start3A_704] : memref<16x5x32x128xi32, #tpu.memory_space<hbm>> -> memref<1x1x32x128xi32, #tpu.memory_space<hbm>>
          %dma_start3A_706 = tpu.memref_squeeze %dma_start3A_705 : memref<1x1x32x128xi32, #tpu.memory_space<hbm>> -> memref<32x128xi32, #tpu.memory_space<hbm>>
          tpu.enqueue_dma source(%dma_start3A_706 : memref<32x128xi32, #tpu.memory_space<hbm>>) target(%arg7 : memref<32x128xi32, #tpu.memory_space<vmem>>) target_semaphore(%run_scoped3A : memref<!tpu.dma_semaphore, #tpu.memory_space<semaphore_mem>>)
          %dma_wait3A_707 = arith.constant 0 : i32
          %dma_wait3A_708 = arith.constant 0 : i32
          %dma_wait3A_709 = tpu.memref_slice %arg3[%arg1, %scan3A_240, %dma_wait3A_707, %dma_wait3A_708] : memref<16x5x32x128xi32, #tpu.memory_space<hbm>> -> memref<1x1x32x128xi32, #tpu.memory_space<hbm>>
          %dma_wait3A_710 = tpu.memref_squeeze %dma_wait3A_709 : memref<1x1x32x128xi32, #tpu.memory_space<hbm>> -> memref<32x128xi32, #tpu.memory_space<hbm>>
          %dma_wait3A_711 = arith.constant 0 : i32
          %dma_wait3A_712 = arith.constant 0 : i32
          %dma_wait3A_713 = tpu.memref_slice %arg3[%arg1, %scan3A_240, %dma_wait3A_711, %dma_wait3A_712] : memref<16x5x32x128xi32, #tpu.memory_space<hbm>> -> memref<1x1x32x128xi32, #tpu.memory_space<hbm>>
          %dma_wait3A_714 = tpu.memref_squeeze %dma_wait3A_713 : memref<1x1x32x128xi32, #tpu.memory_space<hbm>> -> memref<32x128xi32, #tpu.memory_space<hbm>>
          tpu.wait_dma2 semaphore(%run_scoped3A : memref<!tpu.dma_semaphore, #tpu.memory_space<semaphore_mem>>) src(%dma_wait3A_714 : memref<32x128xi32, #tpu.memory_space<hbm>>) dst(%arg7 : memref<32x128xi32, #tpu.memory_space<vmem>>)
          tpu.yield
        }) : () -> ()
      } else {
      }
      %dma_start3A_251 = arith.constant 0 : i32
      %dma_start3A_252 = arith.constant 0 : i32
      %dma_start3A_253 = tpu.memref_slice %arg7[%dma_start3A_251, %dma_start3A_252] : memref<32x128xi32, #tpu.memory_space<vmem>> -> memref<1x128xi32, #tpu.memory_space<vmem>>
      %dma_start3A_254 = tpu.memref_squeeze %dma_start3A_253 : memref<1x128xi32, #tpu.memory_space<vmem>> -> memref<128xi32, #tpu.memory_space<vmem>>
      %dma_start3A_255 = arith.constant 0 : i32
      %dma_start3A_256 = arith.constant 0 : i32
      %dma_start3A_257 = tpu.memref_slice %arg4[%dma_start3A_255, %dma_start3A_256] : memref<20000x128xf32, #tpu.memory_space<hbm>> -> memref<20000x128xf32, #tpu.memory_space<hbm>>
      tpu.enqueue_indirect_dma source(%dma_start3A_257 : memref<20000x128xf32, #tpu.memory_space<hbm>>) target(%arg8 : memref<128x128xf32, #tpu.memory_space<vmem>>) offsets(%dma_start3A_254 : memref<128xi32, #tpu.memory_space<vmem>>) semaphore(%arg11 : memref<!tpu.dma_semaphore, #tpu.memory_space<semaphore_mem>>)
      %dma_start3A_258 = arith.constant 1 : i32
      %dma_start3A_259 = arith.constant 0 : i32
      %dma_start3A_260 = tpu.memref_slice %arg7[%dma_start3A_258, %dma_start3A_259] : memref<32x128xi32, #tpu.memory_space<vmem>> -> memref<1x128xi32, #tpu.memory_space<vmem>>
      %dma_start3A_261 = tpu.memref_squeeze %dma_start3A_260 : memref<1x128xi32, #tpu.memory_space<vmem>> -> memref<128xi32, #tpu.memory_space<vmem>>
      %dma_start3A_262 = arith.constant 0 : i32
      %dma_start3A_263 = arith.constant 0 : i32
      %dma_start3A_264 = tpu.memref_slice %arg4[%dma_start3A_262, %dma_start3A_263] : memref<20000x128xf32, #tpu.memory_space<hbm>> -> memref<20000x128xf32, #tpu.memory_space<hbm>>
      tpu.enqueue_indirect_dma source(%dma_start3A_264 : memref<20000x128xf32, #tpu.memory_space<hbm>>) target(%arg9 : memref<128x128xf32, #tpu.memory_space<vmem>>) offsets(%dma_start3A_261 : memref<128xi32, #tpu.memory_space<vmem>>) semaphore(%arg12 : memref<!tpu.dma_semaphore, #tpu.memory_space<semaphore_mem>>)
      %dma_wait3A_265 = arith.constant 0 : i32
      %dma_wait3A_266 = arith.constant 0 : i32
      %dma_wait3A_267 = tpu.memref_slice %arg7[%dma_wait3A_265, %dma_wait3A_266] : memref<32x128xi32, #tpu.memory_space<vmem>> -> memref<1x128xi32, #tpu.memory_space<vmem>>
      %dma_wait3A_268 = tpu.memref_squeeze %dma_wait3A_267 : memref<1x128xi32, #tpu.memory_space<vmem>> -> memref<128xi32, #tpu.memory_space<vmem>>
      %dma_wait3A_269 = arith.constant 0 : i32
      %dma_wait3A_270 = arith.constant 0 : i32
      %dma_wait3A_271 = tpu.memref_slice %arg4[%dma_wait3A_269, %dma_wait3A_270] : memref<20000x128xf32, #tpu.memory_space<hbm>> -> memref<20000x128xf32, #tpu.memory_space<hbm>>
      tpu.wait_indirect_dma semaphore(%arg11 : memref<!tpu.dma_semaphore, #tpu.memory_space<semaphore_mem>>) src(%dma_wait3A_271 : memref<20000x128xf32, #tpu.memory_space<hbm>>) dst(%arg8 : memref<128x128xf32, #tpu.memory_space<vmem>>)
      %dma_start3A_272 = arith.constant 8 : i32
      %dma_start3A_273 = arith.constant 0 : i32
      %dma_start3A_274 = tpu.memref_slice %arg7[%dma_start3A_272, %dma_start3A_273] : memref<32x128xi32, #tpu.memory_space<vmem>> -> memref<1x128xi32, #tpu.memory_space<vmem>>
      %dma_start3A_275 = tpu.memref_squeeze %dma_start3A_274 : memref<1x128xi32, #tpu.memory_space<vmem>> -> memref<128xi32, #tpu.memory_space<vmem>>
      %dma_start3A_276 = arith.constant 0 : i32
      %dma_start3A_277 = arith.constant 0 : i32
      %dma_start3A_278 = tpu.memref_slice %arg10[%dma_start3A_276, %dma_start3A_277] : memref<10240x128xf32, #tpu.memory_space<vmem_shared>> -> memref<10240x128xf32, #tpu.memory_space<vmem_shared>>
      tpu.enqueue_indirect_dma source(%arg8 : memref<128x128xf32, #tpu.memory_space<vmem>>) target(%dma_start3A_278 : memref<10240x128xf32, #tpu.memory_space<vmem_shared>>) offsets(%dma_start3A_275 : memref<128xi32, #tpu.memory_space<vmem>>) semaphore(%arg13 : memref<!tpu.dma_semaphore, #tpu.memory_space<semaphore_mem>>) {add = true}
      %dma_wait3A_279 = arith.constant 8 : i32
      %dma_wait3A_280 = arith.constant 0 : i32
      %dma_wait3A_281 = tpu.memref_slice %arg7[%dma_wait3A_279, %dma_wait3A_280] : memref<32x128xi32, #tpu.memory_space<vmem>> -> memref<1x128xi32, #tpu.memory_space<vmem>>
      %dma_wait3A_282 = tpu.memref_squeeze %dma_wait3A_281 : memref<1x128xi32, #tpu.memory_space<vmem>> -> memref<128xi32, #tpu.memory_space<vmem>>
      %dma_wait3A_283 = arith.constant 0 : i32
      %dma_wait3A_284 = arith.constant 0 : i32
      %dma_wait3A_285 = tpu.memref_slice %arg10[%dma_wait3A_283, %dma_wait3A_284] : memref<10240x128xf32, #tpu.memory_space<vmem_shared>> -> memref<10240x128xf32, #tpu.memory_space<vmem_shared>>
      tpu.wait_indirect_dma semaphore(%arg13 : memref<!tpu.dma_semaphore, #tpu.memory_space<semaphore_mem>>) src(%arg8 : memref<128x128xf32, #tpu.memory_space<vmem>>) dst(%dma_wait3A_285 : memref<10240x128xf32, #tpu.memory_space<vmem_shared>>)
      %dma_start3A_286 = arith.constant 2 : i32
      %dma_start3A_287 = arith.constant 0 : i32
      %dma_start3A_288 = tpu.memref_slice %arg7[%dma_start3A_286, %dma_start3A_287] : memref<32x128xi32, #tpu.memory_space<vmem>> -> memref<1x128xi32, #tpu.memory_space<vmem>>
      %dma_start3A_289 = tpu.memref_squeeze %dma_start3A_288 : memref<1x128xi32, #tpu.memory_space<vmem>> -> memref<128xi32, #tpu.memory_space<vmem>>
      %dma_start3A_290 = arith.constant 0 : i32
      %dma_start3A_291 = arith.constant 0 : i32
      %dma_start3A_292 = tpu.memref_slice %arg4[%dma_start3A_290, %dma_start3A_291] : memref<20000x128xf32, #tpu.memory_space<hbm>> -> memref<20000x128xf32, #tpu.memory_space<hbm>>
      tpu.enqueue_indirect_dma source(%dma_start3A_292 : memref<20000x128xf32, #tpu.memory_space<hbm>>) target(%arg8 : memref<128x128xf32, #tpu.memory_space<vmem>>) offsets(%dma_start3A_289 : memref<128xi32, #tpu.memory_space<vmem>>) semaphore(%arg11 : memref<!tpu.dma_semaphore, #tpu.memory_space<semaphore_mem>>)
      %dma_wait3A_293 = arith.constant 1 : i32
      %dma_wait3A_294 = arith.constant 0 : i32
      %dma_wait3A_295 = tpu.memref_slice %arg7[%dma_wait3A_293, %dma_wait3A_294] : memref<32x128xi32, #tpu.memory_space<vmem>> -> memref<1x128xi32, #tpu.memory_space<vmem>>
      %dma_wait3A_296 = tpu.memref_squeeze %dma_wait3A_295 : memref<1x128xi32, #tpu.memory_space<vmem>> -> memref<128xi32, #tpu.memory_space<vmem>>
      %dma_wait3A_297 = arith.constant 0 : i32
      %dma_wait3A_298 = arith.constant 0 : i32
      %dma_wait3A_299 = tpu.memref_slice %arg4[%dma_wait3A_297, %dma_wait3A_298] : memref<20000x128xf32, #tpu.memory_space<hbm>> -> memref<20000x128xf32, #tpu.memory_space<hbm>>
      tpu.wait_indirect_dma semaphore(%arg12 : memref<!tpu.dma_semaphore, #tpu.memory_space<semaphore_mem>>) src(%dma_wait3A_299 : memref<20000x128xf32, #tpu.memory_space<hbm>>) dst(%arg9 : memref<128x128xf32, #tpu.memory_space<vmem>>)
      %dma_start3A_300 = arith.constant 9 : i32
      %dma_start3A_301 = arith.constant 0 : i32
      %dma_start3A_302 = tpu.memref_slice %arg7[%dma_start3A_300, %dma_start3A_301] : memref<32x128xi32, #tpu.memory_space<vmem>> -> memref<1x128xi32, #tpu.memory_space<vmem>>
      %dma_start3A_303 = tpu.memref_squeeze %dma_start3A_302 : memref<1x128xi32, #tpu.memory_space<vmem>> -> memref<128xi32, #tpu.memory_space<vmem>>
      %dma_start3A_304 = arith.constant 0 : i32
      %dma_start3A_305 = arith.constant 0 : i32
      %dma_start3A_306 = tpu.memref_slice %arg10[%dma_start3A_304, %dma_start3A_305] : memref<10240x128xf32, #tpu.memory_space<vmem_shared>> -> memref<10240x128xf32, #tpu.memory_space<vmem_shared>>
      tpu.enqueue_indirect_dma source(%arg9 : memref<128x128xf32, #tpu.memory_space<vmem>>) target(%dma_start3A_306 : memref<10240x128xf32, #tpu.memory_space<vmem_shared>>) offsets(%dma_start3A_303 : memref<128xi32, #tpu.memory_space<vmem>>) semaphore(%arg14 : memref<!tpu.dma_semaphore, #tpu.memory_space<semaphore_mem>>) {add = true}
      %dma_wait3A_307 = arith.constant 9 : i32
      %dma_wait3A_308 = arith.constant 0 : i32
      %dma_wait3A_309 = tpu.memref_slice %arg7[%dma_wait3A_307, %dma_wait3A_308] : memref<32x128xi32, #tpu.memory_space<vmem>> -> memref<1x128xi32, #tpu.memory_space<vmem>>
      %dma_wait3A_310 = tpu.memref_squeeze %dma_wait3A_309 : memref<1x128xi32, #tpu.memory_space<vmem>> -> memref<128xi32, #tpu.memory_space<vmem>>
      %dma_wait3A_311 = arith.constant 0 : i32
      %dma_wait3A_312 = arith.constant 0 : i32
      %dma_wait3A_313 = tpu.memref_slice %arg10[%dma_wait3A_311, %dma_wait3A_312] : memref<10240x128xf32, #tpu.memory_space<vmem_shared>> -> memref<10240x128xf32, #tpu.memory_space<vmem_shared>>
      tpu.wait_indirect_dma semaphore(%arg14 : memref<!tpu.dma_semaphore, #tpu.memory_space<semaphore_mem>>) src(%arg9 : memref<128x128xf32, #tpu.memory_space<vmem>>) dst(%dma_wait3A_313 : memref<10240x128xf32, #tpu.memory_space<vmem_shared>>)
      %dma_start3A_314 = arith.constant 3 : i32
      %dma_start3A_315 = arith.constant 0 : i32
      %dma_start3A_316 = tpu.memref_slice %arg7[%dma_start3A_314, %dma_start3A_315] : memref<32x128xi32, #tpu.memory_space<vmem>> -> memref<1x128xi32, #tpu.memory_space<vmem>>
      %dma_start3A_317 = tpu.memref_squeeze %dma_start3A_316 : memref<1x128xi32, #tpu.memory_space<vmem>> -> memref<128xi32, #tpu.memory_space<vmem>>
      %dma_start3A_318 = arith.constant 0 : i32
      %dma_start3A_319 = arith.constant 0 : i32
      %dma_start3A_320 = tpu.memref_slice %arg4[%dma_start3A_318, %dma_start3A_319] : memref<20000x128xf32, #tpu.memory_space<hbm>> -> memref<20000x128xf32, #tpu.memory_space<hbm>>
      tpu.enqueue_indirect_dma source(%dma_start3A_320 : memref<20000x128xf32, #tpu.memory_space<hbm>>) target(%arg9 : memref<128x128xf32, #tpu.memory_space<vmem>>) offsets(%dma_start3A_317 : memref<128xi32, #tpu.memory_space<vmem>>) semaphore(%arg12 : memref<!tpu.dma_semaphore, #tpu.memory_space<semaphore_mem>>)
      %dma_wait3A_321 = arith.constant 2 : i32
      %dma_wait3A_322 = arith.constant 0 : i32
      %dma_wait3A_323 = tpu.memref_slice %arg7[%dma_wait3A_321, %dma_wait3A_322] : memref<32x128xi32, #tpu.memory_space<vmem>> -> memref<1x128xi32, #tpu.memory_space<vmem>>
      %dma_wait3A_324 = tpu.memref_squeeze %dma_wait3A_323 : memref<1x128xi32, #tpu.memory_space<vmem>> -> memref<128xi32, #tpu.memory_space<vmem>>
      %dma_wait3A_325 = arith.constant 0 : i32
      %dma_wait3A_326 = arith.constant 0 : i32
      %dma_wait3A_327 = tpu.memref_slice %arg4[%dma_wait3A_325, %dma_wait3A_326] : memref<20000x128xf32, #tpu.memory_space<hbm>> -> memref<20000x128xf32, #tpu.memory_space<hbm>>
      tpu.wait_indirect_dma semaphore(%arg11 : memref<!tpu.dma_semaphore, #tpu.memory_space<semaphore_mem>>) src(%dma_wait3A_327 : memref<20000x128xf32, #tpu.memory_space<hbm>>) dst(%arg8 : memref<128x128xf32, #tpu.memory_space<vmem>>)
      %dma_start3A_328 = arith.constant 10 : i32
      %dma_start3A_329 = arith.constant 0 : i32
      %dma_start3A_330 = tpu.memref_slice %arg7[%dma_start3A_328, %dma_start3A_329] : memref<32x128xi32, #tpu.memory_space<vmem>> -> memref<1x128xi32, #tpu.memory_space<vmem>>
      %dma_start3A_331 = tpu.memref_squeeze %dma_start3A_330 : memref<1x128xi32, #tpu.memory_space<vmem>> -> memref<128xi32, #tpu.memory_space<vmem>>
      %dma_start3A_332 = arith.constant 0 : i32
      %dma_start3A_333 = arith.constant 0 : i32
      %dma_start3A_334 = tpu.memref_slice %arg10[%dma_start3A_332, %dma_start3A_333] : memref<10240x128xf32, #tpu.memory_space<vmem_shared>> -> memref<10240x128xf32, #tpu.memory_space<vmem_shared>>
      tpu.enqueue_indirect_dma source(%arg8 : memref<128x128xf32, #tpu.memory_space<vmem>>) target(%dma_start3A_334 : memref<10240x128xf32, #tpu.memory_space<vmem_shared>>) offsets(%dma_start3A_331 : memref<128xi32, #tpu.memory_space<vmem>>) semaphore(%arg13 : memref<!tpu.dma_semaphore, #tpu.memory_space<semaphore_mem>>) {add = true}
      %dma_wait3A_335 = arith.constant 10 : i32
      %dma_wait3A_336 = arith.constant 0 : i32
      %dma_wait3A_337 = tpu.memref_slice %arg7[%dma_wait3A_335, %dma_wait3A_336] : memref<32x128xi32, #tpu.memory_space<vmem>> -> memref<1x128xi32, #tpu.memory_space<vmem>>
      %dma_wait3A_338 = tpu.memref_squeeze %dma_wait3A_337 : memref<1x128xi32, #tpu.memory_space<vmem>> -> memref<128xi32, #tpu.memory_space<vmem>>
      %dma_wait3A_339 = arith.constant 0 : i32
      %dma_wait3A_340 = arith.constant 0 : i32
      %dma_wait3A_341 = tpu.memref_slice %arg10[%dma_wait3A_339, %dma_wait3A_340] : memref<10240x128xf32, #tpu.memory_space<vmem_shared>> -> memref<10240x128xf32, #tpu.memory_space<vmem_shared>>
      tpu.wait_indirect_dma semaphore(%arg13 : memref<!tpu.dma_semaphore, #tpu.memory_space<semaphore_mem>>) src(%arg8 : memref<128x128xf32, #tpu.memory_space<vmem>>) dst(%dma_wait3A_341 : memref<10240x128xf32, #tpu.memory_space<vmem_shared>>)
      %dma_start3A_342 = arith.constant 4 : i32
      %dma_start3A_343 = arith.constant 0 : i32
      %dma_start3A_344 = tpu.memref_slice %arg7[%dma_start3A_342, %dma_start3A_343] : memref<32x128xi32, #tpu.memory_space<vmem>> -> memref<1x128xi32, #tpu.memory_space<vmem>>
      %dma_start3A_345 = tpu.memref_squeeze %dma_start3A_344 : memref<1x128xi32, #tpu.memory_space<vmem>> -> memref<128xi32, #tpu.memory_space<vmem>>
      %dma_start3A_346 = arith.constant 0 : i32
      %dma_start3A_347 = arith.constant 0 : i32
      %dma_start3A_348 = tpu.memref_slice %arg4[%dma_start3A_346, %dma_start3A_347] : memref<20000x128xf32, #tpu.memory_space<hbm>> -> memref<20000x128xf32, #tpu.memory_space<hbm>>
      tpu.enqueue_indirect_dma source(%dma_start3A_348 : memref<20000x128xf32, #tpu.memory_space<hbm>>) target(%arg8 : memref<128x128xf32, #tpu.memory_space<vmem>>) offsets(%dma_start3A_345 : memref<128xi32, #tpu.memory_space<vmem>>) semaphore(%arg11 : memref<!tpu.dma_semaphore, #tpu.memory_space<semaphore_mem>>)
      %dma_wait3A_349 = arith.constant 3 : i32
      %dma_wait3A_350 = arith.constant 0 : i32
      %dma_wait3A_351 = tpu.memref_slice %arg7[%dma_wait3A_349, %dma_wait3A_350] : memref<32x128xi32, #tpu.memory_space<vmem>> -> memref<1x128xi32, #tpu.memory_space<vmem>>
      %dma_wait3A_352 = tpu.memref_squeeze %dma_wait3A_351 : memref<1x128xi32, #tpu.memory_space<vmem>> -> memref<128xi32, #tpu.memory_space<vmem>>
      %dma_wait3A_353 = arith.constant 0 : i32
      %dma_wait3A_354 = arith.constant 0 : i32
      %dma_wait3A_355 = tpu.memref_slice %arg4[%dma_wait3A_353, %dma_wait3A_354] : memref<20000x128xf32, #tpu.memory_space<hbm>> -> memref<20000x128xf32, #tpu.memory_space<hbm>>
      tpu.wait_indirect_dma semaphore(%arg12 : memref<!tpu.dma_semaphore, #tpu.memory_space<semaphore_mem>>) src(%dma_wait3A_355 : memref<20000x128xf32, #tpu.memory_space<hbm>>) dst(%arg9 : memref<128x128xf32, #tpu.memory_space<vmem>>)
      %dma_start3A_356 = arith.constant 11 : i32
      %dma_start3A_357 = arith.constant 0 : i32
      %dma_start3A_358 = tpu.memref_slice %arg7[%dma_start3A_356, %dma_start3A_357] : memref<32x128xi32, #tpu.memory_space<vmem>> -> memref<1x128xi32, #tpu.memory_space<vmem>>
      %dma_start3A_359 = tpu.memref_squeeze %dma_start3A_358 : memref<1x128xi32, #tpu.memory_space<vmem>> -> memref<128xi32, #tpu.memory_space<vmem>>
      %dma_start3A_360 = arith.constant 0 : i32
      %dma_start3A_361 = arith.constant 0 : i32
      %dma_start3A_362 = tpu.memref_slice %arg10[%dma_start3A_360, %dma_start3A_361] : memref<10240x128xf32, #tpu.memory_space<vmem_shared>> -> memref<10240x128xf32, #tpu.memory_space<vmem_shared>>
      tpu.enqueue_indirect_dma source(%arg9 : memref<128x128xf32, #tpu.memory_space<vmem>>) target(%dma_start3A_362 : memref<10240x128xf32, #tpu.memory_space<vmem_shared>>) offsets(%dma_start3A_359 : memref<128xi32, #tpu.memory_space<vmem>>) semaphore(%arg14 : memref<!tpu.dma_semaphore, #tpu.memory_space<semaphore_mem>>) {add = true}
      %dma_wait3A_363 = arith.constant 11 : i32
      %dma_wait3A_364 = arith.constant 0 : i32
      %dma_wait3A_365 = tpu.memref_slice %arg7[%dma_wait3A_363, %dma_wait3A_364] : memref<32x128xi32, #tpu.memory_space<vmem>> -> memref<1x128xi32, #tpu.memory_space<vmem>>
      %dma_wait3A_366 = tpu.memref_squeeze %dma_wait3A_365 : memref<1x128xi32, #tpu.memory_space<vmem>> -> memref<128xi32, #tpu.memory_space<vmem>>
      %dma_wait3A_367 = arith.constant 0 : i32
      %dma_wait3A_368 = arith.constant 0 : i32
      %dma_wait3A_369 = tpu.memref_slice %arg10[%dma_wait3A_367, %dma_wait3A_368] : memref<10240x128xf32, #tpu.memory_space<vmem_shared>> -> memref<10240x128xf32, #tpu.memory_space<vmem_shared>>
      tpu.wait_indirect_dma semaphore(%arg14 : memref<!tpu.dma_semaphore, #tpu.memory_space<semaphore_mem>>) src(%arg9 : memref<128x128xf32, #tpu.memory_space<vmem>>) dst(%dma_wait3A_369 : memref<10240x128xf32, #tpu.memory_space<vmem_shared>>)
      %dma_start3A_370 = arith.constant 5 : i32
      %dma_start3A_371 = arith.constant 0 : i32
      %dma_start3A_372 = tpu.memref_slice %arg7[%dma_start3A_370, %dma_start3A_371] : memref<32x128xi32, #tpu.memory_space<vmem>> -> memref<1x128xi32, #tpu.memory_space<vmem>>
      %dma_start3A_373 = tpu.memref_squeeze %dma_start3A_372 : memref<1x128xi32, #tpu.memory_space<vmem>> -> memref<128xi32, #tpu.memory_space<vmem>>
      %dma_start3A_374 = arith.constant 0 : i32
      %dma_start3A_375 = arith.constant 0 : i32
      %dma_start3A_376 = tpu.memref_slice %arg4[%dma_start3A_374, %dma_start3A_375] : memref<20000x128xf32, #tpu.memory_space<hbm>> -> memref<20000x128xf32, #tpu.memory_space<hbm>>
      tpu.enqueue_indirect_dma source(%dma_start3A_376 : memref<20000x128xf32, #tpu.memory_space<hbm>>) target(%arg9 : memref<128x128xf32, #tpu.memory_space<vmem>>) offsets(%dma_start3A_373 : memref<128xi32, #tpu.memory_space<vmem>>) semaphore(%arg12 : memref<!tpu.dma_semaphore, #tpu.memory_space<semaphore_mem>>)
      %dma_wait3A_377 = arith.constant 4 : i32
      %dma_wait3A_378 = arith.constant 0 : i32
      %dma_wait3A_379 = tpu.memref_slice %arg7[%dma_wait3A_377, %dma_wait3A_378] : memref<32x128xi32, #tpu.memory_space<vmem>> -> memref<1x128xi32, #tpu.memory_space<vmem>>
      %dma_wait3A_380 = tpu.memref_squeeze %dma_wait3A_379 : memref<1x128xi32, #tpu.memory_space<vmem>> -> memref<128xi32, #tpu.memory_space<vmem>>
      %dma_wait3A_381 = arith.constant 0 : i32
      %dma_wait3A_382 = arith.constant 0 : i32
      %dma_wait3A_383 = tpu.memref_slice %arg4[%dma_wait3A_381, %dma_wait3A_382] : memref<20000x128xf32, #tpu.memory_space<hbm>> -> memref<20000x128xf32, #tpu.memory_space<hbm>>
      tpu.wait_indirect_dma semaphore(%arg11 : memref<!tpu.dma_semaphore, #tpu.memory_space<semaphore_mem>>) src(%dma_wait3A_383 : memref<20000x128xf32, #tpu.memory_space<hbm>>) dst(%arg8 : memref<128x128xf32, #tpu.memory_space<vmem>>)
      %dma_start3A_384 = arith.constant 12 : i32
      %dma_start3A_385 = arith.constant 0 : i32
      %dma_start3A_386 = tpu.memref_slice %arg7[%dma_start3A_384, %dma_start3A_385] : memref<32x128xi32, #tpu.memory_space<vmem>> -> memref<1x128xi32, #tpu.memory_space<vmem>>
      %dma_start3A_387 = tpu.memref_squeeze %dma_start3A_386 : memref<1x128xi32, #tpu.memory_space<vmem>> -> memref<128xi32, #tpu.memory_space<vmem>>
      %dma_start3A_388 = arith.constant 0 : i32
      %dma_start3A_389 = arith.constant 0 : i32
      %dma_start3A_390 = tpu.memref_slice %arg10[%dma_start3A_388, %dma_start3A_389] : memref<10240x128xf32, #tpu.memory_space<vmem_shared>> -> memref<10240x128xf32, #tpu.memory_space<vmem_shared>>
      tpu.enqueue_indirect_dma source(%arg8 : memref<128x128xf32, #tpu.memory_space<vmem>>) target(%dma_start3A_390 : memref<10240x128xf32, #tpu.memory_space<vmem_shared>>) offsets(%dma_start3A_387 : memref<128xi32, #tpu.memory_space<vmem>>) semaphore(%arg13 : memref<!tpu.dma_semaphore, #tpu.memory_space<semaphore_mem>>) {add = true}
      %dma_wait3A_391 = arith.constant 12 : i32
      %dma_wait3A_392 = arith.constant 0 : i32
      %dma_wait3A_393 = tpu.memref_slice %arg7[%dma_wait3A_391, %dma_wait3A_392] : memref<32x128xi32, #tpu.memory_space<vmem>> -> memref<1x128xi32, #tpu.memory_space<vmem>>
      %dma_wait3A_394 = tpu.memref_squeeze %dma_wait3A_393 : memref<1x128xi32, #tpu.memory_space<vmem>> -> memref<128xi32, #tpu.memory_space<vmem>>
      %dma_wait3A_395 = arith.constant 0 : i32
      %dma_wait3A_396 = arith.constant 0 : i32
      %dma_wait3A_397 = tpu.memref_slice %arg10[%dma_wait3A_395, %dma_wait3A_396] : memref<10240x128xf32, #tpu.memory_space<vmem_shared>> -> memref<10240x128xf32, #tpu.memory_space<vmem_shared>>
      tpu.wait_indirect_dma semaphore(%arg13 : memref<!tpu.dma_semaphore, #tpu.memory_space<semaphore_mem>>) src(%arg8 : memref<128x128xf32, #tpu.memory_space<vmem>>) dst(%dma_wait3A_397 : memref<10240x128xf32, #tpu.memory_space<vmem_shared>>)
      %dma_start3A_398 = arith.constant 6 : i32
      %dma_start3A_399 = arith.constant 0 : i32
      %dma_start3A_400 = tpu.memref_slice %arg7[%dma_start3A_398, %dma_start3A_399] : memref<32x128xi32, #tpu.memory_space<vmem>> -> memref<1x128xi32, #tpu.memory_space<vmem>>
      %dma_start3A_401 = tpu.memref_squeeze %dma_start3A_400 : memref<1x128xi32, #tpu.memory_space<vmem>> -> memref<128xi32, #tpu.memory_space<vmem>>
      %dma_start3A_402 = arith.constant 0 : i32
      %dma_start3A_403 = arith.constant 0 : i32
      %dma_start3A_404 = tpu.memref_slice %arg4[%dma_start3A_402, %dma_start3A_403] : memref<20000x128xf32, #tpu.memory_space<hbm>> -> memref<20000x128xf32, #tpu.memory_space<hbm>>
      tpu.enqueue_indirect_dma source(%dma_start3A_404 : memref<20000x128xf32, #tpu.memory_space<hbm>>) target(%arg8 : memref<128x128xf32, #tpu.memory_space<vmem>>) offsets(%dma_start3A_401 : memref<128xi32, #tpu.memory_space<vmem>>) semaphore(%arg11 : memref<!tpu.dma_semaphore, #tpu.memory_space<semaphore_mem>>)
      %dma_wait3A_405 = arith.constant 5 : i32
      %dma_wait3A_406 = arith.constant 0 : i32
      %dma_wait3A_407 = tpu.memref_slice %arg7[%dma_wait3A_405, %dma_wait3A_406] : memref<32x128xi32, #tpu.memory_space<vmem>> -> memref<1x128xi32, #tpu.memory_space<vmem>>
      %dma_wait3A_408 = tpu.memref_squeeze %dma_wait3A_407 : memref<1x128xi32, #tpu.memory_space<vmem>> -> memref<128xi32, #tpu.memory_space<vmem>>
      %dma_wait3A_409 = arith.constant 0 : i32
      %dma_wait3A_410 = arith.constant 0 : i32
      %dma_wait3A_411 = tpu.memref_slice %arg4[%dma_wait3A_409, %dma_wait3A_410] : memref<20000x128xf32, #tpu.memory_space<hbm>> -> memref<20000x128xf32, #tpu.memory_space<hbm>>
      tpu.wait_indirect_dma semaphore(%arg12 : memref<!tpu.dma_semaphore, #tpu.memory_space<semaphore_mem>>) src(%dma_wait3A_411 : memref<20000x128xf32, #tpu.memory_space<hbm>>) dst(%arg9 : memref<128x128xf32, #tpu.memory_space<vmem>>)
      %dma_start3A_412 = arith.constant 13 : i32
      %dma_start3A_413 = arith.constant 0 : i32
      %dma_start3A_414 = tpu.memref_slice %arg7[%dma_start3A_412, %dma_start3A_413] : memref<32x128xi32, #tpu.memory_space<vmem>> -> memref<1x128xi32, #tpu.memory_space<vmem>>
      %dma_start3A_415 = tpu.memref_squeeze %dma_start3A_414 : memref<1x128xi32, #tpu.memory_space<vmem>> -> memref<128xi32, #tpu.memory_space<vmem>>
      %dma_start3A_416 = arith.constant 0 : i32
      %dma_start3A_417 = arith.constant 0 : i32
      %dma_start3A_418 = tpu.memref_slice %arg10[%dma_start3A_416, %dma_start3A_417] : memref<10240x128xf32, #tpu.memory_space<vmem_shared>> -> memref<10240x128xf32, #tpu.memory_space<vmem_shared>>
      tpu.enqueue_indirect_dma source(%arg9 : memref<128x128xf32, #tpu.memory_space<vmem>>) target(%dma_start3A_418 : memref<10240x128xf32, #tpu.memory_space<vmem_shared>>) offsets(%dma_start3A_415 : memref<128xi32, #tpu.memory_space<vmem>>) semaphore(%arg14 : memref<!tpu.dma_semaphore, #tpu.memory_space<semaphore_mem>>) {add = true}
      %dma_wait3A_419 = arith.constant 13 : i32
      %dma_wait3A_420 = arith.constant 0 : i32
      %dma_wait3A_421 = tpu.memref_slice %arg7[%dma_wait3A_419, %dma_wait3A_420] : memref<32x128xi32, #tpu.memory_space<vmem>> -> memref<1x128xi32, #tpu.memory_space<vmem>>
      %dma_wait3A_422 = tpu.memref_squeeze %dma_wait3A_421 : memref<1x128xi32, #tpu.memory_space<vmem>> -> memref<128xi32, #tpu.memory_space<vmem>>
      %dma_wait3A_423 = arith.constant 0 : i32
      %dma_wait3A_424 = arith.constant 0 : i32
      %dma_wait3A_425 = tpu.memref_slice %arg10[%dma_wait3A_423, %dma_wait3A_424] : memref<10240x128xf32, #tpu.memory_space<vmem_shared>> -> memref<10240x128xf32, #tpu.memory_space<vmem_shared>>
      tpu.wait_indirect_dma semaphore(%arg14 : memref<!tpu.dma_semaphore, #tpu.memory_space<semaphore_mem>>) src(%arg9 : memref<128x128xf32, #tpu.memory_space<vmem>>) dst(%dma_wait3A_425 : memref<10240x128xf32, #tpu.memory_space<vmem_shared>>)
      %dma_start3A_426 = arith.constant 7 : i32
      %dma_start3A_427 = arith.constant 0 : i32
      %dma_start3A_428 = tpu.memref_slice %arg7[%dma_start3A_426, %dma_start3A_427] : memref<32x128xi32, #tpu.memory_space<vmem>> -> memref<1x128xi32, #tpu.memory_space<vmem>>
      %dma_start3A_429 = tpu.memref_squeeze %dma_start3A_428 : memref<1x128xi32, #tpu.memory_space<vmem>> -> memref<128xi32, #tpu.memory_space<vmem>>
      %dma_start3A_430 = arith.constant 0 : i32
      %dma_start3A_431 = arith.constant 0 : i32
      %dma_start3A_432 = tpu.memref_slice %arg4[%dma_start3A_430, %dma_start3A_431] : memref<20000x128xf32, #tpu.memory_space<hbm>> -> memref<20000x128xf32, #tpu.memory_space<hbm>>
      tpu.enqueue_indirect_dma source(%dma_start3A_432 : memref<20000x128xf32, #tpu.memory_space<hbm>>) target(%arg9 : memref<128x128xf32, #tpu.memory_space<vmem>>) offsets(%dma_start3A_429 : memref<128xi32, #tpu.memory_space<vmem>>) semaphore(%arg12 : memref<!tpu.dma_semaphore, #tpu.memory_space<semaphore_mem>>)
      %dma_wait3A_433 = arith.constant 6 : i32
      %dma_wait3A_434 = arith.constant 0 : i32
      %dma_wait3A_435 = tpu.memref_slice %arg7[%dma_wait3A_433, %dma_wait3A_434] : memref<32x128xi32, #tpu.memory_space<vmem>> -> memref<1x128xi32, #tpu.memory_space<vmem>>
      %dma_wait3A_436 = tpu.memref_squeeze %dma_wait3A_435 : memref<1x128xi32, #tpu.memory_space<vmem>> -> memref<128xi32, #tpu.memory_space<vmem>>
      %dma_wait3A_437 = arith.constant 0 : i32
      %dma_wait3A_438 = arith.constant 0 : i32
      %dma_wait3A_439 = tpu.memref_slice %arg4[%dma_wait3A_437, %dma_wait3A_438] : memref<20000x128xf32, #tpu.memory_space<hbm>> -> memref<20000x128xf32, #tpu.memory_space<hbm>>
      tpu.wait_indirect_dma semaphore(%arg11 : memref<!tpu.dma_semaphore, #tpu.memory_space<semaphore_mem>>) src(%dma_wait3A_439 : memref<20000x128xf32, #tpu.memory_space<hbm>>) dst(%arg8 : memref<128x128xf32, #tpu.memory_space<vmem>>)
      %dma_start3A_440 = arith.constant 14 : i32
      %dma_start3A_441 = arith.constant 0 : i32
      %dma_start3A_442 = tpu.memref_slice %arg7[%dma_start3A_440, %dma_start3A_441] : memref<32x128xi32, #tpu.memory_space<vmem>> -> memref<1x128xi32, #tpu.memory_space<vmem>>
      %dma_start3A_443 = tpu.memref_squeeze %dma_start3A_442 : memref<1x128xi32, #tpu.memory_space<vmem>> -> memref<128xi32, #tpu.memory_space<vmem>>
      %dma_start3A_444 = arith.constant 0 : i32
      %dma_start3A_445 = arith.constant 0 : i32
      %dma_start3A_446 = tpu.memref_slice %arg10[%dma_start3A_444, %dma_start3A_445] : memref<10240x128xf32, #tpu.memory_space<vmem_shared>> -> memref<10240x128xf32, #tpu.memory_space<vmem_shared>>
      tpu.enqueue_indirect_dma source(%arg8 : memref<128x128xf32, #tpu.memory_space<vmem>>) target(%dma_start3A_446 : memref<10240x128xf32, #tpu.memory_space<vmem_shared>>) offsets(%dma_start3A_443 : memref<128xi32, #tpu.memory_space<vmem>>) semaphore(%arg13 : memref<!tpu.dma_semaphore, #tpu.memory_space<semaphore_mem>>) {add = true}
      %dma_wait3A_447 = arith.constant 14 : i32
      %dma_wait3A_448 = arith.constant 0 : i32
      %dma_wait3A_449 = tpu.memref_slice %arg7[%dma_wait3A_447, %dma_wait3A_448] : memref<32x128xi32, #tpu.memory_space<vmem>> -> memref<1x128xi32, #tpu.memory_space<vmem>>
      %dma_wait3A_450 = tpu.memref_squeeze %dma_wait3A_449 : memref<1x128xi32, #tpu.memory_space<vmem>> -> memref<128xi32, #tpu.memory_space<vmem>>
      %dma_wait3A_451 = arith.constant 0 : i32
      %dma_wait3A_452 = arith.constant 0 : i32
      %dma_wait3A_453 = tpu.memref_slice %arg10[%dma_wait3A_451, %dma_wait3A_452] : memref<10240x128xf32, #tpu.memory_space<vmem_shared>> -> memref<10240x128xf32, #tpu.memory_space<vmem_shared>>
      tpu.wait_indirect_dma semaphore(%arg13 : memref<!tpu.dma_semaphore, #tpu.memory_space<semaphore_mem>>) src(%arg8 : memref<128x128xf32, #tpu.memory_space<vmem>>) dst(%dma_wait3A_453 : memref<10240x128xf32, #tpu.memory_space<vmem_shared>>)
      %dma_start3A_454 = arith.constant 16 : i32
      %dma_start3A_455 = arith.constant 0 : i32
      %dma_start3A_456 = tpu.memref_slice %arg7[%dma_start3A_454, %dma_start3A_455] : memref<32x128xi32, #tpu.memory_space<vmem>> -> memref<1x128xi32, #tpu.memory_space<vmem>>
      %dma_start3A_457 = tpu.memref_squeeze %dma_start3A_456 : memref<1x128xi32, #tpu.memory_space<vmem>> -> memref<128xi32, #tpu.memory_space<vmem>>
      %dma_start3A_458 = arith.constant 0 : i32
      %dma_start3A_459 = arith.constant 0 : i32
      %dma_start3A_460 = tpu.memref_slice %arg4[%dma_start3A_458, %dma_start3A_459] : memref<20000x128xf32, #tpu.memory_space<hbm>> -> memref<20000x128xf32, #tpu.memory_space<hbm>>
      tpu.enqueue_indirect_dma source(%dma_start3A_460 : memref<20000x128xf32, #tpu.memory_space<hbm>>) target(%arg8 : memref<128x128xf32, #tpu.memory_space<vmem>>) offsets(%dma_start3A_457 : memref<128xi32, #tpu.memory_space<vmem>>) semaphore(%arg11 : memref<!tpu.dma_semaphore, #tpu.memory_space<semaphore_mem>>)
      %dma_wait3A_461 = arith.constant 7 : i32
      %dma_wait3A_462 = arith.constant 0 : i32
      %dma_wait3A_463 = tpu.memref_slice %arg7[%dma_wait3A_461, %dma_wait3A_462] : memref<32x128xi32, #tpu.memory_space<vmem>> -> memref<1x128xi32, #tpu.memory_space<vmem>>
      %dma_wait3A_464 = tpu.memref_squeeze %dma_wait3A_463 : memref<1x128xi32, #tpu.memory_space<vmem>> -> memref<128xi32, #tpu.memory_space<vmem>>
      %dma_wait3A_465 = arith.constant 0 : i32
      %dma_wait3A_466 = arith.constant 0 : i32
      %dma_wait3A_467 = tpu.memref_slice %arg4[%dma_wait3A_465, %dma_wait3A_466] : memref<20000x128xf32, #tpu.memory_space<hbm>> -> memref<20000x128xf32, #tpu.memory_space<hbm>>
      tpu.wait_indirect_dma semaphore(%arg12 : memref<!tpu.dma_semaphore, #tpu.memory_space<semaphore_mem>>) src(%dma_wait3A_467 : memref<20000x128xf32, #tpu.memory_space<hbm>>) dst(%arg9 : memref<128x128xf32, #tpu.memory_space<vmem>>)
      %dma_start3A_468 = arith.constant 15 : i32
      %dma_start3A_469 = arith.constant 0 : i32
      %dma_start3A_470 = tpu.memref_slice %arg7[%dma_start3A_468, %dma_start3A_469] : memref<32x128xi32, #tpu.memory_space<vmem>> -> memref<1x128xi32, #tpu.memory_space<vmem>>
      %dma_start3A_471 = tpu.memref_squeeze %dma_start3A_470 : memref<1x128xi32, #tpu.memory_space<vmem>> -> memref<128xi32, #tpu.memory_space<vmem>>
      %dma_start3A_472 = arith.constant 0 : i32
      %dma_start3A_473 = arith.constant 0 : i32
      %dma_start3A_474 = tpu.memref_slice %arg10[%dma_start3A_472, %dma_start3A_473] : memref<10240x128xf32, #tpu.memory_space<vmem_shared>> -> memref<10240x128xf32, #tpu.memory_space<vmem_shared>>
      tpu.enqueue_indirect_dma source(%arg9 : memref<128x128xf32, #tpu.memory_space<vmem>>) target(%dma_start3A_474 : memref<10240x128xf32, #tpu.memory_space<vmem_shared>>) offsets(%dma_start3A_471 : memref<128xi32, #tpu.memory_space<vmem>>) semaphore(%arg14 : memref<!tpu.dma_semaphore, #tpu.memory_space<semaphore_mem>>) {add = true}
      %dma_wait3A_475 = arith.constant 15 : i32
      %dma_wait3A_476 = arith.constant 0 : i32
      %dma_wait3A_477 = tpu.memref_slice %arg7[%dma_wait3A_475, %dma_wait3A_476] : memref<32x128xi32, #tpu.memory_space<vmem>> -> memref<1x128xi32, #tpu.memory_space<vmem>>
      %dma_wait3A_478 = tpu.memref_squeeze %dma_wait3A_477 : memref<1x128xi32, #tpu.memory_space<vmem>> -> memref<128xi32, #tpu.memory_space<vmem>>
      %dma_wait3A_479 = arith.constant 0 : i32
      %dma_wait3A_480 = arith.constant 0 : i32
      %dma_wait3A_481 = tpu.memref_slice %arg10[%dma_wait3A_479, %dma_wait3A_480] : memref<10240x128xf32, #tpu.memory_space<vmem_shared>> -> memref<10240x128xf32, #tpu.memory_space<vmem_shared>>
      tpu.wait_indirect_dma semaphore(%arg14 : memref<!tpu.dma_semaphore, #tpu.memory_space<semaphore_mem>>) src(%arg9 : memref<128x128xf32, #tpu.memory_space<vmem>>) dst(%dma_wait3A_481 : memref<10240x128xf32, #tpu.memory_space<vmem_shared>>)
      %dma_start3A_482 = arith.constant 17 : i32
      %dma_start3A_483 = arith.constant 0 : i32
      %dma_start3A_484 = tpu.memref_slice %arg7[%dma_start3A_482, %dma_start3A_483] : memref<32x128xi32, #tpu.memory_space<vmem>> -> memref<1x128xi32, #tpu.memory_space<vmem>>
      %dma_start3A_485 = tpu.memref_squeeze %dma_start3A_484 : memref<1x128xi32, #tpu.memory_space<vmem>> -> memref<128xi32, #tpu.memory_space<vmem>>
      %dma_start3A_486 = arith.constant 0 : i32
      %dma_start3A_487 = arith.constant 0 : i32
      %dma_start3A_488 = tpu.memref_slice %arg4[%dma_start3A_486, %dma_start3A_487] : memref<20000x128xf32, #tpu.memory_space<hbm>> -> memref<20000x128xf32, #tpu.memory_space<hbm>>
      tpu.enqueue_indirect_dma source(%dma_start3A_488 : memref<20000x128xf32, #tpu.memory_space<hbm>>) target(%arg9 : memref<128x128xf32, #tpu.memory_space<vmem>>) offsets(%dma_start3A_485 : memref<128xi32, #tpu.memory_space<vmem>>) semaphore(%arg12 : memref<!tpu.dma_semaphore, #tpu.memory_space<semaphore_mem>>)
      %dma_wait3A_489 = arith.constant 16 : i32
      %dma_wait3A_490 = arith.constant 0 : i32
      %dma_wait3A_491 = tpu.memref_slice %arg7[%dma_wait3A_489, %dma_wait3A_490] : memref<32x128xi32, #tpu.memory_space<vmem>> -> memref<1x128xi32, #tpu.memory_space<vmem>>
      %dma_wait3A_492 = tpu.memref_squeeze %dma_wait3A_491 : memref<1x128xi32, #tpu.memory_space<vmem>> -> memref<128xi32, #tpu.memory_space<vmem>>
      %dma_wait3A_493 = arith.constant 0 : i32
      %dma_wait3A_494 = arith.constant 0 : i32
      %dma_wait3A_495 = tpu.memref_slice %arg4[%dma_wait3A_493, %dma_wait3A_494] : memref<20000x128xf32, #tpu.memory_space<hbm>> -> memref<20000x128xf32, #tpu.memory_space<hbm>>
      tpu.wait_indirect_dma semaphore(%arg11 : memref<!tpu.dma_semaphore, #tpu.memory_space<semaphore_mem>>) src(%dma_wait3A_495 : memref<20000x128xf32, #tpu.memory_space<hbm>>) dst(%arg8 : memref<128x128xf32, #tpu.memory_space<vmem>>)
      %dma_start3A_496 = arith.constant 24 : i32
      %dma_start3A_497 = arith.constant 0 : i32
      %dma_start3A_498 = tpu.memref_slice %arg7[%dma_start3A_496, %dma_start3A_497] : memref<32x128xi32, #tpu.memory_space<vmem>> -> memref<1x128xi32, #tpu.memory_space<vmem>>
      %dma_start3A_499 = tpu.memref_squeeze %dma_start3A_498 : memref<1x128xi32, #tpu.memory_space<vmem>> -> memref<128xi32, #tpu.memory_space<vmem>>
      %dma_start3A_500 = arith.constant 0 : i32
      %dma_start3A_501 = arith.constant 0 : i32
      %dma_start3A_502 = tpu.memref_slice %arg10[%dma_start3A_500, %dma_start3A_501] : memref<10240x128xf32, #tpu.memory_space<vmem_shared>> -> memref<10240x128xf32, #tpu.memory_space<vmem_shared>>
      tpu.enqueue_indirect_dma source(%arg8 : memref<128x128xf32, #tpu.memory_space<vmem>>) target(%dma_start3A_502 : memref<10240x128xf32, #tpu.memory_space<vmem_shared>>) offsets(%dma_start3A_499 : memref<128xi32, #tpu.memory_space<vmem>>) semaphore(%arg13 : memref<!tpu.dma_semaphore, #tpu.memory_space<semaphore_mem>>) {add = true}
      %dma_wait3A_503 = arith.constant 24 : i32
      %dma_wait3A_504 = arith.constant 0 : i32
      %dma_wait3A_505 = tpu.memref_slice %arg7[%dma_wait3A_503, %dma_wait3A_504] : memref<32x128xi32, #tpu.memory_space<vmem>> -> memref<1x128xi32, #tpu.memory_space<vmem>>
      %dma_wait3A_506 = tpu.memref_squeeze %dma_wait3A_505 : memref<1x128xi32, #tpu.memory_space<vmem>> -> memref<128xi32, #tpu.memory_space<vmem>>
      %dma_wait3A_507 = arith.constant 0 : i32
      %dma_wait3A_508 = arith.constant 0 : i32
      %dma_wait3A_509 = tpu.memref_slice %arg10[%dma_wait3A_507, %dma_wait3A_508] : memref<10240x128xf32, #tpu.memory_space<vmem_shared>> -> memref<10240x128xf32, #tpu.memory_space<vmem_shared>>
      tpu.wait_indirect_dma semaphore(%arg13 : memref<!tpu.dma_semaphore, #tpu.memory_space<semaphore_mem>>) src(%arg8 : memref<128x128xf32, #tpu.memory_space<vmem>>) dst(%dma_wait3A_509 : memref<10240x128xf32, #tpu.memory_space<vmem_shared>>)
      %dma_start3A_510 = arith.constant 18 : i32
      %dma_start3A_511 = arith.constant 0 : i32
      %dma_start3A_512 = tpu.memref_slice %arg7[%dma_start3A_510, %dma_start3A_511] : memref<32x128xi32, #tpu.memory_space<vmem>> -> memref<1x128xi32, #tpu.memory_space<vmem>>
      %dma_start3A_513 = tpu.memref_squeeze %dma_start3A_512 : memref<1x128xi32, #tpu.memory_space<vmem>> -> memref<128xi32, #tpu.memory_space<vmem>>
      %dma_start3A_514 = arith.constant 0 : i32
      %dma_start3A_515 = arith.constant 0 : i32
      %dma_start3A_516 = tpu.memref_slice %arg4[%dma_start3A_514, %dma_start3A_515] : memref<20000x128xf32, #tpu.memory_space<hbm>> -> memref<20000x128xf32, #tpu.memory_space<hbm>>
      tpu.enqueue_indirect_dma source(%dma_start3A_516 : memref<20000x128xf32, #tpu.memory_space<hbm>>) target(%arg8 : memref<128x128xf32, #tpu.memory_space<vmem>>) offsets(%dma_start3A_513 : memref<128xi32, #tpu.memory_space<vmem>>) semaphore(%arg11 : memref<!tpu.dma_semaphore, #tpu.memory_space<semaphore_mem>>)
      %dma_wait3A_517 = arith.constant 17 : i32
      %dma_wait3A_518 = arith.constant 0 : i32
      %dma_wait3A_519 = tpu.memref_slice %arg7[%dma_wait3A_517, %dma_wait3A_518] : memref<32x128xi32, #tpu.memory_space<vmem>> -> memref<1x128xi32, #tpu.memory_space<vmem>>
      %dma_wait3A_520 = tpu.memref_squeeze %dma_wait3A_519 : memref<1x128xi32, #tpu.memory_space<vmem>> -> memref<128xi32, #tpu.memory_space<vmem>>
      %dma_wait3A_521 = arith.constant 0 : i32
      %dma_wait3A_522 = arith.constant 0 : i32
      %dma_wait3A_523 = tpu.memref_slice %arg4[%dma_wait3A_521, %dma_wait3A_522] : memref<20000x128xf32, #tpu.memory_space<hbm>> -> memref<20000x128xf32, #tpu.memory_space<hbm>>
      tpu.wait_indirect_dma semaphore(%arg12 : memref<!tpu.dma_semaphore, #tpu.memory_space<semaphore_mem>>) src(%dma_wait3A_523 : memref<20000x128xf32, #tpu.memory_space<hbm>>) dst(%arg9 : memref<128x128xf32, #tpu.memory_space<vmem>>)
      %dma_start3A_524 = arith.constant 25 : i32
      %dma_start3A_525 = arith.constant 0 : i32
      %dma_start3A_526 = tpu.memref_slice %arg7[%dma_start3A_524, %dma_start3A_525] : memref<32x128xi32, #tpu.memory_space<vmem>> -> memref<1x128xi32, #tpu.memory_space<vmem>>
      %dma_start3A_527 = tpu.memref_squeeze %dma_start3A_526 : memref<1x128xi32, #tpu.memory_space<vmem>> -> memref<128xi32, #tpu.memory_space<vmem>>
      %dma_start3A_528 = arith.constant 0 : i32
      %dma_start3A_529 = arith.constant 0 : i32
      %dma_start3A_530 = tpu.memref_slice %arg10[%dma_start3A_528, %dma_start3A_529] : memref<10240x128xf32, #tpu.memory_space<vmem_shared>> -> memref<10240x128xf32, #tpu.memory_space<vmem_shared>>
      tpu.enqueue_indirect_dma source(%arg9 : memref<128x128xf32, #tpu.memory_space<vmem>>) target(%dma_start3A_530 : memref<10240x128xf32, #tpu.memory_space<vmem_shared>>) offsets(%dma_start3A_527 : memref<128xi32, #tpu.memory_space<vmem>>) semaphore(%arg14 : memref<!tpu.dma_semaphore, #tpu.memory_space<semaphore_mem>>) {add = true}
      %dma_wait3A_531 = arith.constant 25 : i32
      %dma_wait3A_532 = arith.constant 0 : i32
      %dma_wait3A_533 = tpu.memref_slice %arg7[%dma_wait3A_531, %dma_wait3A_532] : memref<32x128xi32, #tpu.memory_space<vmem>> -> memref<1x128xi32, #tpu.memory_space<vmem>>
      %dma_wait3A_534 = tpu.memref_squeeze %dma_wait3A_533 : memref<1x128xi32, #tpu.memory_space<vmem>> -> memref<128xi32, #tpu.memory_space<vmem>>
      %dma_wait3A_535 = arith.constant 0 : i32
      %dma_wait3A_536 = arith.constant 0 : i32
      %dma_wait3A_537 = tpu.memref_slice %arg10[%dma_wait3A_535, %dma_wait3A_536] : memref<10240x128xf32, #tpu.memory_space<vmem_shared>> -> memref<10240x128xf32, #tpu.memory_space<vmem_shared>>
      tpu.wait_indirect_dma semaphore(%arg14 : memref<!tpu.dma_semaphore, #tpu.memory_space<semaphore_mem>>) src(%arg9 : memref<128x128xf32, #tpu.memory_space<vmem>>) dst(%dma_wait3A_537 : memref<10240x128xf32, #tpu.memory_space<vmem_shared>>)
      %dma_start3A_538 = arith.constant 19 : i32
      %dma_start3A_539 = arith.constant 0 : i32
      %dma_start3A_540 = tpu.memref_slice %arg7[%dma_start3A_538, %dma_start3A_539] : memref<32x128xi32, #tpu.memory_space<vmem>> -> memref<1x128xi32, #tpu.memory_space<vmem>>
      %dma_start3A_541 = tpu.memref_squeeze %dma_start3A_540 : memref<1x128xi32, #tpu.memory_space<vmem>> -> memref<128xi32, #tpu.memory_space<vmem>>
      %dma_start3A_542 = arith.constant 0 : i32
      %dma_start3A_543 = arith.constant 0 : i32
      %dma_start3A_544 = tpu.memref_slice %arg4[%dma_start3A_542, %dma_start3A_543] : memref<20000x128xf32, #tpu.memory_space<hbm>> -> memref<20000x128xf32, #tpu.memory_space<hbm>>
      tpu.enqueue_indirect_dma source(%dma_start3A_544 : memref<20000x128xf32, #tpu.memory_space<hbm>>) target(%arg9 : memref<128x128xf32, #tpu.memory_space<vmem>>) offsets(%dma_start3A_541 : memref<128xi32, #tpu.memory_space<vmem>>) semaphore(%arg12 : memref<!tpu.dma_semaphore, #tpu.memory_space<semaphore_mem>>)
      %dma_wait3A_545 = arith.constant 18 : i32
      %dma_wait3A_546 = arith.constant 0 : i32
      %dma_wait3A_547 = tpu.memref_slice %arg7[%dma_wait3A_545, %dma_wait3A_546] : memref<32x128xi32, #tpu.memory_space<vmem>> -> memref<1x128xi32, #tpu.memory_space<vmem>>
      %dma_wait3A_548 = tpu.memref_squeeze %dma_wait3A_547 : memref<1x128xi32, #tpu.memory_space<vmem>> -> memref<128xi32, #tpu.memory_space<vmem>>
      %dma_wait3A_549 = arith.constant 0 : i32
      %dma_wait3A_550 = arith.constant 0 : i32
      %dma_wait3A_551 = tpu.memref_slice %arg4[%dma_wait3A_549, %dma_wait3A_550] : memref<20000x128xf32, #tpu.memory_space<hbm>> -> memref<20000x128xf32, #tpu.memory_space<hbm>>
      tpu.wait_indirect_dma semaphore(%arg11 : memref<!tpu.dma_semaphore, #tpu.memory_space<semaphore_mem>>) src(%dma_wait3A_551 : memref<20000x128xf32, #tpu.memory_space<hbm>>) dst(%arg8 : memref<128x128xf32, #tpu.memory_space<vmem>>)
      %dma_start3A_552 = arith.constant 26 : i32
      %dma_start3A_553 = arith.constant 0 : i32
      %dma_start3A_554 = tpu.memref_slice %arg7[%dma_start3A_552, %dma_start3A_553] : memref<32x128xi32, #tpu.memory_space<vmem>> -> memref<1x128xi32, #tpu.memory_space<vmem>>
      %dma_start3A_555 = tpu.memref_squeeze %dma_start3A_554 : memref<1x128xi32, #tpu.memory_space<vmem>> -> memref<128xi32, #tpu.memory_space<vmem>>
      %dma_start3A_556 = arith.constant 0 : i32
      %dma_start3A_557 = arith.constant 0 : i32
      %dma_start3A_558 = tpu.memref_slice %arg10[%dma_start3A_556, %dma_start3A_557] : memref<10240x128xf32, #tpu.memory_space<vmem_shared>> -> memref<10240x128xf32, #tpu.memory_space<vmem_shared>>
      tpu.enqueue_indirect_dma source(%arg8 : memref<128x128xf32, #tpu.memory_space<vmem>>) target(%dma_start3A_558 : memref<10240x128xf32, #tpu.memory_space<vmem_shared>>) offsets(%dma_start3A_555 : memref<128xi32, #tpu.memory_space<vmem>>) semaphore(%arg13 : memref<!tpu.dma_semaphore, #tpu.memory_space<semaphore_mem>>) {add = true}
      %dma_wait3A_559 = arith.constant 26 : i32
      %dma_wait3A_560 = arith.constant 0 : i32
      %dma_wait3A_561 = tpu.memref_slice %arg7[%dma_wait3A_559, %dma_wait3A_560] : memref<32x128xi32, #tpu.memory_space<vmem>> -> memref<1x128xi32, #tpu.memory_space<vmem>>
      %dma_wait3A_562 = tpu.memref_squeeze %dma_wait3A_561 : memref<1x128xi32, #tpu.memory_space<vmem>> -> memref<128xi32, #tpu.memory_space<vmem>>
      %dma_wait3A_563 = arith.constant 0 : i32
      %dma_wait3A_564 = arith.constant 0 : i32
      %dma_wait3A_565 = tpu.memref_slice %arg10[%dma_wait3A_563, %dma_wait3A_564] : memref<10240x128xf32, #tpu.memory_space<vmem_shared>> -> memref<10240x128xf32, #tpu.memory_space<vmem_shared>>
      tpu.wait_indirect_dma semaphore(%arg13 : memref<!tpu.dma_semaphore, #tpu.memory_space<semaphore_mem>>) src(%arg8 : memref<128x128xf32, #tpu.memory_space<vmem>>) dst(%dma_wait3A_565 : memref<10240x128xf32, #tpu.memory_space<vmem_shared>>)
      %dma_start3A_566 = arith.constant 20 : i32
      %dma_start3A_567 = arith.constant 0 : i32
      %dma_start3A_568 = tpu.memref_slice %arg7[%dma_start3A_566, %dma_start3A_567] : memref<32x128xi32, #tpu.memory_space<vmem>> -> memref<1x128xi32, #tpu.memory_space<vmem>>
      %dma_start3A_569 = tpu.memref_squeeze %dma_start3A_568 : memref<1x128xi32, #tpu.memory_space<vmem>> -> memref<128xi32, #tpu.memory_space<vmem>>
      %dma_start3A_570 = arith.constant 0 : i32
      %dma_start3A_571 = arith.constant 0 : i32
      %dma_start3A_572 = tpu.memref_slice %arg4[%dma_start3A_570, %dma_start3A_571] : memref<20000x128xf32, #tpu.memory_space<hbm>> -> memref<20000x128xf32, #tpu.memory_space<hbm>>
      tpu.enqueue_indirect_dma source(%dma_start3A_572 : memref<20000x128xf32, #tpu.memory_space<hbm>>) target(%arg8 : memref<128x128xf32, #tpu.memory_space<vmem>>) offsets(%dma_start3A_569 : memref<128xi32, #tpu.memory_space<vmem>>) semaphore(%arg11 : memref<!tpu.dma_semaphore, #tpu.memory_space<semaphore_mem>>)
      %dma_wait3A_573 = arith.constant 19 : i32
      %dma_wait3A_574 = arith.constant 0 : i32
      %dma_wait3A_575 = tpu.memref_slice %arg7[%dma_wait3A_573, %dma_wait3A_574] : memref<32x128xi32, #tpu.memory_space<vmem>> -> memref<1x128xi32, #tpu.memory_space<vmem>>
      %dma_wait3A_576 = tpu.memref_squeeze %dma_wait3A_575 : memref<1x128xi32, #tpu.memory_space<vmem>> -> memref<128xi32, #tpu.memory_space<vmem>>
      %dma_wait3A_577 = arith.constant 0 : i32
      %dma_wait3A_578 = arith.constant 0 : i32
      %dma_wait3A_579 = tpu.memref_slice %arg4[%dma_wait3A_577, %dma_wait3A_578] : memref<20000x128xf32, #tpu.memory_space<hbm>> -> memref<20000x128xf32, #tpu.memory_space<hbm>>
      tpu.wait_indirect_dma semaphore(%arg12 : memref<!tpu.dma_semaphore, #tpu.memory_space<semaphore_mem>>) src(%dma_wait3A_579 : memref<20000x128xf32, #tpu.memory_space<hbm>>) dst(%arg9 : memref<128x128xf32, #tpu.memory_space<vmem>>)
      %dma_start3A_580 = arith.constant 27 : i32
      %dma_start3A_581 = arith.constant 0 : i32
      %dma_start3A_582 = tpu.memref_slice %arg7[%dma_start3A_580, %dma_start3A_581] : memref<32x128xi32, #tpu.memory_space<vmem>> -> memref<1x128xi32, #tpu.memory_space<vmem>>
      %dma_start3A_583 = tpu.memref_squeeze %dma_start3A_582 : memref<1x128xi32, #tpu.memory_space<vmem>> -> memref<128xi32, #tpu.memory_space<vmem>>
      %dma_start3A_584 = arith.constant 0 : i32
      %dma_start3A_585 = arith.constant 0 : i32
      %dma_start3A_586 = tpu.memref_slice %arg10[%dma_start3A_584, %dma_start3A_585] : memref<10240x128xf32, #tpu.memory_space<vmem_shared>> -> memref<10240x128xf32, #tpu.memory_space<vmem_shared>>
      tpu.enqueue_indirect_dma source(%arg9 : memref<128x128xf32, #tpu.memory_space<vmem>>) target(%dma_start3A_586 : memref<10240x128xf32, #tpu.memory_space<vmem_shared>>) offsets(%dma_start3A_583 : memref<128xi32, #tpu.memory_space<vmem>>) semaphore(%arg14 : memref<!tpu.dma_semaphore, #tpu.memory_space<semaphore_mem>>) {add = true}
      %dma_wait3A_587 = arith.constant 27 : i32
      %dma_wait3A_588 = arith.constant 0 : i32
      %dma_wait3A_589 = tpu.memref_slice %arg7[%dma_wait3A_587, %dma_wait3A_588] : memref<32x128xi32, #tpu.memory_space<vmem>> -> memref<1x128xi32, #tpu.memory_space<vmem>>
      %dma_wait3A_590 = tpu.memref_squeeze %dma_wait3A_589 : memref<1x128xi32, #tpu.memory_space<vmem>> -> memref<128xi32, #tpu.memory_space<vmem>>
      %dma_wait3A_591 = arith.constant 0 : i32
      %dma_wait3A_592 = arith.constant 0 : i32
      %dma_wait3A_593 = tpu.memref_slice %arg10[%dma_wait3A_591, %dma_wait3A_592] : memref<10240x128xf32, #tpu.memory_space<vmem_shared>> -> memref<10240x128xf32, #tpu.memory_space<vmem_shared>>
      tpu.wait_indirect_dma semaphore(%arg14 : memref<!tpu.dma_semaphore, #tpu.memory_space<semaphore_mem>>) src(%arg9 : memref<128x128xf32, #tpu.memory_space<vmem>>) dst(%dma_wait3A_593 : memref<10240x128xf32, #tpu.memory_space<vmem_shared>>)
      %dma_start3A_594 = arith.constant 21 : i32
      %dma_start3A_595 = arith.constant 0 : i32
      %dma_start3A_596 = tpu.memref_slice %arg7[%dma_start3A_594, %dma_start3A_595] : memref<32x128xi32, #tpu.memory_space<vmem>> -> memref<1x128xi32, #tpu.memory_space<vmem>>
      %dma_start3A_597 = tpu.memref_squeeze %dma_start3A_596 : memref<1x128xi32, #tpu.memory_space<vmem>> -> memref<128xi32, #tpu.memory_space<vmem>>
      %dma_start3A_598 = arith.constant 0 : i32
      %dma_start3A_599 = arith.constant 0 : i32
      %dma_start3A_600 = tpu.memref_slice %arg4[%dma_start3A_598, %dma_start3A_599] : memref<20000x128xf32, #tpu.memory_space<hbm>> -> memref<20000x128xf32, #tpu.memory_space<hbm>>
      tpu.enqueue_indirect_dma source(%dma_start3A_600 : memref<20000x128xf32, #tpu.memory_space<hbm>>) target(%arg9 : memref<128x128xf32, #tpu.memory_space<vmem>>) offsets(%dma_start3A_597 : memref<128xi32, #tpu.memory_space<vmem>>) semaphore(%arg12 : memref<!tpu.dma_semaphore, #tpu.memory_space<semaphore_mem>>)
      %dma_wait3A_601 = arith.constant 20 : i32
      %dma_wait3A_602 = arith.constant 0 : i32
      %dma_wait3A_603 = tpu.memref_slice %arg7[%dma_wait3A_601, %dma_wait3A_602] : memref<32x128xi32, #tpu.memory_space<vmem>> -> memref<1x128xi32, #tpu.memory_space<vmem>>
      %dma_wait3A_604 = tpu.memref_squeeze %dma_wait3A_603 : memref<1x128xi32, #tpu.memory_space<vmem>> -> memref<128xi32, #tpu.memory_space<vmem>>
      %dma_wait3A_605 = arith.constant 0 : i32
      %dma_wait3A_606 = arith.constant 0 : i32
      %dma_wait3A_607 = tpu.memref_slice %arg4[%dma_wait3A_605, %dma_wait3A_606] : memref<20000x128xf32, #tpu.memory_space<hbm>> -> memref<20000x128xf32, #tpu.memory_space<hbm>>
      tpu.wait_indirect_dma semaphore(%arg11 : memref<!tpu.dma_semaphore, #tpu.memory_space<semaphore_mem>>) src(%dma_wait3A_607 : memref<20000x128xf32, #tpu.memory_space<hbm>>) dst(%arg8 : memref<128x128xf32, #tpu.memory_space<vmem>>)
      %dma_start3A_608 = arith.constant 28 : i32
      %dma_start3A_609 = arith.constant 0 : i32
      %dma_start3A_610 = tpu.memref_slice %arg7[%dma_start3A_608, %dma_start3A_609] : memref<32x128xi32, #tpu.memory_space<vmem>> -> memref<1x128xi32, #tpu.memory_space<vmem>>
      %dma_start3A_611 = tpu.memref_squeeze %dma_start3A_610 : memref<1x128xi32, #tpu.memory_space<vmem>> -> memref<128xi32, #tpu.memory_space<vmem>>
      %dma_start3A_612 = arith.constant 0 : i32
      %dma_start3A_613 = arith.constant 0 : i32
      %dma_start3A_614 = tpu.memref_slice %arg10[%dma_start3A_612, %dma_start3A_613] : memref<10240x128xf32, #tpu.memory_space<vmem_shared>> -> memref<10240x128xf32, #tpu.memory_space<vmem_shared>>
      tpu.enqueue_indirect_dma source(%arg8 : memref<128x128xf32, #tpu.memory_space<vmem>>) target(%dma_start3A_614 : memref<10240x128xf32, #tpu.memory_space<vmem_shared>>) offsets(%dma_start3A_611 : memref<128xi32, #tpu.memory_space<vmem>>) semaphore(%arg13 : memref<!tpu.dma_semaphore, #tpu.memory_space<semaphore_mem>>) {add = true}
      %dma_wait3A_615 = arith.constant 28 : i32
      %dma_wait3A_616 = arith.constant 0 : i32
      %dma_wait3A_617 = tpu.memref_slice %arg7[%dma_wait3A_615, %dma_wait3A_616] : memref<32x128xi32, #tpu.memory_space<vmem>> -> memref<1x128xi32, #tpu.memory_space<vmem>>
      %dma_wait3A_618 = tpu.memref_squeeze %dma_wait3A_617 : memref<1x128xi32, #tpu.memory_space<vmem>> -> memref<128xi32, #tpu.memory_space<vmem>>
      %dma_wait3A_619 = arith.constant 0 : i32
      %dma_wait3A_620 = arith.constant 0 : i32
      %dma_wait3A_621 = tpu.memref_slice %arg10[%dma_wait3A_619, %dma_wait3A_620] : memref<10240x128xf32, #tpu.memory_space<vmem_shared>> -> memref<10240x128xf32, #tpu.memory_space<vmem_shared>>
      tpu.wait_indirect_dma semaphore(%arg13 : memref<!tpu.dma_semaphore, #tpu.memory_space<semaphore_mem>>) src(%arg8 : memref<128x128xf32, #tpu.memory_space<vmem>>) dst(%dma_wait3A_621 : memref<10240x128xf32, #tpu.memory_space<vmem_shared>>)
      %dma_start3A_622 = arith.constant 22 : i32
      %dma_start3A_623 = arith.constant 0 : i32
      %dma_start3A_624 = tpu.memref_slice %arg7[%dma_start3A_622, %dma_start3A_623] : memref<32x128xi32, #tpu.memory_space<vmem>> -> memref<1x128xi32, #tpu.memory_space<vmem>>
      %dma_start3A_625 = tpu.memref_squeeze %dma_start3A_624 : memref<1x128xi32, #tpu.memory_space<vmem>> -> memref<128xi32, #tpu.memory_space<vmem>>
      %dma_start3A_626 = arith.constant 0 : i32
      %dma_start3A_627 = arith.constant 0 : i32
      %dma_start3A_628 = tpu.memref_slice %arg4[%dma_start3A_626, %dma_start3A_627] : memref<20000x128xf32, #tpu.memory_space<hbm>> -> memref<20000x128xf32, #tpu.memory_space<hbm>>
      tpu.enqueue_indirect_dma source(%dma_start3A_628 : memref<20000x128xf32, #tpu.memory_space<hbm>>) target(%arg8 : memref<128x128xf32, #tpu.memory_space<vmem>>) offsets(%dma_start3A_625 : memref<128xi32, #tpu.memory_space<vmem>>) semaphore(%arg11 : memref<!tpu.dma_semaphore, #tpu.memory_space<semaphore_mem>>)
      %dma_wait3A_629 = arith.constant 21 : i32
      %dma_wait3A_630 = arith.constant 0 : i32
      %dma_wait3A_631 = tpu.memref_slice %arg7[%dma_wait3A_629, %dma_wait3A_630] : memref<32x128xi32, #tpu.memory_space<vmem>> -> memref<1x128xi32, #tpu.memory_space<vmem>>
      %dma_wait3A_632 = tpu.memref_squeeze %dma_wait3A_631 : memref<1x128xi32, #tpu.memory_space<vmem>> -> memref<128xi32, #tpu.memory_space<vmem>>
      %dma_wait3A_633 = arith.constant 0 : i32
      %dma_wait3A_634 = arith.constant 0 : i32
      %dma_wait3A_635 = tpu.memref_slice %arg4[%dma_wait3A_633, %dma_wait3A_634] : memref<20000x128xf32, #tpu.memory_space<hbm>> -> memref<20000x128xf32, #tpu.memory_space<hbm>>
      tpu.wait_indirect_dma semaphore(%arg12 : memref<!tpu.dma_semaphore, #tpu.memory_space<semaphore_mem>>) src(%dma_wait3A_635 : memref<20000x128xf32, #tpu.memory_space<hbm>>) dst(%arg9 : memref<128x128xf32, #tpu.memory_space<vmem>>)
      %dma_start3A_636 = arith.constant 29 : i32
      %dma_start3A_637 = arith.constant 0 : i32
      %dma_start3A_638 = tpu.memref_slice %arg7[%dma_start3A_636, %dma_start3A_637] : memref<32x128xi32, #tpu.memory_space<vmem>> -> memref<1x128xi32, #tpu.memory_space<vmem>>
      %dma_start3A_639 = tpu.memref_squeeze %dma_start3A_638 : memref<1x128xi32, #tpu.memory_space<vmem>> -> memref<128xi32, #tpu.memory_space<vmem>>
      %dma_start3A_640 = arith.constant 0 : i32
      %dma_start3A_641 = arith.constant 0 : i32
      %dma_start3A_642 = tpu.memref_slice %arg10[%dma_start3A_640, %dma_start3A_641] : memref<10240x128xf32, #tpu.memory_space<vmem_shared>> -> memref<10240x128xf32, #tpu.memory_space<vmem_shared>>
      tpu.enqueue_indirect_dma source(%arg9 : memref<128x128xf32, #tpu.memory_space<vmem>>) target(%dma_start3A_642 : memref<10240x128xf32, #tpu.memory_space<vmem_shared>>) offsets(%dma_start3A_639 : memref<128xi32, #tpu.memory_space<vmem>>) semaphore(%arg14 : memref<!tpu.dma_semaphore, #tpu.memory_space<semaphore_mem>>) {add = true}
      %dma_wait3A_643 = arith.constant 29 : i32
      %dma_wait3A_644 = arith.constant 0 : i32
      %dma_wait3A_645 = tpu.memref_slice %arg7[%dma_wait3A_643, %dma_wait3A_644] : memref<32x128xi32, #tpu.memory_space<vmem>> -> memref<1x128xi32, #tpu.memory_space<vmem>>
      %dma_wait3A_646 = tpu.memref_squeeze %dma_wait3A_645 : memref<1x128xi32, #tpu.memory_space<vmem>> -> memref<128xi32, #tpu.memory_space<vmem>>
      %dma_wait3A_647 = arith.constant 0 : i32
      %dma_wait3A_648 = arith.constant 0 : i32
      %dma_wait3A_649 = tpu.memref_slice %arg10[%dma_wait3A_647, %dma_wait3A_648] : memref<10240x128xf32, #tpu.memory_space<vmem_shared>> -> memref<10240x128xf32, #tpu.memory_space<vmem_shared>>
      tpu.wait_indirect_dma semaphore(%arg14 : memref<!tpu.dma_semaphore, #tpu.memory_space<semaphore_mem>>) src(%arg9 : memref<128x128xf32, #tpu.memory_space<vmem>>) dst(%dma_wait3A_649 : memref<10240x128xf32, #tpu.memory_space<vmem_shared>>)
      %dma_start3A_650 = arith.constant 23 : i32
      %dma_start3A_651 = arith.constant 0 : i32
      %dma_start3A_652 = tpu.memref_slice %arg7[%dma_start3A_650, %dma_start3A_651] : memref<32x128xi32, #tpu.memory_space<vmem>> -> memref<1x128xi32, #tpu.memory_space<vmem>>
      %dma_start3A_653 = tpu.memref_squeeze %dma_start3A_652 : memref<1x128xi32, #tpu.memory_space<vmem>> -> memref<128xi32, #tpu.memory_space<vmem>>
      %dma_start3A_654 = arith.constant 0 : i32
      %dma_start3A_655 = arith.constant 0 : i32
      %dma_start3A_656 = tpu.memref_slice %arg4[%dma_start3A_654, %dma_start3A_655] : memref<20000x128xf32, #tpu.memory_space<hbm>> -> memref<20000x128xf32, #tpu.memory_space<hbm>>
      tpu.enqueue_indirect_dma source(%dma_start3A_656 : memref<20000x128xf32, #tpu.memory_space<hbm>>) target(%arg9 : memref<128x128xf32, #tpu.memory_space<vmem>>) offsets(%dma_start3A_653 : memref<128xi32, #tpu.memory_space<vmem>>) semaphore(%arg12 : memref<!tpu.dma_semaphore, #tpu.memory_space<semaphore_mem>>)
      %dma_wait3A_657 = arith.constant 22 : i32
      %dma_wait3A_658 = arith.constant 0 : i32
      %dma_wait3A_659 = tpu.memref_slice %arg7[%dma_wait3A_657, %dma_wait3A_658] : memref<32x128xi32, #tpu.memory_space<vmem>> -> memref<1x128xi32, #tpu.memory_space<vmem>>
      %dma_wait3A_660 = tpu.memref_squeeze %dma_wait3A_659 : memref<1x128xi32, #tpu.memory_space<vmem>> -> memref<128xi32, #tpu.memory_space<vmem>>
      %dma_wait3A_661 = arith.constant 0 : i32
      %dma_wait3A_662 = arith.constant 0 : i32
      %dma_wait3A_663 = tpu.memref_slice %arg4[%dma_wait3A_661, %dma_wait3A_662] : memref<20000x128xf32, #tpu.memory_space<hbm>> -> memref<20000x128xf32, #tpu.memory_space<hbm>>
      tpu.wait_indirect_dma semaphore(%arg11 : memref<!tpu.dma_semaphore, #tpu.memory_space<semaphore_mem>>) src(%dma_wait3A_663 : memref<20000x128xf32, #tpu.memory_space<hbm>>) dst(%arg8 : memref<128x128xf32, #tpu.memory_space<vmem>>)
      %dma_start3A_664 = arith.constant 30 : i32
      %dma_start3A_665 = arith.constant 0 : i32
      %dma_start3A_666 = tpu.memref_slice %arg7[%dma_start3A_664, %dma_start3A_665] : memref<32x128xi32, #tpu.memory_space<vmem>> -> memref<1x128xi32, #tpu.memory_space<vmem>>
      %dma_start3A_667 = tpu.memref_squeeze %dma_start3A_666 : memref<1x128xi32, #tpu.memory_space<vmem>> -> memref<128xi32, #tpu.memory_space<vmem>>
      %dma_start3A_668 = arith.constant 0 : i32
      %dma_start3A_669 = arith.constant 0 : i32
      %dma_start3A_670 = tpu.memref_slice %arg10[%dma_start3A_668, %dma_start3A_669] : memref<10240x128xf32, #tpu.memory_space<vmem_shared>> -> memref<10240x128xf32, #tpu.memory_space<vmem_shared>>
      tpu.enqueue_indirect_dma source(%arg8 : memref<128x128xf32, #tpu.memory_space<vmem>>) target(%dma_start3A_670 : memref<10240x128xf32, #tpu.memory_space<vmem_shared>>) offsets(%dma_start3A_667 : memref<128xi32, #tpu.memory_space<vmem>>) semaphore(%arg13 : memref<!tpu.dma_semaphore, #tpu.memory_space<semaphore_mem>>) {add = true}
      %dma_wait3A_671 = arith.constant 23 : i32
      %dma_wait3A_672 = arith.constant 0 : i32
      %dma_wait3A_673 = tpu.memref_slice %arg7[%dma_wait3A_671, %dma_wait3A_672] : memref<32x128xi32, #tpu.memory_space<vmem>> -> memref<1x128xi32, #tpu.memory_space<vmem>>
      %dma_wait3A_674 = tpu.memref_squeeze %dma_wait3A_673 : memref<1x128xi32, #tpu.memory_space<vmem>> -> memref<128xi32, #tpu.memory_space<vmem>>
      %dma_wait3A_675 = arith.constant 0 : i32
      %dma_wait3A_676 = arith.constant 0 : i32
      %dma_wait3A_677 = tpu.memref_slice %arg4[%dma_wait3A_675, %dma_wait3A_676] : memref<20000x128xf32, #tpu.memory_space<hbm>> -> memref<20000x128xf32, #tpu.memory_space<hbm>>
      tpu.wait_indirect_dma semaphore(%arg12 : memref<!tpu.dma_semaphore, #tpu.memory_space<semaphore_mem>>) src(%dma_wait3A_677 : memref<20000x128xf32, #tpu.memory_space<hbm>>) dst(%arg9 : memref<128x128xf32, #tpu.memory_space<vmem>>)
      %dma_start3A_678 = arith.constant 31 : i32
      %dma_start3A_679 = arith.constant 0 : i32
      %dma_start3A_680 = tpu.memref_slice %arg7[%dma_start3A_678, %dma_start3A_679] : memref<32x128xi32, #tpu.memory_space<vmem>> -> memref<1x128xi32, #tpu.memory_space<vmem>>
      %dma_start3A_681 = tpu.memref_squeeze %dma_start3A_680 : memref<1x128xi32, #tpu.memory_space<vmem>> -> memref<128xi32, #tpu.memory_space<vmem>>
      %dma_start3A_682 = arith.constant 0 : i32
      %dma_start3A_683 = arith.constant 0 : i32
      %dma_start3A_684 = tpu.memref_slice %arg10[%dma_start3A_682, %dma_start3A_683] : memref<10240x128xf32, #tpu.memory_space<vmem_shared>> -> memref<10240x128xf32, #tpu.memory_space<vmem_shared>>
      tpu.enqueue_indirect_dma source(%arg9 : memref<128x128xf32, #tpu.memory_space<vmem>>) target(%dma_start3A_684 : memref<10240x128xf32, #tpu.memory_space<vmem_shared>>) offsets(%dma_start3A_681 : memref<128xi32, #tpu.memory_space<vmem>>) semaphore(%arg14 : memref<!tpu.dma_semaphore, #tpu.memory_space<semaphore_mem>>) {add = true}
      %dma_wait3A_685 = arith.constant 30 : i32
      %dma_wait3A_686 = arith.constant 0 : i32
      %dma_wait3A_687 = tpu.memref_slice %arg7[%dma_wait3A_685, %dma_wait3A_686] : memref<32x128xi32, #tpu.memory_space<vmem>> -> memref<1x128xi32, #tpu.memory_space<vmem>>
      %dma_wait3A_688 = tpu.memref_squeeze %dma_wait3A_687 : memref<1x128xi32, #tpu.memory_space<vmem>> -> memref<128xi32, #tpu.memory_space<vmem>>
      %dma_wait3A_689 = arith.constant 0 : i32
      %dma_wait3A_690 = arith.constant 0 : i32
      %dma_wait3A_691 = tpu.memref_slice %arg10[%dma_wait3A_689, %dma_wait3A_690] : memref<10240x128xf32, #tpu.memory_space<vmem_shared>> -> memref<10240x128xf32, #tpu.memory_space<vmem_shared>>
      tpu.wait_indirect_dma semaphore(%arg13 : memref<!tpu.dma_semaphore, #tpu.memory_space<semaphore_mem>>) src(%arg8 : memref<128x128xf32, #tpu.memory_space<vmem>>) dst(%dma_wait3A_691 : memref<10240x128xf32, #tpu.memory_space<vmem_shared>>)
      %dma_wait3A_692 = arith.constant 31 : i32
      %dma_wait3A_693 = arith.constant 0 : i32
      %dma_wait3A_694 = tpu.memref_slice %arg7[%dma_wait3A_692, %dma_wait3A_693] : memref<32x128xi32, #tpu.memory_space<vmem>> -> memref<1x128xi32, #tpu.memory_space<vmem>>
      %dma_wait3A_695 = tpu.memref_squeeze %dma_wait3A_694 : memref<1x128xi32, #tpu.memory_space<vmem>> -> memref<128xi32, #tpu.memory_space<vmem>>
      %dma_wait3A_696 = arith.constant 0 : i32
      %dma_wait3A_697 = arith.constant 0 : i32
      %dma_wait3A_698 = tpu.memref_slice %arg10[%dma_wait3A_696, %dma_wait3A_697] : memref<10240x128xf32, #tpu.memory_space<vmem_shared>> -> memref<10240x128xf32, #tpu.memory_space<vmem_shared>>
      tpu.wait_indirect_dma semaphore(%arg14 : memref<!tpu.dma_semaphore, #tpu.memory_space<semaphore_mem>>) src(%arg9 : memref<128x128xf32, #tpu.memory_space<vmem>>) dst(%dma_wait3A_698 : memref<10240x128xf32, #tpu.memory_space<vmem_shared>>)
    }
    %scan3A_229 = arith.constant 5 : i32
    %barrier3A_230 = arith.constant 0 : index
    tpu.barrier barrier_id(%barrier3A_230)
    %min3A = arith.constant 9360 : i32
    %min3A_231 = arith.minsi %multiple_of3A, %min3A : i32
    %multiple_of3A_232 = tpu.assume_multiple %min3A_231, 8 : i32
    %eq3A = arith.constant 0 : i32
    %eq3A_233 = arith.cmpi eq, %arg0, %eq3A : i32
    %convert_element_type3A = arith.extui %eq3A_233 : i1 to i32
    %cond3A = arith.constant 0 : i32
    %cond3A_234 = arith.cmpi ne, %convert_element_type3A, %cond3A : i32
    scf.if %cond3A_234 {
      "tpu.region"() ({
        %run_scoped3A = tpu.sem_alloc : memref<!tpu.dma_semaphore, #tpu.memory_space<semaphore_mem>>
        %dma_start3A_240 = arith.constant 0 : i32
        %dma_start3A_241 = tpu.memref_slice %arg5[%multiple_of3A_232, %dma_start3A_240] : memref<10000x128xf32, #tpu.memory_space<hbm>> -> memref<640x128xf32, #tpu.memory_space<hbm>>
        %dma_start3A_242 = arith.constant 0 : i32
        %dma_start3A_243 = tpu.memref_slice %arg10[%multiple_of3A_232, %dma_start3A_242] : memref<10240x128xf32, #tpu.memory_space<vmem_shared>> -> memref<640x128xf32, #tpu.memory_space<vmem_shared>>
        tpu.enqueue_dma source(%dma_start3A_243 : memref<640x128xf32, #tpu.memory_space<vmem_shared>>) target(%dma_start3A_241 : memref<640x128xf32, #tpu.memory_space<hbm>>) target_semaphore(%run_scoped3A : memref<!tpu.dma_semaphore, #tpu.memory_space<semaphore_mem>>)
        %dma_wait3A_244 = arith.constant 0 : i32
        %dma_wait3A_245 = tpu.memref_slice %arg5[%multiple_of3A_232, %dma_wait3A_244] : memref<10000x128xf32, #tpu.memory_space<hbm>> -> memref<640x128xf32, #tpu.memory_space<hbm>>
        %dma_wait3A_246 = arith.constant 0 : i32
        %dma_wait3A_247 = tpu.memref_slice %arg10[%multiple_of3A_232, %dma_wait3A_246] : memref<10240x128xf32, #tpu.memory_space<vmem_shared>> -> memref<640x128xf32, #tpu.memory_space<vmem_shared>>
        tpu.wait_dma2 semaphore(%run_scoped3A : memref<!tpu.dma_semaphore, #tpu.memory_space<semaphore_mem>>) src(%dma_wait3A_247 : memref<640x128xf32, #tpu.memory_space<vmem_shared>>) dst(%dma_wait3A_245 : memref<640x128xf32, #tpu.memory_space<hbm>>)
        tpu.yield
      }) : () -> ()
    } else {
    }
    %eq3A_235 = arith.constant 1 : i32
    %eq3A_236 = arith.cmpi eq, %arg0, %eq3A_235 : i32
    %convert_element_type3A_237 = arith.extui %eq3A_236 : i1 to i32
    %cond3A_238 = arith.constant 0 : i32
    %cond3A_239 = arith.cmpi ne, %convert_element_type3A_237, %cond3A_238 : i32
    scf.if %cond3A_239 {
      "tpu.region"() ({
        %run_scoped3A = tpu.sem_alloc : memref<!tpu.dma_semaphore, #tpu.memory_space<semaphore_mem>>
        %dma_start3A_240 = arith.constant 0 : i32
        %dma_start3A_241 = tpu.memref_slice %arg6[%multiple_of3A_232, %dma_start3A_240] : memref<10000x128xf32, #tpu.memory_space<hbm>> -> memref<640x128xf32, #tpu.memory_space<hbm>>
        %dma_start3A_242 = arith.constant 0 : i32
        %dma_start3A_243 = tpu.memref_slice %arg10[%multiple_of3A_232, %dma_start3A_242] : memref<10240x128xf32, #tpu.memory_space<vmem_shared>> -> memref<640x128xf32, #tpu.memory_space<vmem_shared>>
        tpu.enqueue_dma source(%dma_start3A_243 : memref<640x128xf32, #tpu.memory_space<vmem_shared>>) target(%dma_start3A_241 : memref<640x128xf32, #tpu.memory_space<hbm>>) target_semaphore(%run_scoped3A : memref<!tpu.dma_semaphore, #tpu.memory_space<semaphore_mem>>)
        %dma_wait3A_244 = arith.constant 0 : i32
        %dma_wait3A_245 = tpu.memref_slice %arg6[%multiple_of3A_232, %dma_wait3A_244] : memref<10000x128xf32, #tpu.memory_space<hbm>> -> memref<640x128xf32, #tpu.memory_space<hbm>>
        %dma_wait3A_246 = arith.constant 0 : i32
        %dma_wait3A_247 = tpu.memref_slice %arg10[%multiple_of3A_232, %dma_wait3A_246] : memref<10240x128xf32, #tpu.memory_space<vmem_shared>> -> memref<640x128xf32, #tpu.memory_space<vmem_shared>>
        tpu.wait_dma2 semaphore(%run_scoped3A : memref<!tpu.dma_semaphore, #tpu.memory_space<semaphore_mem>>) src(%dma_wait3A_247 : memref<640x128xf32, #tpu.memory_space<vmem_shared>>) dst(%dma_wait3A_245 : memref<640x128xf32, #tpu.memory_space<hbm>>)
        tpu.yield
      }) : () -> ()
    } else {
    }
    return
  }
}

module attributes {stable_mosaic.version = 14 : i64} {
  func.func @_mlp_split_body(%arg0: i32, %arg1: memref<1x1xf32, #tpu.memory_space<smem>>, %arg2: memref<2x2000x128xf32, #tpu.memory_space<vmem>>, %arg3: memref<2000x128xf32, #tpu.memory_space<vmem>>, %arg4: memref<2000x128xf32, #tpu.memory_space<vmem>>, %arg5: memref<256x256xf32, #tpu.memory_space<vmem>>, %arg6: memref<1x256xf32, #tpu.memory_space<vmem>>, %arg7: memref<256x256xf32, #tpu.memory_space<vmem>>, %arg8: memref<1x256xf32, #tpu.memory_space<vmem>>, %arg9: memref<2x2000x128xf32, #tpu.memory_space<vmem>>) attributes {dimension_semantics = [#tpu.dimension_semantics<arbitrary>], iteration_bounds = array<i64: 5>, scalar_prefetch = 0 : i64, scratch_operands = 0 : i64, tpu.core_type = #tpu.core_type<tc>, window_params = [{transform_indices = @transform_0, window_bounds = array<i64: 1, 1>}, {transform_indices = @transform_1, window_bounds = array<i64: 2, 2000, 128>}, {transform_indices = @transform_2, window_bounds = array<i64: 2000, 128>}, {transform_indices = @transform_3, window_bounds = array<i64: 2000, 128>}, {pipeline_mode = #tpu.pipeline_mode<synchronous>, transform_indices = @transform_4, window_bounds = array<i64: 256, 256>}, {pipeline_mode = #tpu.pipeline_mode<synchronous>, transform_indices = @transform_5, window_bounds = array<i64: 1, 256>}, {pipeline_mode = #tpu.pipeline_mode<synchronous>, transform_indices = @transform_6, window_bounds = array<i64: 256, 256>}, {pipeline_mode = #tpu.pipeline_mode<synchronous>, transform_indices = @transform_7, window_bounds = array<i64: 1, 256>}, {transform_indices = @transform_8, window_bounds = array<i64: 2, 2000, 128>}]} {
    %get3A = arith.constant 0 : index
    %get3A_0 = arith.constant 0 : index
    %get3A_1 = arith.constant 0 : index
    %get3A_2 = vector.load %arg2[%get3A, %get3A_0, %get3A_1] : memref<2x2000x128xf32, #tpu.memory_space<vmem>>, vector<1x2000x128xf32>
    %get3A_3 = vector.shape_cast %get3A_2 : vector<1x2000x128xf32> to vector<2000x128xf32>
    %get3A_4 = arith.constant 1 : index
    %get3A_5 = arith.constant 0 : index
    %get3A_6 = arith.constant 0 : index
    %get3A_7 = vector.load %arg2[%get3A_4, %get3A_5, %get3A_6] : memref<2x2000x128xf32, #tpu.memory_space<vmem>>, vector<1x2000x128xf32>
    %get3A_8 = vector.shape_cast %get3A_7 : vector<1x2000x128xf32> to vector<2000x128xf32>
    %concatenate3A = tpu.concatenate %get3A_3, %get3A_8 in 1 : vector<2000x128xf32>, vector<2000x128xf32> -> vector<2000x256xf32>
    %get3A_9 = arith.constant 0 : index
    %get3A_10 = arith.constant 0 : index
    %get3A_11 = vector.load %arg3[%get3A_9, %get3A_10] : memref<2000x128xf32, #tpu.memory_space<vmem>>, vector<2000x128xf32>
    %get3A_12 = arith.constant 0 : index
    %get3A_13 = arith.constant 0 : index
    %get3A_14 = vector.load %arg4[%get3A_12, %get3A_13] : memref<2000x128xf32, #tpu.memory_space<vmem>>, vector<2000x128xf32>
    %concatenate3A_15 = tpu.concatenate %get3A_11, %get3A_14 in 1 : vector<2000x128xf32>, vector<2000x128xf32> -> vector<2000x256xf32>
    %get3A_16 = arith.constant 0 : index
    %get3A_17 = arith.constant 0 : index
    %get3A_18 = memref.load %arg1[%get3A_16, %get3A_17] : memref<1x1xf32, #tpu.memory_space<smem>>
    %mul3A = vector.broadcast %get3A_18 : f32 to vector<2000x256xf32>
    %mul3A_19 = arith.mulf %mul3A, %concatenate3A : vector<2000x256xf32>
    %add3A = arith.addf %mul3A_19, %concatenate3A_15 : vector<2000x256xf32>
    %get3A_20 = arith.constant 0 : index
    %get3A_21 = arith.constant 0 : index
    %get3A_22 = vector.load %arg5[%get3A_20, %get3A_21] : memref<256x256xf32, #tpu.memory_space<vmem>>, vector<256x256xf32>
    %dot_general3A = arith.constant dense<0.000000e+00> : vector<2000x256xf32>
    %dot_general3A_23 = tpu.matmul %add3A, %get3A_22, %dot_general3A {dimension_numbers = #tpu.dot_dimension_numbers<[1], [0], [0], [1], [0, 0, 1, 1], [], []>, transpose_lhs_hint = false} : vector<2000x256xf32>, vector<256x256xf32>, vector<2000x256xf32> -> vector<2000x256xf32>
    %get3A_24 = arith.constant 0 : index
    %get3A_25 = arith.constant 0 : index
    %get3A_26 = vector.load %arg6[%get3A_24, %get3A_25] : memref<1x256xf32, #tpu.memory_space<vmem>>, vector<1x256xf32>
    %add3A_27 = vector.broadcast %get3A_26 : vector<1x256xf32> to vector<2000x256xf32>
    %add3A_28 = arith.addf %dot_general3A_23, %add3A_27 : vector<2000x256xf32>
    %gt3A = arith.constant 0.000000e+00 : f32
    %gt3A_29 = vector.broadcast %gt3A : f32 to vector<2000x256xf32>
    %gt3A_30 = arith.cmpf ogt, %add3A_28, %gt3A_29 : vector<2000x256xf32>
    %mul3A_31 = arith.constant 0.00999999977 : f32
    %mul3A_32 = vector.broadcast %mul3A_31 : f32 to vector<2000x256xf32>
    %mul3A_33 = arith.mulf %mul3A_32, %add3A_28 : vector<2000x256xf32>
    %select_n3A = arith.select %gt3A_30, %add3A_28, %mul3A_33 : vector<2000x256xi1>, vector<2000x256xf32>
    %get3A_34 = arith.constant 0 : index
    %get3A_35 = arith.constant 0 : index
    %get3A_36 = vector.load %arg7[%get3A_34, %get3A_35] : memref<256x256xf32, #tpu.memory_space<vmem>>, vector<256x256xf32>
    %dot_general3A_37 = arith.constant dense<0.000000e+00> : vector<2000x256xf32>
    %dot_general3A_38 = tpu.matmul %select_n3A, %get3A_36, %dot_general3A_37 {dimension_numbers = #tpu.dot_dimension_numbers<[1], [0], [0], [1], [0, 0, 1, 1], [], []>, transpose_lhs_hint = false} : vector<2000x256xf32>, vector<256x256xf32>, vector<2000x256xf32> -> vector<2000x256xf32>
    %get3A_39 = arith.constant 0 : index
    %get3A_40 = arith.constant 0 : index
    %get3A_41 = vector.load %arg8[%get3A_39, %get3A_40] : memref<1x256xf32, #tpu.memory_space<vmem>>, vector<1x256xf32>
    %add3A_42 = vector.broadcast %get3A_41 : vector<1x256xf32> to vector<2000x256xf32>
    %add3A_43 = arith.addf %dot_general3A_38, %add3A_42 : vector<2000x256xf32>
    %gt3A_44 = arith.constant 0.000000e+00 : f32
    %gt3A_45 = vector.broadcast %gt3A_44 : f32 to vector<2000x256xf32>
    %gt3A_46 = arith.cmpf ogt, %add3A_43, %gt3A_45 : vector<2000x256xf32>
    %mul3A_47 = arith.constant 0.00999999977 : f32
    %mul3A_48 = vector.broadcast %mul3A_47 : f32 to vector<2000x256xf32>
    %mul3A_49 = arith.mulf %mul3A_48, %add3A_43 : vector<2000x256xf32>
    %select_n3A_50 = arith.select %gt3A_46, %add3A_43, %mul3A_49 : vector<2000x256xi1>, vector<2000x256xf32>
    %slice3A = vector.extract_strided_slice %select_n3A_50 {offsets = [0, 0], sizes = [2000, 128], strides = [1, 1]} : vector<2000x256xf32> to vector<2000x128xf32>
    %swap3A = arith.constant 0 : index
    %swap3A_51 = arith.constant 0 : index
    %swap3A_52 = arith.constant 0 : index
    %swap3A_53 = vector.load %arg9[%swap3A, %swap3A_51, %swap3A_52] : memref<2x2000x128xf32, #tpu.memory_space<vmem>>, vector<1x2000x128xf32>
    %swap3A_54 = vector.shape_cast %swap3A_53 : vector<1x2000x128xf32> to vector<2000x128xf32>
    %swap3A_55 = vector.shape_cast %slice3A : vector<2000x128xf32> to vector<1x2000x128xf32>
    tpu.vector_store %arg9[%swap3A, %swap3A_51, %swap3A_52], %swap3A_55 {strides = array<i32>} : memref<2x2000x128xf32, #tpu.memory_space<vmem>>, vector<1x2000x128xf32>,
    %slice3A_56 = vector.extract_strided_slice %select_n3A_50 {offsets = [0, 128], sizes = [2000, 128], strides = [1, 1]} : vector<2000x256xf32> to vector<2000x128xf32>
    %swap3A_57 = arith.constant 1 : index
    %swap3A_58 = arith.constant 0 : index
    %swap3A_59 = arith.constant 0 : index
    %swap3A_60 = vector.load %arg9[%swap3A_57, %swap3A_58, %swap3A_59] : memref<2x2000x128xf32, #tpu.memory_space<vmem>>, vector<1x2000x128xf32>
    %swap3A_61 = vector.shape_cast %swap3A_60 : vector<1x2000x128xf32> to vector<2000x128xf32>
    %swap3A_62 = vector.shape_cast %slice3A_56 : vector<2000x128xf32> to vector<1x2000x128xf32>
    tpu.vector_store %arg9[%swap3A_57, %swap3A_58, %swap3A_59], %swap3A_62 {strides = array<i32>} : memref<2x2000x128xf32, #tpu.memory_space<vmem>>, vector<1x2000x128xf32>,
    return
  }
  func.func @transform_0(%arg0: i32) -> (i32, i32) {
    %c0_i32 = arith.constant 0 : i32
    %c0_i32_0 = arith.constant 0 : i32
    %c0_i32_1 = arith.constant 0 : i32
    return %c0_i32, %c0_i32_0 : i32, i32
  }
  func.func @transform_1(%arg0: i32) -> (i32, i32, i32) {
    %c0_i32 = arith.constant 0 : i32
    %c0_i32_0 = arith.constant 0 : i32
    %c0_i32_1 = arith.constant 0 : i32
    return %c0_i32, %arg0, %c0_i32_0 : i32, i32, i32
  }
  func.func @transform_2(%arg0: i32) -> (i32, i32) {
    %c0_i32 = arith.constant 0 : i32
    %c0_i32_0 = arith.constant 0 : i32
    return %arg0, %c0_i32 : i32, i32
  }
  func.func @transform_3(%arg0: i32) -> (i32, i32) {
    %c0_i32 = arith.constant 0 : i32
    %c0_i32_0 = arith.constant 0 : i32
    return %arg0, %c0_i32 : i32, i32
  }
  func.func @transform_4(%arg0: i32) -> (i32, i32) {
    %c0_i32 = arith.constant 0 : i32
    %c0_i32_0 = arith.constant 0 : i32
    %c0_i32_1 = arith.constant 0 : i32
    return %c0_i32, %c0_i32_0 : i32, i32
  }
  func.func @transform_5(%arg0: i32) -> (i32, i32) {
    %c0_i32 = arith.constant 0 : i32
    %c0_i32_0 = arith.constant 0 : i32
    %c0_i32_1 = arith.constant 0 : i32
    return %c0_i32, %c0_i32_0 : i32, i32
  }
  func.func @transform_6(%arg0: i32) -> (i32, i32) {
    %c0_i32 = arith.constant 0 : i32
    %c0_i32_0 = arith.constant 0 : i32
    %c0_i32_1 = arith.constant 0 : i32
    return %c0_i32, %c0_i32_0 : i32, i32
  }
  func.func @transform_7(%arg0: i32) -> (i32, i32) {
    %c0_i32 = arith.constant 0 : i32
    %c0_i32_0 = arith.constant 0 : i32
    %c0_i32_1 = arith.constant 0 : i32
    return %c0_i32, %c0_i32_0 : i32, i32
  }
  func.func @transform_8(%arg0: i32) -> (i32, i32, i32) {
    %c0_i32 = arith.constant 0 : i32
    %c0_i32_0 = arith.constant 0 : i32
    %c0_i32_1 = arith.constant 0 : i32
    return %c0_i32, %arg0, %c0_i32_0 : i32, i32, i32
  }
}

module attributes {stable_mosaic.version = 14 : i64} {
  func.func @_mlp_final_body(%arg0: i32, %arg1: memref<1x1xf32, #tpu.memory_space<smem>>, %arg2: memref<2x2000x128xf32, #tpu.memory_space<vmem>>, %arg3: memref<2000x128xf32, #tpu.memory_space<vmem>>, %arg4: memref<2000x128xf32, #tpu.memory_space<vmem>>, %arg5: memref<256x256xf32, #tpu.memory_space<vmem>>, %arg6: memref<1x256xf32, #tpu.memory_space<vmem>>, %arg7: memref<256x256xf32, #tpu.memory_space<vmem>>, %arg8: memref<1x256xf32, #tpu.memory_space<vmem>>, %arg9: memref<1x1x2000xi32, #tpu.memory_space<vmem>>, %arg10: memref<256x256xf32, #tpu.memory_space<vmem>>, %arg11: memref<1x256xf32, #tpu.memory_space<vmem>>, %arg12: memref<256x10xf32, #tpu.memory_space<vmem>>, %arg13: memref<1x10xf32, #tpu.memory_space<vmem>>, %arg14: memref<2000x256xf32, #tpu.memory_space<vmem>>, %arg15: memref<16x10xf32, #tpu.memory_space<vmem>>, %arg16: memref<16x256xf32, #tpu.memory_space<vmem>>, %arg17: memref<16x128xf32, #tpu.memory_space<vmem>>) attributes {dimension_semantics = [#tpu.dimension_semantics<arbitrary>], iteration_bounds = array<i64: 5>, scalar_prefetch = 0 : i64, scratch_operands = 2 : i64, tpu.core_type = #tpu.core_type<tc>, window_params = [{transform_indices = @transform_0, window_bounds = array<i64: 1, 1>}, {transform_indices = @transform_1, window_bounds = array<i64: 2, 2000, 128>}, {transform_indices = @transform_2, window_bounds = array<i64: 2000, 128>}, {transform_indices = @transform_3, window_bounds = array<i64: 2000, 128>}, {pipeline_mode = #tpu.pipeline_mode<synchronous>, transform_indices = @transform_4, window_bounds = array<i64: 256, 256>}, {pipeline_mode = #tpu.pipeline_mode<synchronous>, transform_indices = @transform_5, window_bounds = array<i64: 1, 256>}, {pipeline_mode = #tpu.pipeline_mode<synchronous>, transform_indices = @transform_6, window_bounds = array<i64: 256, 256>}, {pipeline_mode = #tpu.pipeline_mode<synchronous>, transform_indices = @transform_7, window_bounds = array<i64: 1, 256>}, {transform_indices = @transform_8, window_bounds = array<i64: 1, 1, 2000>}, {pipeline_mode = #tpu.pipeline_mode<synchronous>, transform_indices = @transform_9, window_bounds = array<i64: 256, 256>}, {pipeline_mode = #tpu.pipeline_mode<synchronous>, transform_indices = @transform_10, window_bounds = array<i64: 1, 256>}, {pipeline_mode = #tpu.pipeline_mode<synchronous>, transform_indices = @transform_11, window_bounds = array<i64: 256, 10>}, {pipeline_mode = #tpu.pipeline_mode<synchronous>, transform_indices = @transform_12, window_bounds = array<i64: 1, 10>}, {transform_indices = @transform_13, window_bounds = array<i64: 2000, 256>}, {pipeline_mode = #tpu.pipeline_mode<synchronous>, transform_indices = @transform_14, window_bounds = array<i64: 16, 10>}]} {
    %get3A = arith.constant 0 : index
    %get3A_0 = arith.constant 0 : index
    %get3A_1 = arith.constant 0 : index
    %get3A_2 = vector.load %arg2[%get3A, %get3A_0, %get3A_1] : memref<2x2000x128xf32, #tpu.memory_space<vmem>>, vector<1x2000x128xf32>
    %get3A_3 = vector.shape_cast %get3A_2 : vector<1x2000x128xf32> to vector<2000x128xf32>
    %get3A_4 = arith.constant 1 : index
    %get3A_5 = arith.constant 0 : index
    %get3A_6 = arith.constant 0 : index
    %get3A_7 = vector.load %arg2[%get3A_4, %get3A_5, %get3A_6] : memref<2x2000x128xf32, #tpu.memory_space<vmem>>, vector<1x2000x128xf32>
    %get3A_8 = vector.shape_cast %get3A_7 : vector<1x2000x128xf32> to vector<2000x128xf32>
    %concatenate3A = tpu.concatenate %get3A_3, %get3A_8 in 1 : vector<2000x128xf32>, vector<2000x128xf32> -> vector<2000x256xf32>
    %get3A_9 = arith.constant 0 : index
    %get3A_10 = arith.constant 0 : index
    %get3A_11 = vector.load %arg3[%get3A_9, %get3A_10] : memref<2000x128xf32, #tpu.memory_space<vmem>>, vector<2000x128xf32>
    %get3A_12 = arith.constant 0 : index
    %get3A_13 = arith.constant 0 : index
    %get3A_14 = vector.load %arg4[%get3A_12, %get3A_13] : memref<2000x128xf32, #tpu.memory_space<vmem>>, vector<2000x128xf32>
    %concatenate3A_15 = tpu.concatenate %get3A_11, %get3A_14 in 1 : vector<2000x128xf32>, vector<2000x128xf32> -> vector<2000x256xf32>
    %get3A_16 = arith.constant 0 : index
    %get3A_17 = arith.constant 0 : index
    %get3A_18 = memref.load %arg1[%get3A_16, %get3A_17] : memref<1x1xf32, #tpu.memory_space<smem>>
    %mul3A = vector.broadcast %get3A_18 : f32 to vector<2000x256xf32>
    %mul3A_19 = arith.mulf %mul3A, %concatenate3A : vector<2000x256xf32>
    %add3A = arith.addf %mul3A_19, %concatenate3A_15 : vector<2000x256xf32>
    %get3A_20 = arith.constant 0 : index
    %get3A_21 = arith.constant 0 : index
    %get3A_22 = vector.load %arg5[%get3A_20, %get3A_21] : memref<256x256xf32, #tpu.memory_space<vmem>>, vector<256x256xf32>
    %dot_general3A = arith.constant dense<0.000000e+00> : vector<2000x256xf32>
    %dot_general3A_23 = tpu.matmul %add3A, %get3A_22, %dot_general3A {dimension_numbers = #tpu.dot_dimension_numbers<[1], [0], [0], [1], [0, 0, 1, 1], [], []>, transpose_lhs_hint = false} : vector<2000x256xf32>, vector<256x256xf32>, vector<2000x256xf32> -> vector<2000x256xf32>
    %get3A_24 = arith.constant 0 : index
    %get3A_25 = arith.constant 0 : index
    %get3A_26 = vector.load %arg6[%get3A_24, %get3A_25] : memref<1x256xf32, #tpu.memory_space<vmem>>, vector<1x256xf32>
    %add3A_27 = vector.broadcast %get3A_26 : vector<1x256xf32> to vector<2000x256xf32>
    %add3A_28 = arith.addf %dot_general3A_23, %add3A_27 : vector<2000x256xf32>
    %gt3A = arith.constant 0.000000e+00 : f32
    %gt3A_29 = vector.broadcast %gt3A : f32 to vector<2000x256xf32>
    %gt3A_30 = arith.cmpf ogt, %add3A_28, %gt3A_29 : vector<2000x256xf32>
    %mul3A_31 = arith.constant 0.00999999977 : f32
    %mul3A_32 = vector.broadcast %mul3A_31 : f32 to vector<2000x256xf32>
    %mul3A_33 = arith.mulf %mul3A_32, %add3A_28 : vector<2000x256xf32>
    %select_n3A = arith.select %gt3A_30, %add3A_28, %mul3A_33 : vector<2000x256xi1>, vector<2000x256xf32>
    %get3A_34 = arith.constant 0 : index
    %get3A_35 = arith.constant 0 : index
    %get3A_36 = vector.load %arg7[%get3A_34, %get3A_35] : memref<256x256xf32, #tpu.memory_space<vmem>>, vector<256x256xf32>
    %dot_general3A_37 = arith.constant dense<0.000000e+00> : vector<2000x256xf32>
    %dot_general3A_38 = tpu.matmul %select_n3A, %get3A_36, %dot_general3A_37 {dimension_numbers = #tpu.dot_dimension_numbers<[1], [0], [0], [1], [0, 0, 1, 1], [], []>, transpose_lhs_hint = false} : vector<2000x256xf32>, vector<256x256xf32>, vector<2000x256xf32> -> vector<2000x256xf32>
    %get3A_39 = arith.constant 0 : index
    %get3A_40 = arith.constant 0 : index
    %get3A_41 = vector.load %arg8[%get3A_39, %get3A_40] : memref<1x256xf32, #tpu.memory_space<vmem>>, vector<1x256xf32>
    %add3A_42 = vector.broadcast %get3A_41 : vector<1x256xf32> to vector<2000x256xf32>
    %add3A_43 = arith.addf %dot_general3A_38, %add3A_42 : vector<2000x256xf32>
    %gt3A_44 = arith.constant 0.000000e+00 : f32
    %gt3A_45 = vector.broadcast %gt3A_44 : f32 to vector<2000x256xf32>
    %gt3A_46 = arith.cmpf ogt, %add3A_43, %gt3A_45 : vector<2000x256xf32>
    %mul3A_47 = arith.constant 0.00999999977 : f32
    %mul3A_48 = vector.broadcast %mul3A_47 : f32 to vector<2000x256xf32>
    %mul3A_49 = arith.mulf %mul3A_48, %add3A_43 : vector<2000x256xf32>
    %select_n3A_50 = arith.select %gt3A_46, %add3A_43, %mul3A_49 : vector<2000x256xi1>, vector<2000x256xf32>
    %swap3A = arith.constant 0 : index
    %swap3A_51 = arith.constant 0 : index
    %swap3A_52 = vector.load %arg14[%swap3A, %swap3A_51] : memref<2000x256xf32, #tpu.memory_space<vmem>>, vector<2000x256xf32>
    tpu.vector_store %arg14[%swap3A, %swap3A_51], %select_n3A_50 {strides = array<i32>} : memref<2000x256xf32, #tpu.memory_space<vmem>>, vector<2000x256xf32>,
    %get3A_53 = arith.constant 0 : index
    %get3A_54 = arith.constant 0 : index
    %get3A_55 = arith.constant 0 : index
    %get3A_56 = vector.load %arg9[%get3A_53, %get3A_54, %get3A_55] : memref<1x1x2000xi32, #tpu.memory_space<vmem>>, vector<1x1x2000xi32>
    %get3A_57 = vector.shape_cast %get3A_56 : vector<1x1x2000xi32> to vector<2000xi32>
    %broadcast_in_dim3A = vector.shape_cast %get3A_57 : vector<2000xi32> to vector<2000x1xi32>
    %iota3A = tpu.iota {dimensions = array<i32: 1>} : vector<2000x16xi32>
    %eq3A = vector.broadcast %broadcast_in_dim3A : vector<2000x1xi32> to vector<2000x16xi32>
    %eq3A_58 = arith.cmpi eq, %eq3A, %iota3A : vector<2000x16xi32>
    %convert_element_type3A = arith.extui %eq3A_58 : vector<2000x16xi1> to vector<2000x16xi32>
    %convert_element_type3A_59 = arith.sitofp %convert_element_type3A : vector<2000x16xi32> to vector<2000x16xf32>
    %dot_general3A_60 = arith.constant dense<0.000000e+00> : vector<16x256xf32>
    %dot_general3A_61 = tpu.matmul %convert_element_type3A_59, %select_n3A_50, %dot_general3A_60 {dimension_numbers = #tpu.dot_dimension_numbers<[0], [0], [1], [1], [0, 1, 1, 1], [], []>, transpose_lhs_hint = false} : vector<2000x16xf32>, vector<2000x256xf32>, vector<16x256xf32> -> vector<16x256xf32>
    %broadcast_in_dim3A_62 = arith.constant 1.000000e+00 : f32
    %broadcast_in_dim3A_63 = vector.broadcast %broadcast_in_dim3A_62 : f32 to vector<2000x128xf32>
    %dot_general3A_64 = arith.constant dense<0.000000e+00> : vector<16x128xf32>
    %dot_general3A_65 = tpu.matmul %convert_element_type3A_59, %broadcast_in_dim3A_63, %dot_general3A_64 {dimension_numbers = #tpu.dot_dimension_numbers<[0], [0], [1], [1], [0, 1, 1, 1], [], []>, transpose_lhs_hint = false} : vector<2000x16xf32>, vector<2000x128xf32>, vector<16x128xf32> -> vector<16x128xf32>
    %eq3A_66 = arith.constant 0 : i32
    %eq3A_67 = arith.cmpi eq, %arg0, %eq3A_66 : i32
    %convert_element_type3A_68 = arith.extui %eq3A_67 : i1 to i32
    %cond3A = arith.constant 0 : i32
    %cond3A_69 = arith.cmpi ne, %convert_element_type3A_68, %cond3A : i32
    scf.if %cond3A_69 {
      %swap3A_80 = arith.constant 0 : index
      %swap3A_81 = arith.constant 0 : index
      %swap3A_82 = vector.load %arg16[%swap3A_80, %swap3A_81] : memref<16x256xf32, #tpu.memory_space<vmem>>, vector<16x256xf32>
      tpu.vector_store %arg16[%swap3A_80, %swap3A_81], %dot_general3A_61 {strides = array<i32>} : memref<16x256xf32, #tpu.memory_space<vmem>>, vector<16x256xf32>,
      %swap3A_83 = arith.constant 0 : index
      %swap3A_84 = arith.constant 0 : index
      %swap3A_85 = vector.load %arg17[%swap3A_83, %swap3A_84] : memref<16x128xf32, #tpu.memory_space<vmem>>, vector<16x128xf32>
      tpu.vector_store %arg17[%swap3A_83, %swap3A_84], %dot_general3A_65 {strides = array<i32>} : memref<16x128xf32, #tpu.memory_space<vmem>>, vector<16x128xf32>,
    } else {
    }
    %gt3A_70 = arith.constant 0 : i32
    %gt3A_71 = arith.cmpi sgt, %arg0, %gt3A_70 : i32
    %convert_element_type3A_72 = arith.extui %gt3A_71 : i1 to i32
    %cond3A_73 = arith.constant 0 : i32
    %cond3A_74 = arith.cmpi ne, %convert_element_type3A_72, %cond3A_73 : i32
    scf.if %cond3A_74 {
      %get3A_80 = arith.constant 0 : index
      %get3A_81 = arith.constant 0 : index
      %get3A_82 = vector.load %arg16[%get3A_80, %get3A_81] : memref<16x256xf32, #tpu.memory_space<vmem>>, vector<16x256xf32>
      %add3A_83 = arith.addf %get3A_82, %dot_general3A_61 : vector<16x256xf32>
      %swap3A_84 = arith.constant 0 : index
      %swap3A_85 = arith.constant 0 : index
      %swap3A_86 = vector.load %arg16[%swap3A_84, %swap3A_85] : memref<16x256xf32, #tpu.memory_space<vmem>>, vector<16x256xf32>
      tpu.vector_store %arg16[%swap3A_84, %swap3A_85], %add3A_83 {strides = array<i32>} : memref<16x256xf32, #tpu.memory_space<vmem>>, vector<16x256xf32>,
      %get3A_87 = arith.constant 0 : index
      %get3A_88 = arith.constant 0 : index
      %get3A_89 = vector.load %arg17[%get3A_87, %get3A_88] : memref<16x128xf32, #tpu.memory_space<vmem>>, vector<16x128xf32>
      %add3A_90 = arith.addf %get3A_89, %dot_general3A_65 : vector<16x128xf32>
      %swap3A_91 = arith.constant 0 : index
      %swap3A_92 = arith.constant 0 : index
      %swap3A_93 = vector.load %arg17[%swap3A_91, %swap3A_92] : memref<16x128xf32, #tpu.memory_space<vmem>>, vector<16x128xf32>
      tpu.vector_store %arg17[%swap3A_91, %swap3A_92], %add3A_90 {strides = array<i32>} : memref<16x128xf32, #tpu.memory_space<vmem>>, vector<16x128xf32>,
    } else {
    }
    %eq3A_75 = arith.constant 4 : i32
    %eq3A_76 = arith.cmpi eq, %arg0, %eq3A_75 : i32
    %convert_element_type3A_77 = arith.extui %eq3A_76 : i1 to i32
    %cond3A_78 = arith.constant 0 : i32
    %cond3A_79 = arith.cmpi ne, %convert_element_type3A_77, %cond3A_78 : i32
    scf.if %cond3A_79 {
      %get3A_80 = arith.constant 0 : index
      %get3A_81 = arith.constant 0 : index
      %get3A_82 = vector.load %arg17[%get3A_80, %get3A_81] : memref<16x128xf32, #tpu.memory_space<vmem>>, vector<16x1xf32>
      %max3A = arith.constant 1.000000e+00 : f32
      %max3A_83 = vector.broadcast %max3A : f32 to vector<16x1xf32>
      %max3A_84 = arith.maximumf %get3A_82, %max3A_83 : vector<16x1xf32>
      %get3A_85 = arith.constant 0 : index
      %get3A_86 = arith.constant 0 : index
      %get3A_87 = vector.load %arg16[%get3A_85, %get3A_86] : memref<16x256xf32, #tpu.memory_space<vmem>>, vector<16x256xf32>
      %div3A = vector.broadcast %max3A_84 : vector<16x1xf32> to vector<16x256xf32>
      %div3A_88 = arith.divf %get3A_87, %div3A : vector<16x256xf32>
      %get3A_89 = arith.constant 0 : index
      %get3A_90 = arith.constant 0 : index
      %get3A_91 = vector.load %arg10[%get3A_89, %get3A_90] : memref<256x256xf32, #tpu.memory_space<vmem>>, vector<256x256xf32>
      %dot_general3A_92 = arith.constant dense<0.000000e+00> : vector<16x256xf32>
      %dot_general3A_93 = tpu.matmul %div3A_88, %get3A_91, %dot_general3A_92 {dimension_numbers = #tpu.dot_dimension_numbers<[1], [0], [0], [1], [0, 0, 1, 1], [], []>, transpose_lhs_hint = false} : vector<16x256xf32>, vector<256x256xf32>, vector<16x256xf32> -> vector<16x256xf32>
      %get3A_94 = arith.constant 0 : index
      %get3A_95 = arith.constant 0 : index
      %get3A_96 = vector.load %arg11[%get3A_94, %get3A_95] : memref<1x256xf32, #tpu.memory_space<vmem>>, vector<1x256xf32>
      %add3A_97 = vector.broadcast %get3A_96 : vector<1x256xf32> to vector<16x256xf32>
      %add3A_98 = arith.addf %dot_general3A_93, %add3A_97 : vector<16x256xf32>
      %gt3A_99 = arith.constant 0.000000e+00 : f32
      %gt3A_100 = vector.broadcast %gt3A_99 : f32 to vector<16x256xf32>
      %gt3A_101 = arith.cmpf ogt, %add3A_98, %gt3A_100 : vector<16x256xf32>
      %mul3A_102 = arith.constant 0.00999999977 : f32
      %mul3A_103 = vector.broadcast %mul3A_102 : f32 to vector<16x256xf32>
      %mul3A_104 = arith.mulf %mul3A_103, %add3A_98 : vector<16x256xf32>
      %select_n3A_105 = arith.select %gt3A_101, %add3A_98, %mul3A_104 : vector<16x256xi1>, vector<16x256xf32>
      %get3A_106 = arith.constant 0 : index
      %get3A_107 = arith.constant 0 : index
      %get3A_108 = vector.load %arg12[%get3A_106, %get3A_107] : memref<256x10xf32, #tpu.memory_space<vmem>>, vector<256x10xf32>
      %dot_general3A_109 = arith.constant dense<0.000000e+00> : vector<16x10xf32>
      %dot_general3A_110 = tpu.matmul %select_n3A_105, %get3A_108, %dot_general3A_109 {dimension_numbers = #tpu.dot_dimension_numbers<[1], [0], [0], [1], [0, 0, 1, 1], [], []>, transpose_lhs_hint = false} : vector<16x256xf32>, vector<256x10xf32>, vector<16x10xf32> -> vector<16x10xf32>
      %get3A_111 = arith.constant 0 : index
      %get3A_112 = arith.constant 0 : index
      %get3A_113 = vector.load %arg13[%get3A_111, %get3A_112] : memref<1x10xf32, #tpu.memory_space<vmem>>, vector<1x10xf32>
      %add3A_114 = vector.broadcast %get3A_113 : vector<1x10xf32> to vector<16x10xf32>
      %add3A_115 = arith.addf %dot_general3A_110, %add3A_114 : vector<16x10xf32>
      %swap3A_116 = arith.constant 0 : index
      %swap3A_117 = arith.constant 0 : index
      %swap3A_118 = vector.load %arg15[%swap3A_116, %swap3A_117] : memref<16x10xf32, #tpu.memory_space<vmem>>, vector<16x10xf32>
      tpu.vector_store %arg15[%swap3A_116, %swap3A_117], %add3A_115 {strides = array<i32>} : memref<16x10xf32, #tpu.memory_space<vmem>>, vector<16x10xf32>,
    } else {
    }
    return
  }
  func.func @transform_0(%arg0: i32) -> (i32, i32) {
    %c0_i32 = arith.constant 0 : i32
    %c0_i32_0 = arith.constant 0 : i32
    %c0_i32_1 = arith.constant 0 : i32
    return %c0_i32, %c0_i32_0 : i32, i32
  }
  func.func @transform_1(%arg0: i32) -> (i32, i32, i32) {
    %c0_i32 = arith.constant 0 : i32
    %c0_i32_0 = arith.constant 0 : i32
    %c0_i32_1 = arith.constant 0 : i32
    return %c0_i32, %arg0, %c0_i32_0 : i32, i32, i32
  }
  func.func @transform_2(%arg0: i32) -> (i32, i32) {
    %c0_i32 = arith.constant 0 : i32
    %c0_i32_0 = arith.constant 0 : i32
    return %arg0, %c0_i32 : i32, i32
  }
  func.func @transform_3(%arg0: i32) -> (i32, i32) {
    %c0_i32 = arith.constant 0 : i32
    %c0_i32_0 = arith.constant 0 : i32
    return %arg0, %c0_i32 : i32, i32
  }
  func.func @transform_4(%arg0: i32) -> (i32, i32) {
    %c0_i32 = arith.constant 0 : i32
    %c0_i32_0 = arith.constant 0 : i32
    %c0_i32_1 = arith.constant 0 : i32
    return %c0_i32, %c0_i32_0 : i32, i32
  }
  func.func @transform_5(%arg0: i32) -> (i32, i32) {
    %c0_i32 = arith.constant 0 : i32
    %c0_i32_0 = arith.constant 0 : i32
    %c0_i32_1 = arith.constant 0 : i32
    return %c0_i32, %c0_i32_0 : i32, i32
  }
  func.func @transform_6(%arg0: i32) -> (i32, i32) {
    %c0_i32 = arith.constant 0 : i32
    %c0_i32_0 = arith.constant 0 : i32
    %c0_i32_1 = arith.constant 0 : i32
    return %c0_i32, %c0_i32_0 : i32, i32
  }
  func.func @transform_7(%arg0: i32) -> (i32, i32) {
    %c0_i32 = arith.constant 0 : i32
    %c0_i32_0 = arith.constant 0 : i32
    %c0_i32_1 = arith.constant 0 : i32
    return %c0_i32, %c0_i32_0 : i32, i32
  }
  func.func @transform_8(%arg0: i32) -> (i32, i32, i32) {
    %c0_i32 = arith.constant 0 : i32
    %c0_i32_0 = arith.constant 0 : i32
    %c0_i32_1 = arith.constant 0 : i32
    return %arg0, %c0_i32, %c0_i32_0 : i32, i32, i32
  }
  func.func @transform_9(%arg0: i32) -> (i32, i32) {
    %c0_i32 = arith.constant 0 : i32
    %c0_i32_0 = arith.constant 0 : i32
    %c0_i32_1 = arith.constant 0 : i32
    return %c0_i32, %c0_i32_0 : i32, i32
  }
  func.func @transform_10(%arg0: i32) -> (i32, i32) {
    %c0_i32 = arith.constant 0 : i32
    %c0_i32_0 = arith.constant 0 : i32
    %c0_i32_1 = arith.constant 0 : i32
    return %c0_i32, %c0_i32_0 : i32, i32
  }
  func.func @transform_11(%arg0: i32) -> (i32, i32) {
    %c0_i32 = arith.constant 0 : i32
    %c0_i32_0 = arith.constant 0 : i32
    %c0_i32_1 = arith.constant 0 : i32
    return %c0_i32, %c0_i32_0 : i32, i32
  }
  func.func @transform_12(%arg0: i32) -> (i32, i32) {
    %c0_i32 = arith.constant 0 : i32
    %c0_i32_0 = arith.constant 0 : i32
    %c0_i32_1 = arith.constant 0 : i32
    return %c0_i32, %c0_i32_0 : i32, i32
  }
  func.func @transform_13(%arg0: i32) -> (i32, i32) {
    %c0_i32 = arith.constant 0 : i32
    %c0_i32_0 = arith.constant 0 : i32
    return %arg0, %c0_i32 : i32, i32
  }
  func.func @transform_14(%arg0: i32) -> (i32, i32) {
    %c0_i32 = arith.constant 0 : i32
    %c0_i32_0 = arith.constant 0 : i32
    %c0_i32_1 = arith.constant 0 : i32
    return %c0_i32, %c0_i32_0 : i32, i32
  }
}

</mosaic_0001>

<sc_bundles>
// kernel: kernel.11.cloned.1.call-start
scs
__scs_entry_jumppad:
0x0: {  	(pc) =	sbr.rel $0x88, $3  }
0x1: {  	(tag) =	ssettag $0x0;
	lr =	simm.s32 $0x1  }
0x2: {  	[smem:$0x3F7F] =	sst lr;
	_ =	strace $0xD0000000  }
0x3: {  	_ = 	snop  }
0x4: {  	_ = 	snop  }
0x5: {  	_ = 	snop  }
0x6: {  	_ = 	snop  }
0x7: {  	_ = 	snop  }
__scs_overlays_trampoline_lowered:
0x8: {  	[smem:$0x3F8E] =	sst s0  }
0x9: {  	[smem:$0x3F8F] =	sst s1  }
0xa: {  	[smem:$0x3F90] =	sst s2  }
0xb: {  	[smem:$0x3F91] =	sst s3  }
0xc: {  	[smem:$0x3F92] =	sst s4  }
0xd: {  	[smem:$0x3F93] =	sst s5  }
0xe: {  	[smem:$0x3F94] =	sst s6  }
0xf: {  	[smem:$0x3F95] =	sst s7  }
0x10: {  	[smem:$0x3F96] =	sst s8  }
0x11: {  	[smem:$0x3F97] =	sst s9;
	s0 =	simm.s32 @!p0 $0x0  }
0x12: {  	s1 =	sld [smem:$0x3F7D];
	s0 =	simm.s32 @p0 $0x1  }
0x13: {  	[smem:$0x3F98] =	sst s0;
	s0 =	simm.s32 @!p1 $0x0  }
0x14: {  	s2 =	sld [smem:$0x3F7C];
	s0 =	simm.s32 @p1 $0x1  }
0x15: {  	[smem:$0x3F99] =	sst s0;
	s0 =	simm.s32 @!p2 $0x0  }
0x16: {  	s3 =	sld [smem:$0x3FDB];
	s0 =	simm.s32 @p2 $0x1  }
0x17: {  	s4 =	simm.s32 $0x1BF5;
	[smem:$0x3F9B] =	sst s0  }
0x18: {  	s0 =	sld [smem:$0x3F7E];
	_ =	swait.ge [sflag:s4], $0x0  }
0x19: {  	s7 =	sld [smem:$0x3F7F]  }
0x1a: {  	s8 =	sadd.s32 $0xFFFFE003, lr  }
0x1b: {  	s9 =	sadd.s32 $0xFFFFFEF7, lr;
	s5 =	simm.s32 $0xFFFFFFFF;
	p2 =	slt.u32 s8, $0xFFFFF086  }
0x1c: {  	p1 =	slt.u32 s9, $0xF7A;
	s5 =	simm.s32 @!p2 $0x0  }
0x1d: {  	s5 =	simm.s32 @p1 $0x1;
	p0 =	seq.s32 s7, s2  }
0x1e: {  	s7 =	smul.u32 @!p0 $0xF7A, s2;
	p2 =	seq.s32 @!p0 s5, $0x0  }
0x1f: {  	s9 =	smul.u32 $0xF7A, s1;
	s8 =	simm.s32 @!p0 $0x1BF5;
	p2 =	por !p2, p0  }
0x20: {  	[sflag:s8] =	ssyncset.s32 @!p0 $0xFFFFF086;
	s6 =	sadd.s32 @!p0 s3, s7;
	s7 =	simm.s32 @!p0 $0x108  }
0x21: {  	s3 =	sadd.s32 s3, s9;
	s6 =	sadd.s32 @!p0 $0x88, s6;
	s7 =	simm.s32 @p2 $0x1082  }
0x22: {  	[simem:s7], [sflag:s8] =	dma.local @!p0 [hbm:s6], $0xF7A  }
0x23: {  	s9 =	sor.u32 $0xD0000000, s2;
	s6 =	simm.s32 $0x108;
	_ =	swait.ge @!p0 [sflag:s8], $0x0  }
0x24: {  	s3 =	sadd.s32 $0x88, s3;
	s6 =	simm.s32 @!p1 $0x1082;
	[sflag:s4] =	ssyncset.s32 $0xFFFFF086  }
0x25: {  	[simem:s6], [sflag:s4] =	dma.local [hbm:s3], $0xF7A  }
0x26: {  	[smem:$0x3F7F] =	sst s1;
	(tag) =	ssettag s2;
	_ =	strace s9  }
0x27: {  	s1 =	sld [smem:$0x3F8F]  }
0x28: {  	s2 =	sld [smem:$0x3F90]  }
0x29: {  	s4 =	sld [smem:$0x3F92]  }
0x2a: {  	p0 =	seq.s32 s5, $0x0;
	s5 =	sld [smem:$0x3F93]  }
0x2b: {  	s6 =	sld [smem:$0x3F94]  }
0x2c: {  	s7 =	sld [smem:$0x3F95]  }
0x2d: {  	s3 =	simm.s32 $0x108;
	s8 =	sld [smem:$0x3F96]  }
0x2e: {  	s3 =	simm.s32 @!p0 $0x1082;
	s9 =	sld [smem:$0x3F97]  }
0x2f: {  	lr =	sadd.s32 s0, s3;
	s0 =	sld [smem:$0x3F8E]  }
0x30: {  	s3 =	sld [smem:$0x3F91]  }
0x31: {  	[smem:$0x3F9A] =	sst s10  }
0x32: {  	s10 =	sld [smem:$0x3F98];
	_ =	sdelay $0x3  }
0x33: {  	p0 =	seq.s32 s10, $0x1;
	s10 =	sld [smem:$0x3F9A];
	_ =	sdelay $0x3  }
0x34: {  	[smem:$0x3F9A] =	sst s10  }
0x35: {  	s10 =	sld [smem:$0x3F99];
	_ =	sdelay $0x3  }
0x36: {  	p1 =	seq.s32 s10, $0x1;
	s10 =	sld [smem:$0x3F9A];
	_ =	sdelay $0x3  }
0x37: {  	[smem:$0x3F9A] =	sst s10  }
0x38: {  	s10 =	sld [smem:$0x3F9B]  }
0x39: {  	_ = 	snop;
	(pc) =	sbr.ind lr, $3  }
0x3a: {  	_ = 	snop  }
0x3b: {  	_ = 	snop  }
0x3c: {  	p2 =	seq.s32 s10, $0x1;
	s10 =	sld [smem:$0x3F9A]  }
0x3d: {  	_ =	shalt  }
0x3e: {  	_ =	shalt  }
0x3f: {  	_ =	shalt  }
0x40: {  	_ =	shalt  }
0x41: {  	_ =	shalt  }
0x42: {  	_ =	shalt  }
0x43: {  	_ =	shalt  }
0x44: {  	_ =	shalt  }
0x45: {  	_ =	shalt  }
0x46: {  	_ =	shalt  }
0x47: {  	_ =	shalt  }
0x48: {  	_ =	shalt  }
0x49: {  	_ =	shalt  }
0x4a: {  	_ =	shalt  }
0x4b: {  	_ =	shalt  }
0x4c: {  	_ =	shalt  }
0x4d: {  	_ =	shalt  }
0x4e: {  	_ =	shalt  }
0x4f: {  	_ =	shalt  }
0x50: {  	_ =	shalt  }
0x51: {  	_ =	shalt  }
0x52: {  	_ =	shalt  }
0x53: {  	_ =	shalt  }
0x54: {  	_ =	shalt  }
0x55: {  	_ =	shalt  }
0x56: {  	_ =	shalt  }
0x57: {  	_ =	shalt  }
0x58: {  	_ =	shalt  }
0x59: {  	_ =	shalt  }
0x5a: {  	_ =	shalt  }
0x5b: {  	_ =	shalt  }
0x5c: {  	_ =	shalt  }
0x5d: {  	_ =	shalt  }
0x5e: {  	_ =	shalt  }
0x5f: {  	_ =	shalt  }
0x60: {  	_ =	shalt  }
0x61: {  	_ =	shalt  }
0x62: {  	_ =	shalt  }
0x63: {  	_ =	shalt  }
0x64: {  	_ =	shalt  }
0x65: {  	_ =	shalt  }
0x66: {  	_ =	shalt  }
0x67: {  	_ =	shalt  }
0x68: {  	_ =	shalt  }
0x69: {  	_ =	shalt  }
0x6a: {  	_ =	shalt  }
0x6b: {  	_ =	shalt  }
0x6c: {  	_ =	shalt  }
0x6d: {  	_ =	shalt  }
0x6e: {  	_ =	shalt  }
0x6f: {  	_ =	shalt  }
0x70: {  	_ =	shalt  }
0x71: {  	_ =	shalt  }
0x72: {  	_ =	shalt  }
0x73: {  	_ =	shalt  }
0x74: {  	_ =	shalt  }
0x75: {  	_ =	shalt  }
0x76: {  	_ =	shalt  }
0x77: {  	_ =	shalt  }
0x78: {  	_ =	shalt  }
0x79: {  	_ =	shalt  }
0x7a: {  	_ =	shalt  }
0x7b: {  	_ =	shalt  }
0x7c: {  	_ =	shalt  }
0x7d: {  	_ =	shalt  }
0x7e: {  	_ =	shalt  }
0x7f: {  	_ =	shalt  }
0x80: {  	_ =	shalt  }
0x81: {  	_ =	shalt  }
0x82: {  	_ =	shalt  }
0x83: {  	_ =	shalt  }
0x84: {  	_ =	shalt  }
0x85: {  	_ =	shalt  }
0x86: {  	_ =	shalt  }
0x87: {  	_ =	shalt  }
.Lfunc_end0:
.L_simem_size_0:
called_computation.1_lowered:
.L_overlay_start_0:
0x88: {  	s2 =	sld [smem:$0x3FD9]  }
0x89: {  	s3 =	sld [smem:$0x3FFE];
	_ =	sdelay $0x1  }
0x8a: {  	s1 =	srdreg.scid  }
0x8b: {  	s0 =	sand.u32 $0x1, s1  }
0x8c: {  	s14 =	sshll.u32 s0, $0xA;
	s2 =	sadd.s32 s3, s2  }
0x8d: {  	s2 =	sadd.s32 s2, s14  }
0x8e: {  	[smem:$0x3FA6] =	sst s2  }
0x8f: {  	_ = 	snop  }
0x90: {  	s2 =	sld [smem:$0x3FD0];
	_ =	sdelay $0x2  }
0x91: {  	s15 =	simm.s32 $0xA;
	s4 =	simm.s32 $0x10  }
0x92: {  	[smem:s4], [sflag:s15] =	dma.local [hbm:s2], $0x1  }
0x93: {  	_ =	swait.eq [sflag:s15], $0x1  }
0x94: {  	[sflag:s15] =	ssyncset.done $0x0  }
0x95: {  	[sflag:s15] =	ssyncadd.s32 $0xFFFFFFFF  }
0x96: {  	s16 =	sld [smem:$0x11];
	(tm) =	ssettm $0x1  }
0x97: {  	s17 =	sld [smem:$0x3FFB];
	_ =	sdelay $0x3  }
0x98: {  	_ =	strace s17  }
0x99: {  	s3 =	sld [smem:$0x3FFC];
	_ =	sdelay $0x3  }
0x9a: {  	_ =	strace s3  }
0x9b: {  	s3 =	sld [smem:$0x3FFD];
	_ =	sdelay $0x3  }
0x9c: {  	_ =	strace s3  }
0x9d: {  	_ =	strace $0x8FFFFFFF  }
0x9e: {  	s18 =	sld [smem:$0x3FDB];
	_ =	sdelay $0x1  }
0x9f: {  	s19 =	simm.s32 $_scs_section_size  }
0xa0: {  	s5 =	simm.s32 $_size__tile_overlayer_lowered;
	s6 =	simm.s32 $_tile_overlayer_lowered  }
0xa1: {  	s22 =	simm.s32 $0x1BFF;
	s21 =	sshll.u32 s6, $0x1;
	s3 =	sadd.s32 s19, s18  }
0xa2: {  	s7 =	simm.s32 $0x0;
	s20 =	sshll.u32 s5, $0x1;
	s5 =	sadd.s32 s21, s3  }
0xa3: {  	[timem:s7], [sflag:s22] =	dma.local [hbm:s5], s20  }
0xa4: {  	_ =	swait.ge [sflag:s22], s20  }
0xa5: {  	s4 =	ssub.s32 $0x0, s20;
	[sflag:s22] =	ssyncset.done $0x0  }
0xa6: {  	[sflag:s22] =	ssyncadd.s32 s4;
	_ =	sdelay $0x1  }
0xa7: {  	s23 =	simm.s32 $0x1B8B  }
0xa8: {  	_ =	swait.ge [sflag:s23], $0x1  }
0xa9: {  	[sflag:s23] =	ssyncset.done $0x0  }
0xaa: {  	s25 =	simm.s32 $0x1B8E;
	s24 =	sld [smem:$0x3FFE];
	[sflag:s23] =	ssyncadd.s32 $0xFFFFFFFF  }
0xab: {  	s26 =	simm.s32 $execute0_lowered;
	[smem:$0x3FD2] =	sst s25  }
0xac: {  	s5 =	sshll.u32 s26, $0x1;
	_ =	strace $0x80000049;
	[dreg:$0x1] =	wrdreg $0xFFFFFFFF  }
0xad: {  	s28 =	simm.s32 $_size_execute0_lowered;
	s3 =	sadd.s32 s3, s5;
	[dreg:$0x0] =	wrdreg $0x0  }
0xae: {  	s5 =	sshll.u32 s28, $0x1;
	[dreg:$0x2] =	wrdreg s3  }
0xaf: {  	[dreg:$0x3] =	wrdreg s5  }
0xb0: {  	[dreg:$0x4] =	wrdreg $0xC0  }
0xb1: {  	_ =	task [dreg:s7], $0x5FFFF  }
0xb2: {  	[dreg:$0x1] =	wrdreg $0xFFFFFFFF  }
0xb3: {  	[dreg:$0x0] =	wrdreg $0x60  }
0xb4: {  	[dreg:$0x2] =	wrdreg s24  }
0xb5: {  	[dreg:$0x3] =	wrdreg s16  }
0xb6: {  	[dreg:$0x4] =	wrdreg $0x90000  }
0xb7: {  	[dreg:$0x5] =	wrdreg $0x9  }
0xb8: {  	_ =	task.clear_ibuf [dreg:s7], $0x6FFFF;
	_ =	strace $0x90000049  }
0xb9: {  	s29 =	simm.s32 $0x9;
	_ =	strace $0x8000004B  }
0xba: {  	_ =	swait.ge [sflag:s29], $0x1  }
0xbb: {  	[sflag:s29] =	ssyncadd.s32 $0xFFFFFFFF  }
0xbc: {  	_ =	strace $0x9000004B  }
0xbd: {  	_ =	sfence  }
0xbe: {  	s30 =	sld [smem:$0x0];
	_ =	sdelay $0x2  }
0xbf: {  	s31 =	sshll.u32 s1, $0xD;
	s1 =	sshrl.u32 s1, $0x2  }
0xc0: {  	s3 =	sand.u32 $0x4000, s31;
	s1 =	sadd.s32 s1, s30  }
0xc1: {  	s0 =	sor.u32 s3, s0;
	s1 =	sshll.u32 s1, $0x11  }
0xc2: {  	s0 =	sor.u32 s1, s0  }
0xc3: {  	s0 =	sadd.s32 $0x8F2B, s0  }
0xc4: {  	[sflag:s0] =	ssyncadd.remote.s32 $0x1  }
0xc5: {  	_ =	sfence.sel $0xFFFF  }
0xc6: {  	[dreg:$0x0] =	wrdreg $0xFFFFFFFF;
	(pc) =	sbr.abs _section_cstart, $3  }
0xc7: {  	[dreg:$0x1] =	wrdreg $0xFFFFFFFF  }
0xc8: {  	_ =	task.clear_ibuf [dreg:s7], $0x2FFFF;
	_ =	strace $0x9FFFFFFF  }
0xc9: {  	(tm) =	ssettm $0x7FFFFFFF  }
tec
execute0_lowered:
.L_overlay_start_1:
0x0: {  	(tag) =	ssettag $0x1  }
0x1: {  	s0 =	rddreg [dreg:$0x0]  }
0x2: {  	s1 =	rddreg [dreg:$0x1]  }
0x3: {  	s2 =	rddreg [dreg:$0x2];
	s4 =	simm.s32 $0x0;
	s3 =	srdreg.scid  }
0x4: {  	s11 =	stileid.u32;
	s13 =	simm.s32 $0x480;
	s15 =	simm.s32 $0x180  }
0x5: {  	s28 =	simm.s32 $0x780;
	s29 =	simm.s32 $0x880;
	s30 =	simm.s32 $0xC00  }
0x6: {  	s31 =	simm.s32 $0x900;
	[smem:$0x7FF] =	sst s4;
	s5 =	smul.u32 $0x50000, s11  }
0x7: {  	s3 =	sand.u32 $0x1, s3;
	s6 =	sadd.s32 $0x12600, s0;
	s17 =	smul.u32 $0x280, s11  }
0x8: {  	s7 =	sadd.s32 $0x8600, s0;
	s23 =	smul.u32 $0xA00, s11;
	s11 =	simm.s32 $0x400  }
0x9: {  	s9 =	sadd.s32 $0x1C600, s0;
	_ =	strace $0x8000004A;
	[dreg:$0x5] =	wrdreg s11  }
0xa: {  	s0 =	sadd.s32 $0x43800, s0;
	s8 =	ssub.s32 $0x2, s3;
	[dreg:$0x7] =	wrdreg s13  }
0xb: {  	p0 =	seq.s32 s3, $0x1;
	[dreg:$0x8] =	wrdreg s15;
	s5 =	sshrl.u32 s5, $0x2  }
0xc: {  	s11 =	simm.s32 $0xB00;
	s6 =	smov.u32 @p0 s7;
	s16 =	sadd.s32 s5, s2  }
0xd: {  	s13 =	simm.s32 $0xB80;
	s3 =	sadd.s32 s23, s6;
	[dreg:$0x12] =	wrdreg s16  }
0xe: {  	s15 =	simm.s32 $0xF80;
	s23 =	simm.s32 $0x680;
	[dreg:$0x4] =	wrdreg s3  }
0xf: {  	s10 =	sshrl.u32 s8, $0x1;
	s12 =	sadd.s32 $0x2000, s16;
	[dreg:$0xf] =	wrdreg s23  }
0x10: {  	s9 =	smov.u32 @p0 s0;
	s18 =	sadd.s32 $0x4000, s16;
	[dreg:$0x13] =	wrdreg s12  }
0x11: {  	s0 =	simm.s32 $0xC80;
	s19 =	sadd.s32 $0x6000, s16;
	[dreg:$0x14] =	wrdreg s18  }
0x12: {  	s7 =	simm.s32 $0xA00;
	s20 =	sadd.s32 $0x8000, s16;
	[dreg:$0x15] =	wrdreg s19  }
0x13: {  	s8 =	ssub.s32 s8, s10;
	s21 =	sadd.s32 $0xA000, s16;
	[dreg:$0x16] =	wrdreg s20  }
0x14: {  	s5 =	smin.u32 s17, $0x2490;
	s22 =	sadd.s32 $0xC000, s16;
	[dreg:$0x17] =	wrdreg s21  }
0x15: {  	s24 =	sadd.s32 $0xE000, s16;
	s25 =	sadd.s32 $0x10000, s16;
	[dreg:$0x18] =	wrdreg s22  }
0x16: {  	s26 =	sadd.s32 $0x12000, s16;
	s10 =	sshll.u32 s5, $0x7;
	[dreg:$0x19] =	wrdreg s24  }
0x17: {  	s5 =	sshll.u32 s5, $0x4;
	s14 =	smax.u32 s8, $0x1;
	[dreg:$0x1a] =	wrdreg s25  }
0x18: {  	s16 =	simm.s32 $0x500;
	s23 =	simm.s32 $0x2;
	[dreg:$0x1b] =	wrdreg s26  }
0x19: {  	s3 =	simm.s32 $0x980;
	s8 =	simm.s32 $0xD80;
	[dreg:$0x1c] =	wrdreg s14  }
0x1a: {  	s6 =	sadd.s32 s10, s2;
	s12 =	simm.s32 $0x100;
	[dreg:$0x9] =	wrdreg s16  }
0x1b: {  	s17 =	sadd.s32 s9, s5;
	s18 =	simm.s32 $0x200;
	[dreg:$0x6] =	wrdreg s12  }
0x1c: {  	s19 =	simm.s32 $0x580;
	s20 =	simm.s32 $0x280;
	[dreg:$0x1d] =	wrdreg s17  }
0x1d: {  	s21 =	simm.s32 $0x600;
	s22 =	simm.s32 $0x300;
	[dreg:$0xa] =	wrdreg s18  }
0x1e: {  	s24 =	simm.s32 $0x380;
	s25 =	simm.s32 $0x700;
	[dreg:$0xb] =	wrdreg s19  }
0x1f: {  	s9 =	simm.s32 $0xA80;
	s10 =	simm.s32 $0xE00;
	[dreg:$0xc] =	wrdreg s20  }
0x20: {  	s14 =	simm.s32 $0xF00;
	s16 =	simm.s32 $0x0;
	[dreg:$0xd] =	wrdreg s21  }
0x21: {  	s17 =	simm.s32 $0x1000;
	s18 =	simm.s32 $0x1;
	[dreg:$0xe] =	wrdreg s22  }
0x22: {  	s19 =	simm.s32 $0x5;
	s20 =	simm.s32 $0x80;
	[dreg:$0x10] =	wrdreg s24  }
0x23: {  	s21 =	simm.s32 $0x5000;
	s22 =	simm.s32 $0x3;
	[dreg:$0x11] =	wrdreg s25  }
0x24: {  	s24 =	simm.s32 $0x4;
	s26 =	sshrl.u32 s6, $0x3;
	s6 =	simm.s32 $0xD00  }
0x25: {  	v0 =	vimm.f32 $0.0e+00;
	s12 =	simm.s32 $0xE80;
	[dreg:$0x1e] =	wrdreg s26;
	s26 =	simm.s32 $0x800  }
.LBB2_1:
0x26: {  	[dreg:$0x1f] =	wrdreg s16;
	s5 =	simm.s32 $0x0;
	s25 =	simm.s32 $0x200  }
.LBB2_2:
0x27: {  	p0 =	sne.s32 s25, $0x7E00;
	[tilespmem:s5+$0x1070] =	vst v0  }
0x28: {  	[tilespmem:s5+$0x1000] =	vst v0  }
0x29: {  	[tilespmem:s5+$0x1010] =	vst v0  }
.Ltmp0:
0x2a: {  	[tilespmem:s5+$0x1020] =	vst v0;
	(pc) =	sbr.rel @p0 .LBB2_2-.Ltmp0, $4  }
0x2b: {  	[tilespmem:s5+$0x1030] =	vst v0  }
0x2c: {  	[tilespmem:s5+$0x1040] =	vst v0  }
0x2d: {  	[tilespmem:s5+$0x1050] =	vst v0  }
0x2e: {  	[tilespmem:s5+$0x1060] =	vst v0;
	s5 =	sshra.s32 s25, $0x2;
	s25 =	sadd.s32 $0x200, s25  }
0x2f: {  	[tilespmem:s5+$0x1070] =	vst v0  }
0x30: {  	[tilespmem:s5+$0x1000] =	vst v0  }
0x31: {  	[tilespmem:s5+$0x1010] =	vst v0  }
0x32: {  	[tilespmem:s5+$0x1020] =	vst v0  }
0x33: {  	[tilespmem:s5+$0x1030] =	vst v0  }
0x34: {  	[tilespmem:s5+$0x1040] =	vst v0  }
0x35: {  	[tilespmem:s5+$0x1050] =	vst v0  }
0x36: {  	[tilespmem:s5+$0x1060] =	vst v0;
	s16 =	rddreg [dreg:$0x12]  }
0x37: {  	[spmem:s16] =	stream.linear.scatter [tilespmem:s17], [sflag:$0x1], $0x2000, $0x38;
	[tilespmem:$0x1D000] =	vst v63  }
0x38: {  	s25 =	rddreg [dreg:$0x13]  }
0x39: {  	[spmem:s25] =	stream.linear.scatter [tilespmem:s17], [sflag:$0x1], $0x2000, $0x38;
	[tilespmem:$0x1D000] =	vst v63  }
0x3a: {  	s16 =	rddreg [dreg:$0x14]  }
0x3b: {  	[spmem:s16] =	stream.linear.scatter [tilespmem:s17], [sflag:$0x1], $0x2000, $0x38;
	[tilespmem:$0x1D000] =	vst v63  }
0x3c: {  	s25 =	rddreg [dreg:$0x15]  }
0x3d: {  	[spmem:s25] =	stream.linear.scatter [tilespmem:s17], [sflag:$0x1], $0x2000, $0x38;
	[tilespmem:$0x1D000] =	vst v63  }
0x3e: {  	s16 =	rddreg [dreg:$0x16]  }
0x3f: {  	[spmem:s16] =	stream.linear.scatter [tilespmem:s17], [sflag:$0x1], $0x2000, $0x38;
	[tilespmem:$0x1D000] =	vst v63  }
0x40: {  	s25 =	rddreg [dreg:$0x17]  }
0x41: {  	[spmem:s25] =	stream.linear.scatter [tilespmem:s17], [sflag:$0x1], $0x2000, $0x38;
	[tilespmem:$0x1D000] =	vst v63  }
0x42: {  	s16 =	rddreg [dreg:$0x18]  }
0x43: {  	[spmem:s16] =	stream.linear.scatter [tilespmem:s17], [sflag:$0x1], $0x2000, $0x38;
	[tilespmem:$0x1D000] =	vst v63  }
0x44: {  	s25 =	rddreg [dreg:$0x19]  }
0x45: {  	[spmem:s25] =	stream.linear.scatter [tilespmem:s17], [sflag:$0x1], $0x2000, $0x38;
	[tilespmem:$0x1D000] =	vst v63  }
0x46: {  	s16 =	rddreg [dreg:$0x1a]  }
0x47: {  	[spmem:s16] =	stream.linear.scatter [tilespmem:s17], [sflag:$0x1], $0x2000, $0x38;
	[tilespmem:$0x1D000] =	vst v63  }
0x48: {  	s25 =	rddreg [dreg:$0x1b]  }
0x49: {  	[spmem:s25] =	stream.linear.scatter [tilespmem:s17], [sflag:$0x1], $0x2000, $0x38;
	[tilespmem:$0x1D000] =	vst v63  }
0x4a: {  	_ =	swait.ge [sflag:s18], $0x2000  }
0x4b: {  	[sflag:s18] =	ssyncset.done $0x0  }
0x4c: {  	[sflag:s18] =	ssyncadd.s32 $0xFFFFE000  }
0x4d: {  	_ =	swait.ge [sflag:s18], $0x2000  }
0x4e: {  	[sflag:s18] =	ssyncset.done $0x0  }
0x4f: {  	[sflag:s18] =	ssyncadd.s32 $0xFFFFE000  }
0x50: {  	_ =	swait.ge [sflag:s18], $0x2000  }
0x51: {  	[sflag:s18] =	ssyncset.done $0x0  }
0x52: {  	[sflag:s18] =	ssyncadd.s32 $0xFFFFE000  }
0x53: {  	_ =	swait.ge [sflag:s18], $0x2000  }
0x54: {  	[sflag:s18] =	ssyncset.done $0x0  }
0x55: {  	[sflag:s18] =	ssyncadd.s32 $0xFFFFE000  }
0x56: {  	_ =	swait.ge [sflag:s18], $0x2000  }
0x57: {  	[sflag:s18] =	ssyncset.done $0x0  }
0x58: {  	[sflag:s18] =	ssyncadd.s32 $0xFFFFE000  }
0x59: {  	_ =	swait.ge [sflag:s18], $0x2000  }
0x5a: {  	[sflag:s18] =	ssyncset.done $0x0  }
0x5b: {  	[sflag:s18] =	ssyncadd.s32 $0xFFFFE000  }
0x5c: {  	_ =	swait.ge [sflag:s18], $0x2000  }
0x5d: {  	[sflag:s18] =	ssyncset.done $0x0  }
0x5e: {  	[sflag:s18] =	ssyncadd.s32 $0xFFFFE000  }
0x5f: {  	_ =	swait.ge [sflag:s18], $0x2000  }
0x60: {  	[sflag:s18] =	ssyncset.done $0x0  }
0x61: {  	[sflag:s18] =	ssyncadd.s32 $0xFFFFE000  }
0x62: {  	_ =	swait.ge [sflag:s18], $0x2000  }
0x63: {  	[sflag:s18] =	ssyncset.done $0x0  }
0x64: {  	[sflag:s18] =	ssyncadd.s32 $0xFFFFE000  }
0x65: {  	_ =	swait.ge [sflag:s18], $0x2000  }
0x66: {  	[sflag:s18] =	ssyncset.done $0x0  }
0x67: {  	[sflag:s18] =	ssyncadd.s32 $0xFFFFE000  }
0x68: {  	[bflag:$0x0] =	sbarrier.arrive $0xFFFF  }
0x69: {  	s16 =	rddreg [dreg:$0x4]  }
0x6a: {  	s5 =	sadd.s32 $0x0, s16  }
0x6b: {  	[tilespmem:s4], [sflag:$0x5] =	stream.linear.gather [hbm4b:s5+s4], $0x1000, $0x38;
	[tilespmem:$0x1D000] =	vst v63  }
0x6c: {  	_ =	swait.ge [sflag:s19], $0x1000  }
0x6d: {  	[sflag:s19] =	ssyncset.done $0x0  }
0x6e: {  	[sflag:s19] =	ssyncadd.s32 $0xFFFFF000  }
0x6f: {  	[tilespmem:s17], [sflag:$0x1] =	stream.indirect.gather [hbm4b:s1+s20], $0x80, s4, s20, $0xb8;
	[tilespmem:$0x1D000] =	vst v63  }
0x70: {  	_ = 	snop  }
0x71: {  	[tilespmem:s21], [sflag:$0x2] =	stream.indirect.gather [hbm4b:s1+s20], $0x80, s20, s20, $0xb8;
	[tilespmem:$0x1D000] =	vst v63  }
0x72: {  	_ =	swait.ge [sflag:s18], $0x4000  }
0x73: {  	[sflag:s18] =	ssyncset.done $0x0  }
0x74: {  	s25 =	rddreg [dreg:$0x5];
	[sflag:s18] =	ssyncadd.s32 $0xFFFFC000  }
0x75: {  	[spmem:s2] =	stream.indirect.scatter.add.f32 [tilespmem:s17], [sflag:$0x3], $0x80, s25, s20, $0xb8;
	[tilespmem:$0x1D000] =	vst v63  }
0x76: {  	_ =	swait.ge [sflag:s22], $0x4000  }
0x77: {  	[sflag:s22] =	ssyncset.done $0x0  }
0x78: {  	s16 =	rddreg [dreg:$0x6];
	[sflag:s22] =	ssyncadd.s32 $0xFFFFC000  }
0x79: {  	[tilespmem:s17], [sflag:$0x1] =	stream.indirect.gather [hbm4b:s1+s20], $0x80, s16, s20, $0xb8;
	[tilespmem:$0x1D000] =	vst v63  }
0x7a: {  	_ =	swait.ge [sflag:s23], $0x4000  }
0x7b: {  	[sflag:s23] =	ssyncset.done $0x0  }
0x7c: {  	s25 =	rddreg [dreg:$0x7];
	[sflag:s23] =	ssyncadd.s32 $0xFFFFC000  }
0x7d: {  	[spmem:s2] =	stream.indirect.scatter.add.f32 [tilespmem:s21], [sflag:$0x4], $0x80, s25, s20, $0xb8;
	[tilespmem:$0x1D000] =	vst v63  }
0x7e: {  	_ =	swait.ge [sflag:s24], $0x4000  }
0x7f: {  	[sflag:s24] =	ssyncset.done $0x0  }
0x80: {  	s16 =	rddreg [dreg:$0x8];
	[sflag:s24] =	ssyncadd.s32 $0xFFFFC000  }
0x81: {  	[tilespmem:s21], [sflag:$0x2] =	stream.indirect.gather [hbm4b:s1+s20], $0x80, s16, s20, $0xb8;
	[tilespmem:$0x1D000] =	vst v63  }
0x82: {  	_ =	swait.ge [sflag:s18], $0x4000  }
0x83: {  	[sflag:s18] =	ssyncset.done $0x0  }
0x84: {  	s25 =	rddreg [dreg:$0x9];
	[sflag:s18] =	ssyncadd.s32 $0xFFFFC000  }
0x85: {  	[spmem:s2] =	stream.indirect.scatter.add.f32 [tilespmem:s17], [sflag:$0x3], $0x80, s25, s20, $0xb8;
	[tilespmem:$0x1D000] =	vst v63  }
0x86: {  	_ =	swait.ge [sflag:s22], $0x4000  }
0x87: {  	[sflag:s22] =	ssyncset.done $0x0  }
0x88: {  	s16 =	rddreg [dreg:$0xa];
	[sflag:s22] =	ssyncadd.s32 $0xFFFFC000  }
0x89: {  	[tilespmem:s17], [sflag:$0x1] =	stream.indirect.gather [hbm4b:s1+s20], $0x80, s16, s20, $0xb8;
	[tilespmem:$0x1D000] =	vst v63  }
0x8a: {  	_ =	swait.ge [sflag:s23], $0x4000  }
0x8b: {  	[sflag:s23] =	ssyncset.done $0x0  }
0x8c: {  	s25 =	rddreg [dreg:$0xb];
	[sflag:s23] =	ssyncadd.s32 $0xFFFFC000  }
0x8d: {  	[spmem:s2] =	stream.indirect.scatter.add.f32 [tilespmem:s21], [sflag:$0x4], $0x80, s25, s20, $0xb8;
	[tilespmem:$0x1D000] =	vst v63  }
0x8e: {  	_ =	swait.ge [sflag:s24], $0x4000  }
0x8f: {  	[sflag:s24] =	ssyncset.done $0x0  }
0x90: {  	s16 =	rddreg [dreg:$0xc];
	[sflag:s24] =	ssyncadd.s32 $0xFFFFC000  }
0x91: {  	[tilespmem:s21], [sflag:$0x2] =	stream.indirect.gather [hbm4b:s1+s20], $0x80, s16, s20, $0xb8;
	[tilespmem:$0x1D000] =	vst v63  }
0x92: {  	_ =	swait.ge [sflag:s18], $0x4000  }
0x93: {  	[sflag:s18] =	ssyncset.done $0x0  }
0x94: {  	s25 =	rddreg [dreg:$0xd];
	[sflag:s18] =	ssyncadd.s32 $0xFFFFC000  }
0x95: {  	[spmem:s2] =	stream.indirect.scatter.add.f32 [tilespmem:s17], [sflag:$0x3], $0x80, s25, s20, $0xb8;
	[tilespmem:$0x1D000] =	vst v63  }
0x96: {  	_ =	swait.ge [sflag:s22], $0x4000  }
0x97: {  	[sflag:s22] =	ssyncset.done $0x0  }
0x98: {  	s16 =	rddreg [dreg:$0xe];
	[sflag:s22] =	ssyncadd.s32 $0xFFFFC000  }
0x99: {  	[tilespmem:s17], [sflag:$0x1] =	stream.indirect.gather [hbm4b:s1+s20], $0x80, s16, s20, $0xb8;
	[tilespmem:$0x1D000] =	vst v63  }
0x9a: {  	_ =	swait.ge [sflag:s23], $0x4000  }
0x9b: {  	[sflag:s23] =	ssyncset.done $0x0  }
0x9c: {  	s25 =	rddreg [dreg:$0xf];
	[sflag:s23] =	ssyncadd.s32 $0xFFFFC000  }
0x9d: {  	[spmem:s2] =	stream.indirect.scatter.add.f32 [tilespmem:s21], [sflag:$0x4], $0x80, s25, s20, $0xb8;
	[tilespmem:$0x1D000] =	vst v63  }
0x9e: {  	_ =	swait.ge [sflag:s24], $0x4000  }
0x9f: {  	[sflag:s24] =	ssyncset.done $0x0  }
0xa0: {  	s16 =	rddreg [dreg:$0x10];
	[sflag:s24] =	ssyncadd.s32 $0xFFFFC000  }
0xa1: {  	[tilespmem:s21], [sflag:$0x2] =	stream.indirect.gather [hbm4b:s1+s20], $0x80, s16, s20, $0xb8;
	[tilespmem:$0x1D000] =	vst v63  }
0xa2: {  	_ =	swait.ge [sflag:s18], $0x4000  }
0xa3: {  	[sflag:s18] =	ssyncset.done $0x0  }
0xa4: {  	s25 =	rddreg [dreg:$0x11];
	[sflag:s18] =	ssyncadd.s32 $0xFFFFC000  }
0xa5: {  	[spmem:s2] =	stream.indirect.scatter.add.f32 [tilespmem:s17], [sflag:$0x3], $0x80, s25, s20, $0xb8;
	[tilespmem:$0x1D000] =	vst v63  }
0xa6: {  	_ =	swait.ge [sflag:s22], $0x4000  }
0xa7: {  	[sflag:s22] =	ssyncset.done $0x0  }
0xa8: {  	[sflag:s22] =	ssyncadd.s32 $0xFFFFC000  }
0xa9: {  	[tilespmem:s17], [sflag:$0x1] =	stream.indirect.gather [hbm4b:s1+s20], $0x80, s26, s20, $0xb8;
	[tilespmem:$0x1D000] =	vst v63  }
0xaa: {  	_ =	swait.ge [sflag:s23], $0x4000  }
0xab: {  	[sflag:s23] =	ssyncset.done $0x0  }
0xac: {  	[sflag:s23] =	ssyncadd.s32 $0xFFFFC000  }
0xad: {  	[spmem:s2] =	stream.indirect.scatter.add.f32 [tilespmem:s21], [sflag:$0x4], $0x80, s28, s20, $0xb8;
	[tilespmem:$0x1D000] =	vst v63  }
0xae: {  	_ =	swait.ge [sflag:s24], $0x4000  }
0xaf: {  	[sflag:s24] =	ssyncset.done $0x0  }
0xb0: {  	[sflag:s24] =	ssyncadd.s32 $0xFFFFC000  }
0xb1: {  	[tilespmem:s21], [sflag:$0x2] =	stream.indirect.gather [hbm4b:s1+s20], $0x80, s29, s20, $0xb8;
	[tilespmem:$0x1D000] =	vst v63  }
0xb2: {  	_ =	swait.ge [sflag:s18], $0x4000  }
0xb3: {  	[sflag:s18] =	ssyncset.done $0x0  }
0xb4: {  	[sflag:s18] =	ssyncadd.s32 $0xFFFFC000  }
0xb5: {  	[spmem:s2] =	stream.indirect.scatter.add.f32 [tilespmem:s17], [sflag:$0x3], $0x80, s30, s20, $0xb8;
	[tilespmem:$0x1D000] =	vst v63  }
0xb6: {  	_ =	swait.ge [sflag:s22], $0x4000  }
0xb7: {  	[sflag:s22] =	ssyncset.done $0x0  }
0xb8: {  	[sflag:s22] =	ssyncadd.s32 $0xFFFFC000  }
0xb9: {  	[tilespmem:s17], [sflag:$0x1] =	stream.indirect.gather [hbm4b:s1+s20], $0x80, s31, s20, $0xb8;
	[tilespmem:$0x1D000] =	vst v63  }
0xba: {  	_ =	swait.ge [sflag:s23], $0x4000  }
0xbb: {  	[sflag:s23] =	ssyncset.done $0x0  }
0xbc: {  	[sflag:s23] =	ssyncadd.s32 $0xFFFFC000  }
0xbd: {  	[spmem:s2] =	stream.indirect.scatter.add.f32 [tilespmem:s21], [sflag:$0x4], $0x80, s0, s20, $0xb8;
	[tilespmem:$0x1D000] =	vst v63  }
0xbe: {  	_ =	swait.ge [sflag:s24], $0x4000  }
0xbf: {  	[sflag:s24] =	ssyncset.done $0x0  }
0xc0: {  	[sflag:s24] =	ssyncadd.s32 $0xFFFFC000  }
0xc1: {  	[tilespmem:s21], [sflag:$0x2] =	stream.indirect.gather [hbm4b:s1+s20], $0x80, s3, s20, $0xb8;
	[tilespmem:$0x1D000] =	vst v63  }
0xc2: {  	_ =	swait.ge [sflag:s18], $0x4000  }
0xc3: {  	[sflag:s18] =	ssyncset.done $0x0  }
0xc4: {  	[sflag:s18] =	ssyncadd.s32 $0xFFFFC000  }
0xc5: {  	[spmem:s2] =	stream.indirect.scatter.add.f32 [tilespmem:s17], [sflag:$0x3], $0x80, s6, s20, $0xb8;
	[tilespmem:$0x1D000] =	vst v63  }
0xc6: {  	_ =	swait.ge [sflag:s22], $0x4000  }
0xc7: {  	[sflag:s22] =	ssyncset.done $0x0  }
0xc8: {  	[sflag:s22] =	ssyncadd.s32 $0xFFFFC000  }
0xc9: {  	[tilespmem:s17], [sflag:$0x1] =	stream.indirect.gather [hbm4b:s1+s20], $0x80, s7, s20, $0xb8;
	[tilespmem:$0x1D000] =	vst v63  }
0xca: {  	_ =	swait.ge [sflag:s23], $0x4000  }
0xcb: {  	[sflag:s23] =	ssyncset.done $0x0  }
0xcc: {  	[sflag:s23] =	ssyncadd.s32 $0xFFFFC000  }
0xcd: {  	[spmem:s2] =	stream.indirect.scatter.add.f32 [tilespmem:s21], [sflag:$0x4], $0x80, s8, s20, $0xb8;
	[tilespmem:$0x1D000] =	vst v63  }
0xce: {  	_ =	swait.ge [sflag:s24], $0x4000  }
0xcf: {  	[sflag:s24] =	ssyncset.done $0x0  }
0xd0: {  	[sflag:s24] =	ssyncadd.s32 $0xFFFFC000  }
0xd1: {  	[tilespmem:s21], [sflag:$0x2] =	stream.indirect.gather [hbm4b:s1+s20], $0x80, s9, s20, $0xb8;
	[tilespmem:$0x1D000] =	vst v63  }
0xd2: {  	_ =	swait.ge [sflag:s18], $0x4000  }
0xd3: {  	[sflag:s18] =	ssyncset.done $0x0  }
0xd4: {  	[sflag:s18] =	ssyncadd.s32 $0xFFFFC000  }
0xd5: {  	[spmem:s2] =	stream.indirect.scatter.add.f32 [tilespmem:s17], [sflag:$0x3], $0x80, s10, s20, $0xb8;
	[tilespmem:$0x1D000] =	vst v63  }
0xd6: {  	_ =	swait.ge [sflag:s22], $0x4000  }
0xd7: {  	[sflag:s22] =	ssyncset.done $0x0  }
0xd8: {  	[sflag:s22] =	ssyncadd.s32 $0xFFFFC000  }
0xd9: {  	[tilespmem:s17], [sflag:$0x1] =	stream.indirect.gather [hbm4b:s1+s20], $0x80, s11, s20, $0xb8;
	[tilespmem:$0x1D000] =	vst v63  }
0xda: {  	_ =	swait.ge [sflag:s23], $0x4000  }
0xdb: {  	[sflag:s23] =	ssyncset.done $0x0  }
0xdc: {  	[sflag:s23] =	ssyncadd.s32 $0xFFFFC000  }
0xdd: {  	[spmem:s2] =	stream.indirect.scatter.add.f32 [tilespmem:s21], [sflag:$0x4], $0x80, s12, s20, $0xb8;
	[tilespmem:$0x1D000] =	vst v63  }
0xde: {  	_ =	swait.ge [sflag:s24], $0x4000  }
0xdf: {  	[sflag:s24] =	ssyncset.done $0x0  }
0xe0: {  	[sflag:s24] =	ssyncadd.s32 $0xFFFFC000  }
0xe1: {  	[tilespmem:s21], [sflag:$0x2] =	stream.indirect.gather [hbm4b:s1+s20], $0x80, s13, s20, $0xb8;
	[tilespmem:$0x1D000] =	vst v63  }
0xe2: {  	_ =	swait.ge [sflag:s18], $0x4000  }
0xe3: {  	[sflag:s18] =	ssyncset.done $0x0  }
0xe4: {  	[sflag:s18] =	ssyncadd.s32 $0xFFFFC000  }
0xe5: {  	[spmem:s2] =	stream.indirect.scatter.add.f32 [tilespmem:s17], [sflag:$0x3], $0x80, s14, s20, $0xb8;
	[tilespmem:$0x1D000] =	vst v63  }
0xe6: {  	_ =	swait.ge [sflag:s23], $0x4000  }
0xe7: {  	[sflag:s23] =	ssyncset.done $0x0  }
0xe8: {  	[sflag:s23] =	ssyncadd.s32 $0xFFFFC000  }
0xe9: {  	[spmem:s2] =	stream.indirect.scatter.add.f32 [tilespmem:s21], [sflag:$0x4], $0x80, s15, s20, $0xb8;
	[tilespmem:$0x1D000] =	vst v63  }
0xea: {  	_ =	swait.ge [sflag:s22], $0x4000  }
0xeb: {  	[sflag:s22] =	ssyncset.done $0x0  }
0xec: {  	[sflag:s22] =	ssyncadd.s32 $0xFFFFC000  }
0xed: {  	s5 =	simm.s32 $0x400;
	_ =	swait.ge [sflag:s24], $0x4000  }
0xee: {  	s25 =	simm.s32 $0x200;
	s16 =	rddreg [dreg:$0x4];
	[sflag:s24] =	ssyncset.done $0x0  }
.LBB2_4:
0xef: {  	[sflag:s24] =	ssyncadd.s32 $0xFFFFC000;
	s16 =	sadd.s32 s25, s16  }
0xf0: {  	[tilespmem:s4], [sflag:$0x5] =	stream.linear.gather [hbm4b:s16+s4], $0x1000, $0x38;
	[tilespmem:$0x1D000] =	vst v63  }
0xf1: {  	_ =	swait.ge [sflag:s19], $0x1000  }
0xf2: {  	[sflag:s19] =	ssyncset.done $0x0  }
0xf3: {  	[sflag:s19] =	ssyncadd.s32 $0xFFFFF000  }
0xf4: {  	[tilespmem:s17], [sflag:$0x1] =	stream.indirect.gather [hbm4b:s1+s20], $0x80, s4, s20, $0xb8;
	[tilespmem:$0x1D000] =	vst v63  }
0xf5: {  	_ = 	snop  }
0xf6: {  	[tilespmem:s21], [sflag:$0x2] =	stream.indirect.gather [hbm4b:s1+s20], $0x80, s20, s20, $0xb8;
	[tilespmem:$0x1D000] =	vst v63  }
0xf7: {  	_ =	swait.ge [sflag:s18], $0x4000  }
0xf8: {  	[sflag:s18] =	ssyncset.done $0x0  }
0xf9: {  	s16 =	rddreg [dreg:$0x5];
	[sflag:s18] =	ssyncadd.s32 $0xFFFFC000  }
0xfa: {  	[spmem:s2] =	stream.indirect.scatter.add.f32 [tilespmem:s17], [sflag:$0x3], $0x80, s16, s20, $0xb8;
	[tilespmem:$0x1D000] =	vst v63  }
0xfb: {  	_ =	swait.ge [sflag:s22], $0x4000  }
0xfc: {  	[sflag:s22] =	ssyncset.done $0x0  }
0xfd: {  	s16 =	rddreg [dreg:$0x6];
	[sflag:s22] =	ssyncadd.s32 $0xFFFFC000  }
0xfe: {  	[tilespmem:s17], [sflag:$0x1] =	stream.indirect.gather [hbm4b:s1+s20], $0x80, s16, s20, $0xb8;
	[tilespmem:$0x1D000] =	vst v63  }
0xff: {  	_ =	swait.ge [sflag:s23], $0x4000  }
0x100: {  	[sflag:s23] =	ssyncset.done $0x0  }
0x101: {  	s16 =	rddreg [dreg:$0x7];
	[sflag:s23] =	ssyncadd.s32 $0xFFFFC000  }
0x102: {  	[spmem:s2] =	stream.indirect.scatter.add.f32 [tilespmem:s21], [sflag:$0x4], $0x80, s16, s20, $0xb8;
	[tilespmem:$0x1D000] =	vst v63  }
0x103: {  	_ =	swait.ge [sflag:s24], $0x4000  }
0x104: {  	[sflag:s24] =	ssyncset.done $0x0  }
0x105: {  	s16 =	rddreg [dreg:$0x8];
	[sflag:s24] =	ssyncadd.s32 $0xFFFFC000  }
0x106: {  	[tilespmem:s21], [sflag:$0x2] =	stream.indirect.gather [hbm4b:s1+s20], $0x80, s16, s20, $0xb8;
	[tilespmem:$0x1D000] =	vst v63  }
0x107: {  	_ =	swait.ge [sflag:s18], $0x4000  }
0x108: {  	[sflag:s18] =	ssyncset.done $0x0  }
0x109: {  	s16 =	rddreg [dreg:$0x9];
	[sflag:s18] =	ssyncadd.s32 $0xFFFFC000  }
0x10a: {  	[spmem:s2] =	stream.indirect.scatter.add.f32 [tilespmem:s17], [sflag:$0x3], $0x80, s16, s20, $0xb8;
	[tilespmem:$0x1D000] =	vst v63  }
0x10b: {  	_ =	swait.ge [sflag:s22], $0x4000  }
0x10c: {  	[sflag:s22] =	ssyncset.done $0x0  }
0x10d: {  	s16 =	rddreg [dreg:$0xa];
	[sflag:s22] =	ssyncadd.s32 $0xFFFFC000  }
0x10e: {  	[tilespmem:s17], [sflag:$0x1] =	stream.indirect.gather [hbm4b:s1+s20], $0x80, s16, s20, $0xb8;
	[tilespmem:$0x1D000] =	vst v63  }
0x10f: {  	_ =	swait.ge [sflag:s23], $0x4000  }
0x110: {  	[sflag:s23] =	ssyncset.done $0x0  }
0x111: {  	s16 =	rddreg [dreg:$0xb];
	[sflag:s23] =	ssyncadd.s32 $0xFFFFC000  }
0x112: {  	[spmem:s2] =	stream.indirect.scatter.add.f32 [tilespmem:s21], [sflag:$0x4], $0x80, s16, s20, $0xb8;
	[tilespmem:$0x1D000] =	vst v63  }
0x113: {  	_ =	swait.ge [sflag:s24], $0x4000  }
0x114: {  	[sflag:s24] =	ssyncset.done $0x0  }
0x115: {  	s16 =	rddreg [dreg:$0xc];
	[sflag:s24] =	ssyncadd.s32 $0xFFFFC000  }
0x116: {  	[tilespmem:s21], [sflag:$0x2] =	stream.indirect.gather [hbm4b:s1+s20], $0x80, s16, s20, $0xb8;
	[tilespmem:$0x1D000] =	vst v63  }
0x117: {  	_ =	swait.ge [sflag:s18], $0x4000  }
0x118: {  	[sflag:s18] =	ssyncset.done $0x0  }
0x119: {  	s16 =	rddreg [dreg:$0xd];
	[sflag:s18] =	ssyncadd.s32 $0xFFFFC000  }
0x11a: {  	[spmem:s2] =	stream.indirect.scatter.add.f32 [tilespmem:s17], [sflag:$0x3], $0x80, s16, s20, $0xb8;
	[tilespmem:$0x1D000] =	vst v63  }
0x11b: {  	_ =	swait.ge [sflag:s22], $0x4000  }
0x11c: {  	[sflag:s22] =	ssyncset.done $0x0  }
0x11d: {  	s16 =	rddreg [dreg:$0xe];
	[sflag:s22] =	ssyncadd.s32 $0xFFFFC000  }
0x11e: {  	[tilespmem:s17], [sflag:$0x1] =	stream.indirect.gather [hbm4b:s1+s20], $0x80, s16, s20, $0xb8;
	[tilespmem:$0x1D000] =	vst v63  }
0x11f: {  	_ =	swait.ge [sflag:s23], $0x4000  }
0x120: {  	[sflag:s23] =	ssyncset.done $0x0  }
0x121: {  	s16 =	rddreg [dreg:$0xf];
	[sflag:s23] =	ssyncadd.s32 $0xFFFFC000  }
0x122: {  	[spmem:s2] =	stream.indirect.scatter.add.f32 [tilespmem:s21], [sflag:$0x4], $0x80, s16, s20, $0xb8;
	[tilespmem:$0x1D000] =	vst v63  }
0x123: {  	_ =	swait.ge [sflag:s24], $0x4000  }
0x124: {  	[sflag:s24] =	ssyncset.done $0x0  }
0x125: {  	s16 =	rddreg [dreg:$0x10];
	[sflag:s24] =	ssyncadd.s32 $0xFFFFC000  }
0x126: {  	[tilespmem:s21], [sflag:$0x2] =	stream.indirect.gather [hbm4b:s1+s20], $0x80, s16, s20, $0xb8;
	[tilespmem:$0x1D000] =	vst v63  }
0x127: {  	_ =	swait.ge [sflag:s18], $0x4000  }
0x128: {  	[sflag:s18] =	ssyncset.done $0x0  }
0x129: {  	s16 =	rddreg [dreg:$0x11];
	[sflag:s18] =	ssyncadd.s32 $0xFFFFC000  }
0x12a: {  	[spmem:s2] =	stream.indirect.scatter.add.f32 [tilespmem:s17], [sflag:$0x3], $0x80, s16, s20, $0xb8;
	[tilespmem:$0x1D000] =	vst v63  }
0x12b: {  	_ =	swait.ge [sflag:s22], $0x4000  }
0x12c: {  	s26 =	smov.u32 s5;
	[sflag:s22] =	ssyncset.done $0x0  }
0x12d: {  	s25 =	smov.u32 s26;
	s26 =	simm.s32 $0x800;
	[sflag:s22] =	ssyncadd.s32 $0xFFFFC000  }
0x12e: {  	[tilespmem:s17], [sflag:$0x1] =	stream.indirect.gather [hbm4b:s1+s20], $0x80, s26, s20, $0xb8;
	[tilespmem:$0x1D000] =	vst v63  }
0x12f: {  	_ =	swait.ge [sflag:s23], $0x4000  }
0x130: {  	[sflag:s23] =	ssyncset.done $0x0  }
0x131: {  	[sflag:s23] =	ssyncadd.s32 $0xFFFFC000  }
0x132: {  	[spmem:s2] =	stream.indirect.scatter.add.f32 [tilespmem:s21], [sflag:$0x4], $0x80, s28, s20, $0xb8;
	[tilespmem:$0x1D000] =	vst v63  }
0x133: {  	_ =	swait.ge [sflag:s24], $0x4000  }
0x134: {  	[sflag:s24] =	ssyncset.done $0x0  }
0x135: {  	[sflag:s24] =	ssyncadd.s32 $0xFFFFC000  }
0x136: {  	[tilespmem:s21], [sflag:$0x2] =	stream.indirect.gather [hbm4b:s1+s20], $0x80, s29, s20, $0xb8;
	[tilespmem:$0x1D000] =	vst v63  }
0x137: {  	_ =	swait.ge [sflag:s18], $0x4000  }
0x138: {  	[sflag:s18] =	ssyncset.done $0x0  }
0x139: {  	[sflag:s18] =	ssyncadd.s32 $0xFFFFC000  }
0x13a: {  	[spmem:s2] =	stream.indirect.scatter.add.f32 [tilespmem:s17], [sflag:$0x3], $0x80, s30, s20, $0xb8;
	[tilespmem:$0x1D000] =	vst v63  }
0x13b: {  	_ =	swait.ge [sflag:s22], $0x4000  }
0x13c: {  	[sflag:s22] =	ssyncset.done $0x0  }
0x13d: {  	[sflag:s22] =	ssyncadd.s32 $0xFFFFC000  }
0x13e: {  	[tilespmem:s17], [sflag:$0x1] =	stream.indirect.gather [hbm4b:s1+s20], $0x80, s31, s20, $0xb8;
	[tilespmem:$0x1D000] =	vst v63  }
0x13f: {  	_ =	swait.ge [sflag:s23], $0x4000  }
0x140: {  	[sflag:s23] =	ssyncset.done $0x0  }
0x141: {  	[sflag:s23] =	ssyncadd.s32 $0xFFFFC000  }
0x142: {  	[spmem:s2] =	stream.indirect.scatter.add.f32 [tilespmem:s21], [sflag:$0x4], $0x80, s0, s20, $0xb8;
	[tilespmem:$0x1D000] =	vst v63  }
0x143: {  	_ =	swait.ge [sflag:s24], $0x4000  }
0x144: {  	[sflag:s24] =	ssyncset.done $0x0  }
0x145: {  	[sflag:s24] =	ssyncadd.s32 $0xFFFFC000  }
0x146: {  	[tilespmem:s21], [sflag:$0x2] =	stream.indirect.gather [hbm4b:s1+s20], $0x80, s3, s20, $0xb8;
	[tilespmem:$0x1D000] =	vst v63  }
0x147: {  	_ =	swait.ge [sflag:s18], $0x4000  }
0x148: {  	[sflag:s18] =	ssyncset.done $0x0  }
0x149: {  	[sflag:s18] =	ssyncadd.s32 $0xFFFFC000  }
0x14a: {  	[spmem:s2] =	stream.indirect.scatter.add.f32 [tilespmem:s17], [sflag:$0x3], $0x80, s6, s20, $0xb8;
	[tilespmem:$0x1D000] =	vst v63  }
0x14b: {  	_ =	swait.ge [sflag:s22], $0x4000  }
0x14c: {  	[sflag:s22] =	ssyncset.done $0x0  }
0x14d: {  	[sflag:s22] =	ssyncadd.s32 $0xFFFFC000  }
0x14e: {  	[tilespmem:s17], [sflag:$0x1] =	stream.indirect.gather [hbm4b:s1+s20], $0x80, s7, s20, $0xb8;
	[tilespmem:$0x1D000] =	vst v63  }
0x14f: {  	_ =	swait.ge [sflag:s23], $0x4000  }
0x150: {  	[sflag:s23] =	ssyncset.done $0x0  }
0x151: {  	[sflag:s23] =	ssyncadd.s32 $0xFFFFC000  }
0x152: {  	[spmem:s2] =	stream.indirect.scatter.add.f32 [tilespmem:s21], [sflag:$0x4], $0x80, s8, s20, $0xb8;
	[tilespmem:$0x1D000] =	vst v63  }
0x153: {  	_ =	swait.ge [sflag:s24], $0x4000  }
0x154: {  	[sflag:s24] =	ssyncset.done $0x0  }
0x155: {  	[sflag:s24] =	ssyncadd.s32 $0xFFFFC000  }
0x156: {  	[tilespmem:s21], [sflag:$0x2] =	stream.indirect.gather [hbm4b:s1+s20], $0x80, s9, s20, $0xb8;
	[tilespmem:$0x1D000] =	vst v63  }
0x157: {  	_ =	swait.ge [sflag:s18], $0x4000  }
0x158: {  	[sflag:s18] =	ssyncset.done $0x0  }
0x159: {  	[sflag:s18] =	ssyncadd.s32 $0xFFFFC000  }
0x15a: {  	[spmem:s2] =	stream.indirect.scatter.add.f32 [tilespmem:s17], [sflag:$0x3], $0x80, s10, s20, $0xb8;
	[tilespmem:$0x1D000] =	vst v63  }
0x15b: {  	_ =	swait.ge [sflag:s22], $0x4000  }
0x15c: {  	[sflag:s22] =	ssyncset.done $0x0  }
0x15d: {  	[sflag:s22] =	ssyncadd.s32 $0xFFFFC000  }
0x15e: {  	[tilespmem:s17], [sflag:$0x1] =	stream.indirect.gather [hbm4b:s1+s20], $0x80, s11, s20, $0xb8;
	[tilespmem:$0x1D000] =	vst v63  }
0x15f: {  	_ =	swait.ge [sflag:s23], $0x4000  }
0x160: {  	[sflag:s23] =	ssyncset.done $0x0  }
0x161: {  	[sflag:s23] =	ssyncadd.s32 $0xFFFFC000  }
0x162: {  	[spmem:s2] =	stream.indirect.scatter.add.f32 [tilespmem:s21], [sflag:$0x4], $0x80, s12, s20, $0xb8;
	[tilespmem:$0x1D000] =	vst v63  }
0x163: {  	_ =	swait.ge [sflag:s24], $0x4000  }
0x164: {  	[sflag:s24] =	ssyncset.done $0x0  }
0x165: {  	[sflag:s24] =	ssyncadd.s32 $0xFFFFC000  }
0x166: {  	[tilespmem:s21], [sflag:$0x2] =	stream.indirect.gather [hbm4b:s1+s20], $0x80, s13, s20, $0xb8;
	[tilespmem:$0x1D000] =	vst v63  }
0x167: {  	_ =	swait.ge [sflag:s18], $0x4000  }
0x168: {  	[sflag:s18] =	ssyncset.done $0x0  }
0x169: {  	[sflag:s18] =	ssyncadd.s32 $0xFFFFC000  }
0x16a: {  	[spmem:s2] =	stream.indirect.scatter.add.f32 [tilespmem:s17], [sflag:$0x3], $0x80, s14, s20, $0xb8;
	[tilespmem:$0x1D000] =	vst v63  }
0x16b: {  	_ =	swait.ge [sflag:s23], $0x4000  }
0x16c: {  	[sflag:s23] =	ssyncset.done $0x0  }
0x16d: {  	p0 =	sne.s32 s5, $0x800;
	[sflag:s23] =	ssyncadd.s32 $0xFFFFC000  }
0x16e: {  	[spmem:s2] =	stream.indirect.scatter.add.f32 [tilespmem:s21], [sflag:$0x4], $0x80, s15, s20, $0xb8;
	[tilespmem:$0x1D000] =	vst v63  }
.Ltmp1:
0x16f: {  	_ =	swait.ge [sflag:s22], $0x4000;
	(pc) =	sbr.rel @p0 .LBB2_4-.Ltmp1, $4  }
0x170: {  	[sflag:s22] =	ssyncset.done $0x0  }
0x171: {  	[sflag:s22] =	ssyncadd.s32 $0xFFFFC000  }
0x172: {  	_ =	swait.ge [sflag:s24], $0x4000  }
0x173: {  	s5 =	sadd.s32 $0x200, s5;
	s16 =	rddreg [dreg:$0x4];
	[sflag:s24] =	ssyncset.done $0x0  }
0x174: {  	s5 =	sadd.s32 s25, s16;
	[sflag:s24] =	ssyncadd.s32 $0xFFFFC000  }
0x175: {  	[tilespmem:s4], [sflag:$0x5] =	stream.linear.gather [hbm4b:s5+s4], $0x1000, $0x38;
	[tilespmem:$0x1D000] =	vst v63  }
0x176: {  	_ =	swait.ge [sflag:s19], $0x1000  }
0x177: {  	[sflag:s19] =	ssyncset.done $0x0  }
0x178: {  	[sflag:s19] =	ssyncadd.s32 $0xFFFFF000  }
0x179: {  	[tilespmem:s17], [sflag:$0x1] =	stream.indirect.gather [hbm4b:s1+s20], $0x80, s4, s20, $0xb8;
	[tilespmem:$0x1D000] =	vst v63  }
0x17a: {  	_ = 	snop  }
0x17b: {  	[tilespmem:s21], [sflag:$0x2] =	stream.indirect.gather [hbm4b:s1+s20], $0x80, s20, s20, $0xb8;
	[tilespmem:$0x1D000] =	vst v63  }
0x17c: {  	_ =	swait.ge [sflag:s18], $0x4000  }
0x17d: {  	[sflag:s18] =	ssyncset.done $0x0  }
0x17e: {  	s16 =	rddreg [dreg:$0x5];
	[sflag:s18] =	ssyncadd.s32 $0xFFFFC000  }
0x17f: {  	[spmem:s2] =	stream.indirect.scatter.add.f32 [tilespmem:s17], [sflag:$0x3], $0x80, s16, s20, $0xb8;
	[tilespmem:$0x1D000] =	vst v63  }
0x180: {  	_ =	swait.ge [sflag:s22], $0x4000  }
0x181: {  	[sflag:s22] =	ssyncset.done $0x0  }
0x182: {  	s25 =	rddreg [dreg:$0x6];
	[sflag:s22] =	ssyncadd.s32 $0xFFFFC000  }
0x183: {  	[tilespmem:s17], [sflag:$0x1] =	stream.indirect.gather [hbm4b:s1+s20], $0x80, s25, s20, $0xb8;
	[tilespmem:$0x1D000] =	vst v63  }
0x184: {  	_ =	swait.ge [sflag:s23], $0x4000  }
0x185: {  	[sflag:s23] =	ssyncset.done $0x0  }
0x186: {  	s16 =	rddreg [dreg:$0x7];
	[sflag:s23] =	ssyncadd.s32 $0xFFFFC000  }
0x187: {  	[spmem:s2] =	stream.indirect.scatter.add.f32 [tilespmem:s21], [sflag:$0x4], $0x80, s16, s20, $0xb8;
	[tilespmem:$0x1D000] =	vst v63  }
0x188: {  	_ =	swait.ge [sflag:s24], $0x4000  }
0x189: {  	[sflag:s24] =	ssyncset.done $0x0  }
0x18a: {  	s25 =	rddreg [dreg:$0x8];
	[sflag:s24] =	ssyncadd.s32 $0xFFFFC000  }
0x18b: {  	[tilespmem:s21], [sflag:$0x2] =	stream.indirect.gather [hbm4b:s1+s20], $0x80, s25, s20, $0xb8;
	[tilespmem:$0x1D000] =	vst v63  }
0x18c: {  	_ =	swait.ge [sflag:s18], $0x4000  }
0x18d: {  	[sflag:s18] =	ssyncset.done $0x0  }
0x18e: {  	s16 =	rddreg [dreg:$0x9];
	[sflag:s18] =	ssyncadd.s32 $0xFFFFC000  }
0x18f: {  	[spmem:s2] =	stream.indirect.scatter.add.f32 [tilespmem:s17], [sflag:$0x3], $0x80, s16, s20, $0xb8;
	[tilespmem:$0x1D000] =	vst v63  }
0x190: {  	_ =	swait.ge [sflag:s22], $0x4000  }
0x191: {  	[sflag:s22] =	ssyncset.done $0x0  }
0x192: {  	s25 =	rddreg [dreg:$0xa];
	[sflag:s22] =	ssyncadd.s32 $0xFFFFC000  }
0x193: {  	[tilespmem:s17], [sflag:$0x1] =	stream.indirect.gather [hbm4b:s1+s20], $0x80, s25, s20, $0xb8;
	[tilespmem:$0x1D000] =	vst v63  }
0x194: {  	_ =	swait.ge [sflag:s23], $0x4000  }
0x195: {  	[sflag:s23] =	ssyncset.done $0x0  }
0x196: {  	s16 =	rddreg [dreg:$0xb];
	[sflag:s23] =	ssyncadd.s32 $0xFFFFC000  }
0x197: {  	[spmem:s2] =	stream.indirect.scatter.add.f32 [tilespmem:s21], [sflag:$0x4], $0x80, s16, s20, $0xb8;
	[tilespmem:$0x1D000] =	vst v63  }
0x198: {  	_ =	swait.ge [sflag:s24], $0x4000  }
0x199: {  	[sflag:s24] =	ssyncset.done $0x0  }
0x19a: {  	s25 =	rddreg [dreg:$0xc];
	[sflag:s24] =	ssyncadd.s32 $0xFFFFC000  }
0x19b: {  	[tilespmem:s21], [sflag:$0x2] =	stream.indirect.gather [hbm4b:s1+s20], $0x80, s25, s20, $0xb8;
	[tilespmem:$0x1D000] =	vst v63  }
0x19c: {  	_ =	swait.ge [sflag:s18], $0x4000  }
0x19d: {  	[sflag:s18] =	ssyncset.done $0x0  }
0x19e: {  	s16 =	rddreg [dreg:$0xd];
	[sflag:s18] =	ssyncadd.s32 $0xFFFFC000  }
0x19f: {  	[spmem:s2] =	stream.indirect.scatter.add.f32 [tilespmem:s17], [sflag:$0x3], $0x80, s16, s20, $0xb8;
	[tilespmem:$0x1D000] =	vst v63  }
0x1a0: {  	_ =	swait.ge [sflag:s22], $0x4000  }
0x1a1: {  	[sflag:s22] =	ssyncset.done $0x0  }
0x1a2: {  	s25 =	rddreg [dreg:$0xe];
	[sflag:s22] =	ssyncadd.s32 $0xFFFFC000  }
0x1a3: {  	[tilespmem:s17], [sflag:$0x1] =	stream.indirect.gather [hbm4b:s1+s20], $0x80, s25, s20, $0xb8;
	[tilespmem:$0x1D000] =	vst v63  }
0x1a4: {  	_ =	swait.ge [sflag:s23], $0x4000  }
0x1a5: {  	[sflag:s23] =	ssyncset.done $0x0  }
0x1a6: {  	s16 =	rddreg [dreg:$0xf];
	[sflag:s23] =	ssyncadd.s32 $0xFFFFC000  }
0x1a7: {  	[spmem:s2] =	stream.indirect.scatter.add.f32 [tilespmem:s21], [sflag:$0x4], $0x80, s16, s20, $0xb8;
	[tilespmem:$0x1D000] =	vst v63  }
0x1a8: {  	_ =	swait.ge [sflag:s24], $0x4000  }
0x1a9: {  	[sflag:s24] =	ssyncset.done $0x0  }
0x1aa: {  	s25 =	rddreg [dreg:$0x10];
	[sflag:s24] =	ssyncadd.s32 $0xFFFFC000  }
0x1ab: {  	[tilespmem:s21], [sflag:$0x2] =	stream.indirect.gather [hbm4b:s1+s20], $0x80, s25, s20, $0xb8;
	[tilespmem:$0x1D000] =	vst v63  }
0x1ac: {  	_ =	swait.ge [sflag:s18], $0x4000  }
0x1ad: {  	[sflag:s18] =	ssyncset.done $0x0  }
0x1ae: {  	s16 =	rddreg [dreg:$0x11];
	[sflag:s18] =	ssyncadd.s32 $0xFFFFC000  }
0x1af: {  	[spmem:s2] =	stream.indirect.scatter.add.f32 [tilespmem:s17], [sflag:$0x3], $0x80, s16, s20, $0xb8;
	[tilespmem:$0x1D000] =	vst v63  }
0x1b0: {  	_ =	swait.ge [sflag:s22], $0x4000  }
0x1b1: {  	[sflag:s22] =	ssyncset.done $0x0  }
0x1b2: {  	[sflag:s22] =	ssyncadd.s32 $0xFFFFC000  }
0x1b3: {  	[tilespmem:s17], [sflag:$0x1] =	stream.indirect.gather [hbm4b:s1+s20], $0x80, s26, s20, $0xb8;
	[tilespmem:$0x1D000] =	vst v63  }
0x1b4: {  	_ =	swait.ge [sflag:s23], $0x4000  }
0x1b5: {  	[sflag:s23] =	ssyncset.done $0x0  }
0x1b6: {  	[sflag:s23] =	ssyncadd.s32 $0xFFFFC000  }
0x1b7: {  	[spmem:s2] =	stream.indirect.scatter.add.f32 [tilespmem:s21], [sflag:$0x4], $0x80, s28, s20, $0xb8;
	[tilespmem:$0x1D000] =	vst v63  }
0x1b8: {  	_ =	swait.ge [sflag:s24], $0x4000  }
0x1b9: {  	[sflag:s24] =	ssyncset.done $0x0  }
0x1ba: {  	[sflag:s24] =	ssyncadd.s32 $0xFFFFC000  }
0x1bb: {  	[tilespmem:s21], [sflag:$0x2] =	stream.indirect.gather [hbm4b:s1+s20], $0x80, s29, s20, $0xb8;
	[tilespmem:$0x1D000] =	vst v63  }
0x1bc: {  	_ =	swait.ge [sflag:s18], $0x4000  }
0x1bd: {  	[sflag:s18] =	ssyncset.done $0x0  }
0x1be: {  	[sflag:s18] =	ssyncadd.s32 $0xFFFFC000  }
0x1bf: {  	[spmem:s2] =	stream.indirect.scatter.add.f32 [tilespmem:s17], [sflag:$0x3], $0x80, s30, s20, $0xb8;
	[tilespmem:$0x1D000] =	vst v63  }
0x1c0: {  	_ =	swait.ge [sflag:s22], $0x4000  }
0x1c1: {  	[sflag:s22] =	ssyncset.done $0x0  }
0x1c2: {  	[sflag:s22] =	ssyncadd.s32 $0xFFFFC000  }
0x1c3: {  	[tilespmem:s17], [sflag:$0x1] =	stream.indirect.gather [hbm4b:s1+s20], $0x80, s31, s20, $0xb8;
	[tilespmem:$0x1D000] =	vst v63  }
0x1c4: {  	_ =	swait.ge [sflag:s23], $0x4000  }
0x1c5: {  	[sflag:s23] =	ssyncset.done $0x0  }
0x1c6: {  	[sflag:s23] =	ssyncadd.s32 $0xFFFFC000  }
0x1c7: {  	[spmem:s2] =	stream.indirect.scatter.add.f32 [tilespmem:s21], [sflag:$0x4], $0x80, s0, s20, $0xb8;
	[tilespmem:$0x1D000] =	vst v63  }
0x1c8: {  	_ =	swait.ge [sflag:s24], $0x4000  }
0x1c9: {  	[sflag:s24] =	ssyncset.done $0x0  }
0x1ca: {  	[sflag:s24] =	ssyncadd.s32 $0xFFFFC000  }
0x1cb: {  	[tilespmem:s21], [sflag:$0x2] =	stream.indirect.gather [hbm4b:s1+s20], $0x80, s3, s20, $0xb8;
	[tilespmem:$0x1D000] =	vst v63  }
0x1cc: {  	_ =	swait.ge [sflag:s18], $0x4000  }
0x1cd: {  	[sflag:s18] =	ssyncset.done $0x0  }
0x1ce: {  	[sflag:s18] =	ssyncadd.s32 $0xFFFFC000  }
0x1cf: {  	[spmem:s2] =	stream.indirect.scatter.add.f32 [tilespmem:s17], [sflag:$0x3], $0x80, s6, s20, $0xb8;
	[tilespmem:$0x1D000] =	vst v63  }
0x1d0: {  	_ =	swait.ge [sflag:s22], $0x4000  }
0x1d1: {  	[sflag:s22] =	ssyncset.done $0x0  }
0x1d2: {  	[sflag:s22] =	ssyncadd.s32 $0xFFFFC000  }
0x1d3: {  	[tilespmem:s17], [sflag:$0x1] =	stream.indirect.gather [hbm4b:s1+s20], $0x80, s7, s20, $0xb8;
	[tilespmem:$0x1D000] =	vst v63  }
0x1d4: {  	_ =	swait.ge [sflag:s23], $0x4000  }
0x1d5: {  	[sflag:s23] =	ssyncset.done $0x0  }
0x1d6: {  	[sflag:s23] =	ssyncadd.s32 $0xFFFFC000  }
0x1d7: {  	[spmem:s2] =	stream.indirect.scatter.add.f32 [tilespmem:s21], [sflag:$0x4], $0x80, s8, s20, $0xb8;
	[tilespmem:$0x1D000] =	vst v63  }
0x1d8: {  	_ =	swait.ge [sflag:s24], $0x4000  }
0x1d9: {  	[sflag:s24] =	ssyncset.done $0x0  }
0x1da: {  	[sflag:s24] =	ssyncadd.s32 $0xFFFFC000  }
0x1db: {  	[tilespmem:s21], [sflag:$0x2] =	stream.indirect.gather [hbm4b:s1+s20], $0x80, s9, s20, $0xb8;
	[tilespmem:$0x1D000] =	vst v63  }
0x1dc: {  	_ =	swait.ge [sflag:s18], $0x4000  }
0x1dd: {  	[sflag:s18] =	ssyncset.done $0x0  }
0x1de: {  	[sflag:s18] =	ssyncadd.s32 $0xFFFFC000  }
0x1df: {  	[spmem:s2] =	stream.indirect.scatter.add.f32 [tilespmem:s17], [sflag:$0x3], $0x80, s10, s20, $0xb8;
	[tilespmem:$0x1D000] =	vst v63  }
0x1e0: {  	_ =	swait.ge [sflag:s22], $0x4000  }
0x1e1: {  	[sflag:s22] =	ssyncset.done $0x0  }
0x1e2: {  	[sflag:s22] =	ssyncadd.s32 $0xFFFFC000  }
0x1e3: {  	[tilespmem:s17], [sflag:$0x1] =	stream.indirect.gather [hbm4b:s1+s20], $0x80, s11, s20, $0xb8;
	[tilespmem:$0x1D000] =	vst v63  }
0x1e4: {  	_ =	swait.ge [sflag:s23], $0x4000  }
0x1e5: {  	[sflag:s23] =	ssyncset.done $0x0  }
0x1e6: {  	[sflag:s23] =	ssyncadd.s32 $0xFFFFC000  }
0x1e7: {  	[spmem:s2] =	stream.indirect.scatter.add.f32 [tilespmem:s21], [sflag:$0x4], $0x80, s12, s20, $0xb8;
	[tilespmem:$0x1D000] =	vst v63  }
0x1e8: {  	_ =	swait.ge [sflag:s24], $0x4000  }
0x1e9: {  	[sflag:s24] =	ssyncset.done $0x0  }
0x1ea: {  	[sflag:s24] =	ssyncadd.s32 $0xFFFFC000  }
0x1eb: {  	[tilespmem:s21], [sflag:$0x2] =	stream.indirect.gather [hbm4b:s1+s20], $0x80, s13, s20, $0xb8;
	[tilespmem:$0x1D000] =	vst v63  }
0x1ec: {  	_ =	swait.ge [sflag:s18], $0x4000  }
0x1ed: {  	[sflag:s18] =	ssyncset.done $0x0  }
0x1ee: {  	[sflag:s18] =	ssyncadd.s32 $0xFFFFC000  }
0x1ef: {  	[spmem:s2] =	stream.indirect.scatter.add.f32 [tilespmem:s17], [sflag:$0x3], $0x80, s14, s20, $0xb8;
	[tilespmem:$0x1D000] =	vst v63  }
0x1f0: {  	_ =	swait.ge [sflag:s23], $0x4000  }
0x1f1: {  	[sflag:s23] =	ssyncset.done $0x0  }
0x1f2: {  	[sflag:s23] =	ssyncadd.s32 $0xFFFFC000  }
0x1f3: {  	[spmem:s2] =	stream.indirect.scatter.add.f32 [tilespmem:s21], [sflag:$0x4], $0x80, s15, s20, $0xb8;
	[tilespmem:$0x1D000] =	vst v63  }
0x1f4: {  	_ =	swait.ge [sflag:s22], $0x4000  }
0x1f5: {  	[sflag:s22] =	ssyncset.done $0x0  }
0x1f6: {  	[sflag:s22] =	ssyncadd.s32 $0xFFFFC000  }
0x1f7: {  	_ =	swait.ge [sflag:s24], $0x4000  }
0x1f8: {  	[sflag:s24] =	ssyncset.done $0x0  }
0x1f9: {  	[sflag:s24] =	ssyncadd.s32 $0xFFFFC000  }
0x1fa: {  	s25 =	stileid.u32;
	[bflag:$0x0] =	sbarrier.arrive $0xFFFF  }
0x1fb: {  	s5 =	sshll.u32 s25, $0x6;
	s16 =	rddreg [dreg:$0x1d]  }
0x1fc: {  	s5 =	sor.u32 $0x1C05, s5;
	s25 =	rddreg [dreg:$0x1e]  }
0x1fd: {  	[hbm:s16], [sflag:s5] =	dma.local [spmem:s25], $0x2800  }
0x1fe: {  	_ =	swait.ge [sflag:s19], $0x2800  }
0x1ff: {  	s5 =	rddreg [dreg:$0x1f]  }
0x200: {  	s25 =	rddreg [dreg:$0x1c];
	s16 =	sadd.s32 $0x1, s5  }
0x201: {  	p0 =	sne.s32 s16, s25  }
.Ltmp2:
0x202: {  	_ = 	snop;
	(pc) =	sbr.rel @p0 .LBB2_1-.Ltmp2, $3  }
0x203: {  	_ =	sdelay $0x1  }
0x204: {  	[sflag:s19] =	ssyncset.done $0x0  }
0x205: {  	[sflag:s19] =	ssyncadd.s32 $0xFFFFD800  }
0x206: {  	_ =	sfence.sel $0x180000  }
0x207: {  	[bflag:$0x0] =	sbarrier.arrive $0xFFFF  }
0x208: {  	_ =	strace $0x9000004A  }
0x209: {  	s0 =	stileid.u32;
	[bflag:$0x2] =	sbarrier.arrive $0xFFFF  }
0x20a: {  	p0 =	sne.s32 s0, $0x0;
	s0 =	rddreg [dreg:$0x3]  }
0x20b: {  	s0 =	sadd.s32 @!p0 $0x100000, s0  }
0x20c: {  	[sflag:s0] =	ssyncadd.tile.s32 @!p0 $0x1;
	_ =	shalt  }
.Lfunc_end2:
_tile_overlayer_lowered:
.L_overlay_start_2:
0x20d: {  	(tag) =	ssettag $0x2  }
0x20e: {  	s0 =	rddreg [dreg:$0x0];
	s2 =	stileid.u32  }
0x20f: {  	s1 =	rddreg [dreg:$0x1];
	p0 =	sne.s32 s2, $0x0  }
0x210: {  	s3 =	rddreg [dreg:$0x2];
	[bflag:$0x3] =	sbarrier.arrive $0xFFFF;
	s2 =	simm.s32 @!p0 $0x1C05  }
0x211: {  	[timem:s3], [sflag:s2] =	dma.local @!p0 [hbm:s0], s1  }
0x212: {  	s0 =	simm.s32 @!p0 $0x5  }
0x213: {  	_ =	swait.ge @!p0 [sflag:s0], s1  }
0x214: {  	s1 =	ssub.s32 @!p0 $0x0, s1;
	[sflag:s0] =	ssyncset.done @!p0 $0x0  }
0x215: {  	[sflag:s0] =	ssyncadd.s32 @!p0 s1  }
0x216: {  	[bflag:$0x3] =	sbarrier.arrive $0xFFFF  }
0x217: {  	_ =	shalt  }

// kernel: kernel.14.cloned.1.call-start
scs
__scs_entry_jumppad:
0x0: {  	(pc) =	sbr.rel $0x88, $3  }
0x1: {  	(tag) =	ssettag $0x0;
	lr =	simm.s32 $0x1  }
0x2: {  	[smem:$0x3F7F] =	sst lr;
	_ =	strace $0xD0000000  }
0x3: {  	_ = 	snop  }
0x4: {  	_ = 	snop  }
0x5: {  	_ = 	snop  }
0x6: {  	_ = 	snop  }
0x7: {  	_ = 	snop  }
__scs_overlays_trampoline_lowered:
0x8: {  	[smem:$0x3F8E] =	sst s0  }
0x9: {  	[smem:$0x3F8F] =	sst s1  }
0xa: {  	[smem:$0x3F90] =	sst s2  }
0xb: {  	[smem:$0x3F91] =	sst s3  }
0xc: {  	[smem:$0x3F92] =	sst s4  }
0xd: {  	[smem:$0x3F93] =	sst s5  }
0xe: {  	[smem:$0x3F94] =	sst s6  }
0xf: {  	[smem:$0x3F95] =	sst s7  }
0x10: {  	[smem:$0x3F96] =	sst s8  }
0x11: {  	[smem:$0x3F97] =	sst s9;
	s0 =	simm.s32 @!p0 $0x0  }
0x12: {  	s1 =	sld [smem:$0x3F7D];
	s0 =	simm.s32 @p0 $0x1  }
0x13: {  	[smem:$0x3F98] =	sst s0;
	s0 =	simm.s32 @!p1 $0x0  }
0x14: {  	s2 =	sld [smem:$0x3F7C];
	s0 =	simm.s32 @p1 $0x1  }
0x15: {  	[smem:$0x3F99] =	sst s0;
	s0 =	simm.s32 @!p2 $0x0  }
0x16: {  	s3 =	sld [smem:$0x3FDB];
	s0 =	simm.s32 @p2 $0x1  }
0x17: {  	s4 =	simm.s32 $0x1BF5;
	[smem:$0x3F9B] =	sst s0  }
0x18: {  	s0 =	sld [smem:$0x3F7E];
	_ =	swait.ge [sflag:s4], $0x0  }
0x19: {  	s7 =	sld [smem:$0x3F7F]  }
0x1a: {  	s8 =	sadd.s32 $0xFFFFE003, lr  }
0x1b: {  	s9 =	sadd.s32 $0xFFFFFEF7, lr;
	s5 =	simm.s32 $0xFFFFFFFF;
	p2 =	slt.u32 s8, $0xFFFFF086  }
0x1c: {  	p1 =	slt.u32 s9, $0xF7A;
	s5 =	simm.s32 @!p2 $0x0  }
0x1d: {  	s5 =	simm.s32 @p1 $0x1;
	p0 =	seq.s32 s7, s2  }
0x1e: {  	s7 =	smul.u32 @!p0 $0xF7A, s2;
	p2 =	seq.s32 @!p0 s5, $0x0  }
0x1f: {  	s9 =	smul.u32 $0xF7A, s1;
	s8 =	simm.s32 @!p0 $0x1BF5;
	p2 =	por !p2, p0  }
0x20: {  	[sflag:s8] =	ssyncset.s32 @!p0 $0xFFFFF086;
	s6 =	sadd.s32 @!p0 s3, s7;
	s7 =	simm.s32 @!p0 $0x108  }
0x21: {  	s3 =	sadd.s32 s3, s9;
	s6 =	sadd.s32 @!p0 $0x88, s6;
	s7 =	simm.s32 @p2 $0x1082  }
0x22: {  	[simem:s7], [sflag:s8] =	dma.local @!p0 [hbm:s6], $0xF7A  }
0x23: {  	s9 =	sor.u32 $0xD0000000, s2;
	s6 =	simm.s32 $0x108;
	_ =	swait.ge @!p0 [sflag:s8], $0x0  }
0x24: {  	s3 =	sadd.s32 $0x88, s3;
	s6 =	simm.s32 @!p1 $0x1082;
	[sflag:s4] =	ssyncset.s32 $0xFFFFF086  }
0x25: {  	[simem:s6], [sflag:s4] =	dma.local [hbm:s3], $0xF7A  }
0x26: {  	[smem:$0x3F7F] =	sst s1;
	(tag) =	ssettag s2;
	_ =	strace s9  }
0x27: {  	s1 =	sld [smem:$0x3F8F]  }
0x28: {  	s2 =	sld [smem:$0x3F90]  }
0x29: {  	s4 =	sld [smem:$0x3F92]  }
0x2a: {  	p0 =	seq.s32 s5, $0x0;
	s5 =	sld [smem:$0x3F93]  }
0x2b: {  	s6 =	sld [smem:$0x3F94]  }
0x2c: {  	s7 =	sld [smem:$0x3F95]  }
0x2d: {  	s3 =	simm.s32 $0x108;
	s8 =	sld [smem:$0x3F96]  }
0x2e: {  	s3 =	simm.s32 @!p0 $0x1082;
	s9 =	sld [smem:$0x3F97]  }
0x2f: {  	lr =	sadd.s32 s0, s3;
	s0 =	sld [smem:$0x3F8E]  }
0x30: {  	s3 =	sld [smem:$0x3F91]  }
0x31: {  	[smem:$0x3F9A] =	sst s10  }
0x32: {  	s10 =	sld [smem:$0x3F98];
	_ =	sdelay $0x3  }
0x33: {  	p0 =	seq.s32 s10, $0x1;
	s10 =	sld [smem:$0x3F9A];
	_ =	sdelay $0x3  }
0x34: {  	[smem:$0x3F9A] =	sst s10  }
0x35: {  	s10 =	sld [smem:$0x3F99];
	_ =	sdelay $0x3  }
0x36: {  	p1 =	seq.s32 s10, $0x1;
	s10 =	sld [smem:$0x3F9A];
	_ =	sdelay $0x3  }
0x37: {  	[smem:$0x3F9A] =	sst s10  }
0x38: {  	s10 =	sld [smem:$0x3F9B]  }
0x39: {  	_ = 	snop;
	(pc) =	sbr.ind lr, $3  }
0x3a: {  	_ = 	snop  }
0x3b: {  	_ = 	snop  }
0x3c: {  	p2 =	seq.s32 s10, $0x1;
	s10 =	sld [smem:$0x3F9A]  }
0x3d: {  	_ =	shalt  }
0x3e: {  	_ =	shalt  }
0x3f: {  	_ =	shalt  }
0x40: {  	_ =	shalt  }
0x41: {  	_ =	shalt  }
0x42: {  	_ =	shalt  }
0x43: {  	_ =	shalt  }
0x44: {  	_ =	shalt  }
0x45: {  	_ =	shalt  }
0x46: {  	_ =	shalt  }
0x47: {  	_ =	shalt  }
0x48: {  	_ =	shalt  }
0x49: {  	_ =	shalt  }
0x4a: {  	_ =	shalt  }
0x4b: {  	_ =	shalt  }
0x4c: {  	_ =	shalt  }
0x4d: {  	_ =	shalt  }
0x4e: {  	_ =	shalt  }
0x4f: {  	_ =	shalt  }
0x50: {  	_ =	shalt  }
0x51: {  	_ =	shalt  }
0x52: {  	_ =	shalt  }
0x53: {  	_ =	shalt  }
0x54: {  	_ =	shalt  }
0x55: {  	_ =	shalt  }
0x56: {  	_ =	shalt  }
0x57: {  	_ =	shalt  }
0x58: {  	_ =	shalt  }
0x59: {  	_ =	shalt  }
0x5a: {  	_ =	shalt  }
0x5b: {  	_ =	shalt  }
0x5c: {  	_ =	shalt  }
0x5d: {  	_ =	shalt  }
0x5e: {  	_ =	shalt  }
0x5f: {  	_ =	shalt  }
0x60: {  	_ =	shalt  }
0x61: {  	_ =	shalt  }
0x62: {  	_ =	shalt  }
0x63: {  	_ =	shalt  }
0x64: {  	_ =	shalt  }
0x65: {  	_ =	shalt  }
0x66: {  	_ =	shalt  }
0x67: {  	_ =	shalt  }
0x68: {  	_ =	shalt  }
0x69: {  	_ =	shalt  }
0x6a: {  	_ =	shalt  }
0x6b: {  	_ =	shalt  }
0x6c: {  	_ =	shalt  }
0x6d: {  	_ =	shalt  }
0x6e: {  	_ =	shalt  }
0x6f: {  	_ =	shalt  }
0x70: {  	_ =	shalt  }
0x71: {  	_ =	shalt  }
0x72: {  	_ =	shalt  }
0x73: {  	_ =	shalt  }
0x74: {  	_ =	shalt  }
0x75: {  	_ =	shalt  }
0x76: {  	_ =	shalt  }
0x77: {  	_ =	shalt  }
0x78: {  	_ =	shalt  }
0x79: {  	_ =	shalt  }
0x7a: {  	_ =	shalt  }
0x7b: {  	_ =	shalt  }
0x7c: {  	_ =	shalt  }
0x7d: {  	_ =	shalt  }
0x7e: {  	_ =	shalt  }
0x7f: {  	_ =	shalt  }
0x80: {  	_ =	shalt  }
0x81: {  	_ =	shalt  }
0x82: {  	_ =	shalt  }
0x83: {  	_ =	shalt  }
0x84: {  	_ =	shalt  }
0x85: {  	_ =	shalt  }
0x86: {  	_ =	shalt  }
0x87: {  	_ =	shalt  }
.Lfunc_end0:
.L_simem_size_0:
called_computation.2_lowered:
.L_overlay_start_0:
0x88: {  	s2 =	sld [smem:$0x3FD9]  }
0x89: {  	s3 =	sld [smem:$0x3FFE];
	_ =	sdelay $0x1  }
0x8a: {  	s1 =	srdreg.scid  }
0x8b: {  	s0 =	sand.u32 $0x1, s1  }
0x8c: {  	s14 =	sshll.u32 s0, $0xA;
	s2 =	sadd.s32 s3, s2  }
0x8d: {  	s2 =	sadd.s32 s2, s14  }
0x8e: {  	[smem:$0x3FA6] =	sst s2  }
0x8f: {  	_ = 	snop  }
0x90: {  	s2 =	sld [smem:$0x3FD0];
	_ =	sdelay $0x2  }
0x91: {  	s15 =	simm.s32 $0xA;
	s4 =	simm.s32 $0x10  }
0x92: {  	[smem:s4], [sflag:s15] =	dma.local [hbm:s2], $0x1  }
0x93: {  	_ =	swait.eq [sflag:s15], $0x1  }
0x94: {  	[sflag:s15] =	ssyncset.done $0x0  }
0x95: {  	[sflag:s15] =	ssyncadd.s32 $0xFFFFFFFF  }
0x96: {  	s16 =	sld [smem:$0x11];
	(tm) =	ssettm $0x1  }
0x97: {  	s17 =	sld [smem:$0x3FFB];
	_ =	sdelay $0x3  }
0x98: {  	_ =	strace s17  }
0x99: {  	s3 =	sld [smem:$0x3FFC];
	_ =	sdelay $0x3  }
0x9a: {  	_ =	strace s3  }
0x9b: {  	s3 =	sld [smem:$0x3FFD];
	_ =	sdelay $0x3  }
0x9c: {  	_ =	strace s3  }
0x9d: {  	_ =	strace $0x8FFFFFFF  }
0x9e: {  	s18 =	sld [smem:$0x3FDB];
	_ =	sdelay $0x1  }
0x9f: {  	s19 =	simm.s32 $_scs_section_size  }
0xa0: {  	s5 =	simm.s32 $_size__tile_overlayer_lowered;
	s6 =	simm.s32 $_tile_overlayer_lowered  }
0xa1: {  	s22 =	simm.s32 $0x1BFF;
	s21 =	sshll.u32 s6, $0x1;
	s3 =	sadd.s32 s19, s18  }
0xa2: {  	s7 =	simm.s32 $0x0;
	s20 =	sshll.u32 s5, $0x1;
	s5 =	sadd.s32 s21, s3  }
0xa3: {  	[timem:s7], [sflag:s22] =	dma.local [hbm:s5], s20  }
0xa4: {  	_ =	swait.ge [sflag:s22], s20  }
0xa5: {  	s4 =	ssub.s32 $0x0, s20;
	[sflag:s22] =	ssyncset.done $0x0  }
0xa6: {  	[sflag:s22] =	ssyncadd.s32 s4;
	_ =	sdelay $0x1  }
0xa7: {  	s23 =	simm.s32 $0x1B8B  }
0xa8: {  	_ =	swait.ge [sflag:s23], $0x1  }
0xa9: {  	[sflag:s23] =	ssyncset.done $0x0  }
0xaa: {  	s25 =	simm.s32 $0x1B8E;
	s24 =	sld [smem:$0x3FFE];
	[sflag:s23] =	ssyncadd.s32 $0xFFFFFFFF  }
0xab: {  	s26 =	simm.s32 $execute0_lowered;
	[smem:$0x3FD2] =	sst s25  }
0xac: {  	s5 =	sshll.u32 s26, $0x1;
	_ =	strace $0x8000004C;
	[dreg:$0x1] =	wrdreg $0xFFFFFFFF  }
0xad: {  	s28 =	simm.s32 $_size_execute0_lowered;
	s3 =	sadd.s32 s3, s5;
	[dreg:$0x0] =	wrdreg $0x0  }
0xae: {  	s5 =	sshll.u32 s28, $0x1;
	[dreg:$0x2] =	wrdreg s3  }
0xaf: {  	[dreg:$0x3] =	wrdreg s5  }
0xb0: {  	[dreg:$0x4] =	wrdreg $0xC0  }
0xb1: {  	_ =	task [dreg:s7], $0x5FFFF  }
0xb2: {  	[dreg:$0x1] =	wrdreg $0xFFFFFFFF  }
0xb3: {  	[dreg:$0x0] =	wrdreg $0x60  }
0xb4: {  	[dreg:$0x2] =	wrdreg s24  }
0xb5: {  	[dreg:$0x3] =	wrdreg s16  }
0xb6: {  	[dreg:$0x4] =	wrdreg $0x90000  }
0xb7: {  	[dreg:$0x5] =	wrdreg $0x9  }
0xb8: {  	_ =	task.clear_ibuf [dreg:s7], $0x6FFFF;
	_ =	strace $0x9000004C  }
0xb9: {  	s29 =	simm.s32 $0x9;
	_ =	strace $0x8000004E  }
0xba: {  	_ =	swait.ge [sflag:s29], $0x1  }
0xbb: {  	[sflag:s29] =	ssyncadd.s32 $0xFFFFFFFF  }
0xbc: {  	_ =	strace $0x9000004E  }
0xbd: {  	_ =	sfence  }
0xbe: {  	s30 =	sld [smem:$0x0];
	_ =	sdelay $0x2  }
0xbf: {  	s31 =	sshll.u32 s1, $0xD;
	s1 =	sshrl.u32 s1, $0x2  }
0xc0: {  	s3 =	sand.u32 $0x4000, s31;
	s1 =	sadd.s32 s1, s30  }
0xc1: {  	s0 =	sor.u32 s3, s0;
	s1 =	sshll.u32 s1, $0x11  }
0xc2: {  	s0 =	sor.u32 s1, s0  }
0xc3: {  	s0 =	sadd.s32 $0x8F2B, s0  }
0xc4: {  	[sflag:s0] =	ssyncadd.remote.s32 $0x1  }
0xc5: {  	_ =	sfence.sel $0xFFFF  }
0xc6: {  	[dreg:$0x0] =	wrdreg $0xFFFFFFFF;
	(pc) =	sbr.abs _section_cstart, $3  }
0xc7: {  	[dreg:$0x1] =	wrdreg $0xFFFFFFFF  }
0xc8: {  	_ =	task.clear_ibuf [dreg:s7], $0x2FFFF;
	_ =	strace $0x9FFFFFFF  }
0xc9: {  	(tm) =	ssettm $0x7FFFFFFF  }
tec
execute0_lowered:
.L_overlay_start_1:
0x0: {  	(tag) =	ssettag $0x1  }
0x1: {  	s0 =	rddreg [dreg:$0x0]  }
0x2: {  	s1 =	rddreg [dreg:$0x1]  }
0x3: {  	s2 =	rddreg [dreg:$0x2];
	s4 =	simm.s32 $0x0;
	s3 =	srdreg.scid  }
0x4: {  	s11 =	stileid.u32;
	s13 =	simm.s32 $0x480;
	s15 =	simm.s32 $0x180  }
0x5: {  	s28 =	simm.s32 $0x780;
	s29 =	simm.s32 $0x880;
	s30 =	simm.s32 $0xC00  }
0x6: {  	s31 =	simm.s32 $0x900;
	[smem:$0x7FF] =	sst s4;
	s5 =	smul.u32 $0x50000, s11  }
0x7: {  	s3 =	sand.u32 $0x1, s3;
	s6 =	sadd.s32 $0x12600, s0;
	s17 =	smul.u32 $0x280, s11  }
0x8: {  	s7 =	sadd.s32 $0x8600, s0;
	s23 =	smul.u32 $0xA00, s11;
	s11 =	simm.s32 $0x400  }
0x9: {  	s9 =	sadd.s32 $0x1C600, s0;
	_ =	strace $0x8000004D;
	[dreg:$0x5] =	wrdreg s11  }
0xa: {  	s0 =	sadd.s32 $0x43800, s0;
	s8 =	ssub.s32 $0x2, s3;
	[dreg:$0x7] =	wrdreg s13  }
0xb: {  	p0 =	seq.s32 s3, $0x1;
	[dreg:$0x8] =	wrdreg s15;
	s5 =	sshrl.u32 s5, $0x2  }
0xc: {  	s11 =	simm.s32 $0xB00;
	s6 =	smov.u32 @p0 s7;
	s16 =	sadd.s32 s5, s2  }
0xd: {  	s13 =	simm.s32 $0xB80;
	s3 =	sadd.s32 s23, s6;
	[dreg:$0x12] =	wrdreg s16  }
0xe: {  	s15 =	simm.s32 $0xF80;
	s23 =	simm.s32 $0x680;
	[dreg:$0x4] =	wrdreg s3  }
0xf: {  	s10 =	sshrl.u32 s8, $0x1;
	s12 =	sadd.s32 $0x2000, s16;
	[dreg:$0xf] =	wrdreg s23  }
0x10: {  	s9 =	smov.u32 @p0 s0;
	s18 =	sadd.s32 $0x4000, s16;
	[dreg:$0x13] =	wrdreg s12  }
0x11: {  	s0 =	simm.s32 $0xC80;
	s19 =	sadd.s32 $0x6000, s16;
	[dreg:$0x14] =	wrdreg s18  }
0x12: {  	s7 =	simm.s32 $0xA00;
	s20 =	sadd.s32 $0x8000, s16;
	[dreg:$0x15] =	wrdreg s19  }
0x13: {  	s8 =	ssub.s32 s8, s10;
	s21 =	sadd.s32 $0xA000, s16;
	[dreg:$0x16] =	wrdreg s20  }
0x14: {  	s5 =	smin.u32 s17, $0x2490;
	s22 =	sadd.s32 $0xC000, s16;
	[dreg:$0x17] =	wrdreg s21  }
0x15: {  	s24 =	sadd.s32 $0xE000, s16;
	s25 =	sadd.s32 $0x10000, s16;
	[dreg:$0x18] =	wrdreg s22  }
0x16: {  	s26 =	sadd.s32 $0x12000, s16;
	s10 =	sshll.u32 s5, $0x7;
	[dreg:$0x19] =	wrdreg s24  }
0x17: {  	s5 =	sshll.u32 s5, $0x4;
	s14 =	smax.u32 s8, $0x1;
	[dreg:$0x1a] =	wrdreg s25  }
0x18: {  	s16 =	simm.s32 $0x500;
	s23 =	simm.s32 $0x2;
	[dreg:$0x1b] =	wrdreg s26  }
0x19: {  	s3 =	simm.s32 $0x980;
	s8 =	simm.s32 $0xD80;
	[dreg:$0x1c] =	wrdreg s14  }
0x1a: {  	s6 =	sadd.s32 s10, s2;
	s12 =	simm.s32 $0x100;
	[dreg:$0x9] =	wrdreg s16  }
0x1b: {  	s17 =	sadd.s32 s9, s5;
	s18 =	simm.s32 $0x200;
	[dreg:$0x6] =	wrdreg s12  }
0x1c: {  	s19 =	simm.s32 $0x580;
	s20 =	simm.s32 $0x280;
	[dreg:$0x1d] =	wrdreg s17  }
0x1d: {  	s21 =	simm.s32 $0x600;
	s22 =	simm.s32 $0x300;
	[dreg:$0xa] =	wrdreg s18  }
0x1e: {  	s24 =	simm.s32 $0x380;
	s25 =	simm.s32 $0x700;
	[dreg:$0xb] =	wrdreg s19  }
0x1f: {  	s9 =	simm.s32 $0xA80;
	s10 =	simm.s32 $0xE00;
	[dreg:$0xc] =	wrdreg s20  }
0x20: {  	s14 =	simm.s32 $0xF00;
	s16 =	simm.s32 $0x0;
	[dreg:$0xd] =	wrdreg s21  }
0x21: {  	s17 =	simm.s32 $0x1000;
	s18 =	simm.s32 $0x1;
	[dreg:$0xe] =	wrdreg s22  }
0x22: {  	s19 =	simm.s32 $0x5;
	s20 =	simm.s32 $0x80;
	[dreg:$0x10] =	wrdreg s24  }
0x23: {  	s21 =	simm.s32 $0x5000;
	s22 =	simm.s32 $0x3;
	[dreg:$0x11] =	wrdreg s25  }
0x24: {  	s24 =	simm.s32 $0x4;
	s26 =	sshrl.u32 s6, $0x3;
	s6 =	simm.s32 $0xD00  }
0x25: {  	v0 =	vimm.f32 $0.0e+00;
	s12 =	simm.s32 $0xE80;
	[dreg:$0x1e] =	wrdreg s26;
	s26 =	simm.s32 $0x800  }
.LBB2_1:
0x26: {  	[dreg:$0x1f] =	wrdreg s16;
	s5 =	simm.s32 $0x0;
	s25 =	simm.s32 $0x200  }
.LBB2_2:
0x27: {  	p0 =	sne.s32 s25, $0x7E00;
	[tilespmem:s5+$0x1070] =	vst v0  }
0x28: {  	[tilespmem:s5+$0x1000] =	vst v0  }
0x29: {  	[tilespmem:s5+$0x1010] =	vst v0  }
.Ltmp0:
0x2a: {  	[tilespmem:s5+$0x1020] =	vst v0;
	(pc) =	sbr.rel @p0 .LBB2_2-.Ltmp0, $4  }
0x2b: {  	[tilespmem:s5+$0x1030] =	vst v0  }
0x2c: {  	[tilespmem:s5+$0x1040] =	vst v0  }
0x2d: {  	[tilespmem:s5+$0x1050] =	vst v0  }
0x2e: {  	[tilespmem:s5+$0x1060] =	vst v0;
	s5 =	sshra.s32 s25, $0x2;
	s25 =	sadd.s32 $0x200, s25  }
0x2f: {  	[tilespmem:s5+$0x1070] =	vst v0  }
0x30: {  	[tilespmem:s5+$0x1000] =	vst v0  }
0x31: {  	[tilespmem:s5+$0x1010] =	vst v0  }
0x32: {  	[tilespmem:s5+$0x1020] =	vst v0  }
0x33: {  	[tilespmem:s5+$0x1030] =	vst v0  }
0x34: {  	[tilespmem:s5+$0x1040] =	vst v0  }
0x35: {  	[tilespmem:s5+$0x1050] =	vst v0  }
0x36: {  	[tilespmem:s5+$0x1060] =	vst v0;
	s16 =	rddreg [dreg:$0x12]  }
0x37: {  	[spmem:s16] =	stream.linear.scatter [tilespmem:s17], [sflag:$0x1], $0x2000, $0x38;
	[tilespmem:$0x1D000] =	vst v63  }
0x38: {  	s25 =	rddreg [dreg:$0x13]  }
0x39: {  	[spmem:s25] =	stream.linear.scatter [tilespmem:s17], [sflag:$0x1], $0x2000, $0x38;
	[tilespmem:$0x1D000] =	vst v63  }
0x3a: {  	s16 =	rddreg [dreg:$0x14]  }
0x3b: {  	[spmem:s16] =	stream.linear.scatter [tilespmem:s17], [sflag:$0x1], $0x2000, $0x38;
	[tilespmem:$0x1D000] =	vst v63  }
0x3c: {  	s25 =	rddreg [dreg:$0x15]  }
0x3d: {  	[spmem:s25] =	stream.linear.scatter [tilespmem:s17], [sflag:$0x1], $0x2000, $0x38;
	[tilespmem:$0x1D000] =	vst v63  }
0x3e: {  	s16 =	rddreg [dreg:$0x16]  }
0x3f: {  	[spmem:s16] =	stream.linear.scatter [tilespmem:s17], [sflag:$0x1], $0x2000, $0x38;
	[tilespmem:$0x1D000] =	vst v63  }
0x40: {  	s25 =	rddreg [dreg:$0x17]  }
0x41: {  	[spmem:s25] =	stream.linear.scatter [tilespmem:s17], [sflag:$0x1], $0x2000, $0x38;
	[tilespmem:$0x1D000] =	vst v63  }
0x42: {  	s16 =	rddreg [dreg:$0x18]  }
0x43: {  	[spmem:s16] =	stream.linear.scatter [tilespmem:s17], [sflag:$0x1], $0x2000, $0x38;
	[tilespmem:$0x1D000] =	vst v63  }
0x44: {  	s25 =	rddreg [dreg:$0x19]  }
0x45: {  	[spmem:s25] =	stream.linear.scatter [tilespmem:s17], [sflag:$0x1], $0x2000, $0x38;
	[tilespmem:$0x1D000] =	vst v63  }
0x46: {  	s16 =	rddreg [dreg:$0x1a]  }
0x47: {  	[spmem:s16] =	stream.linear.scatter [tilespmem:s17], [sflag:$0x1], $0x2000, $0x38;
	[tilespmem:$0x1D000] =	vst v63  }
0x48: {  	s25 =	rddreg [dreg:$0x1b]  }
0x49: {  	[spmem:s25] =	stream.linear.scatter [tilespmem:s17], [sflag:$0x1], $0x2000, $0x38;
	[tilespmem:$0x1D000] =	vst v63  }
0x4a: {  	_ =	swait.ge [sflag:s18], $0x2000  }
0x4b: {  	[sflag:s18] =	ssyncset.done $0x0  }
0x4c: {  	[sflag:s18] =	ssyncadd.s32 $0xFFFFE000  }
0x4d: {  	_ =	swait.ge [sflag:s18], $0x2000  }
0x4e: {  	[sflag:s18] =	ssyncset.done $0x0  }
0x4f: {  	[sflag:s18] =	ssyncadd.s32 $0xFFFFE000  }
0x50: {  	_ =	swait.ge [sflag:s18], $0x2000  }
0x51: {  	[sflag:s18] =	ssyncset.done $0x0  }
0x52: {  	[sflag:s18] =	ssyncadd.s32 $0xFFFFE000  }
0x53: {  	_ =	swait.ge [sflag:s18], $0x2000  }
0x54: {  	[sflag:s18] =	ssyncset.done $0x0  }
0x55: {  	[sflag:s18] =	ssyncadd.s32 $0xFFFFE000  }
0x56: {  	_ =	swait.ge [sflag:s18], $0x2000  }
0x57: {  	[sflag:s18] =	ssyncset.done $0x0  }
0x58: {  	[sflag:s18] =	ssyncadd.s32 $0xFFFFE000  }
0x59: {  	_ =	swait.ge [sflag:s18], $0x2000  }
0x5a: {  	[sflag:s18] =	ssyncset.done $0x0  }
0x5b: {  	[sflag:s18] =	ssyncadd.s32 $0xFFFFE000  }
0x5c: {  	_ =	swait.ge [sflag:s18], $0x2000  }
0x5d: {  	[sflag:s18] =	ssyncset.done $0x0  }
0x5e: {  	[sflag:s18] =	ssyncadd.s32 $0xFFFFE000  }
0x5f: {  	_ =	swait.ge [sflag:s18], $0x2000  }
0x60: {  	[sflag:s18] =	ssyncset.done $0x0  }
0x61: {  	[sflag:s18] =	ssyncadd.s32 $0xFFFFE000  }
0x62: {  	_ =	swait.ge [sflag:s18], $0x2000  }
0x63: {  	[sflag:s18] =	ssyncset.done $0x0  }
0x64: {  	[sflag:s18] =	ssyncadd.s32 $0xFFFFE000  }
0x65: {  	_ =	swait.ge [sflag:s18], $0x2000  }
0x66: {  	[sflag:s18] =	ssyncset.done $0x0  }
0x67: {  	[sflag:s18] =	ssyncadd.s32 $0xFFFFE000  }
0x68: {  	[bflag:$0x0] =	sbarrier.arrive $0xFFFF  }
0x69: {  	s16 =	rddreg [dreg:$0x4]  }
0x6a: {  	s5 =	sadd.s32 $0x0, s16  }
0x6b: {  	[tilespmem:s4], [sflag:$0x5] =	stream.linear.gather [hbm4b:s5+s4], $0x1000, $0x38;
	[tilespmem:$0x1D000] =	vst v63  }
0x6c: {  	_ =	swait.ge [sflag:s19], $0x1000  }
0x6d: {  	[sflag:s19] =	ssyncset.done $0x0  }
0x6e: {  	[sflag:s19] =	ssyncadd.s32 $0xFFFFF000  }
0x6f: {  	[tilespmem:s17], [sflag:$0x1] =	stream.indirect.gather [hbm4b:s1+s20], $0x80, s4, s20, $0xb8;
	[tilespmem:$0x1D000] =	vst v63  }
0x70: {  	_ = 	snop  }
0x71: {  	[tilespmem:s21], [sflag:$0x2] =	stream.indirect.gather [hbm4b:s1+s20], $0x80, s20, s20, $0xb8;
	[tilespmem:$0x1D000] =	vst v63  }
0x72: {  	_ =	swait.ge [sflag:s18], $0x4000  }
0x73: {  	[sflag:s18] =	ssyncset.done $0x0  }
0x74: {  	s25 =	rddreg [dreg:$0x5];
	[sflag:s18] =	ssyncadd.s32 $0xFFFFC000  }
0x75: {  	[spmem:s2] =	stream.indirect.scatter.add.f32 [tilespmem:s17], [sflag:$0x3], $0x80, s25, s20, $0xb8;
	[tilespmem:$0x1D000] =	vst v63  }
0x76: {  	_ =	swait.ge [sflag:s22], $0x4000  }
0x77: {  	[sflag:s22] =	ssyncset.done $0x0  }
0x78: {  	s16 =	rddreg [dreg:$0x6];
	[sflag:s22] =	ssyncadd.s32 $0xFFFFC000  }
0x79: {  	[tilespmem:s17], [sflag:$0x1] =	stream.indirect.gather [hbm4b:s1+s20], $0x80, s16, s20, $0xb8;
	[tilespmem:$0x1D000] =	vst v63  }
0x7a: {  	_ =	swait.ge [sflag:s23], $0x4000  }
0x7b: {  	[sflag:s23] =	ssyncset.done $0x0  }
0x7c: {  	s25 =	rddreg [dreg:$0x7];
	[sflag:s23] =	ssyncadd.s32 $0xFFFFC000  }
0x7d: {  	[spmem:s2] =	stream.indirect.scatter.add.f32 [tilespmem:s21], [sflag:$0x4], $0x80, s25, s20, $0xb8;
	[tilespmem:$0x1D000] =	vst v63  }
0x7e: {  	_ =	swait.ge [sflag:s24], $0x4000  }
0x7f: {  	[sflag:s24] =	ssyncset.done $0x0  }
0x80: {  	s16 =	rddreg [dreg:$0x8];
	[sflag:s24] =	ssyncadd.s32 $0xFFFFC000  }
0x81: {  	[tilespmem:s21], [sflag:$0x2] =	stream.indirect.gather [hbm4b:s1+s20], $0x80, s16, s20, $0xb8;
	[tilespmem:$0x1D000] =	vst v63  }
0x82: {  	_ =	swait.ge [sflag:s18], $0x4000  }
0x83: {  	[sflag:s18] =	ssyncset.done $0x0  }
0x84: {  	s25 =	rddreg [dreg:$0x9];
	[sflag:s18] =	ssyncadd.s32 $0xFFFFC000  }
0x85: {  	[spmem:s2] =	stream.indirect.scatter.add.f32 [tilespmem:s17], [sflag:$0x3], $0x80, s25, s20, $0xb8;
	[tilespmem:$0x1D000] =	vst v63  }
0x86: {  	_ =	swait.ge [sflag:s22], $0x4000  }
0x87: {  	[sflag:s22] =	ssyncset.done $0x0  }
0x88: {  	s16 =	rddreg [dreg:$0xa];
	[sflag:s22] =	ssyncadd.s32 $0xFFFFC000  }
0x89: {  	[tilespmem:s17], [sflag:$0x1] =	stream.indirect.gather [hbm4b:s1+s20], $0x80, s16, s20, $0xb8;
	[tilespmem:$0x1D000] =	vst v63  }
0x8a: {  	_ =	swait.ge [sflag:s23], $0x4000  }
0x8b: {  	[sflag:s23] =	ssyncset.done $0x0  }
0x8c: {  	s25 =	rddreg [dreg:$0xb];
	[sflag:s23] =	ssyncadd.s32 $0xFFFFC000  }
0x8d: {  	[spmem:s2] =	stream.indirect.scatter.add.f32 [tilespmem:s21], [sflag:$0x4], $0x80, s25, s20, $0xb8;
	[tilespmem:$0x1D000] =	vst v63  }
0x8e: {  	_ =	swait.ge [sflag:s24], $0x4000  }
0x8f: {  	[sflag:s24] =	ssyncset.done $0x0  }
0x90: {  	s16 =	rddreg [dreg:$0xc];
	[sflag:s24] =	ssyncadd.s32 $0xFFFFC000  }
0x91: {  	[tilespmem:s21], [sflag:$0x2] =	stream.indirect.gather [hbm4b:s1+s20], $0x80, s16, s20, $0xb8;
	[tilespmem:$0x1D000] =	vst v63  }
0x92: {  	_ =	swait.ge [sflag:s18], $0x4000  }
0x93: {  	[sflag:s18] =	ssyncset.done $0x0  }
0x94: {  	s25 =	rddreg [dreg:$0xd];
	[sflag:s18] =	ssyncadd.s32 $0xFFFFC000  }
0x95: {  	[spmem:s2] =	stream.indirect.scatter.add.f32 [tilespmem:s17], [sflag:$0x3], $0x80, s25, s20, $0xb8;
	[tilespmem:$0x1D000] =	vst v63  }
0x96: {  	_ =	swait.ge [sflag:s22], $0x4000  }
0x97: {  	[sflag:s22] =	ssyncset.done $0x0  }
0x98: {  	s16 =	rddreg [dreg:$0xe];
	[sflag:s22] =	ssyncadd.s32 $0xFFFFC000  }
0x99: {  	[tilespmem:s17], [sflag:$0x1] =	stream.indirect.gather [hbm4b:s1+s20], $0x80, s16, s20, $0xb8;
	[tilespmem:$0x1D000] =	vst v63  }
0x9a: {  	_ =	swait.ge [sflag:s23], $0x4000  }
0x9b: {  	[sflag:s23] =	ssyncset.done $0x0  }
0x9c: {  	s25 =	rddreg [dreg:$0xf];
	[sflag:s23] =	ssyncadd.s32 $0xFFFFC000  }
0x9d: {  	[spmem:s2] =	stream.indirect.scatter.add.f32 [tilespmem:s21], [sflag:$0x4], $0x80, s25, s20, $0xb8;
	[tilespmem:$0x1D000] =	vst v63  }
0x9e: {  	_ =	swait.ge [sflag:s24], $0x4000  }
0x9f: {  	[sflag:s24] =	ssyncset.done $0x0  }
0xa0: {  	s16 =	rddreg [dreg:$0x10];
	[sflag:s24] =	ssyncadd.s32 $0xFFFFC000  }
0xa1: {  	[tilespmem:s21], [sflag:$0x2] =	stream.indirect.gather [hbm4b:s1+s20], $0x80, s16, s20, $0xb8;
	[tilespmem:$0x1D000] =	vst v63  }
0xa2: {  	_ =	swait.ge [sflag:s18], $0x4000  }
0xa3: {  	[sflag:s18] =	ssyncset.done $0x0  }
0xa4: {  	s25 =	rddreg [dreg:$0x11];
	[sflag:s18] =	ssyncadd.s32 $0xFFFFC000  }
0xa5: {  	[spmem:s2] =	stream.indirect.scatter.add.f32 [tilespmem:s17], [sflag:$0x3], $0x80, s25, s20, $0xb8;
	[tilespmem:$0x1D000] =	vst v63  }
0xa6: {  	_ =	swait.ge [sflag:s22], $0x4000  }
0xa7: {  	[sflag:s22] =	ssyncset.done $0x0  }
0xa8: {  	[sflag:s22] =	ssyncadd.s32 $0xFFFFC000  }
0xa9: {  	[tilespmem:s17], [sflag:$0x1] =	stream.indirect.gather [hbm4b:s1+s20], $0x80, s26, s20, $0xb8;
	[tilespmem:$0x1D000] =	vst v63  }
0xaa: {  	_ =	swait.ge [sflag:s23], $0x4000  }
0xab: {  	[sflag:s23] =	ssyncset.done $0x0  }
0xac: {  	[sflag:s23] =	ssyncadd.s32 $0xFFFFC000  }
0xad: {  	[spmem:s2] =	stream.indirect.scatter.add.f32 [tilespmem:s21], [sflag:$0x4], $0x80, s28, s20, $0xb8;
	[tilespmem:$0x1D000] =	vst v63  }
0xae: {  	_ =	swait.ge [sflag:s24], $0x4000  }
0xaf: {  	[sflag:s24] =	ssyncset.done $0x0  }
0xb0: {  	[sflag:s24] =	ssyncadd.s32 $0xFFFFC000  }
0xb1: {  	[tilespmem:s21], [sflag:$0x2] =	stream.indirect.gather [hbm4b:s1+s20], $0x80, s29, s20, $0xb8;
	[tilespmem:$0x1D000] =	vst v63  }
0xb2: {  	_ =	swait.ge [sflag:s18], $0x4000  }
0xb3: {  	[sflag:s18] =	ssyncset.done $0x0  }
0xb4: {  	[sflag:s18] =	ssyncadd.s32 $0xFFFFC000  }
0xb5: {  	[spmem:s2] =	stream.indirect.scatter.add.f32 [tilespmem:s17], [sflag:$0x3], $0x80, s30, s20, $0xb8;
	[tilespmem:$0x1D000] =	vst v63  }
0xb6: {  	_ =	swait.ge [sflag:s22], $0x4000  }
0xb7: {  	[sflag:s22] =	ssyncset.done $0x0  }
0xb8: {  	[sflag:s22] =	ssyncadd.s32 $0xFFFFC000  }
0xb9: {  	[tilespmem:s17], [sflag:$0x1] =	stream.indirect.gather [hbm4b:s1+s20], $0x80, s31, s20, $0xb8;
	[tilespmem:$0x1D000] =	vst v63  }
0xba: {  	_ =	swait.ge [sflag:s23], $0x4000  }
0xbb: {  	[sflag:s23] =	ssyncset.done $0x0  }
0xbc: {  	[sflag:s23] =	ssyncadd.s32 $0xFFFFC000  }
0xbd: {  	[spmem:s2] =	stream.indirect.scatter.add.f32 [tilespmem:s21], [sflag:$0x4], $0x80, s0, s20, $0xb8;
	[tilespmem:$0x1D000] =	vst v63  }
0xbe: {  	_ =	swait.ge [sflag:s24], $0x4000  }
0xbf: {  	[sflag:s24] =	ssyncset.done $0x0  }
0xc0: {  	[sflag:s24] =	ssyncadd.s32 $0xFFFFC000  }
0xc1: {  	[tilespmem:s21], [sflag:$0x2] =	stream.indirect.gather [hbm4b:s1+s20], $0x80, s3, s20, $0xb8;
	[tilespmem:$0x1D000] =	vst v63  }
0xc2: {  	_ =	swait.ge [sflag:s18], $0x4000  }
0xc3: {  	[sflag:s18] =	ssyncset.done $0x0  }
0xc4: {  	[sflag:s18] =	ssyncadd.s32 $0xFFFFC000  }
0xc5: {  	[spmem:s2] =	stream.indirect.scatter.add.f32 [tilespmem:s17], [sflag:$0x3], $0x80, s6, s20, $0xb8;
	[tilespmem:$0x1D000] =	vst v63  }
0xc6: {  	_ =	swait.ge [sflag:s22], $0x4000  }
0xc7: {  	[sflag:s22] =	ssyncset.done $0x0  }
0xc8: {  	[sflag:s22] =	ssyncadd.s32 $0xFFFFC000  }
0xc9: {  	[tilespmem:s17], [sflag:$0x1] =	stream.indirect.gather [hbm4b:s1+s20], $0x80, s7, s20, $0xb8;
	[tilespmem:$0x1D000] =	vst v63  }
0xca: {  	_ =	swait.ge [sflag:s23], $0x4000  }
0xcb: {  	[sflag:s23] =	ssyncset.done $0x0  }
0xcc: {  	[sflag:s23] =	ssyncadd.s32 $0xFFFFC000  }
0xcd: {  	[spmem:s2] =	stream.indirect.scatter.add.f32 [tilespmem:s21], [sflag:$0x4], $0x80, s8, s20, $0xb8;
	[tilespmem:$0x1D000] =	vst v63  }
0xce: {  	_ =	swait.ge [sflag:s24], $0x4000  }
0xcf: {  	[sflag:s24] =	ssyncset.done $0x0  }
0xd0: {  	[sflag:s24] =	ssyncadd.s32 $0xFFFFC000  }
0xd1: {  	[tilespmem:s21], [sflag:$0x2] =	stream.indirect.gather [hbm4b:s1+s20], $0x80, s9, s20, $0xb8;
	[tilespmem:$0x1D000] =	vst v63  }
0xd2: {  	_ =	swait.ge [sflag:s18], $0x4000  }
0xd3: {  	[sflag:s18] =	ssyncset.done $0x0  }
0xd4: {  	[sflag:s18] =	ssyncadd.s32 $0xFFFFC000  }
0xd5: {  	[spmem:s2] =	stream.indirect.scatter.add.f32 [tilespmem:s17], [sflag:$0x3], $0x80, s10, s20, $0xb8;
	[tilespmem:$0x1D000] =	vst v63  }
0xd6: {  	_ =	swait.ge [sflag:s22], $0x4000  }
0xd7: {  	[sflag:s22] =	ssyncset.done $0x0  }
0xd8: {  	[sflag:s22] =	ssyncadd.s32 $0xFFFFC000  }
0xd9: {  	[tilespmem:s17], [sflag:$0x1] =	stream.indirect.gather [hbm4b:s1+s20], $0x80, s11, s20, $0xb8;
	[tilespmem:$0x1D000] =	vst v63  }
0xda: {  	_ =	swait.ge [sflag:s23], $0x4000  }
0xdb: {  	[sflag:s23] =	ssyncset.done $0x0  }
0xdc: {  	[sflag:s23] =	ssyncadd.s32 $0xFFFFC000  }
0xdd: {  	[spmem:s2] =	stream.indirect.scatter.add.f32 [tilespmem:s21], [sflag:$0x4], $0x80, s12, s20, $0xb8;
	[tilespmem:$0x1D000] =	vst v63  }
0xde: {  	_ =	swait.ge [sflag:s24], $0x4000  }
0xdf: {  	[sflag:s24] =	ssyncset.done $0x0  }
0xe0: {  	[sflag:s24] =	ssyncadd.s32 $0xFFFFC000  }
0xe1: {  	[tilespmem:s21], [sflag:$0x2] =	stream.indirect.gather [hbm4b:s1+s20], $0x80, s13, s20, $0xb8;
	[tilespmem:$0x1D000] =	vst v63  }
0xe2: {  	_ =	swait.ge [sflag:s18], $0x4000  }
0xe3: {  	[sflag:s18] =	ssyncset.done $0x0  }
0xe4: {  	[sflag:s18] =	ssyncadd.s32 $0xFFFFC000  }
0xe5: {  	[spmem:s2] =	stream.indirect.scatter.add.f32 [tilespmem:s17], [sflag:$0x3], $0x80, s14, s20, $0xb8;
	[tilespmem:$0x1D000] =	vst v63  }
0xe6: {  	_ =	swait.ge [sflag:s23], $0x4000  }
0xe7: {  	[sflag:s23] =	ssyncset.done $0x0  }
0xe8: {  	[sflag:s23] =	ssyncadd.s32 $0xFFFFC000  }
0xe9: {  	[spmem:s2] =	stream.indirect.scatter.add.f32 [tilespmem:s21], [sflag:$0x4], $0x80, s15, s20, $0xb8;
	[tilespmem:$0x1D000] =	vst v63  }
0xea: {  	_ =	swait.ge [sflag:s22], $0x4000  }
0xeb: {  	[sflag:s22] =	ssyncset.done $0x0  }
0xec: {  	[sflag:s22] =	ssyncadd.s32 $0xFFFFC000  }
0xed: {  	s5 =	simm.s32 $0x400;
	_ =	swait.ge [sflag:s24], $0x4000  }
0xee: {  	s25 =	simm.s32 $0x200;
	s16 =	rddreg [dreg:$0x4];
	[sflag:s24] =	ssyncset.done $0x0  }
.LBB2_4:
0xef: {  	[sflag:s24] =	ssyncadd.s32 $0xFFFFC000;
	s16 =	sadd.s32 s25, s16  }
0xf0: {  	[tilespmem:s4], [sflag:$0x5] =	stream.linear.gather [hbm4b:s16+s4], $0x1000, $0x38;
	[tilespmem:$0x1D000] =	vst v63  }
0xf1: {  	_ =	swait.ge [sflag:s19], $0x1000  }
0xf2: {  	[sflag:s19] =	ssyncset.done $0x0  }
0xf3: {  	[sflag:s19] =	ssyncadd.s32 $0xFFFFF000  }
0xf4: {  	[tilespmem:s17], [sflag:$0x1] =	stream.indirect.gather [hbm4b:s1+s20], $0x80, s4, s20, $0xb8;
	[tilespmem:$0x1D000] =	vst v63  }
0xf5: {  	_ = 	snop  }
0xf6: {  	[tilespmem:s21], [sflag:$0x2] =	stream.indirect.gather [hbm4b:s1+s20], $0x80, s20, s20, $0xb8;
	[tilespmem:$0x1D000] =	vst v63  }
0xf7: {  	_ =	swait.ge [sflag:s18], $0x4000  }
0xf8: {  	[sflag:s18] =	ssyncset.done $0x0  }
0xf9: {  	s16 =	rddreg [dreg:$0x5];
	[sflag:s18] =	ssyncadd.s32 $0xFFFFC000  }
0xfa: {  	[spmem:s2] =	stream.indirect.scatter.add.f32 [tilespmem:s17], [sflag:$0x3], $0x80, s16, s20, $0xb8;
	[tilespmem:$0x1D000] =	vst v63  }
0xfb: {  	_ =	swait.ge [sflag:s22], $0x4000  }
0xfc: {  	[sflag:s22] =	ssyncset.done $0x0  }
0xfd: {  	s16 =	rddreg [dreg:$0x6];
	[sflag:s22] =	ssyncadd.s32 $0xFFFFC000  }
0xfe: {  	[tilespmem:s17], [sflag:$0x1] =	stream.indirect.gather [hbm4b:s1+s20], $0x80, s16, s20, $0xb8;
	[tilespmem:$0x1D000] =	vst v63  }
0xff: {  	_ =	swait.ge [sflag:s23], $0x4000  }
0x100: {  	[sflag:s23] =	ssyncset.done $0x0  }
0x101: {  	s16 =	rddreg [dreg:$0x7];
	[sflag:s23] =	ssyncadd.s32 $0xFFFFC000  }
0x102: {  	[spmem:s2] =	stream.indirect.scatter.add.f32 [tilespmem:s21], [sflag:$0x4], $0x80, s16, s20, $0xb8;
	[tilespmem:$0x1D000] =	vst v63  }
0x103: {  	_ =	swait.ge [sflag:s24], $0x4000  }
0x104: {  	[sflag:s24] =	ssyncset.done $0x0  }
0x105: {  	s16 =	rddreg [dreg:$0x8];
	[sflag:s24] =	ssyncadd.s32 $0xFFFFC000  }
0x106: {  	[tilespmem:s21], [sflag:$0x2] =	stream.indirect.gather [hbm4b:s1+s20], $0x80, s16, s20, $0xb8;
	[tilespmem:$0x1D000] =	vst v63  }
0x107: {  	_ =	swait.ge [sflag:s18], $0x4000  }
0x108: {  	[sflag:s18] =	ssyncset.done $0x0  }
0x109: {  	s16 =	rddreg [dreg:$0x9];
	[sflag:s18] =	ssyncadd.s32 $0xFFFFC000  }
0x10a: {  	[spmem:s2] =	stream.indirect.scatter.add.f32 [tilespmem:s17], [sflag:$0x3], $0x80, s16, s20, $0xb8;
	[tilespmem:$0x1D000] =	vst v63  }
0x10b: {  	_ =	swait.ge [sflag:s22], $0x4000  }
0x10c: {  	[sflag:s22] =	ssyncset.done $0x0  }
0x10d: {  	s16 =	rddreg [dreg:$0xa];
	[sflag:s22] =	ssyncadd.s32 $0xFFFFC000  }
0x10e: {  	[tilespmem:s17], [sflag:$0x1] =	stream.indirect.gather [hbm4b:s1+s20], $0x80, s16, s20, $0xb8;
	[tilespmem:$0x1D000] =	vst v63  }
0x10f: {  	_ =	swait.ge [sflag:s23], $0x4000  }
0x110: {  	[sflag:s23] =	ssyncset.done $0x0  }
0x111: {  	s16 =	rddreg [dreg:$0xb];
	[sflag:s23] =	ssyncadd.s32 $0xFFFFC000  }
0x112: {  	[spmem:s2] =	stream.indirect.scatter.add.f32 [tilespmem:s21], [sflag:$0x4], $0x80, s16, s20, $0xb8;
	[tilespmem:$0x1D000] =	vst v63  }
0x113: {  	_ =	swait.ge [sflag:s24], $0x4000  }
0x114: {  	[sflag:s24] =	ssyncset.done $0x0  }
0x115: {  	s16 =	rddreg [dreg:$0xc];
	[sflag:s24] =	ssyncadd.s32 $0xFFFFC000  }
0x116: {  	[tilespmem:s21], [sflag:$0x2] =	stream.indirect.gather [hbm4b:s1+s20], $0x80, s16, s20, $0xb8;
	[tilespmem:$0x1D000] =	vst v63  }
0x117: {  	_ =	swait.ge [sflag:s18], $0x4000  }
0x118: {  	[sflag:s18] =	ssyncset.done $0x0  }
0x119: {  	s16 =	rddreg [dreg:$0xd];
	[sflag:s18] =	ssyncadd.s32 $0xFFFFC000  }
0x11a: {  	[spmem:s2] =	stream.indirect.scatter.add.f32 [tilespmem:s17], [sflag:$0x3], $0x80, s16, s20, $0xb8;
	[tilespmem:$0x1D000] =	vst v63  }
0x11b: {  	_ =	swait.ge [sflag:s22], $0x4000  }
0x11c: {  	[sflag:s22] =	ssyncset.done $0x0  }
0x11d: {  	s16 =	rddreg [dreg:$0xe];
	[sflag:s22] =	ssyncadd.s32 $0xFFFFC000  }
0x11e: {  	[tilespmem:s17], [sflag:$0x1] =	stream.indirect.gather [hbm4b:s1+s20], $0x80, s16, s20, $0xb8;
	[tilespmem:$0x1D000] =	vst v63  }
0x11f: {  	_ =	swait.ge [sflag:s23], $0x4000  }
0x120: {  	[sflag:s23] =	ssyncset.done $0x0  }
0x121: {  	s16 =	rddreg [dreg:$0xf];
	[sflag:s23] =	ssyncadd.s32 $0xFFFFC000  }
0x122: {  	[spmem:s2] =	stream.indirect.scatter.add.f32 [tilespmem:s21], [sflag:$0x4], $0x80, s16, s20, $0xb8;
	[tilespmem:$0x1D000] =	vst v63  }
0x123: {  	_ =	swait.ge [sflag:s24], $0x4000  }
0x124: {  	[sflag:s24] =	ssyncset.done $0x0  }
0x125: {  	s16 =	rddreg [dreg:$0x10];
	[sflag:s24] =	ssyncadd.s32 $0xFFFFC000  }
0x126: {  	[tilespmem:s21], [sflag:$0x2] =	stream.indirect.gather [hbm4b:s1+s20], $0x80, s16, s20, $0xb8;
	[tilespmem:$0x1D000] =	vst v63  }
0x127: {  	_ =	swait.ge [sflag:s18], $0x4000  }
0x128: {  	[sflag:s18] =	ssyncset.done $0x0  }
0x129: {  	s16 =	rddreg [dreg:$0x11];
	[sflag:s18] =	ssyncadd.s32 $0xFFFFC000  }
0x12a: {  	[spmem:s2] =	stream.indirect.scatter.add.f32 [tilespmem:s17], [sflag:$0x3], $0x80, s16, s20, $0xb8;
	[tilespmem:$0x1D000] =	vst v63  }
0x12b: {  	_ =	swait.ge [sflag:s22], $0x4000  }
0x12c: {  	s26 =	smov.u32 s5;
	[sflag:s22] =	ssyncset.done $0x0  }
0x12d: {  	s25 =	smov.u32 s26;
	s26 =	simm.s32 $0x800;
	[sflag:s22] =	ssyncadd.s32 $0xFFFFC000  }
0x12e: {  	[tilespmem:s17], [sflag:$0x1] =	stream.indirect.gather [hbm4b:s1+s20], $0x80, s26, s20, $0xb8;
	[tilespmem:$0x1D000] =	vst v63  }
0x12f: {  	_ =	swait.ge [sflag:s23], $0x4000  }
0x130: {  	[sflag:s23] =	ssyncset.done $0x0  }
0x131: {  	[sflag:s23] =	ssyncadd.s32 $0xFFFFC000  }
0x132: {  	[spmem:s2] =	stream.indirect.scatter.add.f32 [tilespmem:s21], [sflag:$0x4], $0x80, s28, s20, $0xb8;
	[tilespmem:$0x1D000] =	vst v63  }
0x133: {  	_ =	swait.ge [sflag:s24], $0x4000  }
0x134: {  	[sflag:s24] =	ssyncset.done $0x0  }
0x135: {  	[sflag:s24] =	ssyncadd.s32 $0xFFFFC000  }
0x136: {  	[tilespmem:s21], [sflag:$0x2] =	stream.indirect.gather [hbm4b:s1+s20], $0x80, s29, s20, $0xb8;
	[tilespmem:$0x1D000] =	vst v63  }
0x137: {  	_ =	swait.ge [sflag:s18], $0x4000  }
0x138: {  	[sflag:s18] =	ssyncset.done $0x0  }
0x139: {  	[sflag:s18] =	ssyncadd.s32 $0xFFFFC000  }
0x13a: {  	[spmem:s2] =	stream.indirect.scatter.add.f32 [tilespmem:s17], [sflag:$0x3], $0x80, s30, s20, $0xb8;
	[tilespmem:$0x1D000] =	vst v63  }
0x13b: {  	_ =	swait.ge [sflag:s22], $0x4000  }
0x13c: {  	[sflag:s22] =	ssyncset.done $0x0  }
0x13d: {  	[sflag:s22] =	ssyncadd.s32 $0xFFFFC000  }
0x13e: {  	[tilespmem:s17], [sflag:$0x1] =	stream.indirect.gather [hbm4b:s1+s20], $0x80, s31, s20, $0xb8;
	[tilespmem:$0x1D000] =	vst v63  }
0x13f: {  	_ =	swait.ge [sflag:s23], $0x4000  }
0x140: {  	[sflag:s23] =	ssyncset.done $0x0  }
0x141: {  	[sflag:s23] =	ssyncadd.s32 $0xFFFFC000  }
0x142: {  	[spmem:s2] =	stream.indirect.scatter.add.f32 [tilespmem:s21], [sflag:$0x4], $0x80, s0, s20, $0xb8;
	[tilespmem:$0x1D000] =	vst v63  }
0x143: {  	_ =	swait.ge [sflag:s24], $0x4000  }
0x144: {  	[sflag:s24] =	ssyncset.done $0x0  }
0x145: {  	[sflag:s24] =	ssyncadd.s32 $0xFFFFC000  }
0x146: {  	[tilespmem:s21], [sflag:$0x2] =	stream.indirect.gather [hbm4b:s1+s20], $0x80, s3, s20, $0xb8;
	[tilespmem:$0x1D000] =	vst v63  }
0x147: {  	_ =	swait.ge [sflag:s18], $0x4000  }
0x148: {  	[sflag:s18] =	ssyncset.done $0x0  }
0x149: {  	[sflag:s18] =	ssyncadd.s32 $0xFFFFC000  }
0x14a: {  	[spmem:s2] =	stream.indirect.scatter.add.f32 [tilespmem:s17], [sflag:$0x3], $0x80, s6, s20, $0xb8;
	[tilespmem:$0x1D000] =	vst v63  }
0x14b: {  	_ =	swait.ge [sflag:s22], $0x4000  }
0x14c: {  	[sflag:s22] =	ssyncset.done $0x0  }
0x14d: {  	[sflag:s22] =	ssyncadd.s32 $0xFFFFC000  }
0x14e: {  	[tilespmem:s17], [sflag:$0x1] =	stream.indirect.gather [hbm4b:s1+s20], $0x80, s7, s20, $0xb8;
	[tilespmem:$0x1D000] =	vst v63  }
0x14f: {  	_ =	swait.ge [sflag:s23], $0x4000  }
0x150: {  	[sflag:s23] =	ssyncset.done $0x0  }
0x151: {  	[sflag:s23] =	ssyncadd.s32 $0xFFFFC000  }
0x152: {  	[spmem:s2] =	stream.indirect.scatter.add.f32 [tilespmem:s21], [sflag:$0x4], $0x80, s8, s20, $0xb8;
	[tilespmem:$0x1D000] =	vst v63  }
0x153: {  	_ =	swait.ge [sflag:s24], $0x4000  }
0x154: {  	[sflag:s24] =	ssyncset.done $0x0  }
0x155: {  	[sflag:s24] =	ssyncadd.s32 $0xFFFFC000  }
0x156: {  	[tilespmem:s21], [sflag:$0x2] =	stream.indirect.gather [hbm4b:s1+s20], $0x80, s9, s20, $0xb8;
	[tilespmem:$0x1D000] =	vst v63  }
0x157: {  	_ =	swait.ge [sflag:s18], $0x4000  }
0x158: {  	[sflag:s18] =	ssyncset.done $0x0  }
0x159: {  	[sflag:s18] =	ssyncadd.s32 $0xFFFFC000  }
0x15a: {  	[spmem:s2] =	stream.indirect.scatter.add.f32 [tilespmem:s17], [sflag:$0x3], $0x80, s10, s20, $0xb8;
	[tilespmem:$0x1D000] =	vst v63  }
0x15b: {  	_ =	swait.ge [sflag:s22], $0x4000  }
0x15c: {  	[sflag:s22] =	ssyncset.done $0x0  }
0x15d: {  	[sflag:s22] =	ssyncadd.s32 $0xFFFFC000  }
0x15e: {  	[tilespmem:s17], [sflag:$0x1] =	stream.indirect.gather [hbm4b:s1+s20], $0x80, s11, s20, $0xb8;
	[tilespmem:$0x1D000] =	vst v63  }
0x15f: {  	_ =	swait.ge [sflag:s23], $0x4000  }
0x160: {  	[sflag:s23] =	ssyncset.done $0x0  }
0x161: {  	[sflag:s23] =	ssyncadd.s32 $0xFFFFC000  }
0x162: {  	[spmem:s2] =	stream.indirect.scatter.add.f32 [tilespmem:s21], [sflag:$0x4], $0x80, s12, s20, $0xb8;
	[tilespmem:$0x1D000] =	vst v63  }
0x163: {  	_ =	swait.ge [sflag:s24], $0x4000  }
0x164: {  	[sflag:s24] =	ssyncset.done $0x0  }
0x165: {  	[sflag:s24] =	ssyncadd.s32 $0xFFFFC000  }
0x166: {  	[tilespmem:s21], [sflag:$0x2] =	stream.indirect.gather [hbm4b:s1+s20], $0x80, s13, s20, $0xb8;
	[tilespmem:$0x1D000] =	vst v63  }
0x167: {  	_ =	swait.ge [sflag:s18], $0x4000  }
0x168: {  	[sflag:s18] =	ssyncset.done $0x0  }
0x169: {  	[sflag:s18] =	ssyncadd.s32 $0xFFFFC000  }
0x16a: {  	[spmem:s2] =	stream.indirect.scatter.add.f32 [tilespmem:s17], [sflag:$0x3], $0x80, s14, s20, $0xb8;
	[tilespmem:$0x1D000] =	vst v63  }
0x16b: {  	_ =	swait.ge [sflag:s23], $0x4000  }
0x16c: {  	[sflag:s23] =	ssyncset.done $0x0  }
0x16d: {  	p0 =	sne.s32 s5, $0x800;
	[sflag:s23] =	ssyncadd.s32 $0xFFFFC000  }
0x16e: {  	[spmem:s2] =	stream.indirect.scatter.add.f32 [tilespmem:s21], [sflag:$0x4], $0x80, s15, s20, $0xb8;
	[tilespmem:$0x1D000] =	vst v63  }
.Ltmp1:
0x16f: {  	_ =	swait.ge [sflag:s22], $0x4000;
	(pc) =	sbr.rel @p0 .LBB2_4-.Ltmp1, $4  }
0x170: {  	[sflag:s22] =	ssyncset.done $0x0  }
0x171: {  	[sflag:s22] =	ssyncadd.s32 $0xFFFFC000  }
0x172: {  	_ =	swait.ge [sflag:s24], $0x4000  }
0x173: {  	s5 =	sadd.s32 $0x200, s5;
	s16 =	rddreg [dreg:$0x4];
	[sflag:s24] =	ssyncset.done $0x0  }
0x174: {  	s5 =	sadd.s32 s25, s16;
	[sflag:s24] =	ssyncadd.s32 $0xFFFFC000  }
0x175: {  	[tilespmem:s4], [sflag:$0x5] =	stream.linear.gather [hbm4b:s5+s4], $0x1000, $0x38;
	[tilespmem:$0x1D000] =	vst v63  }
0x176: {  	_ =	swait.ge [sflag:s19], $0x1000  }
0x177: {  	[sflag:s19] =	ssyncset.done $0x0  }
0x178: {  	[sflag:s19] =	ssyncadd.s32 $0xFFFFF000  }
0x179: {  	[tilespmem:s17], [sflag:$0x1] =	stream.indirect.gather [hbm4b:s1+s20], $0x80, s4, s20, $0xb8;
	[tilespmem:$0x1D000] =	vst v63  }
0x17a: {  	_ = 	snop  }
0x17b: {  	[tilespmem:s21], [sflag:$0x2] =	stream.indirect.gather [hbm4b:s1+s20], $0x80, s20, s20, $0xb8;
	[tilespmem:$0x1D000] =	vst v63  }
0x17c: {  	_ =	swait.ge [sflag:s18], $0x4000  }
0x17d: {  	[sflag:s18] =	ssyncset.done $0x0  }
0x17e: {  	s16 =	rddreg [dreg:$0x5];
	[sflag:s18] =	ssyncadd.s32 $0xFFFFC000  }
0x17f: {  	[spmem:s2] =	stream.indirect.scatter.add.f32 [tilespmem:s17], [sflag:$0x3], $0x80, s16, s20, $0xb8;
	[tilespmem:$0x1D000] =	vst v63  }
0x180: {  	_ =	swait.ge [sflag:s22], $0x4000  }
0x181: {  	[sflag:s22] =	ssyncset.done $0x0  }
0x182: {  	s25 =	rddreg [dreg:$0x6];
	[sflag:s22] =	ssyncadd.s32 $0xFFFFC000  }
0x183: {  	[tilespmem:s17], [sflag:$0x1] =	stream.indirect.gather [hbm4b:s1+s20], $0x80, s25, s20, $0xb8;
	[tilespmem:$0x1D000] =	vst v63  }
0x184: {  	_ =	swait.ge [sflag:s23], $0x4000  }
0x185: {  	[sflag:s23] =	ssyncset.done $0x0  }
0x186: {  	s16 =	rddreg [dreg:$0x7];
	[sflag:s23] =	ssyncadd.s32 $0xFFFFC000  }
0x187: {  	[spmem:s2] =	stream.indirect.scatter.add.f32 [tilespmem:s21], [sflag:$0x4], $0x80, s16, s20, $0xb8;
	[tilespmem:$0x1D000] =	vst v63  }
0x188: {  	_ =	swait.ge [sflag:s24], $0x4000  }
0x189: {  	[sflag:s24] =	ssyncset.done $0x0  }
0x18a: {  	s25 =	rddreg [dreg:$0x8];
	[sflag:s24] =	ssyncadd.s32 $0xFFFFC000  }
0x18b: {  	[tilespmem:s21], [sflag:$0x2] =	stream.indirect.gather [hbm4b:s1+s20], $0x80, s25, s20, $0xb8;
	[tilespmem:$0x1D000] =	vst v63  }
0x18c: {  	_ =	swait.ge [sflag:s18], $0x4000  }
0x18d: {  	[sflag:s18] =	ssyncset.done $0x0  }
0x18e: {  	s16 =	rddreg [dreg:$0x9];
	[sflag:s18] =	ssyncadd.s32 $0xFFFFC000  }
0x18f: {  	[spmem:s2] =	stream.indirect.scatter.add.f32 [tilespmem:s17], [sflag:$0x3], $0x80, s16, s20, $0xb8;
	[tilespmem:$0x1D000] =	vst v63  }
0x190: {  	_ =	swait.ge [sflag:s22], $0x4000  }
0x191: {  	[sflag:s22] =	ssyncset.done $0x0  }
0x192: {  	s25 =	rddreg [dreg:$0xa];
	[sflag:s22] =	ssyncadd.s32 $0xFFFFC000  }
0x193: {  	[tilespmem:s17], [sflag:$0x1] =	stream.indirect.gather [hbm4b:s1+s20], $0x80, s25, s20, $0xb8;
	[tilespmem:$0x1D000] =	vst v63  }
0x194: {  	_ =	swait.ge [sflag:s23], $0x4000  }
0x195: {  	[sflag:s23] =	ssyncset.done $0x0  }
0x196: {  	s16 =	rddreg [dreg:$0xb];
	[sflag:s23] =	ssyncadd.s32 $0xFFFFC000  }
0x197: {  	[spmem:s2] =	stream.indirect.scatter.add.f32 [tilespmem:s21], [sflag:$0x4], $0x80, s16, s20, $0xb8;
	[tilespmem:$0x1D000] =	vst v63  }
0x198: {  	_ =	swait.ge [sflag:s24], $0x4000  }
0x199: {  	[sflag:s24] =	ssyncset.done $0x0  }
0x19a: {  	s25 =	rddreg [dreg:$0xc];
	[sflag:s24] =	ssyncadd.s32 $0xFFFFC000  }
0x19b: {  	[tilespmem:s21], [sflag:$0x2] =	stream.indirect.gather [hbm4b:s1+s20], $0x80, s25, s20, $0xb8;
	[tilespmem:$0x1D000] =	vst v63  }
0x19c: {  	_ =	swait.ge [sflag:s18], $0x4000  }
0x19d: {  	[sflag:s18] =	ssyncset.done $0x0  }
0x19e: {  	s16 =	rddreg [dreg:$0xd];
	[sflag:s18] =	ssyncadd.s32 $0xFFFFC000  }
0x19f: {  	[spmem:s2] =	stream.indirect.scatter.add.f32 [tilespmem:s17], [sflag:$0x3], $0x80, s16, s20, $0xb8;
	[tilespmem:$0x1D000] =	vst v63  }
0x1a0: {  	_ =	swait.ge [sflag:s22], $0x4000  }
0x1a1: {  	[sflag:s22] =	ssyncset.done $0x0  }
0x1a2: {  	s25 =	rddreg [dreg:$0xe];
	[sflag:s22] =	ssyncadd.s32 $0xFFFFC000  }
0x1a3: {  	[tilespmem:s17], [sflag:$0x1] =	stream.indirect.gather [hbm4b:s1+s20], $0x80, s25, s20, $0xb8;
	[tilespmem:$0x1D000] =	vst v63  }
0x1a4: {  	_ =	swait.ge [sflag:s23], $0x4000  }
0x1a5: {  	[sflag:s23] =	ssyncset.done $0x0  }
0x1a6: {  	s16 =	rddreg [dreg:$0xf];
	[sflag:s23] =	ssyncadd.s32 $0xFFFFC000  }
0x1a7: {  	[spmem:s2] =	stream.indirect.scatter.add.f32 [tilespmem:s21], [sflag:$0x4], $0x80, s16, s20, $0xb8;
	[tilespmem:$0x1D000] =	vst v63  }
0x1a8: {  	_ =	swait.ge [sflag:s24], $0x4000  }
0x1a9: {  	[sflag:s24] =	ssyncset.done $0x0  }
0x1aa: {  	s25 =	rddreg [dreg:$0x10];
	[sflag:s24] =	ssyncadd.s32 $0xFFFFC000  }
0x1ab: {  	[tilespmem:s21], [sflag:$0x2] =	stream.indirect.gather [hbm4b:s1+s20], $0x80, s25, s20, $0xb8;
	[tilespmem:$0x1D000] =	vst v63  }
0x1ac: {  	_ =	swait.ge [sflag:s18], $0x4000  }
0x1ad: {  	[sflag:s18] =	ssyncset.done $0x0  }
0x1ae: {  	s16 =	rddreg [dreg:$0x11];
	[sflag:s18] =	ssyncadd.s32 $0xFFFFC000  }
0x1af: {  	[spmem:s2] =	stream.indirect.scatter.add.f32 [tilespmem:s17], [sflag:$0x3], $0x80, s16, s20, $0xb8;
	[tilespmem:$0x1D000] =	vst v63  }
0x1b0: {  	_ =	swait.ge [sflag:s22], $0x4000  }
0x1b1: {  	[sflag:s22] =	ssyncset.done $0x0  }
0x1b2: {  	[sflag:s22] =	ssyncadd.s32 $0xFFFFC000  }
0x1b3: {  	[tilespmem:s17], [sflag:$0x1] =	stream.indirect.gather [hbm4b:s1+s20], $0x80, s26, s20, $0xb8;
	[tilespmem:$0x1D000] =	vst v63  }
0x1b4: {  	_ =	swait.ge [sflag:s23], $0x4000  }
0x1b5: {  	[sflag:s23] =	ssyncset.done $0x0  }
0x1b6: {  	[sflag:s23] =	ssyncadd.s32 $0xFFFFC000  }
0x1b7: {  	[spmem:s2] =	stream.indirect.scatter.add.f32 [tilespmem:s21], [sflag:$0x4], $0x80, s28, s20, $0xb8;
	[tilespmem:$0x1D000] =	vst v63  }
0x1b8: {  	_ =	swait.ge [sflag:s24], $0x4000  }
0x1b9: {  	[sflag:s24] =	ssyncset.done $0x0  }
0x1ba: {  	[sflag:s24] =	ssyncadd.s32 $0xFFFFC000  }
0x1bb: {  	[tilespmem:s21], [sflag:$0x2] =	stream.indirect.gather [hbm4b:s1+s20], $0x80, s29, s20, $0xb8;
	[tilespmem:$0x1D000] =	vst v63  }
0x1bc: {  	_ =	swait.ge [sflag:s18], $0x4000  }
0x1bd: {  	[sflag:s18] =	ssyncset.done $0x0  }
0x1be: {  	[sflag:s18] =	ssyncadd.s32 $0xFFFFC000  }
0x1bf: {  	[spmem:s2] =	stream.indirect.scatter.add.f32 [tilespmem:s17], [sflag:$0x3], $0x80, s30, s20, $0xb8;
	[tilespmem:$0x1D000] =	vst v63  }
0x1c0: {  	_ =	swait.ge [sflag:s22], $0x4000  }
0x1c1: {  	[sflag:s22] =	ssyncset.done $0x0  }
0x1c2: {  	[sflag:s22] =	ssyncadd.s32 $0xFFFFC000  }
0x1c3: {  	[tilespmem:s17], [sflag:$0x1] =	stream.indirect.gather [hbm4b:s1+s20], $0x80, s31, s20, $0xb8;
	[tilespmem:$0x1D000] =	vst v63  }
0x1c4: {  	_ =	swait.ge [sflag:s23], $0x4000  }
0x1c5: {  	[sflag:s23] =	ssyncset.done $0x0  }
0x1c6: {  	[sflag:s23] =	ssyncadd.s32 $0xFFFFC000  }
0x1c7: {  	[spmem:s2] =	stream.indirect.scatter.add.f32 [tilespmem:s21], [sflag:$0x4], $0x80, s0, s20, $0xb8;
	[tilespmem:$0x1D000] =	vst v63  }
0x1c8: {  	_ =	swait.ge [sflag:s24], $0x4000  }
0x1c9: {  	[sflag:s24] =	ssyncset.done $0x0  }
0x1ca: {  	[sflag:s24] =	ssyncadd.s32 $0xFFFFC000  }
0x1cb: {  	[tilespmem:s21], [sflag:$0x2] =	stream.indirect.gather [hbm4b:s1+s20], $0x80, s3, s20, $0xb8;
	[tilespmem:$0x1D000] =	vst v63  }
0x1cc: {  	_ =	swait.ge [sflag:s18], $0x4000  }
0x1cd: {  	[sflag:s18] =	ssyncset.done $0x0  }
0x1ce: {  	[sflag:s18] =	ssyncadd.s32 $0xFFFFC000  }
0x1cf: {  	[spmem:s2] =	stream.indirect.scatter.add.f32 [tilespmem:s17], [sflag:$0x3], $0x80, s6, s20, $0xb8;
	[tilespmem:$0x1D000] =	vst v63  }
0x1d0: {  	_ =	swait.ge [sflag:s22], $0x4000  }
0x1d1: {  	[sflag:s22] =	ssyncset.done $0x0  }
0x1d2: {  	[sflag:s22] =	ssyncadd.s32 $0xFFFFC000  }
0x1d3: {  	[tilespmem:s17], [sflag:$0x1] =	stream.indirect.gather [hbm4b:s1+s20], $0x80, s7, s20, $0xb8;
	[tilespmem:$0x1D000] =	vst v63  }
0x1d4: {  	_ =	swait.ge [sflag:s23], $0x4000  }
0x1d5: {  	[sflag:s23] =	ssyncset.done $0x0  }
0x1d6: {  	[sflag:s23] =	ssyncadd.s32 $0xFFFFC000  }
0x1d7: {  	[spmem:s2] =	stream.indirect.scatter.add.f32 [tilespmem:s21], [sflag:$0x4], $0x80, s8, s20, $0xb8;
	[tilespmem:$0x1D000] =	vst v63  }
0x1d8: {  	_ =	swait.ge [sflag:s24], $0x4000  }
0x1d9: {  	[sflag:s24] =	ssyncset.done $0x0  }
0x1da: {  	[sflag:s24] =	ssyncadd.s32 $0xFFFFC000  }
0x1db: {  	[tilespmem:s21], [sflag:$0x2] =	stream.indirect.gather [hbm4b:s1+s20], $0x80, s9, s20, $0xb8;
	[tilespmem:$0x1D000] =	vst v63  }
0x1dc: {  	_ =	swait.ge [sflag:s18], $0x4000  }
0x1dd: {  	[sflag:s18] =	ssyncset.done $0x0  }
0x1de: {  	[sflag:s18] =	ssyncadd.s32 $0xFFFFC000  }
0x1df: {  	[spmem:s2] =	stream.indirect.scatter.add.f32 [tilespmem:s17], [sflag:$0x3], $0x80, s10, s20, $0xb8;
	[tilespmem:$0x1D000] =	vst v63  }
0x1e0: {  	_ =	swait.ge [sflag:s22], $0x4000  }
0x1e1: {  	[sflag:s22] =	ssyncset.done $0x0  }
0x1e2: {  	[sflag:s22] =	ssyncadd.s32 $0xFFFFC000  }
0x1e3: {  	[tilespmem:s17], [sflag:$0x1] =	stream.indirect.gather [hbm4b:s1+s20], $0x80, s11, s20, $0xb8;
	[tilespmem:$0x1D000] =	vst v63  }
0x1e4: {  	_ =	swait.ge [sflag:s23], $0x4000  }
0x1e5: {  	[sflag:s23] =	ssyncset.done $0x0  }
0x1e6: {  	[sflag:s23] =	ssyncadd.s32 $0xFFFFC000  }
0x1e7: {  	[spmem:s2] =	stream.indirect.scatter.add.f32 [tilespmem:s21], [sflag:$0x4], $0x80, s12, s20, $0xb8;
	[tilespmem:$0x1D000] =	vst v63  }
0x1e8: {  	_ =	swait.ge [sflag:s24], $0x4000  }
0x1e9: {  	[sflag:s24] =	ssyncset.done $0x0  }
0x1ea: {  	[sflag:s24] =	ssyncadd.s32 $0xFFFFC000  }
0x1eb: {  	[tilespmem:s21], [sflag:$0x2] =	stream.indirect.gather [hbm4b:s1+s20], $0x80, s13, s20, $0xb8;
	[tilespmem:$0x1D000] =	vst v63  }
0x1ec: {  	_ =	swait.ge [sflag:s18], $0x4000  }
0x1ed: {  	[sflag:s18] =	ssyncset.done $0x0  }
0x1ee: {  	[sflag:s18] =	ssyncadd.s32 $0xFFFFC000  }
0x1ef: {  	[spmem:s2] =	stream.indirect.scatter.add.f32 [tilespmem:s17], [sflag:$0x3], $0x80, s14, s20, $0xb8;
	[tilespmem:$0x1D000] =	vst v63  }
0x1f0: {  	_ =	swait.ge [sflag:s23], $0x4000  }
0x1f1: {  	[sflag:s23] =	ssyncset.done $0x0  }
0x1f2: {  	[sflag:s23] =	ssyncadd.s32 $0xFFFFC000  }
0x1f3: {  	[spmem:s2] =	stream.indirect.scatter.add.f32 [tilespmem:s21], [sflag:$0x4], $0x80, s15, s20, $0xb8;
	[tilespmem:$0x1D000] =	vst v63  }
0x1f4: {  	_ =	swait.ge [sflag:s22], $0x4000  }
0x1f5: {  	[sflag:s22] =	ssyncset.done $0x0  }
0x1f6: {  	[sflag:s22] =	ssyncadd.s32 $0xFFFFC000  }
0x1f7: {  	_ =	swait.ge [sflag:s24], $0x4000  }
0x1f8: {  	[sflag:s24] =	ssyncset.done $0x0  }
0x1f9: {  	[sflag:s24] =	ssyncadd.s32 $0xFFFFC000  }
0x1fa: {  	s25 =	stileid.u32;
	[bflag:$0x0] =	sbarrier.arrive $0xFFFF  }
0x1fb: {  	s5 =	sshll.u32 s25, $0x6;
	s16 =	rddreg [dreg:$0x1d]  }
0x1fc: {  	s5 =	sor.u32 $0x1C05, s5;
	s25 =	rddreg [dreg:$0x1e]  }
0x1fd: {  	[hbm:s16], [sflag:s5] =	dma.local [spmem:s25], $0x2800  }
0x1fe: {  	_ =	swait.ge [sflag:s19], $0x2800  }
0x1ff: {  	s5 =	rddreg [dreg:$0x1f]  }
0x200: {  	s25 =	rddreg [dreg:$0x1c];
	s16 =	sadd.s32 $0x1, s5  }
0x201: {  	p0 =	sne.s32 s16, s25  }
.Ltmp2:
0x202: {  	_ = 	snop;
	(pc) =	sbr.rel @p0 .LBB2_1-.Ltmp2, $3  }
0x203: {  	_ =	sdelay $0x1  }
0x204: {  	[sflag:s19] =	ssyncset.done $0x0  }
0x205: {  	[sflag:s19] =	ssyncadd.s32 $0xFFFFD800  }
0x206: {  	_ =	sfence.sel $0x180000  }
0x207: {  	[bflag:$0x0] =	sbarrier.arrive $0xFFFF  }
0x208: {  	_ =	strace $0x9000004D  }
0x209: {  	s0 =	stileid.u32;
	[bflag:$0x2] =	sbarrier.arrive $0xFFFF  }
0x20a: {  	p0 =	sne.s32 s0, $0x0;
	s0 =	rddreg [dreg:$0x3]  }
0x20b: {  	s0 =	sadd.s32 @!p0 $0x100000, s0  }
0x20c: {  	[sflag:s0] =	ssyncadd.tile.s32 @!p0 $0x1;
	_ =	shalt  }
.Lfunc_end2:
_tile_overlayer_lowered:
.L_overlay_start_2:
0x20d: {  	(tag) =	ssettag $0x2  }
0x20e: {  	s0 =	rddreg [dreg:$0x0];
	s2 =	stileid.u32  }
0x20f: {  	s1 =	rddreg [dreg:$0x1];
	p0 =	sne.s32 s2, $0x0  }
0x210: {  	s3 =	rddreg [dreg:$0x2];
	[bflag:$0x3] =	sbarrier.arrive $0xFFFF;
	s2 =	simm.s32 @!p0 $0x1C05  }
0x211: {  	[timem:s3], [sflag:s2] =	dma.local @!p0 [hbm:s0], s1  }
0x212: {  	s0 =	simm.s32 @!p0 $0x5  }
0x213: {  	_ =	swait.ge @!p0 [sflag:s0], s1  }
0x214: {  	s1 =	ssub.s32 @!p0 $0x0, s1;
	[sflag:s0] =	ssyncset.done @!p0 $0x0  }
0x215: {  	[sflag:s0] =	ssyncadd.s32 @!p0 s1  }
0x216: {  	[bflag:$0x3] =	sbarrier.arrive $0xFFFF  }
0x217: {  	_ =	shalt  }

// kernel: kernel.8.cloned.1.call-start
scs
__scs_entry_jumppad:
0x0: {  	(pc) =	sbr.rel $0x88, $3  }
0x1: {  	(tag) =	ssettag $0x0;
	lr =	simm.s32 $0x1  }
0x2: {  	[smem:$0x3F7F] =	sst lr;
	_ =	strace $0xD0000000  }
0x3: {  	_ = 	snop  }
0x4: {  	_ = 	snop  }
0x5: {  	_ = 	snop  }
0x6: {  	_ = 	snop  }
0x7: {  	_ = 	snop  }
__scs_overlays_trampoline_lowered:
0x8: {  	[smem:$0x3F8E] =	sst s0  }
0x9: {  	[smem:$0x3F8F] =	sst s1  }
0xa: {  	[smem:$0x3F90] =	sst s2  }
0xb: {  	[smem:$0x3F91] =	sst s3  }
0xc: {  	[smem:$0x3F92] =	sst s4  }
0xd: {  	[smem:$0x3F93] =	sst s5  }
0xe: {  	[smem:$0x3F94] =	sst s6  }
0xf: {  	[smem:$0x3F95] =	sst s7  }
0x10: {  	[smem:$0x3F96] =	sst s8  }
0x11: {  	[smem:$0x3F97] =	sst s9;
	s0 =	simm.s32 @!p0 $0x0  }
0x12: {  	s1 =	sld [smem:$0x3F7D];
	s0 =	simm.s32 @p0 $0x1  }
0x13: {  	[smem:$0x3F98] =	sst s0;
	s0 =	simm.s32 @!p1 $0x0  }
0x14: {  	s2 =	sld [smem:$0x3F7C];
	s0 =	simm.s32 @p1 $0x1  }
0x15: {  	[smem:$0x3F99] =	sst s0;
	s0 =	simm.s32 @!p2 $0x0  }
0x16: {  	s3 =	sld [smem:$0x3FDB];
	s0 =	simm.s32 @p2 $0x1  }
0x17: {  	s4 =	simm.s32 $0x1BF5;
	[smem:$0x3F9B] =	sst s0  }
0x18: {  	s0 =	sld [smem:$0x3F7E];
	_ =	swait.ge [sflag:s4], $0x0  }
0x19: {  	s7 =	sld [smem:$0x3F7F]  }
0x1a: {  	s8 =	sadd.s32 $0xFFFFE003, lr  }
0x1b: {  	s9 =	sadd.s32 $0xFFFFFEF7, lr;
	s5 =	simm.s32 $0xFFFFFFFF;
	p2 =	slt.u32 s8, $0xFFFFF086  }
0x1c: {  	p1 =	slt.u32 s9, $0xF7A;
	s5 =	simm.s32 @!p2 $0x0  }
0x1d: {  	s5 =	simm.s32 @p1 $0x1;
	p0 =	seq.s32 s7, s2  }
0x1e: {  	s7 =	smul.u32 @!p0 $0xF7A, s2;
	p2 =	seq.s32 @!p0 s5, $0x0  }
0x1f: {  	s9 =	smul.u32 $0xF7A, s1;
	s8 =	simm.s32 @!p0 $0x1BF5;
	p2 =	por !p2, p0  }
0x20: {  	[sflag:s8] =	ssyncset.s32 @!p0 $0xFFFFF086;
	s6 =	sadd.s32 @!p0 s3, s7;
	s7 =	simm.s32 @!p0 $0x108  }
0x21: {  	s3 =	sadd.s32 s3, s9;
	s6 =	sadd.s32 @!p0 $0x88, s6;
	s7 =	simm.s32 @p2 $0x1082  }
0x22: {  	[simem:s7], [sflag:s8] =	dma.local @!p0 [hbm:s6], $0xF7A  }
0x23: {  	s9 =	sor.u32 $0xD0000000, s2;
	s6 =	simm.s32 $0x108;
	_ =	swait.ge @!p0 [sflag:s8], $0x0  }
0x24: {  	s3 =	sadd.s32 $0x88, s3;
	s6 =	simm.s32 @!p1 $0x1082;
	[sflag:s4] =	ssyncset.s32 $0xFFFFF086  }
0x25: {  	[simem:s6], [sflag:s4] =	dma.local [hbm:s3], $0xF7A  }
0x26: {  	[smem:$0x3F7F] =	sst s1;
	(tag) =	ssettag s2;
	_ =	strace s9  }
0x27: {  	s1 =	sld [smem:$0x3F8F]  }
0x28: {  	s2 =	sld [smem:$0x3F90]  }
0x29: {  	s4 =	sld [smem:$0x3F92]  }
0x2a: {  	p0 =	seq.s32 s5, $0x0;
	s5 =	sld [smem:$0x3F93]  }
0x2b: {  	s6 =	sld [smem:$0x3F94]  }
0x2c: {  	s7 =	sld [smem:$0x3F95]  }
0x2d: {  	s3 =	simm.s32 $0x108;
	s8 =	sld [smem:$0x3F96]  }
0x2e: {  	s3 =	simm.s32 @!p0 $0x1082;
	s9 =	sld [smem:$0x3F97]  }
0x2f: {  	lr =	sadd.s32 s0, s3;
	s0 =	sld [smem:$0x3F8E]  }
0x30: {  	s3 =	sld [smem:$0x3F91]  }
0x31: {  	[smem:$0x3F9A] =	sst s10  }
0x32: {  	s10 =	sld [smem:$0x3F98];
	_ =	sdelay $0x3  }
0x33: {  	p0 =	seq.s32 s10, $0x1;
	s10 =	sld [smem:$0x3F9A];
	_ =	sdelay $0x3  }
0x34: {  	[smem:$0x3F9A] =	sst s10  }
0x35: {  	s10 =	sld [smem:$0x3F99];
	_ =	sdelay $0x3  }
0x36: {  	p1 =	seq.s32 s10, $0x1;
	s10 =	sld [smem:$0x3F9A];
	_ =	sdelay $0x3  }
0x37: {  	[smem:$0x3F9A] =	sst s10  }
0x38: {  	s10 =	sld [smem:$0x3F9B]  }
0x39: {  	_ = 	snop;
	(pc) =	sbr.ind lr, $3  }
0x3a: {  	_ = 	snop  }
0x3b: {  	_ = 	snop  }
0x3c: {  	p2 =	seq.s32 s10, $0x1;
	s10 =	sld [smem:$0x3F9A]  }
0x3d: {  	_ =	shalt  }
0x3e: {  	_ =	shalt  }
0x3f: {  	_ =	shalt  }
0x40: {  	_ =	shalt  }
0x41: {  	_ =	shalt  }
0x42: {  	_ =	shalt  }
0x43: {  	_ =	shalt  }
0x44: {  	_ =	shalt  }
0x45: {  	_ =	shalt  }
0x46: {  	_ =	shalt  }
0x47: {  	_ =	shalt  }
0x48: {  	_ =	shalt  }
0x49: {  	_ =	shalt  }
0x4a: {  	_ =	shalt  }
0x4b: {  	_ =	shalt  }
0x4c: {  	_ =	shalt  }
0x4d: {  	_ =	shalt  }
0x4e: {  	_ =	shalt  }
0x4f: {  	_ =	shalt  }
0x50: {  	_ =	shalt  }
0x51: {  	_ =	shalt  }
0x52: {  	_ =	shalt  }
0x53: {  	_ =	shalt  }
0x54: {  	_ =	shalt  }
0x55: {  	_ =	shalt  }
0x56: {  	_ =	shalt  }
0x57: {  	_ =	shalt  }
0x58: {  	_ =	shalt  }
0x59: {  	_ =	shalt  }
0x5a: {  	_ =	shalt  }
0x5b: {  	_ =	shalt  }
0x5c: {  	_ =	shalt  }
0x5d: {  	_ =	shalt  }
0x5e: {  	_ =	shalt  }
0x5f: {  	_ =	shalt  }
0x60: {  	_ =	shalt  }
0x61: {  	_ =	shalt  }
0x62: {  	_ =	shalt  }
0x63: {  	_ =	shalt  }
0x64: {  	_ =	shalt  }
0x65: {  	_ =	shalt  }
0x66: {  	_ =	shalt  }
0x67: {  	_ =	shalt  }
0x68: {  	_ =	shalt  }
0x69: {  	_ =	shalt  }
0x6a: {  	_ =	shalt  }
0x6b: {  	_ =	shalt  }
0x6c: {  	_ =	shalt  }
0x6d: {  	_ =	shalt  }
0x6e: {  	_ =	shalt  }
0x6f: {  	_ =	shalt  }
0x70: {  	_ =	shalt  }
0x71: {  	_ =	shalt  }
0x72: {  	_ =	shalt  }
0x73: {  	_ =	shalt  }
0x74: {  	_ =	shalt  }
0x75: {  	_ =	shalt  }
0x76: {  	_ =	shalt  }
0x77: {  	_ =	shalt  }
0x78: {  	_ =	shalt  }
0x79: {  	_ =	shalt  }
0x7a: {  	_ =	shalt  }
0x7b: {  	_ =	shalt  }
0x7c: {  	_ =	shalt  }
0x7d: {  	_ =	shalt  }
0x7e: {  	_ =	shalt  }
0x7f: {  	_ =	shalt  }
0x80: {  	_ =	shalt  }
0x81: {  	_ =	shalt  }
0x82: {  	_ =	shalt  }
0x83: {  	_ =	shalt  }
0x84: {  	_ =	shalt  }
0x85: {  	_ =	shalt  }
0x86: {  	_ =	shalt  }
0x87: {  	_ =	shalt  }
.Lfunc_end0:
.L_simem_size_0:
called_computation_lowered:
.L_overlay_start_0:
0x88: {  	s2 =	sld [smem:$0x3FD9]  }
0x89: {  	s3 =	sld [smem:$0x3FFE];
	_ =	sdelay $0x1  }
0x8a: {  	s1 =	srdreg.scid  }
0x8b: {  	s0 =	sand.u32 $0x1, s1  }
0x8c: {  	s14 =	sshll.u32 s0, $0xA;
	s2 =	sadd.s32 s3, s2  }
0x8d: {  	s2 =	sadd.s32 s2, s14  }
0x8e: {  	[smem:$0x3FA6] =	sst s2  }
0x8f: {  	_ = 	snop  }
0x90: {  	s2 =	sld [smem:$0x3FD0];
	_ =	sdelay $0x2  }
0x91: {  	s15 =	simm.s32 $0xA;
	s4 =	simm.s32 $0x10  }
0x92: {  	[smem:s4], [sflag:s15] =	dma.local [hbm:s2], $0x1  }
0x93: {  	_ =	swait.eq [sflag:s15], $0x1  }
0x94: {  	[sflag:s15] =	ssyncset.done $0x0  }
0x95: {  	[sflag:s15] =	ssyncadd.s32 $0xFFFFFFFF  }
0x96: {  	s16 =	sld [smem:$0x11];
	(tm) =	ssettm $0x1  }
0x97: {  	s17 =	sld [smem:$0x3FFB];
	_ =	sdelay $0x3  }
0x98: {  	_ =	strace s17  }
0x99: {  	s3 =	sld [smem:$0x3FFC];
	_ =	sdelay $0x3  }
0x9a: {  	_ =	strace s3  }
0x9b: {  	s3 =	sld [smem:$0x3FFD];
	_ =	sdelay $0x3  }
0x9c: {  	_ =	strace s3  }
0x9d: {  	_ =	strace $0x8FFFFFFF  }
0x9e: {  	s18 =	sld [smem:$0x3FDB];
	_ =	sdelay $0x1  }
0x9f: {  	s19 =	simm.s32 $_scs_section_size  }
0xa0: {  	s5 =	simm.s32 $_size__tile_overlayer_lowered;
	s6 =	simm.s32 $_tile_overlayer_lowered  }
0xa1: {  	s22 =	simm.s32 $0x1BFF;
	s21 =	sshll.u32 s6, $0x1;
	s3 =	sadd.s32 s19, s18  }
0xa2: {  	s7 =	simm.s32 $0x0;
	s20 =	sshll.u32 s5, $0x1;
	s5 =	sadd.s32 s21, s3  }
0xa3: {  	[timem:s7], [sflag:s22] =	dma.local [hbm:s5], s20  }
0xa4: {  	_ =	swait.ge [sflag:s22], s20  }
0xa5: {  	s4 =	ssub.s32 $0x0, s20;
	[sflag:s22] =	ssyncset.done $0x0  }
0xa6: {  	[sflag:s22] =	ssyncadd.s32 s4;
	_ =	sdelay $0x1  }
0xa7: {  	s23 =	simm.s32 $0x1B8B  }
0xa8: {  	_ =	swait.ge [sflag:s23], $0x1  }
0xa9: {  	[sflag:s23] =	ssyncset.done $0x0  }
0xaa: {  	s25 =	simm.s32 $0x1B8E;
	s24 =	sld [smem:$0x3FFE];
	[sflag:s23] =	ssyncadd.s32 $0xFFFFFFFF  }
0xab: {  	s26 =	simm.s32 $execute0_lowered;
	[smem:$0x3FD2] =	sst s25  }
0xac: {  	s5 =	sshll.u32 s26, $0x1;
	_ =	strace $0x80000046;
	[dreg:$0x1] =	wrdreg $0xFFFFFFFF  }
0xad: {  	s28 =	simm.s32 $_size_execute0_lowered;
	s3 =	sadd.s32 s3, s5;
	[dreg:$0x0] =	wrdreg $0x0  }
0xae: {  	s5 =	sshll.u32 s28, $0x1;
	[dreg:$0x2] =	wrdreg s3  }
0xaf: {  	[dreg:$0x3] =	wrdreg s5  }
0xb0: {  	[dreg:$0x4] =	wrdreg $0xC0  }
0xb1: {  	_ =	task [dreg:s7], $0x5FFFF  }
0xb2: {  	[dreg:$0x1] =	wrdreg $0xFFFFFFFF  }
0xb3: {  	[dreg:$0x0] =	wrdreg $0x60  }
0xb4: {  	[dreg:$0x2] =	wrdreg s24  }
0xb5: {  	[dreg:$0x3] =	wrdreg s16  }
0xb6: {  	[dreg:$0x4] =	wrdreg $0x90000  }
0xb7: {  	[dreg:$0x5] =	wrdreg $0x9  }
0xb8: {  	_ =	task.clear_ibuf [dreg:s7], $0x6FFFF;
	_ =	strace $0x90000046  }
0xb9: {  	s29 =	simm.s32 $0x9;
	_ =	strace $0x80000048  }
0xba: {  	_ =	swait.ge [sflag:s29], $0x1  }
0xbb: {  	[sflag:s29] =	ssyncadd.s32 $0xFFFFFFFF  }
0xbc: {  	_ =	strace $0x90000048  }
0xbd: {  	_ =	sfence  }
0xbe: {  	s30 =	sld [smem:$0x0];
	_ =	sdelay $0x2  }
0xbf: {  	s31 =	sshll.u32 s1, $0xD;
	s1 =	sshrl.u32 s1, $0x2  }
0xc0: {  	s3 =	sand.u32 $0x4000, s31;
	s1 =	sadd.s32 s1, s30  }
0xc1: {  	s0 =	sor.u32 s3, s0;
	s1 =	sshll.u32 s1, $0x11  }
0xc2: {  	s0 =	sor.u32 s1, s0  }
0xc3: {  	s0 =	sadd.s32 $0x8F2B, s0  }
0xc4: {  	[sflag:s0] =	ssyncadd.remote.s32 $0x1  }
0xc5: {  	_ =	sfence.sel $0xFFFF  }
0xc6: {  	[dreg:$0x0] =	wrdreg $0xFFFFFFFF;
	(pc) =	sbr.abs _section_cstart, $3  }
0xc7: {  	[dreg:$0x1] =	wrdreg $0xFFFFFFFF  }
0xc8: {  	_ =	task.clear_ibuf [dreg:s7], $0x2FFFF;
	_ =	strace $0x9FFFFFFF  }
0xc9: {  	(tm) =	ssettm $0x7FFFFFFF  }
tec
execute0_lowered:
.L_overlay_start_1:
0x0: {  	(tag) =	ssettag $0x1  }
0x1: {  	s0 =	rddreg [dreg:$0x0]  }
0x2: {  	s1 =	rddreg [dreg:$0x1]  }
0x3: {  	s2 =	rddreg [dreg:$0x2];
	s4 =	simm.s32 $0x0;
	s3 =	srdreg.scid  }
0x4: {  	s11 =	stileid.u32;
	s13 =	simm.s32 $0x480;
	s15 =	simm.s32 $0x180  }
0x5: {  	s28 =	simm.s32 $0x780;
	s29 =	simm.s32 $0x880;
	s30 =	simm.s32 $0xC00  }
0x6: {  	s31 =	simm.s32 $0x900;
	[smem:$0x7FF] =	sst s4;
	s5 =	smul.u32 $0x50000, s11  }
0x7: {  	s3 =	sand.u32 $0x1, s3;
	s6 =	sadd.s32 $0x12600, s0;
	s17 =	smul.u32 $0x280, s11  }
0x8: {  	s7 =	sadd.s32 $0x8600, s0;
	s23 =	smul.u32 $0xA00, s11;
	s11 =	simm.s32 $0x400  }
0x9: {  	s9 =	sadd.s32 $0x1C600, s0;
	_ =	strace $0x80000047;
	[dreg:$0x5] =	wrdreg s11  }
0xa: {  	s0 =	sadd.s32 $0x43800, s0;
	s8 =	ssub.s32 $0x2, s3;
	[dreg:$0x7] =	wrdreg s13  }
0xb: {  	p0 =	seq.s32 s3, $0x1;
	[dreg:$0x8] =	wrdreg s15;
	s5 =	sshrl.u32 s5, $0x2  }
0xc: {  	s11 =	simm.s32 $0xB00;
	s6 =	smov.u32 @p0 s7;
	s16 =	sadd.s32 s5, s2  }
0xd: {  	s13 =	simm.s32 $0xB80;
	s3 =	sadd.s32 s23, s6;
	[dreg:$0x12] =	wrdreg s16  }
0xe: {  	s15 =	simm.s32 $0xF80;
	s23 =	simm.s32 $0x680;
	[dreg:$0x4] =	wrdreg s3  }
0xf: {  	s10 =	sshrl.u32 s8, $0x1;
	s12 =	sadd.s32 $0x2000, s16;
	[dreg:$0xf] =	wrdreg s23  }
0x10: {  	s9 =	smov.u32 @p0 s0;
	s18 =	sadd.s32 $0x4000, s16;
	[dreg:$0x13] =	wrdreg s12  }
0x11: {  	s0 =	simm.s32 $0xC80;
	s19 =	sadd.s32 $0x6000, s16;
	[dreg:$0x14] =	wrdreg s18  }
0x12: {  	s7 =	simm.s32 $0xA00;
	s20 =	sadd.s32 $0x8000, s16;
	[dreg:$0x15] =	wrdreg s19  }
0x13: {  	s8 =	ssub.s32 s8, s10;
	s21 =	sadd.s32 $0xA000, s16;
	[dreg:$0x16] =	wrdreg s20  }
0x14: {  	s5 =	smin.u32 s17, $0x2490;
	s22 =	sadd.s32 $0xC000, s16;
	[dreg:$0x17] =	wrdreg s21  }
0x15: {  	s24 =	sadd.s32 $0xE000, s16;
	s25 =	sadd.s32 $0x10000, s16;
	[dreg:$0x18] =	wrdreg s22  }
0x16: {  	s26 =	sadd.s32 $0x12000, s16;
	s10 =	sshll.u32 s5, $0x7;
	[dreg:$0x19] =	wrdreg s24  }
0x17: {  	s5 =	sshll.u32 s5, $0x4;
	s14 =	smax.u32 s8, $0x1;
	[dreg:$0x1a] =	wrdreg s25  }
0x18: {  	s16 =	simm.s32 $0x500;
	s23 =	simm.s32 $0x2;
	[dreg:$0x1b] =	wrdreg s26  }
0x19: {  	s3 =	simm.s32 $0x980;
	s8 =	simm.s32 $0xD80;
	[dreg:$0x1c] =	wrdreg s14  }
0x1a: {  	s6 =	sadd.s32 s10, s2;
	s12 =	simm.s32 $0x100;
	[dreg:$0x9] =	wrdreg s16  }
0x1b: {  	s17 =	sadd.s32 s9, s5;
	s18 =	simm.s32 $0x200;
	[dreg:$0x6] =	wrdreg s12  }
0x1c: {  	s19 =	simm.s32 $0x580;
	s20 =	simm.s32 $0x280;
	[dreg:$0x1d] =	wrdreg s17  }
0x1d: {  	s21 =	simm.s32 $0x600;
	s22 =	simm.s32 $0x300;
	[dreg:$0xa] =	wrdreg s18  }
0x1e: {  	s24 =	simm.s32 $0x380;
	s25 =	simm.s32 $0x700;
	[dreg:$0xb] =	wrdreg s19  }
0x1f: {  	s9 =	simm.s32 $0xA80;
	s10 =	simm.s32 $0xE00;
	[dreg:$0xc] =	wrdreg s20  }
0x20: {  	s14 =	simm.s32 $0xF00;
	s16 =	simm.s32 $0x0;
	[dreg:$0xd] =	wrdreg s21  }
0x21: {  	s17 =	simm.s32 $0x1000;
	s18 =	simm.s32 $0x1;
	[dreg:$0xe] =	wrdreg s22  }
0x22: {  	s19 =	simm.s32 $0x5;
	s20 =	simm.s32 $0x80;
	[dreg:$0x10] =	wrdreg s24  }
0x23: {  	s21 =	simm.s32 $0x5000;
	s22 =	simm.s32 $0x3;
	[dreg:$0x11] =	wrdreg s25  }
0x24: {  	s24 =	simm.s32 $0x4;
	s26 =	sshrl.u32 s6, $0x3;
	s6 =	simm.s32 $0xD00  }
0x25: {  	v0 =	vimm.f32 $0.0e+00;
	s12 =	simm.s32 $0xE80;
	[dreg:$0x1e] =	wrdreg s26;
	s26 =	simm.s32 $0x800  }
.LBB2_1:
0x26: {  	[dreg:$0x1f] =	wrdreg s16;
	s5 =	simm.s32 $0x0;
	s25 =	simm.s32 $0x200  }
.LBB2_2:
0x27: {  	p0 =	sne.s32 s25, $0x7E00;
	[tilespmem:s5+$0x1070] =	vst v0  }
0x28: {  	[tilespmem:s5+$0x1000] =	vst v0  }
0x29: {  	[tilespmem:s5+$0x1010] =	vst v0  }
.Ltmp0:
0x2a: {  	[tilespmem:s5+$0x1020] =	vst v0;
	(pc) =	sbr.rel @p0 .LBB2_2-.Ltmp0, $4  }
0x2b: {  	[tilespmem:s5+$0x1030] =	vst v0  }
0x2c: {  	[tilespmem:s5+$0x1040] =	vst v0  }
0x2d: {  	[tilespmem:s5+$0x1050] =	vst v0  }
0x2e: {  	[tilespmem:s5+$0x1060] =	vst v0;
	s5 =	sshra.s32 s25, $0x2;
	s25 =	sadd.s32 $0x200, s25  }
0x2f: {  	[tilespmem:s5+$0x1070] =	vst v0  }
0x30: {  	[tilespmem:s5+$0x1000] =	vst v0  }
0x31: {  	[tilespmem:s5+$0x1010] =	vst v0  }
0x32: {  	[tilespmem:s5+$0x1020] =	vst v0  }
0x33: {  	[tilespmem:s5+$0x1030] =	vst v0  }
0x34: {  	[tilespmem:s5+$0x1040] =	vst v0  }
0x35: {  	[tilespmem:s5+$0x1050] =	vst v0  }
0x36: {  	[tilespmem:s5+$0x1060] =	vst v0;
	s16 =	rddreg [dreg:$0x12]  }
0x37: {  	[spmem:s16] =	stream.linear.scatter [tilespmem:s17], [sflag:$0x1], $0x2000, $0x38;
	[tilespmem:$0x1D000] =	vst v63  }
0x38: {  	s25 =	rddreg [dreg:$0x13]  }
0x39: {  	[spmem:s25] =	stream.linear.scatter [tilespmem:s17], [sflag:$0x1], $0x2000, $0x38;
	[tilespmem:$0x1D000] =	vst v63  }
0x3a: {  	s16 =	rddreg [dreg:$0x14]  }
0x3b: {  	[spmem:s16] =	stream.linear.scatter [tilespmem:s17], [sflag:$0x1], $0x2000, $0x38;
	[tilespmem:$0x1D000] =	vst v63  }
0x3c: {  	s25 =	rddreg [dreg:$0x15]  }
0x3d: {  	[spmem:s25] =	stream.linear.scatter [tilespmem:s17], [sflag:$0x1], $0x2000, $0x38;
	[tilespmem:$0x1D000] =	vst v63  }
0x3e: {  	s16 =	rddreg [dreg:$0x16]  }
0x3f: {  	[spmem:s16] =	stream.linear.scatter [tilespmem:s17], [sflag:$0x1], $0x2000, $0x38;
	[tilespmem:$0x1D000] =	vst v63  }
0x40: {  	s25 =	rddreg [dreg:$0x17]  }
0x41: {  	[spmem:s25] =	stream.linear.scatter [tilespmem:s17], [sflag:$0x1], $0x2000, $0x38;
	[tilespmem:$0x1D000] =	vst v63  }
0x42: {  	s16 =	rddreg [dreg:$0x18]  }
0x43: {  	[spmem:s16] =	stream.linear.scatter [tilespmem:s17], [sflag:$0x1], $0x2000, $0x38;
	[tilespmem:$0x1D000] =	vst v63  }
0x44: {  	s25 =	rddreg [dreg:$0x19]  }
0x45: {  	[spmem:s25] =	stream.linear.scatter [tilespmem:s17], [sflag:$0x1], $0x2000, $0x38;
	[tilespmem:$0x1D000] =	vst v63  }
0x46: {  	s16 =	rddreg [dreg:$0x1a]  }
0x47: {  	[spmem:s16] =	stream.linear.scatter [tilespmem:s17], [sflag:$0x1], $0x2000, $0x38;
	[tilespmem:$0x1D000] =	vst v63  }
0x48: {  	s25 =	rddreg [dreg:$0x1b]  }
0x49: {  	[spmem:s25] =	stream.linear.scatter [tilespmem:s17], [sflag:$0x1], $0x2000, $0x38;
	[tilespmem:$0x1D000] =	vst v63  }
0x4a: {  	_ =	swait.ge [sflag:s18], $0x2000  }
0x4b: {  	[sflag:s18] =	ssyncset.done $0x0  }
0x4c: {  	[sflag:s18] =	ssyncadd.s32 $0xFFFFE000  }
0x4d: {  	_ =	swait.ge [sflag:s18], $0x2000  }
0x4e: {  	[sflag:s18] =	ssyncset.done $0x0  }
0x4f: {  	[sflag:s18] =	ssyncadd.s32 $0xFFFFE000  }
0x50: {  	_ =	swait.ge [sflag:s18], $0x2000  }
0x51: {  	[sflag:s18] =	ssyncset.done $0x0  }
0x52: {  	[sflag:s18] =	ssyncadd.s32 $0xFFFFE000  }
0x53: {  	_ =	swait.ge [sflag:s18], $0x2000  }
0x54: {  	[sflag:s18] =	ssyncset.done $0x0  }
0x55: {  	[sflag:s18] =	ssyncadd.s32 $0xFFFFE000  }
0x56: {  	_ =	swait.ge [sflag:s18], $0x2000  }
0x57: {  	[sflag:s18] =	ssyncset.done $0x0  }
0x58: {  	[sflag:s18] =	ssyncadd.s32 $0xFFFFE000  }
0x59: {  	_ =	swait.ge [sflag:s18], $0x2000  }
0x5a: {  	[sflag:s18] =	ssyncset.done $0x0  }
0x5b: {  	[sflag:s18] =	ssyncadd.s32 $0xFFFFE000  }
0x5c: {  	_ =	swait.ge [sflag:s18], $0x2000  }
0x5d: {  	[sflag:s18] =	ssyncset.done $0x0  }
0x5e: {  	[sflag:s18] =	ssyncadd.s32 $0xFFFFE000  }
0x5f: {  	_ =	swait.ge [sflag:s18], $0x2000  }
0x60: {  	[sflag:s18] =	ssyncset.done $0x0  }
0x61: {  	[sflag:s18] =	ssyncadd.s32 $0xFFFFE000  }
0x62: {  	_ =	swait.ge [sflag:s18], $0x2000  }
0x63: {  	[sflag:s18] =	ssyncset.done $0x0  }
0x64: {  	[sflag:s18] =	ssyncadd.s32 $0xFFFFE000  }
0x65: {  	_ =	swait.ge [sflag:s18], $0x2000  }
0x66: {  	[sflag:s18] =	ssyncset.done $0x0  }
0x67: {  	[sflag:s18] =	ssyncadd.s32 $0xFFFFE000  }
0x68: {  	[bflag:$0x0] =	sbarrier.arrive $0xFFFF  }
0x69: {  	s16 =	rddreg [dreg:$0x4]  }
0x6a: {  	s5 =	sadd.s32 $0x0, s16  }
0x6b: {  	[tilespmem:s4], [sflag:$0x5] =	stream.linear.gather [hbm4b:s5+s4], $0x1000, $0x38;
	[tilespmem:$0x1D000] =	vst v63  }
0x6c: {  	_ =	swait.ge [sflag:s19], $0x1000  }
0x6d: {  	[sflag:s19] =	ssyncset.done $0x0  }
0x6e: {  	[sflag:s19] =	ssyncadd.s32 $0xFFFFF000  }
0x6f: {  	[tilespmem:s17], [sflag:$0x1] =	stream.indirect.gather [hbm4b:s1+s20], $0x80, s4, s20, $0xb8;
	[tilespmem:$0x1D000] =	vst v63  }
0x70: {  	_ = 	snop  }
0x71: {  	[tilespmem:s21], [sflag:$0x2] =	stream.indirect.gather [hbm4b:s1+s20], $0x80, s20, s20, $0xb8;
	[tilespmem:$0x1D000] =	vst v63  }
0x72: {  	_ =	swait.ge [sflag:s18], $0x4000  }
0x73: {  	[sflag:s18] =	ssyncset.done $0x0  }
0x74: {  	s25 =	rddreg [dreg:$0x5];
	[sflag:s18] =	ssyncadd.s32 $0xFFFFC000  }
0x75: {  	[spmem:s2] =	stream.indirect.scatter.add.f32 [tilespmem:s17], [sflag:$0x3], $0x80, s25, s20, $0xb8;
	[tilespmem:$0x1D000] =	vst v63  }
0x76: {  	_ =	swait.ge [sflag:s22], $0x4000  }
0x77: {  	[sflag:s22] =	ssyncset.done $0x0  }
0x78: {  	s16 =	rddreg [dreg:$0x6];
	[sflag:s22] =	ssyncadd.s32 $0xFFFFC000  }
0x79: {  	[tilespmem:s17], [sflag:$0x1] =	stream.indirect.gather [hbm4b:s1+s20], $0x80, s16, s20, $0xb8;
	[tilespmem:$0x1D000] =	vst v63  }
0x7a: {  	_ =	swait.ge [sflag:s23], $0x4000  }
0x7b: {  	[sflag:s23] =	ssyncset.done $0x0  }
0x7c: {  	s25 =	rddreg [dreg:$0x7];
	[sflag:s23] =	ssyncadd.s32 $0xFFFFC000  }
0x7d: {  	[spmem:s2] =	stream.indirect.scatter.add.f32 [tilespmem:s21], [sflag:$0x4], $0x80, s25, s20, $0xb8;
	[tilespmem:$0x1D000] =	vst v63  }
0x7e: {  	_ =	swait.ge [sflag:s24], $0x4000  }
0x7f: {  	[sflag:s24] =	ssyncset.done $0x0  }
0x80: {  	s16 =	rddreg [dreg:$0x8];
	[sflag:s24] =	ssyncadd.s32 $0xFFFFC000  }
0x81: {  	[tilespmem:s21], [sflag:$0x2] =	stream.indirect.gather [hbm4b:s1+s20], $0x80, s16, s20, $0xb8;
	[tilespmem:$0x1D000] =	vst v63  }
0x82: {  	_ =	swait.ge [sflag:s18], $0x4000  }
0x83: {  	[sflag:s18] =	ssyncset.done $0x0  }
0x84: {  	s25 =	rddreg [dreg:$0x9];
	[sflag:s18] =	ssyncadd.s32 $0xFFFFC000  }
0x85: {  	[spmem:s2] =	stream.indirect.scatter.add.f32 [tilespmem:s17], [sflag:$0x3], $0x80, s25, s20, $0xb8;
	[tilespmem:$0x1D000] =	vst v63  }
0x86: {  	_ =	swait.ge [sflag:s22], $0x4000  }
0x87: {  	[sflag:s22] =	ssyncset.done $0x0  }
0x88: {  	s16 =	rddreg [dreg:$0xa];
	[sflag:s22] =	ssyncadd.s32 $0xFFFFC000  }
0x89: {  	[tilespmem:s17], [sflag:$0x1] =	stream.indirect.gather [hbm4b:s1+s20], $0x80, s16, s20, $0xb8;
	[tilespmem:$0x1D000] =	vst v63  }
0x8a: {  	_ =	swait.ge [sflag:s23], $0x4000  }
0x8b: {  	[sflag:s23] =	ssyncset.done $0x0  }
0x8c: {  	s25 =	rddreg [dreg:$0xb];
	[sflag:s23] =	ssyncadd.s32 $0xFFFFC000  }
0x8d: {  	[spmem:s2] =	stream.indirect.scatter.add.f32 [tilespmem:s21], [sflag:$0x4], $0x80, s25, s20, $0xb8;
	[tilespmem:$0x1D000] =	vst v63  }
0x8e: {  	_ =	swait.ge [sflag:s24], $0x4000  }
0x8f: {  	[sflag:s24] =	ssyncset.done $0x0  }
0x90: {  	s16 =	rddreg [dreg:$0xc];
	[sflag:s24] =	ssyncadd.s32 $0xFFFFC000  }
0x91: {  	[tilespmem:s21], [sflag:$0x2] =	stream.indirect.gather [hbm4b:s1+s20], $0x80, s16, s20, $0xb8;
	[tilespmem:$0x1D000] =	vst v63  }
0x92: {  	_ =	swait.ge [sflag:s18], $0x4000  }
0x93: {  	[sflag:s18] =	ssyncset.done $0x0  }
0x94: {  	s25 =	rddreg [dreg:$0xd];
	[sflag:s18] =	ssyncadd.s32 $0xFFFFC000  }
0x95: {  	[spmem:s2] =	stream.indirect.scatter.add.f32 [tilespmem:s17], [sflag:$0x3], $0x80, s25, s20, $0xb8;
	[tilespmem:$0x1D000] =	vst v63  }
0x96: {  	_ =	swait.ge [sflag:s22], $0x4000  }
0x97: {  	[sflag:s22] =	ssyncset.done $0x0  }
0x98: {  	s16 =	rddreg [dreg:$0xe];
	[sflag:s22] =	ssyncadd.s32 $0xFFFFC000  }
0x99: {  	[tilespmem:s17], [sflag:$0x1] =	stream.indirect.gather [hbm4b:s1+s20], $0x80, s16, s20, $0xb8;
	[tilespmem:$0x1D000] =	vst v63  }
0x9a: {  	_ =	swait.ge [sflag:s23], $0x4000  }
0x9b: {  	[sflag:s23] =	ssyncset.done $0x0  }
0x9c: {  	s25 =	rddreg [dreg:$0xf];
	[sflag:s23] =	ssyncadd.s32 $0xFFFFC000  }
0x9d: {  	[spmem:s2] =	stream.indirect.scatter.add.f32 [tilespmem:s21], [sflag:$0x4], $0x80, s25, s20, $0xb8;
	[tilespmem:$0x1D000] =	vst v63  }
0x9e: {  	_ =	swait.ge [sflag:s24], $0x4000  }
0x9f: {  	[sflag:s24] =	ssyncset.done $0x0  }
0xa0: {  	s16 =	rddreg [dreg:$0x10];
	[sflag:s24] =	ssyncadd.s32 $0xFFFFC000  }
0xa1: {  	[tilespmem:s21], [sflag:$0x2] =	stream.indirect.gather [hbm4b:s1+s20], $0x80, s16, s20, $0xb8;
	[tilespmem:$0x1D000] =	vst v63  }
0xa2: {  	_ =	swait.ge [sflag:s18], $0x4000  }
0xa3: {  	[sflag:s18] =	ssyncset.done $0x0  }
0xa4: {  	s25 =	rddreg [dreg:$0x11];
	[sflag:s18] =	ssyncadd.s32 $0xFFFFC000  }
0xa5: {  	[spmem:s2] =	stream.indirect.scatter.add.f32 [tilespmem:s17], [sflag:$0x3], $0x80, s25, s20, $0xb8;
	[tilespmem:$0x1D000] =	vst v63  }
0xa6: {  	_ =	swait.ge [sflag:s22], $0x4000  }
0xa7: {  	[sflag:s22] =	ssyncset.done $0x0  }
0xa8: {  	[sflag:s22] =	ssyncadd.s32 $0xFFFFC000  }
0xa9: {  	[tilespmem:s17], [sflag:$0x1] =	stream.indirect.gather [hbm4b:s1+s20], $0x80, s26, s20, $0xb8;
	[tilespmem:$0x1D000] =	vst v63  }
0xaa: {  	_ =	swait.ge [sflag:s23], $0x4000  }
0xab: {  	[sflag:s23] =	ssyncset.done $0x0  }
0xac: {  	[sflag:s23] =	ssyncadd.s32 $0xFFFFC000  }
0xad: {  	[spmem:s2] =	stream.indirect.scatter.add.f32 [tilespmem:s21], [sflag:$0x4], $0x80, s28, s20, $0xb8;
	[tilespmem:$0x1D000] =	vst v63  }
0xae: {  	_ =	swait.ge [sflag:s24], $0x4000  }
0xaf: {  	[sflag:s24] =	ssyncset.done $0x0  }
0xb0: {  	[sflag:s24] =	ssyncadd.s32 $0xFFFFC000  }
0xb1: {  	[tilespmem:s21], [sflag:$0x2] =	stream.indirect.gather [hbm4b:s1+s20], $0x80, s29, s20, $0xb8;
	[tilespmem:$0x1D000] =	vst v63  }
0xb2: {  	_ =	swait.ge [sflag:s18], $0x4000  }
0xb3: {  	[sflag:s18] =	ssyncset.done $0x0  }
0xb4: {  	[sflag:s18] =	ssyncadd.s32 $0xFFFFC000  }
0xb5: {  	[spmem:s2] =	stream.indirect.scatter.add.f32 [tilespmem:s17], [sflag:$0x3], $0x80, s30, s20, $0xb8;
	[tilespmem:$0x1D000] =	vst v63  }
0xb6: {  	_ =	swait.ge [sflag:s22], $0x4000  }
0xb7: {  	[sflag:s22] =	ssyncset.done $0x0  }
0xb8: {  	[sflag:s22] =	ssyncadd.s32 $0xFFFFC000  }
0xb9: {  	[tilespmem:s17], [sflag:$0x1] =	stream.indirect.gather [hbm4b:s1+s20], $0x80, s31, s20, $0xb8;
	[tilespmem:$0x1D000] =	vst v63  }
0xba: {  	_ =	swait.ge [sflag:s23], $0x4000  }
0xbb: {  	[sflag:s23] =	ssyncset.done $0x0  }
0xbc: {  	[sflag:s23] =	ssyncadd.s32 $0xFFFFC000  }
0xbd: {  	[spmem:s2] =	stream.indirect.scatter.add.f32 [tilespmem:s21], [sflag:$0x4], $0x80, s0, s20, $0xb8;
	[tilespmem:$0x1D000] =	vst v63  }
0xbe: {  	_ =	swait.ge [sflag:s24], $0x4000  }
0xbf: {  	[sflag:s24] =	ssyncset.done $0x0  }
0xc0: {  	[sflag:s24] =	ssyncadd.s32 $0xFFFFC000  }
0xc1: {  	[tilespmem:s21], [sflag:$0x2] =	stream.indirect.gather [hbm4b:s1+s20], $0x80, s3, s20, $0xb8;
	[tilespmem:$0x1D000] =	vst v63  }
0xc2: {  	_ =	swait.ge [sflag:s18], $0x4000  }
0xc3: {  	[sflag:s18] =	ssyncset.done $0x0  }
0xc4: {  	[sflag:s18] =	ssyncadd.s32 $0xFFFFC000  }
0xc5: {  	[spmem:s2] =	stream.indirect.scatter.add.f32 [tilespmem:s17], [sflag:$0x3], $0x80, s6, s20, $0xb8;
	[tilespmem:$0x1D000] =	vst v63  }
0xc6: {  	_ =	swait.ge [sflag:s22], $0x4000  }
0xc7: {  	[sflag:s22] =	ssyncset.done $0x0  }
0xc8: {  	[sflag:s22] =	ssyncadd.s32 $0xFFFFC000  }
0xc9: {  	[tilespmem:s17], [sflag:$0x1] =	stream.indirect.gather [hbm4b:s1+s20], $0x80, s7, s20, $0xb8;
	[tilespmem:$0x1D000] =	vst v63  }
0xca: {  	_ =	swait.ge [sflag:s23], $0x4000  }
0xcb: {  	[sflag:s23] =	ssyncset.done $0x0  }
0xcc: {  	[sflag:s23] =	ssyncadd.s32 $0xFFFFC000  }
0xcd: {  	[spmem:s2] =	stream.indirect.scatter.add.f32 [tilespmem:s21], [sflag:$0x4], $0x80, s8, s20, $0xb8;
	[tilespmem:$0x1D000] =	vst v63  }
0xce: {  	_ =	swait.ge [sflag:s24], $0x4000  }
0xcf: {  	[sflag:s24] =	ssyncset.done $0x0  }
0xd0: {  	[sflag:s24] =	ssyncadd.s32 $0xFFFFC000  }
0xd1: {  	[tilespmem:s21], [sflag:$0x2] =	stream.indirect.gather [hbm4b:s1+s20], $0x80, s9, s20, $0xb8;
	[tilespmem:$0x1D000] =	vst v63  }
0xd2: {  	_ =	swait.ge [sflag:s18], $0x4000  }
0xd3: {  	[sflag:s18] =	ssyncset.done $0x0  }
0xd4: {  	[sflag:s18] =	ssyncadd.s32 $0xFFFFC000  }
0xd5: {  	[spmem:s2] =	stream.indirect.scatter.add.f32 [tilespmem:s17], [sflag:$0x3], $0x80, s10, s20, $0xb8;
	[tilespmem:$0x1D000] =	vst v63  }
0xd6: {  	_ =	swait.ge [sflag:s22], $0x4000  }
0xd7: {  	[sflag:s22] =	ssyncset.done $0x0  }
0xd8: {  	[sflag:s22] =	ssyncadd.s32 $0xFFFFC000  }
0xd9: {  	[tilespmem:s17], [sflag:$0x1] =	stream.indirect.gather [hbm4b:s1+s20], $0x80, s11, s20, $0xb8;
	[tilespmem:$0x1D000] =	vst v63  }
0xda: {  	_ =	swait.ge [sflag:s23], $0x4000  }
0xdb: {  	[sflag:s23] =	ssyncset.done $0x0  }
0xdc: {  	[sflag:s23] =	ssyncadd.s32 $0xFFFFC000  }
0xdd: {  	[spmem:s2] =	stream.indirect.scatter.add.f32 [tilespmem:s21], [sflag:$0x4], $0x80, s12, s20, $0xb8;
	[tilespmem:$0x1D000] =	vst v63  }
0xde: {  	_ =	swait.ge [sflag:s24], $0x4000  }
0xdf: {  	[sflag:s24] =	ssyncset.done $0x0  }
0xe0: {  	[sflag:s24] =	ssyncadd.s32 $0xFFFFC000  }
0xe1: {  	[tilespmem:s21], [sflag:$0x2] =	stream.indirect.gather [hbm4b:s1+s20], $0x80, s13, s20, $0xb8;
	[tilespmem:$0x1D000] =	vst v63  }
0xe2: {  	_ =	swait.ge [sflag:s18], $0x4000  }
0xe3: {  	[sflag:s18] =	ssyncset.done $0x0  }
0xe4: {  	[sflag:s18] =	ssyncadd.s32 $0xFFFFC000  }
0xe5: {  	[spmem:s2] =	stream.indirect.scatter.add.f32 [tilespmem:s17], [sflag:$0x3], $0x80, s14, s20, $0xb8;
	[tilespmem:$0x1D000] =	vst v63  }
0xe6: {  	_ =	swait.ge [sflag:s23], $0x4000  }
0xe7: {  	[sflag:s23] =	ssyncset.done $0x0  }
0xe8: {  	[sflag:s23] =	ssyncadd.s32 $0xFFFFC000  }
0xe9: {  	[spmem:s2] =	stream.indirect.scatter.add.f32 [tilespmem:s21], [sflag:$0x4], $0x80, s15, s20, $0xb8;
	[tilespmem:$0x1D000] =	vst v63  }
0xea: {  	_ =	swait.ge [sflag:s22], $0x4000  }
0xeb: {  	[sflag:s22] =	ssyncset.done $0x0  }
0xec: {  	[sflag:s22] =	ssyncadd.s32 $0xFFFFC000  }
0xed: {  	s5 =	simm.s32 $0x400;
	_ =	swait.ge [sflag:s24], $0x4000  }
0xee: {  	s25 =	simm.s32 $0x200;
	s16 =	rddreg [dreg:$0x4];
	[sflag:s24] =	ssyncset.done $0x0  }
.LBB2_4:
0xef: {  	[sflag:s24] =	ssyncadd.s32 $0xFFFFC000;
	s16 =	sadd.s32 s25, s16  }
0xf0: {  	[tilespmem:s4], [sflag:$0x5] =	stream.linear.gather [hbm4b:s16+s4], $0x1000, $0x38;
	[tilespmem:$0x1D000] =	vst v63  }
0xf1: {  	_ =	swait.ge [sflag:s19], $0x1000  }
0xf2: {  	[sflag:s19] =	ssyncset.done $0x0  }
0xf3: {  	[sflag:s19] =	ssyncadd.s32 $0xFFFFF000  }
0xf4: {  	[tilespmem:s17], [sflag:$0x1] =	stream.indirect.gather [hbm4b:s1+s20], $0x80, s4, s20, $0xb8;
	[tilespmem:$0x1D000] =	vst v63  }
0xf5: {  	_ = 	snop  }
0xf6: {  	[tilespmem:s21], [sflag:$0x2] =	stream.indirect.gather [hbm4b:s1+s20], $0x80, s20, s20, $0xb8;
	[tilespmem:$0x1D000] =	vst v63  }
0xf7: {  	_ =	swait.ge [sflag:s18], $0x4000  }
0xf8: {  	[sflag:s18] =	ssyncset.done $0x0  }
0xf9: {  	s16 =	rddreg [dreg:$0x5];
	[sflag:s18] =	ssyncadd.s32 $0xFFFFC000  }
0xfa: {  	[spmem:s2] =	stream.indirect.scatter.add.f32 [tilespmem:s17], [sflag:$0x3], $0x80, s16, s20, $0xb8;
	[tilespmem:$0x1D000] =	vst v63  }
0xfb: {  	_ =	swait.ge [sflag:s22], $0x4000  }
0xfc: {  	[sflag:s22] =	ssyncset.done $0x0  }
0xfd: {  	s16 =	rddreg [dreg:$0x6];
	[sflag:s22] =	ssyncadd.s32 $0xFFFFC000  }
0xfe: {  	[tilespmem:s17], [sflag:$0x1] =	stream.indirect.gather [hbm4b:s1+s20], $0x80, s16, s20, $0xb8;
	[tilespmem:$0x1D000] =	vst v63  }
0xff: {  	_ =	swait.ge [sflag:s23], $0x4000  }
0x100: {  	[sflag:s23] =	ssyncset.done $0x0  }
0x101: {  	s16 =	rddreg [dreg:$0x7];
	[sflag:s23] =	ssyncadd.s32 $0xFFFFC000  }
0x102: {  	[spmem:s2] =	stream.indirect.scatter.add.f32 [tilespmem:s21], [sflag:$0x4], $0x80, s16, s20, $0xb8;
	[tilespmem:$0x1D000] =	vst v63  }
0x103: {  	_ =	swait.ge [sflag:s24], $0x4000  }
0x104: {  	[sflag:s24] =	ssyncset.done $0x0  }
0x105: {  	s16 =	rddreg [dreg:$0x8];
	[sflag:s24] =	ssyncadd.s32 $0xFFFFC000  }
0x106: {  	[tilespmem:s21], [sflag:$0x2] =	stream.indirect.gather [hbm4b:s1+s20], $0x80, s16, s20, $0xb8;
	[tilespmem:$0x1D000] =	vst v63  }
0x107: {  	_ =	swait.ge [sflag:s18], $0x4000  }
0x108: {  	[sflag:s18] =	ssyncset.done $0x0  }
0x109: {  	s16 =	rddreg [dreg:$0x9];
	[sflag:s18] =	ssyncadd.s32 $0xFFFFC000  }
0x10a: {  	[spmem:s2] =	stream.indirect.scatter.add.f32 [tilespmem:s17], [sflag:$0x3], $0x80, s16, s20, $0xb8;
	[tilespmem:$0x1D000] =	vst v63  }
0x10b: {  	_ =	swait.ge [sflag:s22], $0x4000  }
0x10c: {  	[sflag:s22] =	ssyncset.done $0x0  }
0x10d: {  	s16 =	rddreg [dreg:$0xa];
	[sflag:s22] =	ssyncadd.s32 $0xFFFFC000  }
0x10e: {  	[tilespmem:s17], [sflag:$0x1] =	stream.indirect.gather [hbm4b:s1+s20], $0x80, s16, s20, $0xb8;
	[tilespmem:$0x1D000] =	vst v63  }
0x10f: {  	_ =	swait.ge [sflag:s23], $0x4000  }
0x110: {  	[sflag:s23] =	ssyncset.done $0x0  }
0x111: {  	s16 =	rddreg [dreg:$0xb];
	[sflag:s23] =	ssyncadd.s32 $0xFFFFC000  }
0x112: {  	[spmem:s2] =	stream.indirect.scatter.add.f32 [tilespmem:s21], [sflag:$0x4], $0x80, s16, s20, $0xb8;
	[tilespmem:$0x1D000] =	vst v63  }
0x113: {  	_ =	swait.ge [sflag:s24], $0x4000  }
0x114: {  	[sflag:s24] =	ssyncset.done $0x0  }
0x115: {  	s16 =	rddreg [dreg:$0xc];
	[sflag:s24] =	ssyncadd.s32 $0xFFFFC000  }
0x116: {  	[tilespmem:s21], [sflag:$0x2] =	stream.indirect.gather [hbm4b:s1+s20], $0x80, s16, s20, $0xb8;
	[tilespmem:$0x1D000] =	vst v63  }
0x117: {  	_ =	swait.ge [sflag:s18], $0x4000  }
0x118: {  	[sflag:s18] =	ssyncset.done $0x0  }
0x119: {  	s16 =	rddreg [dreg:$0xd];
	[sflag:s18] =	ssyncadd.s32 $0xFFFFC000  }
0x11a: {  	[spmem:s2] =	stream.indirect.scatter.add.f32 [tilespmem:s17], [sflag:$0x3], $0x80, s16, s20, $0xb8;
	[tilespmem:$0x1D000] =	vst v63  }
0x11b: {  	_ =	swait.ge [sflag:s22], $0x4000  }
0x11c: {  	[sflag:s22] =	ssyncset.done $0x0  }
0x11d: {  	s16 =	rddreg [dreg:$0xe];
	[sflag:s22] =	ssyncadd.s32 $0xFFFFC000  }
0x11e: {  	[tilespmem:s17], [sflag:$0x1] =	stream.indirect.gather [hbm4b:s1+s20], $0x80, s16, s20, $0xb8;
	[tilespmem:$0x1D000] =	vst v63  }
0x11f: {  	_ =	swait.ge [sflag:s23], $0x4000  }
0x120: {  	[sflag:s23] =	ssyncset.done $0x0  }
0x121: {  	s16 =	rddreg [dreg:$0xf];
	[sflag:s23] =	ssyncadd.s32 $0xFFFFC000  }
0x122: {  	[spmem:s2] =	stream.indirect.scatter.add.f32 [tilespmem:s21], [sflag:$0x4], $0x80, s16, s20, $0xb8;
	[tilespmem:$0x1D000] =	vst v63  }
0x123: {  	_ =	swait.ge [sflag:s24], $0x4000  }
0x124: {  	[sflag:s24] =	ssyncset.done $0x0  }
0x125: {  	s16 =	rddreg [dreg:$0x10];
	[sflag:s24] =	ssyncadd.s32 $0xFFFFC000  }
0x126: {  	[tilespmem:s21], [sflag:$0x2] =	stream.indirect.gather [hbm4b:s1+s20], $0x80, s16, s20, $0xb8;
	[tilespmem:$0x1D000] =	vst v63  }
0x127: {  	_ =	swait.ge [sflag:s18], $0x4000  }
0x128: {  	[sflag:s18] =	ssyncset.done $0x0  }
0x129: {  	s16 =	rddreg [dreg:$0x11];
	[sflag:s18] =	ssyncadd.s32 $0xFFFFC000  }
0x12a: {  	[spmem:s2] =	stream.indirect.scatter.add.f32 [tilespmem:s17], [sflag:$0x3], $0x80, s16, s20, $0xb8;
	[tilespmem:$0x1D000] =	vst v63  }
0x12b: {  	_ =	swait.ge [sflag:s22], $0x4000  }
0x12c: {  	s26 =	smov.u32 s5;
	[sflag:s22] =	ssyncset.done $0x0  }
0x12d: {  	s25 =	smov.u32 s26;
	s26 =	simm.s32 $0x800;
	[sflag:s22] =	ssyncadd.s32 $0xFFFFC000  }
0x12e: {  	[tilespmem:s17], [sflag:$0x1] =	stream.indirect.gather [hbm4b:s1+s20], $0x80, s26, s20, $0xb8;
	[tilespmem:$0x1D000] =	vst v63  }
0x12f: {  	_ =	swait.ge [sflag:s23], $0x4000  }
0x130: {  	[sflag:s23] =	ssyncset.done $0x0  }
0x131: {  	[sflag:s23] =	ssyncadd.s32 $0xFFFFC000  }
0x132: {  	[spmem:s2] =	stream.indirect.scatter.add.f32 [tilespmem:s21], [sflag:$0x4], $0x80, s28, s20, $0xb8;
	[tilespmem:$0x1D000] =	vst v63  }
0x133: {  	_ =	swait.ge [sflag:s24], $0x4000  }
0x134: {  	[sflag:s24] =	ssyncset.done $0x0  }
0x135: {  	[sflag:s24] =	ssyncadd.s32 $0xFFFFC000  }
0x136: {  	[tilespmem:s21], [sflag:$0x2] =	stream.indirect.gather [hbm4b:s1+s20], $0x80, s29, s20, $0xb8;
	[tilespmem:$0x1D000] =	vst v63  }
0x137: {  	_ =	swait.ge [sflag:s18], $0x4000  }
0x138: {  	[sflag:s18] =	ssyncset.done $0x0  }
0x139: {  	[sflag:s18] =	ssyncadd.s32 $0xFFFFC000  }
0x13a: {  	[spmem:s2] =	stream.indirect.scatter.add.f32 [tilespmem:s17], [sflag:$0x3], $0x80, s30, s20, $0xb8;
	[tilespmem:$0x1D000] =	vst v63  }
0x13b: {  	_ =	swait.ge [sflag:s22], $0x4000  }
0x13c: {  	[sflag:s22] =	ssyncset.done $0x0  }
0x13d: {  	[sflag:s22] =	ssyncadd.s32 $0xFFFFC000  }
0x13e: {  	[tilespmem:s17], [sflag:$0x1] =	stream.indirect.gather [hbm4b:s1+s20], $0x80, s31, s20, $0xb8;
	[tilespmem:$0x1D000] =	vst v63  }
0x13f: {  	_ =	swait.ge [sflag:s23], $0x4000  }
0x140: {  	[sflag:s23] =	ssyncset.done $0x0  }
0x141: {  	[sflag:s23] =	ssyncadd.s32 $0xFFFFC000  }
0x142: {  	[spmem:s2] =	stream.indirect.scatter.add.f32 [tilespmem:s21], [sflag:$0x4], $0x80, s0, s20, $0xb8;
	[tilespmem:$0x1D000] =	vst v63  }
0x143: {  	_ =	swait.ge [sflag:s24], $0x4000  }
0x144: {  	[sflag:s24] =	ssyncset.done $0x0  }
0x145: {  	[sflag:s24] =	ssyncadd.s32 $0xFFFFC000  }
0x146: {  	[tilespmem:s21], [sflag:$0x2] =	stream.indirect.gather [hbm4b:s1+s20], $0x80, s3, s20, $0xb8;
	[tilespmem:$0x1D000] =	vst v63  }
0x147: {  	_ =	swait.ge [sflag:s18], $0x4000  }
0x148: {  	[sflag:s18] =	ssyncset.done $0x0  }
0x149: {  	[sflag:s18] =	ssyncadd.s32 $0xFFFFC000  }
0x14a: {  	[spmem:s2] =	stream.indirect.scatter.add.f32 [tilespmem:s17], [sflag:$0x3], $0x80, s6, s20, $0xb8;
	[tilespmem:$0x1D000] =	vst v63  }
0x14b: {  	_ =	swait.ge [sflag:s22], $0x4000  }
0x14c: {  	[sflag:s22] =	ssyncset.done $0x0  }
0x14d: {  	[sflag:s22] =	ssyncadd.s32 $0xFFFFC000  }
0x14e: {  	[tilespmem:s17], [sflag:$0x1] =	stream.indirect.gather [hbm4b:s1+s20], $0x80, s7, s20, $0xb8;
	[tilespmem:$0x1D000] =	vst v63  }
0x14f: {  	_ =	swait.ge [sflag:s23], $0x4000  }
0x150: {  	[sflag:s23] =	ssyncset.done $0x0  }
0x151: {  	[sflag:s23] =	ssyncadd.s32 $0xFFFFC000  }
0x152: {  	[spmem:s2] =	stream.indirect.scatter.add.f32 [tilespmem:s21], [sflag:$0x4], $0x80, s8, s20, $0xb8;
	[tilespmem:$0x1D000] =	vst v63  }
0x153: {  	_ =	swait.ge [sflag:s24], $0x4000  }
0x154: {  	[sflag:s24] =	ssyncset.done $0x0  }
0x155: {  	[sflag:s24] =	ssyncadd.s32 $0xFFFFC000  }
0x156: {  	[tilespmem:s21], [sflag:$0x2] =	stream.indirect.gather [hbm4b:s1+s20], $0x80, s9, s20, $0xb8;
	[tilespmem:$0x1D000] =	vst v63  }
0x157: {  	_ =	swait.ge [sflag:s18], $0x4000  }
0x158: {  	[sflag:s18] =	ssyncset.done $0x0  }
0x159: {  	[sflag:s18] =	ssyncadd.s32 $0xFFFFC000  }
0x15a: {  	[spmem:s2] =	stream.indirect.scatter.add.f32 [tilespmem:s17], [sflag:$0x3], $0x80, s10, s20, $0xb8;
	[tilespmem:$0x1D000] =	vst v63  }
0x15b: {  	_ =	swait.ge [sflag:s22], $0x4000  }
0x15c: {  	[sflag:s22] =	ssyncset.done $0x0  }
0x15d: {  	[sflag:s22] =	ssyncadd.s32 $0xFFFFC000  }
0x15e: {  	[tilespmem:s17], [sflag:$0x1] =	stream.indirect.gather [hbm4b:s1+s20], $0x80, s11, s20, $0xb8;
	[tilespmem:$0x1D000] =	vst v63  }
0x15f: {  	_ =	swait.ge [sflag:s23], $0x4000  }
0x160: {  	[sflag:s23] =	ssyncset.done $0x0  }
0x161: {  	[sflag:s23] =	ssyncadd.s32 $0xFFFFC000  }
0x162: {  	[spmem:s2] =	stream.indirect.scatter.add.f32 [tilespmem:s21], [sflag:$0x4], $0x80, s12, s20, $0xb8;
	[tilespmem:$0x1D000] =	vst v63  }
0x163: {  	_ =	swait.ge [sflag:s24], $0x4000  }
0x164: {  	[sflag:s24] =	ssyncset.done $0x0  }
0x165: {  	[sflag:s24] =	ssyncadd.s32 $0xFFFFC000  }
0x166: {  	[tilespmem:s21], [sflag:$0x2] =	stream.indirect.gather [hbm4b:s1+s20], $0x80, s13, s20, $0xb8;
	[tilespmem:$0x1D000] =	vst v63  }
0x167: {  	_ =	swait.ge [sflag:s18], $0x4000  }
0x168: {  	[sflag:s18] =	ssyncset.done $0x0  }
0x169: {  	[sflag:s18] =	ssyncadd.s32 $0xFFFFC000  }
0x16a: {  	[spmem:s2] =	stream.indirect.scatter.add.f32 [tilespmem:s17], [sflag:$0x3], $0x80, s14, s20, $0xb8;
	[tilespmem:$0x1D000] =	vst v63  }
0x16b: {  	_ =	swait.ge [sflag:s23], $0x4000  }
0x16c: {  	[sflag:s23] =	ssyncset.done $0x0  }
0x16d: {  	p0 =	sne.s32 s5, $0x800;
	[sflag:s23] =	ssyncadd.s32 $0xFFFFC000  }
0x16e: {  	[spmem:s2] =	stream.indirect.scatter.add.f32 [tilespmem:s21], [sflag:$0x4], $0x80, s15, s20, $0xb8;
	[tilespmem:$0x1D000] =	vst v63  }
.Ltmp1:
0x16f: {  	_ =	swait.ge [sflag:s22], $0x4000;
	(pc) =	sbr.rel @p0 .LBB2_4-.Ltmp1, $4  }
0x170: {  	[sflag:s22] =	ssyncset.done $0x0  }
0x171: {  	[sflag:s22] =	ssyncadd.s32 $0xFFFFC000  }
0x172: {  	_ =	swait.ge [sflag:s24], $0x4000  }
0x173: {  	s5 =	sadd.s32 $0x200, s5;
	s16 =	rddreg [dreg:$0x4];
	[sflag:s24] =	ssyncset.done $0x0  }
0x174: {  	s5 =	sadd.s32 s25, s16;
	[sflag:s24] =	ssyncadd.s32 $0xFFFFC000  }
0x175: {  	[tilespmem:s4], [sflag:$0x5] =	stream.linear.gather [hbm4b:s5+s4], $0x1000, $0x38;
	[tilespmem:$0x1D000] =	vst v63  }
0x176: {  	_ =	swait.ge [sflag:s19], $0x1000  }
0x177: {  	[sflag:s19] =	ssyncset.done $0x0  }
0x178: {  	[sflag:s19] =	ssyncadd.s32 $0xFFFFF000  }
0x179: {  	[tilespmem:s17], [sflag:$0x1] =	stream.indirect.gather [hbm4b:s1+s20], $0x80, s4, s20, $0xb8;
	[tilespmem:$0x1D000] =	vst v63  }
0x17a: {  	_ = 	snop  }
0x17b: {  	[tilespmem:s21], [sflag:$0x2] =	stream.indirect.gather [hbm4b:s1+s20], $0x80, s20, s20, $0xb8;
	[tilespmem:$0x1D000] =	vst v63  }
0x17c: {  	_ =	swait.ge [sflag:s18], $0x4000  }
0x17d: {  	[sflag:s18] =	ssyncset.done $0x0  }
0x17e: {  	s16 =	rddreg [dreg:$0x5];
	[sflag:s18] =	ssyncadd.s32 $0xFFFFC000  }
0x17f: {  	[spmem:s2] =	stream.indirect.scatter.add.f32 [tilespmem:s17], [sflag:$0x3], $0x80, s16, s20, $0xb8;
	[tilespmem:$0x1D000] =	vst v63  }
0x180: {  	_ =	swait.ge [sflag:s22], $0x4000  }
0x181: {  	[sflag:s22] =	ssyncset.done $0x0  }
0x182: {  	s25 =	rddreg [dreg:$0x6];
	[sflag:s22] =	ssyncadd.s32 $0xFFFFC000  }
0x183: {  	[tilespmem:s17], [sflag:$0x1] =	stream.indirect.gather [hbm4b:s1+s20], $0x80, s25, s20, $0xb8;
	[tilespmem:$0x1D000] =	vst v63  }
0x184: {  	_ =	swait.ge [sflag:s23], $0x4000  }
0x185: {  	[sflag:s23] =	ssyncset.done $0x0  }
0x186: {  	s16 =	rddreg [dreg:$0x7];
	[sflag:s23] =	ssyncadd.s32 $0xFFFFC000  }
0x187: {  	[spmem:s2] =	stream.indirect.scatter.add.f32 [tilespmem:s21], [sflag:$0x4], $0x80, s16, s20, $0xb8;
	[tilespmem:$0x1D000] =	vst v63  }
0x188: {  	_ =	swait.ge [sflag:s24], $0x4000  }
0x189: {  	[sflag:s24] =	ssyncset.done $0x0  }
0x18a: {  	s25 =	rddreg [dreg:$0x8];
	[sflag:s24] =	ssyncadd.s32 $0xFFFFC000  }
0x18b: {  	[tilespmem:s21], [sflag:$0x2] =	stream.indirect.gather [hbm4b:s1+s20], $0x80, s25, s20, $0xb8;
	[tilespmem:$0x1D000] =	vst v63  }
0x18c: {  	_ =	swait.ge [sflag:s18], $0x4000  }
0x18d: {  	[sflag:s18] =	ssyncset.done $0x0  }
0x18e: {  	s16 =	rddreg [dreg:$0x9];
	[sflag:s18] =	ssyncadd.s32 $0xFFFFC000  }
0x18f: {  	[spmem:s2] =	stream.indirect.scatter.add.f32 [tilespmem:s17], [sflag:$0x3], $0x80, s16, s20, $0xb8;
	[tilespmem:$0x1D000] =	vst v63  }
0x190: {  	_ =	swait.ge [sflag:s22], $0x4000  }
0x191: {  	[sflag:s22] =	ssyncset.done $0x0  }
0x192: {  	s25 =	rddreg [dreg:$0xa];
	[sflag:s22] =	ssyncadd.s32 $0xFFFFC000  }
0x193: {  	[tilespmem:s17], [sflag:$0x1] =	stream.indirect.gather [hbm4b:s1+s20], $0x80, s25, s20, $0xb8;
	[tilespmem:$0x1D000] =	vst v63  }
0x194: {  	_ =	swait.ge [sflag:s23], $0x4000  }
0x195: {  	[sflag:s23] =	ssyncset.done $0x0  }
0x196: {  	s16 =	rddreg [dreg:$0xb];
	[sflag:s23] =	ssyncadd.s32 $0xFFFFC000  }
0x197: {  	[spmem:s2] =	stream.indirect.scatter.add.f32 [tilespmem:s21], [sflag:$0x4], $0x80, s16, s20, $0xb8;
	[tilespmem:$0x1D000] =	vst v63  }
0x198: {  	_ =	swait.ge [sflag:s24], $0x4000  }
0x199: {  	[sflag:s24] =	ssyncset.done $0x0  }
0x19a: {  	s25 =	rddreg [dreg:$0xc];
	[sflag:s24] =	ssyncadd.s32 $0xFFFFC000  }
0x19b: {  	[tilespmem:s21], [sflag:$0x2] =	stream.indirect.gather [hbm4b:s1+s20], $0x80, s25, s20, $0xb8;
	[tilespmem:$0x1D000] =	vst v63  }
0x19c: {  	_ =	swait.ge [sflag:s18], $0x4000  }
0x19d: {  	[sflag:s18] =	ssyncset.done $0x0  }
0x19e: {  	s16 =	rddreg [dreg:$0xd];
	[sflag:s18] =	ssyncadd.s32 $0xFFFFC000  }
0x19f: {  	[spmem:s2] =	stream.indirect.scatter.add.f32 [tilespmem:s17], [sflag:$0x3], $0x80, s16, s20, $0xb8;
	[tilespmem:$0x1D000] =	vst v63  }
0x1a0: {  	_ =	swait.ge [sflag:s22], $0x4000  }
0x1a1: {  	[sflag:s22] =	ssyncset.done $0x0  }
0x1a2: {  	s25 =	rddreg [dreg:$0xe];
	[sflag:s22] =	ssyncadd.s32 $0xFFFFC000  }
0x1a3: {  	[tilespmem:s17], [sflag:$0x1] =	stream.indirect.gather [hbm4b:s1+s20], $0x80, s25, s20, $0xb8;
	[tilespmem:$0x1D000] =	vst v63  }
0x1a4: {  	_ =	swait.ge [sflag:s23], $0x4000  }
0x1a5: {  	[sflag:s23] =	ssyncset.done $0x0  }
0x1a6: {  	s16 =	rddreg [dreg:$0xf];
	[sflag:s23] =	ssyncadd.s32 $0xFFFFC000  }
0x1a7: {  	[spmem:s2] =	stream.indirect.scatter.add.f32 [tilespmem:s21], [sflag:$0x4], $0x80, s16, s20, $0xb8;
	[tilespmem:$0x1D000] =	vst v63  }
0x1a8: {  	_ =	swait.ge [sflag:s24], $0x4000  }
0x1a9: {  	[sflag:s24] =	ssyncset.done $0x0  }
0x1aa: {  	s25 =	rddreg [dreg:$0x10];
	[sflag:s24] =	ssyncadd.s32 $0xFFFFC000  }
0x1ab: {  	[tilespmem:s21], [sflag:$0x2] =	stream.indirect.gather [hbm4b:s1+s20], $0x80, s25, s20, $0xb8;
	[tilespmem:$0x1D000] =	vst v63  }
0x1ac: {  	_ =	swait.ge [sflag:s18], $0x4000  }
0x1ad: {  	[sflag:s18] =	ssyncset.done $0x0  }
0x1ae: {  	s16 =	rddreg [dreg:$0x11];
	[sflag:s18] =	ssyncadd.s32 $0xFFFFC000  }
0x1af: {  	[spmem:s2] =	stream.indirect.scatter.add.f32 [tilespmem:s17], [sflag:$0x3], $0x80, s16, s20, $0xb8;
	[tilespmem:$0x1D000] =	vst v63  }
0x1b0: {  	_ =	swait.ge [sflag:s22], $0x4000  }
0x1b1: {  	[sflag:s22] =	ssyncset.done $0x0  }
0x1b2: {  	[sflag:s22] =	ssyncadd.s32 $0xFFFFC000  }
0x1b3: {  	[tilespmem:s17], [sflag:$0x1] =	stream.indirect.gather [hbm4b:s1+s20], $0x80, s26, s20, $0xb8;
	[tilespmem:$0x1D000] =	vst v63  }
0x1b4: {  	_ =	swait.ge [sflag:s23], $0x4000  }
0x1b5: {  	[sflag:s23] =	ssyncset.done $0x0  }
0x1b6: {  	[sflag:s23] =	ssyncadd.s32 $0xFFFFC000  }
0x1b7: {  	[spmem:s2] =	stream.indirect.scatter.add.f32 [tilespmem:s21], [sflag:$0x4], $0x80, s28, s20, $0xb8;
	[tilespmem:$0x1D000] =	vst v63  }
0x1b8: {  	_ =	swait.ge [sflag:s24], $0x4000  }
0x1b9: {  	[sflag:s24] =	ssyncset.done $0x0  }
0x1ba: {  	[sflag:s24] =	ssyncadd.s32 $0xFFFFC000  }
0x1bb: {  	[tilespmem:s21], [sflag:$0x2] =	stream.indirect.gather [hbm4b:s1+s20], $0x80, s29, s20, $0xb8;
	[tilespmem:$0x1D000] =	vst v63  }
0x1bc: {  	_ =	swait.ge [sflag:s18], $0x4000  }
0x1bd: {  	[sflag:s18] =	ssyncset.done $0x0  }
0x1be: {  	[sflag:s18] =	ssyncadd.s32 $0xFFFFC000  }
0x1bf: {  	[spmem:s2] =	stream.indirect.scatter.add.f32 [tilespmem:s17], [sflag:$0x3], $0x80, s30, s20, $0xb8;
	[tilespmem:$0x1D000] =	vst v63  }
0x1c0: {  	_ =	swait.ge [sflag:s22], $0x4000  }
0x1c1: {  	[sflag:s22] =	ssyncset.done $0x0  }
0x1c2: {  	[sflag:s22] =	ssyncadd.s32 $0xFFFFC000  }
0x1c3: {  	[tilespmem:s17], [sflag:$0x1] =	stream.indirect.gather [hbm4b:s1+s20], $0x80, s31, s20, $0xb8;
	[tilespmem:$0x1D000] =	vst v63  }
0x1c4: {  	_ =	swait.ge [sflag:s23], $0x4000  }
0x1c5: {  	[sflag:s23] =	ssyncset.done $0x0  }
0x1c6: {  	[sflag:s23] =	ssyncadd.s32 $0xFFFFC000  }
0x1c7: {  	[spmem:s2] =	stream.indirect.scatter.add.f32 [tilespmem:s21], [sflag:$0x4], $0x80, s0, s20, $0xb8;
	[tilespmem:$0x1D000] =	vst v63  }
0x1c8: {  	_ =	swait.ge [sflag:s24], $0x4000  }
0x1c9: {  	[sflag:s24] =	ssyncset.done $0x0  }
0x1ca: {  	[sflag:s24] =	ssyncadd.s32 $0xFFFFC000  }
0x1cb: {  	[tilespmem:s21], [sflag:$0x2] =	stream.indirect.gather [hbm4b:s1+s20], $0x80, s3, s20, $0xb8;
	[tilespmem:$0x1D000] =	vst v63  }
0x1cc: {  	_ =	swait.ge [sflag:s18], $0x4000  }
0x1cd: {  	[sflag:s18] =	ssyncset.done $0x0  }
0x1ce: {  	[sflag:s18] =	ssyncadd.s32 $0xFFFFC000  }
0x1cf: {  	[spmem:s2] =	stream.indirect.scatter.add.f32 [tilespmem:s17], [sflag:$0x3], $0x80, s6, s20, $0xb8;
	[tilespmem:$0x1D000] =	vst v63  }
0x1d0: {  	_ =	swait.ge [sflag:s22], $0x4000  }
0x1d1: {  	[sflag:s22] =	ssyncset.done $0x0  }
0x1d2: {  	[sflag:s22] =	ssyncadd.s32 $0xFFFFC000  }
0x1d3: {  	[tilespmem:s17], [sflag:$0x1] =	stream.indirect.gather [hbm4b:s1+s20], $0x80, s7, s20, $0xb8;
	[tilespmem:$0x1D000] =	vst v63  }
0x1d4: {  	_ =	swait.ge [sflag:s23], $0x4000  }
0x1d5: {  	[sflag:s23] =	ssyncset.done $0x0  }
0x1d6: {  	[sflag:s23] =	ssyncadd.s32 $0xFFFFC000  }
0x1d7: {  	[spmem:s2] =	stream.indirect.scatter.add.f32 [tilespmem:s21], [sflag:$0x4], $0x80, s8, s20, $0xb8;
	[tilespmem:$0x1D000] =	vst v63  }
0x1d8: {  	_ =	swait.ge [sflag:s24], $0x4000  }
0x1d9: {  	[sflag:s24] =	ssyncset.done $0x0  }
0x1da: {  	[sflag:s24] =	ssyncadd.s32 $0xFFFFC000  }
0x1db: {  	[tilespmem:s21], [sflag:$0x2] =	stream.indirect.gather [hbm4b:s1+s20], $0x80, s9, s20, $0xb8;
	[tilespmem:$0x1D000] =	vst v63  }
0x1dc: {  	_ =	swait.ge [sflag:s18], $0x4000  }
0x1dd: {  	[sflag:s18] =	ssyncset.done $0x0  }
0x1de: {  	[sflag:s18] =	ssyncadd.s32 $0xFFFFC000  }
0x1df: {  	[spmem:s2] =	stream.indirect.scatter.add.f32 [tilespmem:s17], [sflag:$0x3], $0x80, s10, s20, $0xb8;
	[tilespmem:$0x1D000] =	vst v63  }
0x1e0: {  	_ =	swait.ge [sflag:s22], $0x4000  }
0x1e1: {  	[sflag:s22] =	ssyncset.done $0x0  }
0x1e2: {  	[sflag:s22] =	ssyncadd.s32 $0xFFFFC000  }
0x1e3: {  	[tilespmem:s17], [sflag:$0x1] =	stream.indirect.gather [hbm4b:s1+s20], $0x80, s11, s20, $0xb8;
	[tilespmem:$0x1D000] =	vst v63  }
0x1e4: {  	_ =	swait.ge [sflag:s23], $0x4000  }
0x1e5: {  	[sflag:s23] =	ssyncset.done $0x0  }
0x1e6: {  	[sflag:s23] =	ssyncadd.s32 $0xFFFFC000  }
0x1e7: {  	[spmem:s2] =	stream.indirect.scatter.add.f32 [tilespmem:s21], [sflag:$0x4], $0x80, s12, s20, $0xb8;
	[tilespmem:$0x1D000] =	vst v63  }
0x1e8: {  	_ =	swait.ge [sflag:s24], $0x4000  }
0x1e9: {  	[sflag:s24] =	ssyncset.done $0x0  }
0x1ea: {  	[sflag:s24] =	ssyncadd.s32 $0xFFFFC000  }
0x1eb: {  	[tilespmem:s21], [sflag:$0x2] =	stream.indirect.gather [hbm4b:s1+s20], $0x80, s13, s20, $0xb8;
	[tilespmem:$0x1D000] =	vst v63  }
0x1ec: {  	_ =	swait.ge [sflag:s18], $0x4000  }
0x1ed: {  	[sflag:s18] =	ssyncset.done $0x0  }
0x1ee: {  	[sflag:s18] =	ssyncadd.s32 $0xFFFFC000  }
0x1ef: {  	[spmem:s2] =	stream.indirect.scatter.add.f32 [tilespmem:s17], [sflag:$0x3], $0x80, s14, s20, $0xb8;
	[tilespmem:$0x1D000] =	vst v63  }
0x1f0: {  	_ =	swait.ge [sflag:s23], $0x4000  }
0x1f1: {  	[sflag:s23] =	ssyncset.done $0x0  }
0x1f2: {  	[sflag:s23] =	ssyncadd.s32 $0xFFFFC000  }
0x1f3: {  	[spmem:s2] =	stream.indirect.scatter.add.f32 [tilespmem:s21], [sflag:$0x4], $0x80, s15, s20, $0xb8;
	[tilespmem:$0x1D000] =	vst v63  }
0x1f4: {  	_ =	swait.ge [sflag:s22], $0x4000  }
0x1f5: {  	[sflag:s22] =	ssyncset.done $0x0  }
0x1f6: {  	[sflag:s22] =	ssyncadd.s32 $0xFFFFC000  }
0x1f7: {  	_ =	swait.ge [sflag:s24], $0x4000  }
0x1f8: {  	[sflag:s24] =	ssyncset.done $0x0  }
0x1f9: {  	[sflag:s24] =	ssyncadd.s32 $0xFFFFC000  }
0x1fa: {  	s25 =	stileid.u32;
	[bflag:$0x0] =	sbarrier.arrive $0xFFFF  }
0x1fb: {  	s5 =	sshll.u32 s25, $0x6;
	s16 =	rddreg [dreg:$0x1d]  }
0x1fc: {  	s5 =	sor.u32 $0x1C05, s5;
	s25 =	rddreg [dreg:$0x1e]  }
0x1fd: {  	[hbm:s16], [sflag:s5] =	dma.local [spmem:s25], $0x2800  }
0x1fe: {  	_ =	swait.ge [sflag:s19], $0x2800  }
0x1ff: {  	s5 =	rddreg [dreg:$0x1f]  }
0x200: {  	s25 =	rddreg [dreg:$0x1c];
	s16 =	sadd.s32 $0x1, s5  }
0x201: {  	p0 =	sne.s32 s16, s25  }
.Ltmp2:
0x202: {  	_ = 	snop;
	(pc) =	sbr.rel @p0 .LBB2_1-.Ltmp2, $3  }
0x203: {  	_ =	sdelay $0x1  }
0x204: {  	[sflag:s19] =	ssyncset.done $0x0  }
0x205: {  	[sflag:s19] =	ssyncadd.s32 $0xFFFFD800  }
0x206: {  	_ =	sfence.sel $0x180000  }
0x207: {  	[bflag:$0x0] =	sbarrier.arrive $0xFFFF  }
0x208: {  	_ =	strace $0x90000047  }
0x209: {  	s0 =	stileid.u32;
	[bflag:$0x2] =	sbarrier.arrive $0xFFFF  }
0x20a: {  	p0 =	sne.s32 s0, $0x0;
	s0 =	rddreg [dreg:$0x3]  }
0x20b: {  	s0 =	sadd.s32 @!p0 $0x100000, s0  }
0x20c: {  	[sflag:s0] =	ssyncadd.tile.s32 @!p0 $0x1;
	_ =	shalt  }
.Lfunc_end2:
_tile_overlayer_lowered:
.L_overlay_start_2:
0x20d: {  	(tag) =	ssettag $0x2  }
0x20e: {  	s0 =	rddreg [dreg:$0x0];
	s2 =	stileid.u32  }
0x20f: {  	s1 =	rddreg [dreg:$0x1];
	p0 =	sne.s32 s2, $0x0  }
0x210: {  	s3 =	rddreg [dreg:$0x2];
	[bflag:$0x3] =	sbarrier.arrive $0xFFFF;
	s2 =	simm.s32 @!p0 $0x1C05  }
0x211: {  	[timem:s3], [sflag:s2] =	dma.local @!p0 [hbm:s0], s1  }
0x212: {  	s0 =	simm.s32 @!p0 $0x5  }
0x213: {  	_ =	swait.ge @!p0 [sflag:s0], s1  }
0x214: {  	s1 =	ssub.s32 @!p0 $0x0, s1;
	[sflag:s0] =	ssyncset.done @!p0 $0x0  }
0x215: {  	[sflag:s0] =	ssyncadd.s32 @!p0 s1  }
0x216: {  	[bflag:$0x3] =	sbarrier.arrive $0xFFFF  }
0x217: {  	_ =	shalt  }

</sc_bundles>
